<compile_context>
chip_gen: v7x
topology: tpu7x:2x2x1
jax: 0.10.2.dev20260603
libtpu: 0.0.44.dev20260713+nightly
codegen_flags: <defaults>
</compile_context>

<pallas_src>
import functools

import jax
import jax.numpy as jnp
from jax import lax
from jax.experimental import pallas as pl
from jax.experimental.pallas import tpu as pltpu
from jax.experimental.pallas import tpu_sc as plsc

K = 32
M = 200
MP = 208
CH = 104
GAMMA = 0.6
NC = 2
NS = 16
NW = NC * NS
L = 16


def _sc_time_attn(uid, iid, tid, nid, tag_pad, delta_pad,
                  userVecs, itemVecs, tagUserVecs, tagItemVecs):
    B = uid.shape[0]
    CB = B // NW
    mesh = plsc.VectorSubcoreMesh(core_axis_name="c", subcore_axis_name="s")

    @functools.partial(
        pl.kernel,
        mesh=mesh,
        out_type=jax.ShapeDtypeStruct((B // L, L), jnp.float32),
        compiler_params=pltpu.CompilerParams(use_tc_tiling_on_sc=False),
        scratch_types=[
            pltpu.VMEM((CB, 2, CH), jnp.int32),
            pltpu.VMEM((CB, MP), jnp.int32),
            pltpu.VMEM((CB,), jnp.int32),
            pltpu.VMEM((CB,), jnp.int32),
            pltpu.VMEM((CB,), jnp.int32),
            pltpu.VMEM((CB,), jnp.int32),
            pltpu.VMEM((CB, K), jnp.float32),
            pltpu.VMEM((CB, K), jnp.float32),
            pltpu.VMEM((CB, K), jnp.float32),
            pltpu.VMEM((CB, K), jnp.float32),
            pltpu.VMEM((CB, K), jnp.float32),
            pltpu.VMEM((CB, K), jnp.float32),
            pltpu.VMEM((4, MP, K), jnp.float32),
            pltpu.VMEM((CB // L, L), jnp.float32),
            pltpu.SemaphoreType.DMA,
            pltpu.SemaphoreType.DMA,
            pltpu.SemaphoreType.DMA,
            pltpu.SemaphoreType.DMA,
        ],
    )
    def body(uid_h, iid_h, tid_h, nid_h, tag_h, delta_h,
             uV_h, iV_h, tuV_h, tiV_h, out_h,
             tag_v, delta_v, uid_v, iid_v, tid_v, nid_v,
             uvec, ivec, utag, itag, nutag, nitag, rows, r_v,
             sem0, sem1, sem2, sem3):
        wid = lax.axis_index("s") * NC + lax.axis_index("c")
        base = wid * CB

        pltpu.sync_copy(tag_h.at[pl.ds(base, CB)], tag_v)
        pltpu.sync_copy(delta_h.at[pl.ds(base, CB)], delta_v)
        pltpu.sync_copy(uid_h.at[pl.ds(base, CB)], uid_v)
        pltpu.sync_copy(iid_h.at[pl.ds(base, CB)], iid_v)
        pltpu.sync_copy(tid_h.at[pl.ds(base, CB)], tid_v)
        pltpu.sync_copy(nid_h.at[pl.ds(base, CB)], nid_v)

        cps = [
            pltpu.async_copy(uV_h.at[uid_v], uvec, sem0),
            pltpu.async_copy(iV_h.at[iid_v], ivec, sem0),
            pltpu.async_copy(tuV_h.at[tid_v], utag, sem0),
            pltpu.async_copy(tiV_h.at[tid_v], itag, sem0),
            pltpu.async_copy(tuV_h.at[nid_v], nutag, sem0),
            pltpu.async_copy(tiV_h.at[nid_v], nitag, sem0),
        ]
        for cp in cps:
            cp.wait()

        lane = lax.iota(jnp.int32, L)

        def allsum(v):
            for s in (8, 4, 2, 1):
                v = v + v.at[lane ^ s].get(mode="promise_in_bounds")
            return v

        def fire(b, p, sem):
            pltpu.async_copy(tuV_h.at[tag_v.at[b, 0]],
                             rows.at[p, pl.ds(0, CH)], sem)
            pltpu.async_copy(tuV_h.at[tag_v.at[b, 1]],
                             rows.at[p, pl.ds(CH, CH)], sem)

        def drain(b, p, sem):
            pltpu.make_async_copy(tuV_h.at[tag_v.at[b, 0]],
                                  rows.at[p, pl.ds(0, CH)], sem).wait()
            pltpu.make_async_copy(tuV_h.at[tag_v.at[b, 1]],
                                  rows.at[p, pl.ds(CH, CH)], sem).wait()

        def compute(b, p, r_carry):
            avs = []
            ssum = jnp.zeros((L,), jnp.float32)
            for c in range(MP // L):
                d = delta_v[b, pl.ds(c * L, L)].astype(jnp.float32)
                a = jnp.exp(d * -0.5)
                avs.append(a)
                ssum = ssum + a
            inv = 1.0 / allsum(ssum)

            h0 = jnp.zeros((L,), jnp.float32)
            h1 = jnp.zeros((L,), jnp.float32)
            for c in range(MP // L):
                a = avs[c]
                for j in range(L):
                    m = c * L + j
                    w = a[j]
                    h0 = h0 + w * rows[p, m, pl.ds(0, L)]
                    h1 = h1 + w * rows[p, m, pl.ds(L, L)]

            gi = GAMMA * inv
            mix0 = (1.0 - GAMMA) * uvec[b, pl.ds(0, L)] + gi * h0
            mix1 = (1.0 - GAMMA) * uvec[b, pl.ds(L, L)] + gi * h1
            d0 = utag[b, pl.ds(0, L)] - nutag[b, pl.ds(0, L)]
            d1 = utag[b, pl.ds(L, L)] - nutag[b, pl.ds(L, L)]
            e0 = itag[b, pl.ds(0, L)] - nitag[b, pl.ds(0, L)]
            e1 = itag[b, pl.ds(L, L)] - nitag[b, pl.ds(L, L)]
            acc = (mix0 * d0 + mix1 * d1
                   + ivec[b, pl.ds(0, L)] * e0 + ivec[b, pl.ds(L, L)] * e1)
            r = allsum(acc)
            r_carry = jnp.where(lane == (b & (L - 1)), r, r_carry)
            r_v[b >> 4, pl.ds(0, L)] = r_carry
            return r_carry

        fire(0, 0, sem0)
        drain(0, 0, sem0)

        def group_body(b, r_carry):
            return compute(b, 0, r_carry)

        lax.fori_loop(0, CB, group_body, jnp.zeros((L,), jnp.float32))
        pltpu.sync_copy(r_v, out_h.at[pl.ds(wid * (CB // L), CB // L)])

    return body(uid, iid, tid, nid, tag_pad, delta_pad,
                userVecs, itemVecs, tagUserVecs, tagItemVecs)


def kernel(x, userVecs, itemVecs, tagUserVecs, tagItemVecs):
    B = x.shape[0]
    uid = x[:, 0]
    iid = x[:, 1]
    tid = x[:, 2]
    nid = x[:, 3]
    tag_mem = x[:, 4:4 + M]
    now = x[:, 4 + M]
    time_mem = x[:, -M:]
    tag_pad = jnp.pad(tag_mem, ((0, 0), (0, MP - M))).reshape(B, 2, CH)
    delta = now[:, None] - time_mem
    delta_pad = jnp.pad(delta, ((0, 0), (0, MP - M)),
                        constant_values=1_000_000_000)
    out = _sc_time_attn(uid, iid, tid, nid, tag_pad, delta_pad,
                        userVecs, itemVecs, tagUserVecs, tagItemVecs)
    return out.reshape(B)

# --- scband reference (transcript-rebuilt; emitter-appended) ---
"""Pipeline reference for scband-time-attention-pitf-1211180777752 (READ-ONLY COPY).

The authoritative reference and input builder live on the scoring server;
editing this copy changes nothing except your own understanding.
"""

import jax, jax.numpy as jnp
import numpy as np

NUM_USER = 100000
NUM_ITEM = 100000
NUM_TAG = 1000000
K = 32
M = 200
GAMMA = 0.6
INIT_ST = 0.01
B = 4096

def setup_inputs(seed: int = 0):
    key = jax.random.key(seed)
    ks = jax.random.split(key, 12)
    user = jax.random.randint(ks[0], (B, 1), 0, NUM_USER)
    item = jax.random.randint(ks[1], (B, 1), 0, NUM_ITEM)
    tag = jax.random.randint(ks[2], (B, 1), 1, NUM_TAG)
    neg = jax.random.randint(ks[3], (B, 1), 1, NUM_TAG)
    tag_mem = jax.random.randint(ks[4], (B, M), 0, NUM_TAG)
    now = jnp.full((B, 1), 100, dtype=jnp.int32)
    time_mem = jax.random.randint(ks[5], (B, M), 90, 100)
    x = jnp.concatenate([user, item, tag, neg, tag_mem, now, time_mem], axis=1).astype(jnp.int32)
    userVecs = jax.random.normal(ks[6], (NUM_USER, K), dtype=jnp.float32) * INIT_ST
    itemVecs = jax.random.normal(ks[7], (NUM_ITEM, K), dtype=jnp.float32) * INIT_ST
    tagUserVecs = jax.random.normal(ks[8], (NUM_TAG, K), dtype=jnp.float32).at[0].set(0.0)
    tagItemVecs = jax.random.normal(ks[9], (NUM_TAG, K), dtype=jnp.float32).at[0].set(0.0)
    return {"x": x, "userVecs": userVecs, "itemVecs": itemVecs, "tagUserVecs": tagUserVecs, "tagItemVecs": tagItemVecs}

def reference(x, userVecs, itemVecs, tagUserVecs, tagItemVecs):
    user_ids = x[:, 0]
    item_ids = x[:, 1]
    tag_ids = x[:, 2]
    neg_ids = x[:, 3]
    tag_mem = x[:, 4:4 + M]
    now = x[:, 4 + M]
    time_mem = x[:, -M:]
    # padding_idx=0 semantics: row 0 of tag tables is zero and receives no gradient
    tu = tagUserVecs.at[0].set(0.0)
    ti = tagItemVecs.at[0].set(0.0)
    user_vecs = jnp.take(userVecs, user_ids, axis=0)
    item_vecs = jnp.take(itemVecs, item_ids, axis=0)
    user_tag_vecs = jnp.take(tu, tag_ids, axis=0)
    item_tag_vecs = jnp.take(ti, tag_ids, axis=0)
    neg_tag_user = jnp.take(tu, neg_ids, axis=0)
    neg_tag_item = jnp.take(ti, neg_ids, axis=0)
    tag_memory_vecs = jnp.take(tu, tag_mem, axis=0)  # (B, M, K)
    a = jnp.exp((-0.5 * (now[:, None] - time_mem)).astype(jnp.float32))
    w = a / jnp.sum(a, axis=1, keepdims=True)
    h = jnp.einsum('bm,bmk->bk', w, tag_memory_vecs)
    mix = (1.0 - GAMMA) * user_vecs + GAMMA * h
    r = jnp.sum(mix * user_tag_vecs, axis=1) + jnp.sum(item_vecs * item_tag_vecs, axis=1) - (jnp.sum(mix * neg_tag_user, axis=1) + jnp.sum(item_vecs * neg_tag_item, axis=1))
    return r

if __name__ == "__main__":
    import jax
    _d = setup_inputs()
    print(jax.jit(kernel)(*tuple(_d.values())))

</pallas_src>

<mosaic_0001>
#map = affine_map<(d0, d1) -> (0)>
#map1 = affine_map<(d0, d1) -> (0, 0, 0)>
#map2 = affine_map<(d0, d1) -> (0, 0)>
module attributes {stable_mosaic.version = 14 : i64} {
  func.func @body(%arg0: i32, %arg1: i32, %arg2: memref<4096xi32, #tpu.memory_space<hbm>>, %arg3: memref<4096xi32, #tpu.memory_space<hbm>>, %arg4: memref<4096xi32, #tpu.memory_space<hbm>>, %arg5: memref<4096xi32, #tpu.memory_space<hbm>>, %arg6: memref<4096x2x104xi32, #tpu.memory_space<hbm>>, %arg7: memref<4096x208xi32, #tpu.memory_space<hbm>>, %arg8: memref<100000x32xf32, #tpu.memory_space<hbm>>, %arg9: memref<100000x32xf32, #tpu.memory_space<hbm>>, %arg10: memref<1000000x32xf32, #tpu.memory_space<hbm>>, %arg11: memref<1000000x32xf32, #tpu.memory_space<hbm>>, %arg12: memref<256x16xf32, #tpu.memory_space<hbm>>, %arg13: memref<128x2x104xi32, #tpu.memory_space<vmem>>, %arg14: memref<128x208xi32, #tpu.memory_space<vmem>>, %arg15: memref<128xi32, #tpu.memory_space<vmem>>, %arg16: memref<128xi32, #tpu.memory_space<vmem>>, %arg17: memref<128xi32, #tpu.memory_space<vmem>>, %arg18: memref<128xi32, #tpu.memory_space<vmem>>, %arg19: memref<128x32xf32, #tpu.memory_space<vmem>>, %arg20: memref<128x32xf32, #tpu.memory_space<vmem>>, %arg21: memref<128x32xf32, #tpu.memory_space<vmem>>, %arg22: memref<128x32xf32, #tpu.memory_space<vmem>>, %arg23: memref<128x32xf32, #tpu.memory_space<vmem>>, %arg24: memref<128x32xf32, #tpu.memory_space<vmem>>, %arg25: memref<4x208x32xf32, #tpu.memory_space<vmem>>, %arg26: memref<8x16xf32, #tpu.memory_space<vmem>>, %arg27: memref<!tpu.dma_semaphore, #tpu.memory_space<semaphore_mem>>, %arg28: memref<!tpu.dma_semaphore, #tpu.memory_space<semaphore_mem>>, %arg29: memref<!tpu.dma_semaphore, #tpu.memory_space<semaphore_mem>>, %arg30: memref<!tpu.dma_semaphore, #tpu.memory_space<semaphore_mem>>) attributes {dimension_semantics = [#tpu.dimension_semantics<core_parallel>, #tpu.dimension_semantics<subcore_parallel>], iteration_bounds = array<i64: 2, 16>, scalar_prefetch = 0 : i64, scratch_operands = 18 : i64, tpu.core_type = #tpu.core_type<sc_vector_subcore>, window_params = [{transform_indices = #map}, {transform_indices = #map}, {transform_indices = #map}, {transform_indices = #map}, {transform_indices = #map1}, {transform_indices = #map2}, {transform_indices = #map2}, {transform_indices = #map2}, {transform_indices = #map2}, {transform_indices = #map2}, {transform_indices = #map2}]} {
    %mul3A = arith.constant 2 : i32
    %mul3A_0 = arith.muli %arg1, %mul3A : i32
    %add3A = arith.addi %mul3A_0, %arg0 : i32
    %mul3A_1 = arith.constant 128 : i32
    %mul3A_2 = arith.muli %add3A, %mul3A_1 : i32
    "tpu.region"() ({
      %run_scoped3A = tpu.sem_alloc : memref<!tpu.dma_semaphore, #tpu.memory_space<semaphore_mem>>
      %dma_start3A_97 = arith.constant 0 : i32
      %dma_start3A_98 = arith.constant 0 : i32
      %dma_start3A_99 = tpu.memref_slice %arg6[%mul3A_2, %dma_start3A_97, %dma_start3A_98] : memref<4096x2x104xi32, #tpu.memory_space<hbm>> -> memref<128x2x104xi32, #tpu.memory_space<hbm>>
      %dma_start3A_100 = arith.constant 0 : i32
      %dma_start3A_101 = arith.constant 0 : i32
      %dma_start3A_102 = tpu.memref_slice %arg6[%mul3A_2, %dma_start3A_100, %dma_start3A_101] : memref<4096x2x104xi32, #tpu.memory_space<hbm>> -> memref<128x2x104xi32, #tpu.memory_space<hbm>>
      tpu.enqueue_dma source(%dma_start3A_102 : memref<128x2x104xi32, #tpu.memory_space<hbm>>) target(%arg13 : memref<128x2x104xi32, #tpu.memory_space<vmem>>) target_semaphore(%run_scoped3A : memref<!tpu.dma_semaphore, #tpu.memory_space<semaphore_mem>>)
      %dma_wait3A_103 = arith.constant 0 : i32
      %dma_wait3A_104 = arith.constant 0 : i32
      %dma_wait3A_105 = tpu.memref_slice %arg6[%mul3A_2, %dma_wait3A_103, %dma_wait3A_104] : memref<4096x2x104xi32, #tpu.memory_space<hbm>> -> memref<128x2x104xi32, #tpu.memory_space<hbm>>
      %dma_wait3A_106 = arith.constant 0 : i32
      %dma_wait3A_107 = arith.constant 0 : i32
      %dma_wait3A_108 = tpu.memref_slice %arg6[%mul3A_2, %dma_wait3A_106, %dma_wait3A_107] : memref<4096x2x104xi32, #tpu.memory_space<hbm>> -> memref<128x2x104xi32, #tpu.memory_space<hbm>>
      tpu.wait_dma2 semaphore(%run_scoped3A : memref<!tpu.dma_semaphore, #tpu.memory_space<semaphore_mem>>) src(%dma_wait3A_108 : memref<128x2x104xi32, #tpu.memory_space<hbm>>) dst(%arg13 : memref<128x2x104xi32, #tpu.memory_space<vmem>>)
      tpu.yield
    }) : () -> ()
    "tpu.region"() ({
      %run_scoped3A = tpu.sem_alloc : memref<!tpu.dma_semaphore, #tpu.memory_space<semaphore_mem>>
      %dma_start3A_97 = arith.constant 0 : i32
      %dma_start3A_98 = tpu.memref_slice %arg7[%mul3A_2, %dma_start3A_97] : memref<4096x208xi32, #tpu.memory_space<hbm>> -> memref<128x208xi32, #tpu.memory_space<hbm>>
      %dma_start3A_99 = arith.constant 0 : i32
      %dma_start3A_100 = tpu.memref_slice %arg7[%mul3A_2, %dma_start3A_99] : memref<4096x208xi32, #tpu.memory_space<hbm>> -> memref<128x208xi32, #tpu.memory_space<hbm>>
      tpu.enqueue_dma source(%dma_start3A_100 : memref<128x208xi32, #tpu.memory_space<hbm>>) target(%arg14 : memref<128x208xi32, #tpu.memory_space<vmem>>) target_semaphore(%run_scoped3A : memref<!tpu.dma_semaphore, #tpu.memory_space<semaphore_mem>>)
      %dma_wait3A_101 = arith.constant 0 : i32
      %dma_wait3A_102 = tpu.memref_slice %arg7[%mul3A_2, %dma_wait3A_101] : memref<4096x208xi32, #tpu.memory_space<hbm>> -> memref<128x208xi32, #tpu.memory_space<hbm>>
      %dma_wait3A_103 = arith.constant 0 : i32
      %dma_wait3A_104 = tpu.memref_slice %arg7[%mul3A_2, %dma_wait3A_103] : memref<4096x208xi32, #tpu.memory_space<hbm>> -> memref<128x208xi32, #tpu.memory_space<hbm>>
      tpu.wait_dma2 semaphore(%run_scoped3A : memref<!tpu.dma_semaphore, #tpu.memory_space<semaphore_mem>>) src(%dma_wait3A_104 : memref<128x208xi32, #tpu.memory_space<hbm>>) dst(%arg14 : memref<128x208xi32, #tpu.memory_space<vmem>>)
      tpu.yield
    }) : () -> ()
    "tpu.region"() ({
      %run_scoped3A = tpu.sem_alloc : memref<!tpu.dma_semaphore, #tpu.memory_space<semaphore_mem>>
      %dma_start3A_97 = tpu.memref_slice %arg2[%mul3A_2] : memref<4096xi32, #tpu.memory_space<hbm>> -> memref<128xi32, #tpu.memory_space<hbm>>
      %dma_start3A_98 = tpu.memref_slice %arg2[%mul3A_2] : memref<4096xi32, #tpu.memory_space<hbm>> -> memref<128xi32, #tpu.memory_space<hbm>>
      tpu.enqueue_dma source(%dma_start3A_98 : memref<128xi32, #tpu.memory_space<hbm>>) target(%arg15 : memref<128xi32, #tpu.memory_space<vmem>>) target_semaphore(%run_scoped3A : memref<!tpu.dma_semaphore, #tpu.memory_space<semaphore_mem>>)
      %dma_wait3A_99 = tpu.memref_slice %arg2[%mul3A_2] : memref<4096xi32, #tpu.memory_space<hbm>> -> memref<128xi32, #tpu.memory_space<hbm>>
      %dma_wait3A_100 = tpu.memref_slice %arg2[%mul3A_2] : memref<4096xi32, #tpu.memory_space<hbm>> -> memref<128xi32, #tpu.memory_space<hbm>>
      tpu.wait_dma2 semaphore(%run_scoped3A : memref<!tpu.dma_semaphore, #tpu.memory_space<semaphore_mem>>) src(%dma_wait3A_100 : memref<128xi32, #tpu.memory_space<hbm>>) dst(%arg15 : memref<128xi32, #tpu.memory_space<vmem>>)
      tpu.yield
    }) : () -> ()
    "tpu.region"() ({
      %run_scoped3A = tpu.sem_alloc : memref<!tpu.dma_semaphore, #tpu.memory_space<semaphore_mem>>
      %dma_start3A_97 = tpu.memref_slice %arg3[%mul3A_2] : memref<4096xi32, #tpu.memory_space<hbm>> -> memref<128xi32, #tpu.memory_space<hbm>>
      %dma_start3A_98 = tpu.memref_slice %arg3[%mul3A_2] : memref<4096xi32, #tpu.memory_space<hbm>> -> memref<128xi32, #tpu.memory_space<hbm>>
      tpu.enqueue_dma source(%dma_start3A_98 : memref<128xi32, #tpu.memory_space<hbm>>) target(%arg16 : memref<128xi32, #tpu.memory_space<vmem>>) target_semaphore(%run_scoped3A : memref<!tpu.dma_semaphore, #tpu.memory_space<semaphore_mem>>)
      %dma_wait3A_99 = tpu.memref_slice %arg3[%mul3A_2] : memref<4096xi32, #tpu.memory_space<hbm>> -> memref<128xi32, #tpu.memory_space<hbm>>
      %dma_wait3A_100 = tpu.memref_slice %arg3[%mul3A_2] : memref<4096xi32, #tpu.memory_space<hbm>> -> memref<128xi32, #tpu.memory_space<hbm>>
      tpu.wait_dma2 semaphore(%run_scoped3A : memref<!tpu.dma_semaphore, #tpu.memory_space<semaphore_mem>>) src(%dma_wait3A_100 : memref<128xi32, #tpu.memory_space<hbm>>) dst(%arg16 : memref<128xi32, #tpu.memory_space<vmem>>)
      tpu.yield
    }) : () -> ()
    "tpu.region"() ({
      %run_scoped3A = tpu.sem_alloc : memref<!tpu.dma_semaphore, #tpu.memory_space<semaphore_mem>>
      %dma_start3A_97 = tpu.memref_slice %arg4[%mul3A_2] : memref<4096xi32, #tpu.memory_space<hbm>> -> memref<128xi32, #tpu.memory_space<hbm>>
      %dma_start3A_98 = tpu.memref_slice %arg4[%mul3A_2] : memref<4096xi32, #tpu.memory_space<hbm>> -> memref<128xi32, #tpu.memory_space<hbm>>
      tpu.enqueue_dma source(%dma_start3A_98 : memref<128xi32, #tpu.memory_space<hbm>>) target(%arg17 : memref<128xi32, #tpu.memory_space<vmem>>) target_semaphore(%run_scoped3A : memref<!tpu.dma_semaphore, #tpu.memory_space<semaphore_mem>>)
      %dma_wait3A_99 = tpu.memref_slice %arg4[%mul3A_2] : memref<4096xi32, #tpu.memory_space<hbm>> -> memref<128xi32, #tpu.memory_space<hbm>>
      %dma_wait3A_100 = tpu.memref_slice %arg4[%mul3A_2] : memref<4096xi32, #tpu.memory_space<hbm>> -> memref<128xi32, #tpu.memory_space<hbm>>
      tpu.wait_dma2 semaphore(%run_scoped3A : memref<!tpu.dma_semaphore, #tpu.memory_space<semaphore_mem>>) src(%dma_wait3A_100 : memref<128xi32, #tpu.memory_space<hbm>>) dst(%arg17 : memref<128xi32, #tpu.memory_space<vmem>>)
      tpu.yield
    }) : () -> ()
    "tpu.region"() ({
      %run_scoped3A = tpu.sem_alloc : memref<!tpu.dma_semaphore, #tpu.memory_space<semaphore_mem>>
      %dma_start3A_97 = tpu.memref_slice %arg5[%mul3A_2] : memref<4096xi32, #tpu.memory_space<hbm>> -> memref<128xi32, #tpu.memory_space<hbm>>
      %dma_start3A_98 = tpu.memref_slice %arg5[%mul3A_2] : memref<4096xi32, #tpu.memory_space<hbm>> -> memref<128xi32, #tpu.memory_space<hbm>>
      tpu.enqueue_dma source(%dma_start3A_98 : memref<128xi32, #tpu.memory_space<hbm>>) target(%arg18 : memref<128xi32, #tpu.memory_space<vmem>>) target_semaphore(%run_scoped3A : memref<!tpu.dma_semaphore, #tpu.memory_space<semaphore_mem>>)
      %dma_wait3A_99 = tpu.memref_slice %arg5[%mul3A_2] : memref<4096xi32, #tpu.memory_space<hbm>> -> memref<128xi32, #tpu.memory_space<hbm>>
      %dma_wait3A_100 = tpu.memref_slice %arg5[%mul3A_2] : memref<4096xi32, #tpu.memory_space<hbm>> -> memref<128xi32, #tpu.memory_space<hbm>>
      tpu.wait_dma2 semaphore(%run_scoped3A : memref<!tpu.dma_semaphore, #tpu.memory_space<semaphore_mem>>) src(%dma_wait3A_100 : memref<128xi32, #tpu.memory_space<hbm>>) dst(%arg18 : memref<128xi32, #tpu.memory_space<vmem>>)
      tpu.yield
    }) : () -> ()
    %dma_start3A = arith.constant 0 : i32
    %dma_start3A_3 = arith.constant 0 : i32
    %dma_start3A_4 = tpu.memref_slice %arg8[%dma_start3A, %dma_start3A_3] : memref<100000x32xf32, #tpu.memory_space<hbm>> -> memref<100000x32xf32, #tpu.memory_space<hbm>>
    tpu.enqueue_indirect_dma source(%dma_start3A_4 : memref<100000x32xf32, #tpu.memory_space<hbm>>) target(%arg19 : memref<128x32xf32, #tpu.memory_space<vmem>>) offsets(%arg15 : memref<128xi32, #tpu.memory_space<vmem>>) semaphore(%arg27 : memref<!tpu.dma_semaphore, #tpu.memory_space<semaphore_mem>>)
    %dma_start3A_5 = arith.constant 0 : i32
    %dma_start3A_6 = arith.constant 0 : i32
    %dma_start3A_7 = tpu.memref_slice %arg9[%dma_start3A_5, %dma_start3A_6] : memref<100000x32xf32, #tpu.memory_space<hbm>> -> memref<100000x32xf32, #tpu.memory_space<hbm>>
    tpu.enqueue_indirect_dma source(%dma_start3A_7 : memref<100000x32xf32, #tpu.memory_space<hbm>>) target(%arg20 : memref<128x32xf32, #tpu.memory_space<vmem>>) offsets(%arg16 : memref<128xi32, #tpu.memory_space<vmem>>) semaphore(%arg27 : memref<!tpu.dma_semaphore, #tpu.memory_space<semaphore_mem>>)
    %dma_start3A_8 = arith.constant 0 : i32
    %dma_start3A_9 = arith.constant 0 : i32
    %dma_start3A_10 = tpu.memref_slice %arg10[%dma_start3A_8, %dma_start3A_9] : memref<1000000x32xf32, #tpu.memory_space<hbm>> -> memref<1000000x32xf32, #tpu.memory_space<hbm>>
    tpu.enqueue_indirect_dma source(%dma_start3A_10 : memref<1000000x32xf32, #tpu.memory_space<hbm>>) target(%arg21 : memref<128x32xf32, #tpu.memory_space<vmem>>) offsets(%arg17 : memref<128xi32, #tpu.memory_space<vmem>>) semaphore(%arg27 : memref<!tpu.dma_semaphore, #tpu.memory_space<semaphore_mem>>)
    %dma_start3A_11 = arith.constant 0 : i32
    %dma_start3A_12 = arith.constant 0 : i32
    %dma_start3A_13 = tpu.memref_slice %arg11[%dma_start3A_11, %dma_start3A_12] : memref<1000000x32xf32, #tpu.memory_space<hbm>> -> memref<1000000x32xf32, #tpu.memory_space<hbm>>
    tpu.enqueue_indirect_dma source(%dma_start3A_13 : memref<1000000x32xf32, #tpu.memory_space<hbm>>) target(%arg22 : memref<128x32xf32, #tpu.memory_space<vmem>>) offsets(%arg17 : memref<128xi32, #tpu.memory_space<vmem>>) semaphore(%arg27 : memref<!tpu.dma_semaphore, #tpu.memory_space<semaphore_mem>>)
    %dma_start3A_14 = arith.constant 0 : i32
    %dma_start3A_15 = arith.constant 0 : i32
    %dma_start3A_16 = tpu.memref_slice %arg10[%dma_start3A_14, %dma_start3A_15] : memref<1000000x32xf32, #tpu.memory_space<hbm>> -> memref<1000000x32xf32, #tpu.memory_space<hbm>>
    tpu.enqueue_indirect_dma source(%dma_start3A_16 : memref<1000000x32xf32, #tpu.memory_space<hbm>>) target(%arg23 : memref<128x32xf32, #tpu.memory_space<vmem>>) offsets(%arg18 : memref<128xi32, #tpu.memory_space<vmem>>) semaphore(%arg27 : memref<!tpu.dma_semaphore, #tpu.memory_space<semaphore_mem>>)
    %dma_start3A_17 = arith.constant 0 : i32
    %dma_start3A_18 = arith.constant 0 : i32
    %dma_start3A_19 = tpu.memref_slice %arg11[%dma_start3A_17, %dma_start3A_18] : memref<1000000x32xf32, #tpu.memory_space<hbm>> -> memref<1000000x32xf32, #tpu.memory_space<hbm>>
    tpu.enqueue_indirect_dma source(%dma_start3A_19 : memref<1000000x32xf32, #tpu.memory_space<hbm>>) target(%arg24 : memref<128x32xf32, #tpu.memory_space<vmem>>) offsets(%arg18 : memref<128xi32, #tpu.memory_space<vmem>>) semaphore(%arg27 : memref<!tpu.dma_semaphore, #tpu.memory_space<semaphore_mem>>)
    %dma_wait3A = arith.constant 0 : i32
    %dma_wait3A_20 = arith.constant 0 : i32
    %dma_wait3A_21 = tpu.memref_slice %arg8[%dma_wait3A, %dma_wait3A_20] : memref<100000x32xf32, #tpu.memory_space<hbm>> -> memref<100000x32xf32, #tpu.memory_space<hbm>>
    tpu.wait_indirect_dma semaphore(%arg27 : memref<!tpu.dma_semaphore, #tpu.memory_space<semaphore_mem>>) src(%dma_wait3A_21 : memref<100000x32xf32, #tpu.memory_space<hbm>>) dst(%arg19 : memref<128x32xf32, #tpu.memory_space<vmem>>)
    %dma_wait3A_22 = arith.constant 0 : i32
    %dma_wait3A_23 = arith.constant 0 : i32
    %dma_wait3A_24 = tpu.memref_slice %arg9[%dma_wait3A_22, %dma_wait3A_23] : memref<100000x32xf32, #tpu.memory_space<hbm>> -> memref<100000x32xf32, #tpu.memory_space<hbm>>
    tpu.wait_indirect_dma semaphore(%arg27 : memref<!tpu.dma_semaphore, #tpu.memory_space<semaphore_mem>>) src(%dma_wait3A_24 : memref<100000x32xf32, #tpu.memory_space<hbm>>) dst(%arg20 : memref<128x32xf32, #tpu.memory_space<vmem>>)
    %dma_wait3A_25 = arith.constant 0 : i32
    %dma_wait3A_26 = arith.constant 0 : i32
    %dma_wait3A_27 = tpu.memref_slice %arg10[%dma_wait3A_25, %dma_wait3A_26] : memref<1000000x32xf32, #tpu.memory_space<hbm>> -> memref<1000000x32xf32, #tpu.memory_space<hbm>>
    tpu.wait_indirect_dma semaphore(%arg27 : memref<!tpu.dma_semaphore, #tpu.memory_space<semaphore_mem>>) src(%dma_wait3A_27 : memref<1000000x32xf32, #tpu.memory_space<hbm>>) dst(%arg21 : memref<128x32xf32, #tpu.memory_space<vmem>>)
    %dma_wait3A_28 = arith.constant 0 : i32
    %dma_wait3A_29 = arith.constant 0 : i32
    %dma_wait3A_30 = tpu.memref_slice %arg11[%dma_wait3A_28, %dma_wait3A_29] : memref<1000000x32xf32, #tpu.memory_space<hbm>> -> memref<1000000x32xf32, #tpu.memory_space<hbm>>
    tpu.wait_indirect_dma semaphore(%arg27 : memref<!tpu.dma_semaphore, #tpu.memory_space<semaphore_mem>>) src(%dma_wait3A_30 : memref<1000000x32xf32, #tpu.memory_space<hbm>>) dst(%arg22 : memref<128x32xf32, #tpu.memory_space<vmem>>)
    %dma_wait3A_31 = arith.constant 0 : i32
    %dma_wait3A_32 = arith.constant 0 : i32
    %dma_wait3A_33 = tpu.memref_slice %arg10[%dma_wait3A_31, %dma_wait3A_32] : memref<1000000x32xf32, #tpu.memory_space<hbm>> -> memref<1000000x32xf32, #tpu.memory_space<hbm>>
    tpu.wait_indirect_dma semaphore(%arg27 : memref<!tpu.dma_semaphore, #tpu.memory_space<semaphore_mem>>) src(%dma_wait3A_33 : memref<1000000x32xf32, #tpu.memory_space<hbm>>) dst(%arg23 : memref<128x32xf32, #tpu.memory_space<vmem>>)
    %dma_wait3A_34 = arith.constant 0 : i32
    %dma_wait3A_35 = arith.constant 0 : i32
    %dma_wait3A_36 = tpu.memref_slice %arg11[%dma_wait3A_34, %dma_wait3A_35] : memref<1000000x32xf32, #tpu.memory_space<hbm>> -> memref<1000000x32xf32, #tpu.memory_space<hbm>>
    tpu.wait_indirect_dma semaphore(%arg27 : memref<!tpu.dma_semaphore, #tpu.memory_space<semaphore_mem>>) src(%dma_wait3A_36 : memref<1000000x32xf32, #tpu.memory_space<hbm>>) dst(%arg24 : memref<128x32xf32, #tpu.memory_space<vmem>>)
    %iota3A = tpu.iota {dimensions = array<i32: 0>} : vector<16xi32>
    %dma_start3A_37 = arith.constant 0 : i32
    %dma_start3A_38 = arith.constant 0 : i32
    %dma_start3A_39 = arith.constant 0 : i32
    %dma_start3A_40 = arith.constant 0 : i32
    %dma_start3A_41 = arith.constant 0 : i32
    %dma_start3A_42 = tpu.memref_slice %arg25[%dma_start3A_39, %dma_start3A_40, %dma_start3A_41] : memref<4x208x32xf32, #tpu.memory_space<vmem>> -> memref<1x104x32xf32, #tpu.memory_space<vmem>>
    %dma_start3A_43 = tpu.memref_squeeze %dma_start3A_42 : memref<1x104x32xf32, #tpu.memory_space<vmem>> -> memref<104x32xf32, #tpu.memory_space<vmem>>
    %dma_start3A_44 = arith.constant 0 : i32
    %dma_start3A_45 = tpu.memref_slice %arg13[%dma_start3A_37, %dma_start3A_38, %dma_start3A_44] : memref<128x2x104xi32, #tpu.memory_space<vmem>> -> memref<1x1x104xi32, #tpu.memory_space<vmem>>
    %dma_start3A_46 = tpu.memref_squeeze %dma_start3A_45 : memref<1x1x104xi32, #tpu.memory_space<vmem>> -> memref<104xi32, #tpu.memory_space<vmem>>
    %dma_start3A_47 = arith.constant 0 : i32
    %dma_start3A_48 = arith.constant 0 : i32
    %dma_start3A_49 = tpu.memref_slice %arg10[%dma_start3A_47, %dma_start3A_48] : memref<1000000x32xf32, #tpu.memory_space<hbm>> -> memref<1000000x32xf32, #tpu.memory_space<hbm>>
    tpu.enqueue_indirect_dma source(%dma_start3A_49 : memref<1000000x32xf32, #tpu.memory_space<hbm>>) target(%dma_start3A_43 : memref<104x32xf32, #tpu.memory_space<vmem>>) offsets(%dma_start3A_46 : memref<104xi32, #tpu.memory_space<vmem>>) semaphore(%arg27 : memref<!tpu.dma_semaphore, #tpu.memory_space<semaphore_mem>>)
    %dma_start3A_50 = arith.constant 0 : i32
    %dma_start3A_51 = arith.constant 1 : i32
    %dma_start3A_52 = arith.constant 0 : i32
    %dma_start3A_53 = arith.constant 104 : i32
    %dma_start3A_54 = arith.constant 0 : i32
    %dma_start3A_55 = tpu.memref_slice %arg25[%dma_start3A_52, %dma_start3A_53, %dma_start3A_54] : memref<4x208x32xf32, #tpu.memory_space<vmem>> -> memref<1x104x32xf32, #tpu.memory_space<vmem>>
    %dma_start3A_56 = tpu.memref_squeeze %dma_start3A_55 : memref<1x104x32xf32, #tpu.memory_space<vmem>> -> memref<104x32xf32, #tpu.memory_space<vmem>>
    %dma_start3A_57 = arith.constant 0 : i32
    %dma_start3A_58 = tpu.memref_slice %arg13[%dma_start3A_50, %dma_start3A_51, %dma_start3A_57] : memref<128x2x104xi32, #tpu.memory_space<vmem>> -> memref<1x1x104xi32, #tpu.memory_space<vmem>>
    %dma_start3A_59 = tpu.memref_squeeze %dma_start3A_58 : memref<1x1x104xi32, #tpu.memory_space<vmem>> -> memref<104xi32, #tpu.memory_space<vmem>>
    %dma_start3A_60 = arith.constant 0 : i32
    %dma_start3A_61 = arith.constant 0 : i32
    %dma_start3A_62 = tpu.memref_slice %arg10[%dma_start3A_60, %dma_start3A_61] : memref<1000000x32xf32, #tpu.memory_space<hbm>> -> memref<1000000x32xf32, #tpu.memory_space<hbm>>
    tpu.enqueue_indirect_dma source(%dma_start3A_62 : memref<1000000x32xf32, #tpu.memory_space<hbm>>) target(%dma_start3A_56 : memref<104x32xf32, #tpu.memory_space<vmem>>) offsets(%dma_start3A_59 : memref<104xi32, #tpu.memory_space<vmem>>) semaphore(%arg27 : memref<!tpu.dma_semaphore, #tpu.memory_space<semaphore_mem>>)
    %dma_wait3A_63 = arith.constant 0 : i32
    %dma_wait3A_64 = arith.constant 0 : i32
    %dma_wait3A_65 = arith.constant 0 : i32
    %dma_wait3A_66 = arith.constant 0 : i32
    %dma_wait3A_67 = arith.constant 0 : i32
    %dma_wait3A_68 = tpu.memref_slice %arg25[%dma_wait3A_65, %dma_wait3A_66, %dma_wait3A_67] : memref<4x208x32xf32, #tpu.memory_space<vmem>> -> memref<1x104x32xf32, #tpu.memory_space<vmem>>
    %dma_wait3A_69 = tpu.memref_squeeze %dma_wait3A_68 : memref<1x104x32xf32, #tpu.memory_space<vmem>> -> memref<104x32xf32, #tpu.memory_space<vmem>>
    %dma_wait3A_70 = arith.constant 0 : i32
    %dma_wait3A_71 = tpu.memref_slice %arg13[%dma_wait3A_63, %dma_wait3A_64, %dma_wait3A_70] : memref<128x2x104xi32, #tpu.memory_space<vmem>> -> memref<1x1x104xi32, #tpu.memory_space<vmem>>
    %dma_wait3A_72 = tpu.memref_squeeze %dma_wait3A_71 : memref<1x1x104xi32, #tpu.memory_space<vmem>> -> memref<104xi32, #tpu.memory_space<vmem>>
    %dma_wait3A_73 = arith.constant 0 : i32
    %dma_wait3A_74 = arith.constant 0 : i32
    %dma_wait3A_75 = tpu.memref_slice %arg10[%dma_wait3A_73, %dma_wait3A_74] : memref<1000000x32xf32, #tpu.memory_space<hbm>> -> memref<1000000x32xf32, #tpu.memory_space<hbm>>
    tpu.wait_indirect_dma semaphore(%arg27 : memref<!tpu.dma_semaphore, #tpu.memory_space<semaphore_mem>>) src(%dma_wait3A_75 : memref<1000000x32xf32, #tpu.memory_space<hbm>>) dst(%dma_wait3A_69 : memref<104x32xf32, #tpu.memory_space<vmem>>)
    %dma_wait3A_76 = arith.constant 0 : i32
    %dma_wait3A_77 = arith.constant 1 : i32
    %dma_wait3A_78 = arith.constant 0 : i32
    %dma_wait3A_79 = arith.constant 104 : i32
    %dma_wait3A_80 = arith.constant 0 : i32
    %dma_wait3A_81 = tpu.memref_slice %arg25[%dma_wait3A_78, %dma_wait3A_79, %dma_wait3A_80] : memref<4x208x32xf32, #tpu.memory_space<vmem>> -> memref<1x104x32xf32, #tpu.memory_space<vmem>>
    %dma_wait3A_82 = tpu.memref_squeeze %dma_wait3A_81 : memref<1x104x32xf32, #tpu.memory_space<vmem>> -> memref<104x32xf32, #tpu.memory_space<vmem>>
    %dma_wait3A_83 = arith.constant 0 : i32
    %dma_wait3A_84 = tpu.memref_slice %arg13[%dma_wait3A_76, %dma_wait3A_77, %dma_wait3A_83] : memref<128x2x104xi32, #tpu.memory_space<vmem>> -> memref<1x1x104xi32, #tpu.memory_space<vmem>>
    %dma_wait3A_85 = tpu.memref_squeeze %dma_wait3A_84 : memref<1x1x104xi32, #tpu.memory_space<vmem>> -> memref<104xi32, #tpu.memory_space<vmem>>
    %dma_wait3A_86 = arith.constant 0 : i32
    %dma_wait3A_87 = arith.constant 0 : i32
    %dma_wait3A_88 = tpu.memref_slice %arg10[%dma_wait3A_86, %dma_wait3A_87] : memref<1000000x32xf32, #tpu.memory_space<hbm>> -> memref<1000000x32xf32, #tpu.memory_space<hbm>>
    tpu.wait_indirect_dma semaphore(%arg27 : memref<!tpu.dma_semaphore, #tpu.memory_space<semaphore_mem>>) src(%dma_wait3A_88 : memref<1000000x32xf32, #tpu.memory_space<hbm>>) dst(%dma_wait3A_82 : memref<104x32xf32, #tpu.memory_space<vmem>>)
    %broadcast_in_dim3A = arith.constant 0.000000e+00 : f32
    %broadcast_in_dim3A_89 = vector.broadcast %broadcast_in_dim3A : f32 to vector<16xf32>
    %scan3A = arith.constant 0 : i32
    %scan3A_90 = arith.constant 128 : i32
    %scan3A_91 = arith.addi %scan3A, %scan3A_90 : i32
    %scan3A_92 = arith.constant 1 : i32
    %scan3A_93 = scf.for %scan3A_97 = %scan3A to %scan3A_91 step %scan3A_92 iter_args(%scan3A_98 = %broadcast_in_dim3A_89) -> (vector<16xf32>)  : i32 {
      %broadcast_in_dim3A_99 = arith.constant 0.000000e+00 : f32
      %broadcast_in_dim3A_100 = vector.broadcast %broadcast_in_dim3A_99 : f32 to vector<16xf32>
      %get3A = arith.index_cast %scan3A_97 : i32 to index
      %get3A_101 = arith.constant 0 : index
      %get3A_102 = tpu.vector_load %arg14[%get3A, %get3A_101] {strides = array<i32>} : memref<128x208xi32, #tpu.memory_space<vmem>>, vector<1x16xi32>,
      %get3A_103 = vector.shape_cast %get3A_102 : vector<1x16xi32> to vector<16xi32>
      %convert_element_type3A = arith.sitofp %get3A_103 : vector<16xi32> to vector<16xf32>
      %mul3A_104 = arith.constant -5.000000e-01 : f32
      %mul3A_105 = vector.broadcast %mul3A_104 : f32 to vector<16xf32>
      %mul3A_106 = arith.mulf %convert_element_type3A, %mul3A_105 : vector<16xf32>
      %exp3A = math.exp %mul3A_106 : vector<16xf32>
      %add3A_107 = arith.addf %broadcast_in_dim3A_100, %exp3A : vector<16xf32>
      %get3A_108 = arith.index_cast %scan3A_97 : i32 to index
      %get3A_109 = arith.constant 16 : index
      %get3A_110 = tpu.vector_load %arg14[%get3A_108, %get3A_109] {strides = array<i32>} : memref<128x208xi32, #tpu.memory_space<vmem>>, vector<1x16xi32>,
      %get3A_111 = vector.shape_cast %get3A_110 : vector<1x16xi32> to vector<16xi32>
      %convert_element_type3A_112 = arith.sitofp %get3A_111 : vector<16xi32> to vector<16xf32>
      %mul3A_113 = arith.constant -5.000000e-01 : f32
      %mul3A_114 = vector.broadcast %mul3A_113 : f32 to vector<16xf32>
      %mul3A_115 = arith.mulf %convert_element_type3A_112, %mul3A_114 : vector<16xf32>
      %exp3A_116 = math.exp %mul3A_115 : vector<16xf32>
      %add3A_117 = arith.addf %add3A_107, %exp3A_116 : vector<16xf32>
      %get3A_118 = arith.index_cast %scan3A_97 : i32 to index
      %get3A_119 = arith.constant 32 : index
      %get3A_120 = tpu.vector_load %arg14[%get3A_118, %get3A_119] {strides = array<i32>} : memref<128x208xi32, #tpu.memory_space<vmem>>, vector<1x16xi32>,
      %get3A_121 = vector.shape_cast %get3A_120 : vector<1x16xi32> to vector<16xi32>
      %convert_element_type3A_122 = arith.sitofp %get3A_121 : vector<16xi32> to vector<16xf32>
      %mul3A_123 = arith.constant -5.000000e-01 : f32
      %mul3A_124 = vector.broadcast %mul3A_123 : f32 to vector<16xf32>
      %mul3A_125 = arith.mulf %convert_element_type3A_122, %mul3A_124 : vector<16xf32>
      %exp3A_126 = math.exp %mul3A_125 : vector<16xf32>
      %add3A_127 = arith.addf %add3A_117, %exp3A_126 : vector<16xf32>
      %get3A_128 = arith.index_cast %scan3A_97 : i32 to index
      %get3A_129 = arith.constant 48 : index
      %get3A_130 = tpu.vector_load %arg14[%get3A_128, %get3A_129] {strides = array<i32>} : memref<128x208xi32, #tpu.memory_space<vmem>>, vector<1x16xi32>,
      %get3A_131 = vector.shape_cast %get3A_130 : vector<1x16xi32> to vector<16xi32>
      %convert_element_type3A_132 = arith.sitofp %get3A_131 : vector<16xi32> to vector<16xf32>
      %mul3A_133 = arith.constant -5.000000e-01 : f32
      %mul3A_134 = vector.broadcast %mul3A_133 : f32 to vector<16xf32>
      %mul3A_135 = arith.mulf %convert_element_type3A_132, %mul3A_134 : vector<16xf32>
      %exp3A_136 = math.exp %mul3A_135 : vector<16xf32>
      %add3A_137 = arith.addf %add3A_127, %exp3A_136 : vector<16xf32>
      %get3A_138 = arith.index_cast %scan3A_97 : i32 to index
      %get3A_139 = arith.constant 64 : index
      %get3A_140 = tpu.vector_load %arg14[%get3A_138, %get3A_139] {strides = array<i32>} : memref<128x208xi32, #tpu.memory_space<vmem>>, vector<1x16xi32>,
      %get3A_141 = vector.shape_cast %get3A_140 : vector<1x16xi32> to vector<16xi32>
      %convert_element_type3A_142 = arith.sitofp %get3A_141 : vector<16xi32> to vector<16xf32>
      %mul3A_143 = arith.constant -5.000000e-01 : f32
      %mul3A_144 = vector.broadcast %mul3A_143 : f32 to vector<16xf32>
      %mul3A_145 = arith.mulf %convert_element_type3A_142, %mul3A_144 : vector<16xf32>
      %exp3A_146 = math.exp %mul3A_145 : vector<16xf32>
      %add3A_147 = arith.addf %add3A_137, %exp3A_146 : vector<16xf32>
      %get3A_148 = arith.index_cast %scan3A_97 : i32 to index
      %get3A_149 = arith.constant 80 : index
      %get3A_150 = tpu.vector_load %arg14[%get3A_148, %get3A_149] {strides = array<i32>} : memref<128x208xi32, #tpu.memory_space<vmem>>, vector<1x16xi32>,
      %get3A_151 = vector.shape_cast %get3A_150 : vector<1x16xi32> to vector<16xi32>
      %convert_element_type3A_152 = arith.sitofp %get3A_151 : vector<16xi32> to vector<16xf32>
      %mul3A_153 = arith.constant -5.000000e-01 : f32
      %mul3A_154 = vector.broadcast %mul3A_153 : f32 to vector<16xf32>
      %mul3A_155 = arith.mulf %convert_element_type3A_152, %mul3A_154 : vector<16xf32>
      %exp3A_156 = math.exp %mul3A_155 : vector<16xf32>
      %add3A_157 = arith.addf %add3A_147, %exp3A_156 : vector<16xf32>
      %get3A_158 = arith.index_cast %scan3A_97 : i32 to index
      %get3A_159 = arith.constant 96 : index
      %get3A_160 = tpu.vector_load %arg14[%get3A_158, %get3A_159] {strides = array<i32>} : memref<128x208xi32, #tpu.memory_space<vmem>>, vector<1x16xi32>,
      %get3A_161 = vector.shape_cast %get3A_160 : vector<1x16xi32> to vector<16xi32>
      %convert_element_type3A_162 = arith.sitofp %get3A_161 : vector<16xi32> to vector<16xf32>
      %mul3A_163 = arith.constant -5.000000e-01 : f32
      %mul3A_164 = vector.broadcast %mul3A_163 : f32 to vector<16xf32>
      %mul3A_165 = arith.mulf %convert_element_type3A_162, %mul3A_164 : vector<16xf32>
      %exp3A_166 = math.exp %mul3A_165 : vector<16xf32>
      %add3A_167 = arith.addf %add3A_157, %exp3A_166 : vector<16xf32>
      %get3A_168 = arith.index_cast %scan3A_97 : i32 to index
      %get3A_169 = arith.constant 112 : index
      %get3A_170 = tpu.vector_load %arg14[%get3A_168, %get3A_169] {strides = array<i32>} : memref<128x208xi32, #tpu.memory_space<vmem>>, vector<1x16xi32>,
      %get3A_171 = vector.shape_cast %get3A_170 : vector<1x16xi32> to vector<16xi32>
      %convert_element_type3A_172 = arith.sitofp %get3A_171 : vector<16xi32> to vector<16xf32>
      %mul3A_173 = arith.constant -5.000000e-01 : f32
      %mul3A_174 = vector.broadcast %mul3A_173 : f32 to vector<16xf32>
      %mul3A_175 = arith.mulf %convert_element_type3A_172, %mul3A_174 : vector<16xf32>
      %exp3A_176 = math.exp %mul3A_175 : vector<16xf32>
      %add3A_177 = arith.addf %add3A_167, %exp3A_176 : vector<16xf32>
      %get3A_178 = arith.index_cast %scan3A_97 : i32 to index
      %get3A_179 = arith.constant 128 : index
      %get3A_180 = tpu.vector_load %arg14[%get3A_178, %get3A_179] {strides = array<i32>} : memref<128x208xi32, #tpu.memory_space<vmem>>, vector<1x16xi32>,
      %get3A_181 = vector.shape_cast %get3A_180 : vector<1x16xi32> to vector<16xi32>
      %convert_element_type3A_182 = arith.sitofp %get3A_181 : vector<16xi32> to vector<16xf32>
      %mul3A_183 = arith.constant -5.000000e-01 : f32
      %mul3A_184 = vector.broadcast %mul3A_183 : f32 to vector<16xf32>
      %mul3A_185 = arith.mulf %convert_element_type3A_182, %mul3A_184 : vector<16xf32>
      %exp3A_186 = math.exp %mul3A_185 : vector<16xf32>
      %add3A_187 = arith.addf %add3A_177, %exp3A_186 : vector<16xf32>
      %get3A_188 = arith.index_cast %scan3A_97 : i32 to index
      %get3A_189 = arith.constant 144 : index
      %get3A_190 = tpu.vector_load %arg14[%get3A_188, %get3A_189] {strides = array<i32>} : memref<128x208xi32, #tpu.memory_space<vmem>>, vector<1x16xi32>,
      %get3A_191 = vector.shape_cast %get3A_190 : vector<1x16xi32> to vector<16xi32>
      %convert_element_type3A_192 = arith.sitofp %get3A_191 : vector<16xi32> to vector<16xf32>
      %mul3A_193 = arith.constant -5.000000e-01 : f32
      %mul3A_194 = vector.broadcast %mul3A_193 : f32 to vector<16xf32>
      %mul3A_195 = arith.mulf %convert_element_type3A_192, %mul3A_194 : vector<16xf32>
      %exp3A_196 = math.exp %mul3A_195 : vector<16xf32>
      %add3A_197 = arith.addf %add3A_187, %exp3A_196 : vector<16xf32>
      %get3A_198 = arith.index_cast %scan3A_97 : i32 to index
      %get3A_199 = arith.constant 160 : index
      %get3A_200 = tpu.vector_load %arg14[%get3A_198, %get3A_199] {strides = array<i32>} : memref<128x208xi32, #tpu.memory_space<vmem>>, vector<1x16xi32>,
      %get3A_201 = vector.shape_cast %get3A_200 : vector<1x16xi32> to vector<16xi32>
      %convert_element_type3A_202 = arith.sitofp %get3A_201 : vector<16xi32> to vector<16xf32>
      %mul3A_203 = arith.constant -5.000000e-01 : f32
      %mul3A_204 = vector.broadcast %mul3A_203 : f32 to vector<16xf32>
      %mul3A_205 = arith.mulf %convert_element_type3A_202, %mul3A_204 : vector<16xf32>
      %exp3A_206 = math.exp %mul3A_205 : vector<16xf32>
      %add3A_207 = arith.addf %add3A_197, %exp3A_206 : vector<16xf32>
      %get3A_208 = arith.index_cast %scan3A_97 : i32 to index
      %get3A_209 = arith.constant 176 : index
      %get3A_210 = tpu.vector_load %arg14[%get3A_208, %get3A_209] {strides = array<i32>} : memref<128x208xi32, #tpu.memory_space<vmem>>, vector<1x16xi32>,
      %get3A_211 = vector.shape_cast %get3A_210 : vector<1x16xi32> to vector<16xi32>
      %convert_element_type3A_212 = arith.sitofp %get3A_211 : vector<16xi32> to vector<16xf32>
      %mul3A_213 = arith.constant -5.000000e-01 : f32
      %mul3A_214 = vector.broadcast %mul3A_213 : f32 to vector<16xf32>
      %mul3A_215 = arith.mulf %convert_element_type3A_212, %mul3A_214 : vector<16xf32>
      %exp3A_216 = math.exp %mul3A_215 : vector<16xf32>
      %add3A_217 = arith.addf %add3A_207, %exp3A_216 : vector<16xf32>
      %get3A_218 = arith.index_cast %scan3A_97 : i32 to index
      %get3A_219 = arith.constant 192 : index
      %get3A_220 = tpu.vector_load %arg14[%get3A_218, %get3A_219] {strides = array<i32>} : memref<128x208xi32, #tpu.memory_space<vmem>>, vector<1x16xi32>,
      %get3A_221 = vector.shape_cast %get3A_220 : vector<1x16xi32> to vector<16xi32>
      %convert_element_type3A_222 = arith.sitofp %get3A_221 : vector<16xi32> to vector<16xf32>
      %mul3A_223 = arith.constant -5.000000e-01 : f32
      %mul3A_224 = vector.broadcast %mul3A_223 : f32 to vector<16xf32>
      %mul3A_225 = arith.mulf %convert_element_type3A_222, %mul3A_224 : vector<16xf32>
      %exp3A_226 = math.exp %mul3A_225 : vector<16xf32>
      %add3A_227 = arith.addf %add3A_217, %exp3A_226 : vector<16xf32>
      %xor3A = arith.constant 8 : i32
      %xor3A_228 = vector.broadcast %xor3A : i32 to vector<16xi32>
      %xor3A_229 = arith.xori %iota3A, %xor3A_228 : vector<16xi32>
      %lt3A = arith.constant 0 : i32
      %lt3A_230 = vector.broadcast %lt3A : i32 to vector<16xi32>
      %lt3A_231 = arith.cmpi slt, %xor3A_229, %lt3A_230 : vector<16xi32>
      %add3A_232 = arith.constant 16 : i32
      %add3A_233 = vector.broadcast %add3A_232 : i32 to vector<16xi32>
      %add3A_234 = arith.addi %xor3A_229, %add3A_233 : vector<16xi32>
      %select_n3A = arith.select %lt3A_231, %add3A_234, %xor3A_229 : vector<16xi1>, vector<16xi32>
      %broadcast_in_dim3A_235 = vector.shape_cast %select_n3A : vector<16xi32> to vector<16x1xi32>
      %gather3A = vector.shape_cast %broadcast_in_dim3A_235 : vector<16x1xi32> to vector<16xi32>
      %gather3A_236 = tpu.dynamic_gather %add3A_227[%gather3A] in [0] : vector<16xf32>, vector<16xi32> -> vector<16xf32>
      %add3A_237 = arith.addf %add3A_227, %gather3A_236 : vector<16xf32>
      %xor3A_238 = arith.constant 4 : i32
      %xor3A_239 = vector.broadcast %xor3A_238 : i32 to vector<16xi32>
      %xor3A_240 = arith.xori %iota3A, %xor3A_239 : vector<16xi32>
      %lt3A_241 = arith.constant 0 : i32
      %lt3A_242 = vector.broadcast %lt3A_241 : i32 to vector<16xi32>
      %lt3A_243 = arith.cmpi slt, %xor3A_240, %lt3A_242 : vector<16xi32>
      %add3A_244 = arith.constant 16 : i32
      %add3A_245 = vector.broadcast %add3A_244 : i32 to vector<16xi32>
      %add3A_246 = arith.addi %xor3A_240, %add3A_245 : vector<16xi32>
      %select_n3A_247 = arith.select %lt3A_243, %add3A_246, %xor3A_240 : vector<16xi1>, vector<16xi32>
      %broadcast_in_dim3A_248 = vector.shape_cast %select_n3A_247 : vector<16xi32> to vector<16x1xi32>
      %gather3A_249 = vector.shape_cast %broadcast_in_dim3A_248 : vector<16x1xi32> to vector<16xi32>
      %gather3A_250 = tpu.dynamic_gather %add3A_237[%gather3A_249] in [0] : vector<16xf32>, vector<16xi32> -> vector<16xf32>
      %add3A_251 = arith.addf %add3A_237, %gather3A_250 : vector<16xf32>
      %xor3A_252 = arith.constant 2 : i32
      %xor3A_253 = vector.broadcast %xor3A_252 : i32 to vector<16xi32>
      %xor3A_254 = arith.xori %iota3A, %xor3A_253 : vector<16xi32>
      %lt3A_255 = arith.constant 0 : i32
      %lt3A_256 = vector.broadcast %lt3A_255 : i32 to vector<16xi32>
      %lt3A_257 = arith.cmpi slt, %xor3A_254, %lt3A_256 : vector<16xi32>
      %add3A_258 = arith.constant 16 : i32
      %add3A_259 = vector.broadcast %add3A_258 : i32 to vector<16xi32>
      %add3A_260 = arith.addi %xor3A_254, %add3A_259 : vector<16xi32>
      %select_n3A_261 = arith.select %lt3A_257, %add3A_260, %xor3A_254 : vector<16xi1>, vector<16xi32>
      %broadcast_in_dim3A_262 = vector.shape_cast %select_n3A_261 : vector<16xi32> to vector<16x1xi32>
      %gather3A_263 = vector.shape_cast %broadcast_in_dim3A_262 : vector<16x1xi32> to vector<16xi32>
      %gather3A_264 = tpu.dynamic_gather %add3A_251[%gather3A_263] in [0] : vector<16xf32>, vector<16xi32> -> vector<16xf32>
      %add3A_265 = arith.addf %add3A_251, %gather3A_264 : vector<16xf32>
      %xor3A_266 = arith.constant 1 : i32
      %xor3A_267 = vector.broadcast %xor3A_266 : i32 to vector<16xi32>
      %xor3A_268 = arith.xori %iota3A, %xor3A_267 : vector<16xi32>
      %lt3A_269 = arith.constant 0 : i32
      %lt3A_270 = vector.broadcast %lt3A_269 : i32 to vector<16xi32>
      %lt3A_271 = arith.cmpi slt, %xor3A_268, %lt3A_270 : vector<16xi32>
      %add3A_272 = arith.constant 16 : i32
      %add3A_273 = vector.broadcast %add3A_272 : i32 to vector<16xi32>
      %add3A_274 = arith.addi %xor3A_268, %add3A_273 : vector<16xi32>
      %select_n3A_275 = arith.select %lt3A_271, %add3A_274, %xor3A_268 : vector<16xi1>, vector<16xi32>
      %broadcast_in_dim3A_276 = vector.shape_cast %select_n3A_275 : vector<16xi32> to vector<16x1xi32>
      %gather3A_277 = vector.shape_cast %broadcast_in_dim3A_276 : vector<16x1xi32> to vector<16xi32>
      %gather3A_278 = tpu.dynamic_gather %add3A_265[%gather3A_277] in [0] : vector<16xf32>, vector<16xi32> -> vector<16xf32>
      %add3A_279 = arith.addf %add3A_265, %gather3A_278 : vector<16xf32>
      %div3A = arith.constant 1.000000e+00 : f32
      %div3A_280 = vector.broadcast %div3A : f32 to vector<16xf32>
      %div3A_281 = arith.divf %div3A_280, %add3A_279 : vector<16xf32>
      %broadcast_in_dim3A_282 = arith.constant 0.000000e+00 : f32
      %broadcast_in_dim3A_283 = vector.broadcast %broadcast_in_dim3A_282 : f32 to vector<16xf32>
      %broadcast_in_dim3A_284 = arith.constant 0.000000e+00 : f32
      %broadcast_in_dim3A_285 = vector.broadcast %broadcast_in_dim3A_284 : f32 to vector<16xf32>
      %slice3A = vector.extract_strided_slice %exp3A {offsets = [0], sizes = [1], strides = [1]} : vector<16xf32> to vector<1xf32>
      %squeeze3A = vector.extract %slice3A[0] : f32 from vector<1xf32>
      %get3A_286 = arith.constant 0 : i32
      %get3A_287 = arith.constant 0 : i32
      %get3A_288 = arith.index_cast %get3A_286 : i32 to index
      %get3A_289 = arith.index_cast %get3A_287 : i32 to index
      %get3A_290 = arith.constant 0 : index
      %get3A_291 = tpu.vector_load %arg25[%get3A_288, %get3A_289, %get3A_290] {strides = array<i32>} : memref<4x208x32xf32, #tpu.memory_space<vmem>>, vector<1x1x16xf32>,
      %get3A_292 = vector.shape_cast %get3A_291 : vector<1x1x16xf32> to vector<16xf32>
      %mul3A_293 = vector.broadcast %squeeze3A : f32 to vector<16xf32>
      %mul3A_294 = arith.mulf %mul3A_293, %get3A_292 : vector<16xf32>
      %add3A_295 = arith.addf %broadcast_in_dim3A_283, %mul3A_294 : vector<16xf32>
      %get3A_296 = arith.constant 0 : i32
      %get3A_297 = arith.constant 0 : i32
      %get3A_298 = arith.index_cast %get3A_296 : i32 to index
      %get3A_299 = arith.index_cast %get3A_297 : i32 to index
      %get3A_300 = arith.constant 16 : index
      %get3A_301 = tpu.vector_load %arg25[%get3A_298, %get3A_299, %get3A_300] {strides = array<i32>} : memref<4x208x32xf32, #tpu.memory_space<vmem>>, vector<1x1x16xf32>,
      %get3A_302 = vector.shape_cast %get3A_301 : vector<1x1x16xf32> to vector<16xf32>
      %mul3A_303 = vector.broadcast %squeeze3A : f32 to vector<16xf32>
      %mul3A_304 = arith.mulf %mul3A_303, %get3A_302 : vector<16xf32>
      %add3A_305 = arith.addf %broadcast_in_dim3A_285, %mul3A_304 : vector<16xf32>
      %slice3A_306 = vector.extract_strided_slice %exp3A {offsets = [1], sizes = [1], strides = [1]} : vector<16xf32> to vector<1xf32>
      %squeeze3A_307 = vector.extract %slice3A_306[0] : f32 from vector<1xf32>
      %get3A_308 = arith.constant 0 : i32
      %get3A_309 = arith.constant 1 : i32
      %get3A_310 = arith.index_cast %get3A_308 : i32 to index
      %get3A_311 = arith.index_cast %get3A_309 : i32 to index
      %get3A_312 = arith.constant 0 : index
      %get3A_313 = tpu.vector_load %arg25[%get3A_310, %get3A_311, %get3A_312] {strides = array<i32>} : memref<4x208x32xf32, #tpu.memory_space<vmem>>, vector<1x1x16xf32>,
      %get3A_314 = vector.shape_cast %get3A_313 : vector<1x1x16xf32> to vector<16xf32>
      %mul3A_315 = vector.broadcast %squeeze3A_307 : f32 to vector<16xf32>
      %mul3A_316 = arith.mulf %mul3A_315, %get3A_314 : vector<16xf32>
      %add3A_317 = arith.addf %add3A_295, %mul3A_316 : vector<16xf32>
      %get3A_318 = arith.constant 0 : i32
      %get3A_319 = arith.constant 1 : i32
      %get3A_320 = arith.index_cast %get3A_318 : i32 to index
      %get3A_321 = arith.index_cast %get3A_319 : i32 to index
      %get3A_322 = arith.constant 16 : index
      %get3A_323 = tpu.vector_load %arg25[%get3A_320, %get3A_321, %get3A_322] {strides = array<i32>} : memref<4x208x32xf32, #tpu.memory_space<vmem>>, vector<1x1x16xf32>,
      %get3A_324 = vector.shape_cast %get3A_323 : vector<1x1x16xf32> to vector<16xf32>
      %mul3A_325 = vector.broadcast %squeeze3A_307 : f32 to vector<16xf32>
      %mul3A_326 = arith.mulf %mul3A_325, %get3A_324 : vector<16xf32>
      %add3A_327 = arith.addf %add3A_305, %mul3A_326 : vector<16xf32>
      %slice3A_328 = vector.extract_strided_slice %exp3A {offsets = [2], sizes = [1], strides = [1]} : vector<16xf32> to vector<1xf32>
      %squeeze3A_329 = vector.extract %slice3A_328[0] : f32 from vector<1xf32>
      %get3A_330 = arith.constant 0 : i32
      %get3A_331 = arith.constant 2 : i32
      %get3A_332 = arith.index_cast %get3A_330 : i32 to index
      %get3A_333 = arith.index_cast %get3A_331 : i32 to index
      %get3A_334 = arith.constant 0 : index
      %get3A_335 = tpu.vector_load %arg25[%get3A_332, %get3A_333, %get3A_334] {strides = array<i32>} : memref<4x208x32xf32, #tpu.memory_space<vmem>>, vector<1x1x16xf32>,
      %get3A_336 = vector.shape_cast %get3A_335 : vector<1x1x16xf32> to vector<16xf32>
      %mul3A_337 = vector.broadcast %squeeze3A_329 : f32 to vector<16xf32>
      %mul3A_338 = arith.mulf %mul3A_337, %get3A_336 : vector<16xf32>
      %add3A_339 = arith.addf %add3A_317, %mul3A_338 : vector<16xf32>
      %get3A_340 = arith.constant 0 : i32
      %get3A_341 = arith.constant 2 : i32
      %get3A_342 = arith.index_cast %get3A_340 : i32 to index
      %get3A_343 = arith.index_cast %get3A_341 : i32 to index
      %get3A_344 = arith.constant 16 : index
      %get3A_345 = tpu.vector_load %arg25[%get3A_342, %get3A_343, %get3A_344] {strides = array<i32>} : memref<4x208x32xf32, #tpu.memory_space<vmem>>, vector<1x1x16xf32>,
      %get3A_346 = vector.shape_cast %get3A_345 : vector<1x1x16xf32> to vector<16xf32>
      %mul3A_347 = vector.broadcast %squeeze3A_329 : f32 to vector<16xf32>
      %mul3A_348 = arith.mulf %mul3A_347, %get3A_346 : vector<16xf32>
      %add3A_349 = arith.addf %add3A_327, %mul3A_348 : vector<16xf32>
      %slice3A_350 = vector.extract_strided_slice %exp3A {offsets = [3], sizes = [1], strides = [1]} : vector<16xf32> to vector<1xf32>
      %squeeze3A_351 = vector.extract %slice3A_350[0] : f32 from vector<1xf32>
      %get3A_352 = arith.constant 0 : i32
      %get3A_353 = arith.constant 3 : i32
      %get3A_354 = arith.index_cast %get3A_352 : i32 to index
      %get3A_355 = arith.index_cast %get3A_353 : i32 to index
      %get3A_356 = arith.constant 0 : index
      %get3A_357 = tpu.vector_load %arg25[%get3A_354, %get3A_355, %get3A_356] {strides = array<i32>} : memref<4x208x32xf32, #tpu.memory_space<vmem>>, vector<1x1x16xf32>,
      %get3A_358 = vector.shape_cast %get3A_357 : vector<1x1x16xf32> to vector<16xf32>
      %mul3A_359 = vector.broadcast %squeeze3A_351 : f32 to vector<16xf32>
      %mul3A_360 = arith.mulf %mul3A_359, %get3A_358 : vector<16xf32>
      %add3A_361 = arith.addf %add3A_339, %mul3A_360 : vector<16xf32>
      %get3A_362 = arith.constant 0 : i32
      %get3A_363 = arith.constant 3 : i32
      %get3A_364 = arith.index_cast %get3A_362 : i32 to index
      %get3A_365 = arith.index_cast %get3A_363 : i32 to index
      %get3A_366 = arith.constant 16 : index
      %get3A_367 = tpu.vector_load %arg25[%get3A_364, %get3A_365, %get3A_366] {strides = array<i32>} : memref<4x208x32xf32, #tpu.memory_space<vmem>>, vector<1x1x16xf32>,
      %get3A_368 = vector.shape_cast %get3A_367 : vector<1x1x16xf32> to vector<16xf32>
      %mul3A_369 = vector.broadcast %squeeze3A_351 : f32 to vector<16xf32>
      %mul3A_370 = arith.mulf %mul3A_369, %get3A_368 : vector<16xf32>
      %add3A_371 = arith.addf %add3A_349, %mul3A_370 : vector<16xf32>
      %slice3A_372 = vector.extract_strided_slice %exp3A {offsets = [4], sizes = [1], strides = [1]} : vector<16xf32> to vector<1xf32>
      %squeeze3A_373 = vector.extract %slice3A_372[0] : f32 from vector<1xf32>
      %get3A_374 = arith.constant 0 : i32
      %get3A_375 = arith.constant 4 : i32
      %get3A_376 = arith.index_cast %get3A_374 : i32 to index
      %get3A_377 = arith.index_cast %get3A_375 : i32 to index
      %get3A_378 = arith.constant 0 : index
      %get3A_379 = tpu.vector_load %arg25[%get3A_376, %get3A_377, %get3A_378] {strides = array<i32>} : memref<4x208x32xf32, #tpu.memory_space<vmem>>, vector<1x1x16xf32>,
      %get3A_380 = vector.shape_cast %get3A_379 : vector<1x1x16xf32> to vector<16xf32>
      %mul3A_381 = vector.broadcast %squeeze3A_373 : f32 to vector<16xf32>
      %mul3A_382 = arith.mulf %mul3A_381, %get3A_380 : vector<16xf32>
      %add3A_383 = arith.addf %add3A_361, %mul3A_382 : vector<16xf32>
      %get3A_384 = arith.constant 0 : i32
      %get3A_385 = arith.constant 4 : i32
      %get3A_386 = arith.index_cast %get3A_384 : i32 to index
      %get3A_387 = arith.index_cast %get3A_385 : i32 to index
      %get3A_388 = arith.constant 16 : index
      %get3A_389 = tpu.vector_load %arg25[%get3A_386, %get3A_387, %get3A_388] {strides = array<i32>} : memref<4x208x32xf32, #tpu.memory_space<vmem>>, vector<1x1x16xf32>,
      %get3A_390 = vector.shape_cast %get3A_389 : vector<1x1x16xf32> to vector<16xf32>
      %mul3A_391 = vector.broadcast %squeeze3A_373 : f32 to vector<16xf32>
      %mul3A_392 = arith.mulf %mul3A_391, %get3A_390 : vector<16xf32>
      %add3A_393 = arith.addf %add3A_371, %mul3A_392 : vector<16xf32>
      %slice3A_394 = vector.extract_strided_slice %exp3A {offsets = [5], sizes = [1], strides = [1]} : vector<16xf32> to vector<1xf32>
      %squeeze3A_395 = vector.extract %slice3A_394[0] : f32 from vector<1xf32>
      %get3A_396 = arith.constant 0 : i32
      %get3A_397 = arith.constant 5 : i32
      %get3A_398 = arith.index_cast %get3A_396 : i32 to index
      %get3A_399 = arith.index_cast %get3A_397 : i32 to index
      %get3A_400 = arith.constant 0 : index
      %get3A_401 = tpu.vector_load %arg25[%get3A_398, %get3A_399, %get3A_400] {strides = array<i32>} : memref<4x208x32xf32, #tpu.memory_space<vmem>>, vector<1x1x16xf32>,
      %get3A_402 = vector.shape_cast %get3A_401 : vector<1x1x16xf32> to vector<16xf32>
      %mul3A_403 = vector.broadcast %squeeze3A_395 : f32 to vector<16xf32>
      %mul3A_404 = arith.mulf %mul3A_403, %get3A_402 : vector<16xf32>
      %add3A_405 = arith.addf %add3A_383, %mul3A_404 : vector<16xf32>
      %get3A_406 = arith.constant 0 : i32
      %get3A_407 = arith.constant 5 : i32
      %get3A_408 = arith.index_cast %get3A_406 : i32 to index
      %get3A_409 = arith.index_cast %get3A_407 : i32 to index
      %get3A_410 = arith.constant 16 : index
      %get3A_411 = tpu.vector_load %arg25[%get3A_408, %get3A_409, %get3A_410] {strides = array<i32>} : memref<4x208x32xf32, #tpu.memory_space<vmem>>, vector<1x1x16xf32>,
      %get3A_412 = vector.shape_cast %get3A_411 : vector<1x1x16xf32> to vector<16xf32>
      %mul3A_413 = vector.broadcast %squeeze3A_395 : f32 to vector<16xf32>
      %mul3A_414 = arith.mulf %mul3A_413, %get3A_412 : vector<16xf32>
      %add3A_415 = arith.addf %add3A_393, %mul3A_414 : vector<16xf32>
      %slice3A_416 = vector.extract_strided_slice %exp3A {offsets = [6], sizes = [1], strides = [1]} : vector<16xf32> to vector<1xf32>
      %squeeze3A_417 = vector.extract %slice3A_416[0] : f32 from vector<1xf32>
      %get3A_418 = arith.constant 0 : i32
      %get3A_419 = arith.constant 6 : i32
      %get3A_420 = arith.index_cast %get3A_418 : i32 to index
      %get3A_421 = arith.index_cast %get3A_419 : i32 to index
      %get3A_422 = arith.constant 0 : index
      %get3A_423 = tpu.vector_load %arg25[%get3A_420, %get3A_421, %get3A_422] {strides = array<i32>} : memref<4x208x32xf32, #tpu.memory_space<vmem>>, vector<1x1x16xf32>,
      %get3A_424 = vector.shape_cast %get3A_423 : vector<1x1x16xf32> to vector<16xf32>
      %mul3A_425 = vector.broadcast %squeeze3A_417 : f32 to vector<16xf32>
      %mul3A_426 = arith.mulf %mul3A_425, %get3A_424 : vector<16xf32>
      %add3A_427 = arith.addf %add3A_405, %mul3A_426 : vector<16xf32>
      %get3A_428 = arith.constant 0 : i32
      %get3A_429 = arith.constant 6 : i32
      %get3A_430 = arith.index_cast %get3A_428 : i32 to index
      %get3A_431 = arith.index_cast %get3A_429 : i32 to index
      %get3A_432 = arith.constant 16 : index
      %get3A_433 = tpu.vector_load %arg25[%get3A_430, %get3A_431, %get3A_432] {strides = array<i32>} : memref<4x208x32xf32, #tpu.memory_space<vmem>>, vector<1x1x16xf32>,
      %get3A_434 = vector.shape_cast %get3A_433 : vector<1x1x16xf32> to vector<16xf32>
      %mul3A_435 = vector.broadcast %squeeze3A_417 : f32 to vector<16xf32>
      %mul3A_436 = arith.mulf %mul3A_435, %get3A_434 : vector<16xf32>
      %add3A_437 = arith.addf %add3A_415, %mul3A_436 : vector<16xf32>
      %slice3A_438 = vector.extract_strided_slice %exp3A {offsets = [7], sizes = [1], strides = [1]} : vector<16xf32> to vector<1xf32>
      %squeeze3A_439 = vector.extract %slice3A_438[0] : f32 from vector<1xf32>
      %get3A_440 = arith.constant 0 : i32
      %get3A_441 = arith.constant 7 : i32
      %get3A_442 = arith.index_cast %get3A_440 : i32 to index
      %get3A_443 = arith.index_cast %get3A_441 : i32 to index
      %get3A_444 = arith.constant 0 : index
      %get3A_445 = tpu.vector_load %arg25[%get3A_442, %get3A_443, %get3A_444] {strides = array<i32>} : memref<4x208x32xf32, #tpu.memory_space<vmem>>, vector<1x1x16xf32>,
      %get3A_446 = vector.shape_cast %get3A_445 : vector<1x1x16xf32> to vector<16xf32>
      %mul3A_447 = vector.broadcast %squeeze3A_439 : f32 to vector<16xf32>
      %mul3A_448 = arith.mulf %mul3A_447, %get3A_446 : vector<16xf32>
      %add3A_449 = arith.addf %add3A_427, %mul3A_448 : vector<16xf32>
      %get3A_450 = arith.constant 0 : i32
      %get3A_451 = arith.constant 7 : i32
      %get3A_452 = arith.index_cast %get3A_450 : i32 to index
      %get3A_453 = arith.index_cast %get3A_451 : i32 to index
      %get3A_454 = arith.constant 16 : index
      %get3A_455 = tpu.vector_load %arg25[%get3A_452, %get3A_453, %get3A_454] {strides = array<i32>} : memref<4x208x32xf32, #tpu.memory_space<vmem>>, vector<1x1x16xf32>,
      %get3A_456 = vector.shape_cast %get3A_455 : vector<1x1x16xf32> to vector<16xf32>
      %mul3A_457 = vector.broadcast %squeeze3A_439 : f32 to vector<16xf32>
      %mul3A_458 = arith.mulf %mul3A_457, %get3A_456 : vector<16xf32>
      %add3A_459 = arith.addf %add3A_437, %mul3A_458 : vector<16xf32>
      %slice3A_460 = vector.extract_strided_slice %exp3A {offsets = [8], sizes = [1], strides = [1]} : vector<16xf32> to vector<1xf32>
      %squeeze3A_461 = vector.extract %slice3A_460[0] : f32 from vector<1xf32>
      %get3A_462 = arith.constant 0 : i32
      %get3A_463 = arith.constant 8 : i32
      %get3A_464 = arith.index_cast %get3A_462 : i32 to index
      %get3A_465 = arith.index_cast %get3A_463 : i32 to index
      %get3A_466 = arith.constant 0 : index
      %get3A_467 = tpu.vector_load %arg25[%get3A_464, %get3A_465, %get3A_466] {strides = array<i32>} : memref<4x208x32xf32, #tpu.memory_space<vmem>>, vector<1x1x16xf32>,
      %get3A_468 = vector.shape_cast %get3A_467 : vector<1x1x16xf32> to vector<16xf32>
      %mul3A_469 = vector.broadcast %squeeze3A_461 : f32 to vector<16xf32>
      %mul3A_470 = arith.mulf %mul3A_469, %get3A_468 : vector<16xf32>
      %add3A_471 = arith.addf %add3A_449, %mul3A_470 : vector<16xf32>
      %get3A_472 = arith.constant 0 : i32
      %get3A_473 = arith.constant 8 : i32
      %get3A_474 = arith.index_cast %get3A_472 : i32 to index
      %get3A_475 = arith.index_cast %get3A_473 : i32 to index
      %get3A_476 = arith.constant 16 : index
      %get3A_477 = tpu.vector_load %arg25[%get3A_474, %get3A_475, %get3A_476] {strides = array<i32>} : memref<4x208x32xf32, #tpu.memory_space<vmem>>, vector<1x1x16xf32>,
      %get3A_478 = vector.shape_cast %get3A_477 : vector<1x1x16xf32> to vector<16xf32>
      %mul3A_479 = vector.broadcast %squeeze3A_461 : f32 to vector<16xf32>
      %mul3A_480 = arith.mulf %mul3A_479, %get3A_478 : vector<16xf32>
      %add3A_481 = arith.addf %add3A_459, %mul3A_480 : vector<16xf32>
      %slice3A_482 = vector.extract_strided_slice %exp3A {offsets = [9], sizes = [1], strides = [1]} : vector<16xf32> to vector<1xf32>
      %squeeze3A_483 = vector.extract %slice3A_482[0] : f32 from vector<1xf32>
      %get3A_484 = arith.constant 0 : i32
      %get3A_485 = arith.constant 9 : i32
      %get3A_486 = arith.index_cast %get3A_484 : i32 to index
      %get3A_487 = arith.index_cast %get3A_485 : i32 to index
      %get3A_488 = arith.constant 0 : index
      %get3A_489 = tpu.vector_load %arg25[%get3A_486, %get3A_487, %get3A_488] {strides = array<i32>} : memref<4x208x32xf32, #tpu.memory_space<vmem>>, vector<1x1x16xf32>,
      %get3A_490 = vector.shape_cast %get3A_489 : vector<1x1x16xf32> to vector<16xf32>
      %mul3A_491 = vector.broadcast %squeeze3A_483 : f32 to vector<16xf32>
      %mul3A_492 = arith.mulf %mul3A_491, %get3A_490 : vector<16xf32>
      %add3A_493 = arith.addf %add3A_471, %mul3A_492 : vector<16xf32>
      %get3A_494 = arith.constant 0 : i32
      %get3A_495 = arith.constant 9 : i32
      %get3A_496 = arith.index_cast %get3A_494 : i32 to index
      %get3A_497 = arith.index_cast %get3A_495 : i32 to index
      %get3A_498 = arith.constant 16 : index
      %get3A_499 = tpu.vector_load %arg25[%get3A_496, %get3A_497, %get3A_498] {strides = array<i32>} : memref<4x208x32xf32, #tpu.memory_space<vmem>>, vector<1x1x16xf32>,
      %get3A_500 = vector.shape_cast %get3A_499 : vector<1x1x16xf32> to vector<16xf32>
      %mul3A_501 = vector.broadcast %squeeze3A_483 : f32 to vector<16xf32>
      %mul3A_502 = arith.mulf %mul3A_501, %get3A_500 : vector<16xf32>
      %add3A_503 = arith.addf %add3A_481, %mul3A_502 : vector<16xf32>
      %slice3A_504 = vector.extract_strided_slice %exp3A {offsets = [10], sizes = [1], strides = [1]} : vector<16xf32> to vector<1xf32>
      %squeeze3A_505 = vector.extract %slice3A_504[0] : f32 from vector<1xf32>
      %get3A_506 = arith.constant 0 : i32
      %get3A_507 = arith.constant 10 : i32
      %get3A_508 = arith.index_cast %get3A_506 : i32 to index
      %get3A_509 = arith.index_cast %get3A_507 : i32 to index
      %get3A_510 = arith.constant 0 : index
      %get3A_511 = tpu.vector_load %arg25[%get3A_508, %get3A_509, %get3A_510] {strides = array<i32>} : memref<4x208x32xf32, #tpu.memory_space<vmem>>, vector<1x1x16xf32>,
      %get3A_512 = vector.shape_cast %get3A_511 : vector<1x1x16xf32> to vector<16xf32>
      %mul3A_513 = vector.broadcast %squeeze3A_505 : f32 to vector<16xf32>
      %mul3A_514 = arith.mulf %mul3A_513, %get3A_512 : vector<16xf32>
      %add3A_515 = arith.addf %add3A_493, %mul3A_514 : vector<16xf32>
      %get3A_516 = arith.constant 0 : i32
      %get3A_517 = arith.constant 10 : i32
      %get3A_518 = arith.index_cast %get3A_516 : i32 to index
      %get3A_519 = arith.index_cast %get3A_517 : i32 to index
      %get3A_520 = arith.constant 16 : index
      %get3A_521 = tpu.vector_load %arg25[%get3A_518, %get3A_519, %get3A_520] {strides = array<i32>} : memref<4x208x32xf32, #tpu.memory_space<vmem>>, vector<1x1x16xf32>,
      %get3A_522 = vector.shape_cast %get3A_521 : vector<1x1x16xf32> to vector<16xf32>
      %mul3A_523 = vector.broadcast %squeeze3A_505 : f32 to vector<16xf32>
      %mul3A_524 = arith.mulf %mul3A_523, %get3A_522 : vector<16xf32>
      %add3A_525 = arith.addf %add3A_503, %mul3A_524 : vector<16xf32>
      %slice3A_526 = vector.extract_strided_slice %exp3A {offsets = [11], sizes = [1], strides = [1]} : vector<16xf32> to vector<1xf32>
      %squeeze3A_527 = vector.extract %slice3A_526[0] : f32 from vector<1xf32>
      %get3A_528 = arith.constant 0 : i32
      %get3A_529 = arith.constant 11 : i32
      %get3A_530 = arith.index_cast %get3A_528 : i32 to index
      %get3A_531 = arith.index_cast %get3A_529 : i32 to index
      %get3A_532 = arith.constant 0 : index
      %get3A_533 = tpu.vector_load %arg25[%get3A_530, %get3A_531, %get3A_532] {strides = array<i32>} : memref<4x208x32xf32, #tpu.memory_space<vmem>>, vector<1x1x16xf32>,
      %get3A_534 = vector.shape_cast %get3A_533 : vector<1x1x16xf32> to vector<16xf32>
      %mul3A_535 = vector.broadcast %squeeze3A_527 : f32 to vector<16xf32>
      %mul3A_536 = arith.mulf %mul3A_535, %get3A_534 : vector<16xf32>
      %add3A_537 = arith.addf %add3A_515, %mul3A_536 : vector<16xf32>
      %get3A_538 = arith.constant 0 : i32
      %get3A_539 = arith.constant 11 : i32
      %get3A_540 = arith.index_cast %get3A_538 : i32 to index
      %get3A_541 = arith.index_cast %get3A_539 : i32 to index
      %get3A_542 = arith.constant 16 : index
      %get3A_543 = tpu.vector_load %arg25[%get3A_540, %get3A_541, %get3A_542] {strides = array<i32>} : memref<4x208x32xf32, #tpu.memory_space<vmem>>, vector<1x1x16xf32>,
      %get3A_544 = vector.shape_cast %get3A_543 : vector<1x1x16xf32> to vector<16xf32>
      %mul3A_545 = vector.broadcast %squeeze3A_527 : f32 to vector<16xf32>
      %mul3A_546 = arith.mulf %mul3A_545, %get3A_544 : vector<16xf32>
      %add3A_547 = arith.addf %add3A_525, %mul3A_546 : vector<16xf32>
      %slice3A_548 = vector.extract_strided_slice %exp3A {offsets = [12], sizes = [1], strides = [1]} : vector<16xf32> to vector<1xf32>
      %squeeze3A_549 = vector.extract %slice3A_548[0] : f32 from vector<1xf32>
      %get3A_550 = arith.constant 0 : i32
      %get3A_551 = arith.constant 12 : i32
      %get3A_552 = arith.index_cast %get3A_550 : i32 to index
      %get3A_553 = arith.index_cast %get3A_551 : i32 to index
      %get3A_554 = arith.constant 0 : index
      %get3A_555 = tpu.vector_load %arg25[%get3A_552, %get3A_553, %get3A_554] {strides = array<i32>} : memref<4x208x32xf32, #tpu.memory_space<vmem>>, vector<1x1x16xf32>,
      %get3A_556 = vector.shape_cast %get3A_555 : vector<1x1x16xf32> to vector<16xf32>
      %mul3A_557 = vector.broadcast %squeeze3A_549 : f32 to vector<16xf32>
      %mul3A_558 = arith.mulf %mul3A_557, %get3A_556 : vector<16xf32>
      %add3A_559 = arith.addf %add3A_537, %mul3A_558 : vector<16xf32>
      %get3A_560 = arith.constant 0 : i32
      %get3A_561 = arith.constant 12 : i32
      %get3A_562 = arith.index_cast %get3A_560 : i32 to index
      %get3A_563 = arith.index_cast %get3A_561 : i32 to index
      %get3A_564 = arith.constant 16 : index
      %get3A_565 = tpu.vector_load %arg25[%get3A_562, %get3A_563, %get3A_564] {strides = array<i32>} : memref<4x208x32xf32, #tpu.memory_space<vmem>>, vector<1x1x16xf32>,
      %get3A_566 = vector.shape_cast %get3A_565 : vector<1x1x16xf32> to vector<16xf32>
      %mul3A_567 = vector.broadcast %squeeze3A_549 : f32 to vector<16xf32>
      %mul3A_568 = arith.mulf %mul3A_567, %get3A_566 : vector<16xf32>
      %add3A_569 = arith.addf %add3A_547, %mul3A_568 : vector<16xf32>
      %slice3A_570 = vector.extract_strided_slice %exp3A {offsets = [13], sizes = [1], strides = [1]} : vector<16xf32> to vector<1xf32>
      %squeeze3A_571 = vector.extract %slice3A_570[0] : f32 from vector<1xf32>
      %get3A_572 = arith.constant 0 : i32
      %get3A_573 = arith.constant 13 : i32
      %get3A_574 = arith.index_cast %get3A_572 : i32 to index
      %get3A_575 = arith.index_cast %get3A_573 : i32 to index
      %get3A_576 = arith.constant 0 : index
      %get3A_577 = tpu.vector_load %arg25[%get3A_574, %get3A_575, %get3A_576] {strides = array<i32>} : memref<4x208x32xf32, #tpu.memory_space<vmem>>, vector<1x1x16xf32>,
      %get3A_578 = vector.shape_cast %get3A_577 : vector<1x1x16xf32> to vector<16xf32>
      %mul3A_579 = vector.broadcast %squeeze3A_571 : f32 to vector<16xf32>
      %mul3A_580 = arith.mulf %mul3A_579, %get3A_578 : vector<16xf32>
      %add3A_581 = arith.addf %add3A_559, %mul3A_580 : vector<16xf32>
      %get3A_582 = arith.constant 0 : i32
      %get3A_583 = arith.constant 13 : i32
      %get3A_584 = arith.index_cast %get3A_582 : i32 to index
      %get3A_585 = arith.index_cast %get3A_583 : i32 to index
      %get3A_586 = arith.constant 16 : index
      %get3A_587 = tpu.vector_load %arg25[%get3A_584, %get3A_585, %get3A_586] {strides = array<i32>} : memref<4x208x32xf32, #tpu.memory_space<vmem>>, vector<1x1x16xf32>,
      %get3A_588 = vector.shape_cast %get3A_587 : vector<1x1x16xf32> to vector<16xf32>
      %mul3A_589 = vector.broadcast %squeeze3A_571 : f32 to vector<16xf32>
      %mul3A_590 = arith.mulf %mul3A_589, %get3A_588 : vector<16xf32>
      %add3A_591 = arith.addf %add3A_569, %mul3A_590 : vector<16xf32>
      %slice3A_592 = vector.extract_strided_slice %exp3A {offsets = [14], sizes = [1], strides = [1]} : vector<16xf32> to vector<1xf32>
      %squeeze3A_593 = vector.extract %slice3A_592[0] : f32 from vector<1xf32>
      %get3A_594 = arith.constant 0 : i32
      %get3A_595 = arith.constant 14 : i32
      %get3A_596 = arith.index_cast %get3A_594 : i32 to index
      %get3A_597 = arith.index_cast %get3A_595 : i32 to index
      %get3A_598 = arith.constant 0 : index
      %get3A_599 = tpu.vector_load %arg25[%get3A_596, %get3A_597, %get3A_598] {strides = array<i32>} : memref<4x208x32xf32, #tpu.memory_space<vmem>>, vector<1x1x16xf32>,
      %get3A_600 = vector.shape_cast %get3A_599 : vector<1x1x16xf32> to vector<16xf32>
      %mul3A_601 = vector.broadcast %squeeze3A_593 : f32 to vector<16xf32>
      %mul3A_602 = arith.mulf %mul3A_601, %get3A_600 : vector<16xf32>
      %add3A_603 = arith.addf %add3A_581, %mul3A_602 : vector<16xf32>
      %get3A_604 = arith.constant 0 : i32
      %get3A_605 = arith.constant 14 : i32
      %get3A_606 = arith.index_cast %get3A_604 : i32 to index
      %get3A_607 = arith.index_cast %get3A_605 : i32 to index
      %get3A_608 = arith.constant 16 : index
      %get3A_609 = tpu.vector_load %arg25[%get3A_606, %get3A_607, %get3A_608] {strides = array<i32>} : memref<4x208x32xf32, #tpu.memory_space<vmem>>, vector<1x1x16xf32>,
      %get3A_610 = vector.shape_cast %get3A_609 : vector<1x1x16xf32> to vector<16xf32>
      %mul3A_611 = vector.broadcast %squeeze3A_593 : f32 to vector<16xf32>
      %mul3A_612 = arith.mulf %mul3A_611, %get3A_610 : vector<16xf32>
      %add3A_613 = arith.addf %add3A_591, %mul3A_612 : vector<16xf32>
      %slice3A_614 = vector.extract_strided_slice %exp3A {offsets = [15], sizes = [1], strides = [1]} : vector<16xf32> to vector<1xf32>
      %squeeze3A_615 = vector.extract %slice3A_614[0] : f32 from vector<1xf32>
      %get3A_616 = arith.constant 0 : i32
      %get3A_617 = arith.constant 15 : i32
      %get3A_618 = arith.index_cast %get3A_616 : i32 to index
      %get3A_619 = arith.index_cast %get3A_617 : i32 to index
      %get3A_620 = arith.constant 0 : index
      %get3A_621 = tpu.vector_load %arg25[%get3A_618, %get3A_619, %get3A_620] {strides = array<i32>} : memref<4x208x32xf32, #tpu.memory_space<vmem>>, vector<1x1x16xf32>,
      %get3A_622 = vector.shape_cast %get3A_621 : vector<1x1x16xf32> to vector<16xf32>
      %mul3A_623 = vector.broadcast %squeeze3A_615 : f32 to vector<16xf32>
      %mul3A_624 = arith.mulf %mul3A_623, %get3A_622 : vector<16xf32>
      %add3A_625 = arith.addf %add3A_603, %mul3A_624 : vector<16xf32>
      %get3A_626 = arith.constant 0 : i32
      %get3A_627 = arith.constant 15 : i32
      %get3A_628 = arith.index_cast %get3A_626 : i32 to index
      %get3A_629 = arith.index_cast %get3A_627 : i32 to index
      %get3A_630 = arith.constant 16 : index
      %get3A_631 = tpu.vector_load %arg25[%get3A_628, %get3A_629, %get3A_630] {strides = array<i32>} : memref<4x208x32xf32, #tpu.memory_space<vmem>>, vector<1x1x16xf32>,
      %get3A_632 = vector.shape_cast %get3A_631 : vector<1x1x16xf32> to vector<16xf32>
      %mul3A_633 = vector.broadcast %squeeze3A_615 : f32 to vector<16xf32>
      %mul3A_634 = arith.mulf %mul3A_633, %get3A_632 : vector<16xf32>
      %add3A_635 = arith.addf %add3A_613, %mul3A_634 : vector<16xf32>
      %slice3A_636 = vector.extract_strided_slice %exp3A_116 {offsets = [0], sizes = [1], strides = [1]} : vector<16xf32> to vector<1xf32>
      %squeeze3A_637 = vector.extract %slice3A_636[0] : f32 from vector<1xf32>
      %get3A_638 = arith.constant 0 : i32
      %get3A_639 = arith.constant 16 : i32
      %get3A_640 = arith.index_cast %get3A_638 : i32 to index
      %get3A_641 = arith.index_cast %get3A_639 : i32 to index
      %get3A_642 = arith.constant 0 : index
      %get3A_643 = tpu.vector_load %arg25[%get3A_640, %get3A_641, %get3A_642] {strides = array<i32>} : memref<4x208x32xf32, #tpu.memory_space<vmem>>, vector<1x1x16xf32>,
      %get3A_644 = vector.shape_cast %get3A_643 : vector<1x1x16xf32> to vector<16xf32>
      %mul3A_645 = vector.broadcast %squeeze3A_637 : f32 to vector<16xf32>
      %mul3A_646 = arith.mulf %mul3A_645, %get3A_644 : vector<16xf32>
      %add3A_647 = arith.addf %add3A_625, %mul3A_646 : vector<16xf32>
      %get3A_648 = arith.constant 0 : i32
      %get3A_649 = arith.constant 16 : i32
      %get3A_650 = arith.index_cast %get3A_648 : i32 to index
      %get3A_651 = arith.index_cast %get3A_649 : i32 to index
      %get3A_652 = arith.constant 16 : index
      %get3A_653 = tpu.vector_load %arg25[%get3A_650, %get3A_651, %get3A_652] {strides = array<i32>} : memref<4x208x32xf32, #tpu.memory_space<vmem>>, vector<1x1x16xf32>,
      %get3A_654 = vector.shape_cast %get3A_653 : vector<1x1x16xf32> to vector<16xf32>
      %mul3A_655 = vector.broadcast %squeeze3A_637 : f32 to vector<16xf32>
      %mul3A_656 = arith.mulf %mul3A_655, %get3A_654 : vector<16xf32>
      %add3A_657 = arith.addf %add3A_635, %mul3A_656 : vector<16xf32>
      %slice3A_658 = vector.extract_strided_slice %exp3A_116 {offsets = [1], sizes = [1], strides = [1]} : vector<16xf32> to vector<1xf32>
      %squeeze3A_659 = vector.extract %slice3A_658[0] : f32 from vector<1xf32>
      %get3A_660 = arith.constant 0 : i32
      %get3A_661 = arith.constant 17 : i32
      %get3A_662 = arith.index_cast %get3A_660 : i32 to index
      %get3A_663 = arith.index_cast %get3A_661 : i32 to index
      %get3A_664 = arith.constant 0 : index
      %get3A_665 = tpu.vector_load %arg25[%get3A_662, %get3A_663, %get3A_664] {strides = array<i32>} : memref<4x208x32xf32, #tpu.memory_space<vmem>>, vector<1x1x16xf32>,
      %get3A_666 = vector.shape_cast %get3A_665 : vector<1x1x16xf32> to vector<16xf32>
      %mul3A_667 = vector.broadcast %squeeze3A_659 : f32 to vector<16xf32>
      %mul3A_668 = arith.mulf %mul3A_667, %get3A_666 : vector<16xf32>
      %add3A_669 = arith.addf %add3A_647, %mul3A_668 : vector<16xf32>
      %get3A_670 = arith.constant 0 : i32
      %get3A_671 = arith.constant 17 : i32
      %get3A_672 = arith.index_cast %get3A_670 : i32 to index
      %get3A_673 = arith.index_cast %get3A_671 : i32 to index
      %get3A_674 = arith.constant 16 : index
      %get3A_675 = tpu.vector_load %arg25[%get3A_672, %get3A_673, %get3A_674] {strides = array<i32>} : memref<4x208x32xf32, #tpu.memory_space<vmem>>, vector<1x1x16xf32>,
      %get3A_676 = vector.shape_cast %get3A_675 : vector<1x1x16xf32> to vector<16xf32>
      %mul3A_677 = vector.broadcast %squeeze3A_659 : f32 to vector<16xf32>
      %mul3A_678 = arith.mulf %mul3A_677, %get3A_676 : vector<16xf32>
      %add3A_679 = arith.addf %add3A_657, %mul3A_678 : vector<16xf32>
      %slice3A_680 = vector.extract_strided_slice %exp3A_116 {offsets = [2], sizes = [1], strides = [1]} : vector<16xf32> to vector<1xf32>
      %squeeze3A_681 = vector.extract %slice3A_680[0] : f32 from vector<1xf32>
      %get3A_682 = arith.constant 0 : i32
      %get3A_683 = arith.constant 18 : i32
      %get3A_684 = arith.index_cast %get3A_682 : i32 to index
      %get3A_685 = arith.index_cast %get3A_683 : i32 to index
      %get3A_686 = arith.constant 0 : index
      %get3A_687 = tpu.vector_load %arg25[%get3A_684, %get3A_685, %get3A_686] {strides = array<i32>} : memref<4x208x32xf32, #tpu.memory_space<vmem>>, vector<1x1x16xf32>,
      %get3A_688 = vector.shape_cast %get3A_687 : vector<1x1x16xf32> to vector<16xf32>
      %mul3A_689 = vector.broadcast %squeeze3A_681 : f32 to vector<16xf32>
      %mul3A_690 = arith.mulf %mul3A_689, %get3A_688 : vector<16xf32>
      %add3A_691 = arith.addf %add3A_669, %mul3A_690 : vector<16xf32>
      %get3A_692 = arith.constant 0 : i32
      %get3A_693 = arith.constant 18 : i32
      %get3A_694 = arith.index_cast %get3A_692 : i32 to index
      %get3A_695 = arith.index_cast %get3A_693 : i32 to index
      %get3A_696 = arith.constant 16 : index
      %get3A_697 = tpu.vector_load %arg25[%get3A_694, %get3A_695, %get3A_696] {strides = array<i32>} : memref<4x208x32xf32, #tpu.memory_space<vmem>>, vector<1x1x16xf32>,
      %get3A_698 = vector.shape_cast %get3A_697 : vector<1x1x16xf32> to vector<16xf32>
      %mul3A_699 = vector.broadcast %squeeze3A_681 : f32 to vector<16xf32>
      %mul3A_700 = arith.mulf %mul3A_699, %get3A_698 : vector<16xf32>
      %add3A_701 = arith.addf %add3A_679, %mul3A_700 : vector<16xf32>
      %slice3A_702 = vector.extract_strided_slice %exp3A_116 {offsets = [3], sizes = [1], strides = [1]} : vector<16xf32> to vector<1xf32>
      %squeeze3A_703 = vector.extract %slice3A_702[0] : f32 from vector<1xf32>
      %get3A_704 = arith.constant 0 : i32
      %get3A_705 = arith.constant 19 : i32
      %get3A_706 = arith.index_cast %get3A_704 : i32 to index
      %get3A_707 = arith.index_cast %get3A_705 : i32 to index
      %get3A_708 = arith.constant 0 : index
      %get3A_709 = tpu.vector_load %arg25[%get3A_706, %get3A_707, %get3A_708] {strides = array<i32>} : memref<4x208x32xf32, #tpu.memory_space<vmem>>, vector<1x1x16xf32>,
      %get3A_710 = vector.shape_cast %get3A_709 : vector<1x1x16xf32> to vector<16xf32>
      %mul3A_711 = vector.broadcast %squeeze3A_703 : f32 to vector<16xf32>
      %mul3A_712 = arith.mulf %mul3A_711, %get3A_710 : vector<16xf32>
      %add3A_713 = arith.addf %add3A_691, %mul3A_712 : vector<16xf32>
      %get3A_714 = arith.constant 0 : i32
      %get3A_715 = arith.constant 19 : i32
      %get3A_716 = arith.index_cast %get3A_714 : i32 to index
      %get3A_717 = arith.index_cast %get3A_715 : i32 to index
      %get3A_718 = arith.constant 16 : index
      %get3A_719 = tpu.vector_load %arg25[%get3A_716, %get3A_717, %get3A_718] {strides = array<i32>} : memref<4x208x32xf32, #tpu.memory_space<vmem>>, vector<1x1x16xf32>,
      %get3A_720 = vector.shape_cast %get3A_719 : vector<1x1x16xf32> to vector<16xf32>
      %mul3A_721 = vector.broadcast %squeeze3A_703 : f32 to vector<16xf32>
      %mul3A_722 = arith.mulf %mul3A_721, %get3A_720 : vector<16xf32>
      %add3A_723 = arith.addf %add3A_701, %mul3A_722 : vector<16xf32>
      %slice3A_724 = vector.extract_strided_slice %exp3A_116 {offsets = [4], sizes = [1], strides = [1]} : vector<16xf32> to vector<1xf32>
      %squeeze3A_725 = vector.extract %slice3A_724[0] : f32 from vector<1xf32>
      %get3A_726 = arith.constant 0 : i32
      %get3A_727 = arith.constant 20 : i32
      %get3A_728 = arith.index_cast %get3A_726 : i32 to index
      %get3A_729 = arith.index_cast %get3A_727 : i32 to index
      %get3A_730 = arith.constant 0 : index
      %get3A_731 = tpu.vector_load %arg25[%get3A_728, %get3A_729, %get3A_730] {strides = array<i32>} : memref<4x208x32xf32, #tpu.memory_space<vmem>>, vector<1x1x16xf32>,
      %get3A_732 = vector.shape_cast %get3A_731 : vector<1x1x16xf32> to vector<16xf32>
      %mul3A_733 = vector.broadcast %squeeze3A_725 : f32 to vector<16xf32>
      %mul3A_734 = arith.mulf %mul3A_733, %get3A_732 : vector<16xf32>
      %add3A_735 = arith.addf %add3A_713, %mul3A_734 : vector<16xf32>
      %get3A_736 = arith.constant 0 : i32
      %get3A_737 = arith.constant 20 : i32
      %get3A_738 = arith.index_cast %get3A_736 : i32 to index
      %get3A_739 = arith.index_cast %get3A_737 : i32 to index
      %get3A_740 = arith.constant 16 : index
      %get3A_741 = tpu.vector_load %arg25[%get3A_738, %get3A_739, %get3A_740] {strides = array<i32>} : memref<4x208x32xf32, #tpu.memory_space<vmem>>, vector<1x1x16xf32>,
      %get3A_742 = vector.shape_cast %get3A_741 : vector<1x1x16xf32> to vector<16xf32>
      %mul3A_743 = vector.broadcast %squeeze3A_725 : f32 to vector<16xf32>
      %mul3A_744 = arith.mulf %mul3A_743, %get3A_742 : vector<16xf32>
      %add3A_745 = arith.addf %add3A_723, %mul3A_744 : vector<16xf32>
      %slice3A_746 = vector.extract_strided_slice %exp3A_116 {offsets = [5], sizes = [1], strides = [1]} : vector<16xf32> to vector<1xf32>
      %squeeze3A_747 = vector.extract %slice3A_746[0] : f32 from vector<1xf32>
      %get3A_748 = arith.constant 0 : i32
      %get3A_749 = arith.constant 21 : i32
      %get3A_750 = arith.index_cast %get3A_748 : i32 to index
      %get3A_751 = arith.index_cast %get3A_749 : i32 to index
      %get3A_752 = arith.constant 0 : index
      %get3A_753 = tpu.vector_load %arg25[%get3A_750, %get3A_751, %get3A_752] {strides = array<i32>} : memref<4x208x32xf32, #tpu.memory_space<vmem>>, vector<1x1x16xf32>,
      %get3A_754 = vector.shape_cast %get3A_753 : vector<1x1x16xf32> to vector<16xf32>
      %mul3A_755 = vector.broadcast %squeeze3A_747 : f32 to vector<16xf32>
      %mul3A_756 = arith.mulf %mul3A_755, %get3A_754 : vector<16xf32>
      %add3A_757 = arith.addf %add3A_735, %mul3A_756 : vector<16xf32>
      %get3A_758 = arith.constant 0 : i32
      %get3A_759 = arith.constant 21 : i32
      %get3A_760 = arith.index_cast %get3A_758 : i32 to index
      %get3A_761 = arith.index_cast %get3A_759 : i32 to index
      %get3A_762 = arith.constant 16 : index
      %get3A_763 = tpu.vector_load %arg25[%get3A_760, %get3A_761, %get3A_762] {strides = array<i32>} : memref<4x208x32xf32, #tpu.memory_space<vmem>>, vector<1x1x16xf32>,
      %get3A_764 = vector.shape_cast %get3A_763 : vector<1x1x16xf32> to vector<16xf32>
      %mul3A_765 = vector.broadcast %squeeze3A_747 : f32 to vector<16xf32>
      %mul3A_766 = arith.mulf %mul3A_765, %get3A_764 : vector<16xf32>
      %add3A_767 = arith.addf %add3A_745, %mul3A_766 : vector<16xf32>
      %slice3A_768 = vector.extract_strided_slice %exp3A_116 {offsets = [6], sizes = [1], strides = [1]} : vector<16xf32> to vector<1xf32>
      %squeeze3A_769 = vector.extract %slice3A_768[0] : f32 from vector<1xf32>
      %get3A_770 = arith.constant 0 : i32
      %get3A_771 = arith.constant 22 : i32
      %get3A_772 = arith.index_cast %get3A_770 : i32 to index
      %get3A_773 = arith.index_cast %get3A_771 : i32 to index
      %get3A_774 = arith.constant 0 : index
      %get3A_775 = tpu.vector_load %arg25[%get3A_772, %get3A_773, %get3A_774] {strides = array<i32>} : memref<4x208x32xf32, #tpu.memory_space<vmem>>, vector<1x1x16xf32>,
      %get3A_776 = vector.shape_cast %get3A_775 : vector<1x1x16xf32> to vector<16xf32>
      %mul3A_777 = vector.broadcast %squeeze3A_769 : f32 to vector<16xf32>
      %mul3A_778 = arith.mulf %mul3A_777, %get3A_776 : vector<16xf32>
      %add3A_779 = arith.addf %add3A_757, %mul3A_778 : vector<16xf32>
      %get3A_780 = arith.constant 0 : i32
      %get3A_781 = arith.constant 22 : i32
      %get3A_782 = arith.index_cast %get3A_780 : i32 to index
      %get3A_783 = arith.index_cast %get3A_781 : i32 to index
      %get3A_784 = arith.constant 16 : index
      %get3A_785 = tpu.vector_load %arg25[%get3A_782, %get3A_783, %get3A_784] {strides = array<i32>} : memref<4x208x32xf32, #tpu.memory_space<vmem>>, vector<1x1x16xf32>,
      %get3A_786 = vector.shape_cast %get3A_785 : vector<1x1x16xf32> to vector<16xf32>
      %mul3A_787 = vector.broadcast %squeeze3A_769 : f32 to vector<16xf32>
      %mul3A_788 = arith.mulf %mul3A_787, %get3A_786 : vector<16xf32>
      %add3A_789 = arith.addf %add3A_767, %mul3A_788 : vector<16xf32>
      %slice3A_790 = vector.extract_strided_slice %exp3A_116 {offsets = [7], sizes = [1], strides = [1]} : vector<16xf32> to vector<1xf32>
      %squeeze3A_791 = vector.extract %slice3A_790[0] : f32 from vector<1xf32>
      %get3A_792 = arith.constant 0 : i32
      %get3A_793 = arith.constant 23 : i32
      %get3A_794 = arith.index_cast %get3A_792 : i32 to index
      %get3A_795 = arith.index_cast %get3A_793 : i32 to index
      %get3A_796 = arith.constant 0 : index
      %get3A_797 = tpu.vector_load %arg25[%get3A_794, %get3A_795, %get3A_796] {strides = array<i32>} : memref<4x208x32xf32, #tpu.memory_space<vmem>>, vector<1x1x16xf32>,
      %get3A_798 = vector.shape_cast %get3A_797 : vector<1x1x16xf32> to vector<16xf32>
      %mul3A_799 = vector.broadcast %squeeze3A_791 : f32 to vector<16xf32>
      %mul3A_800 = arith.mulf %mul3A_799, %get3A_798 : vector<16xf32>
      %add3A_801 = arith.addf %add3A_779, %mul3A_800 : vector<16xf32>
      %get3A_802 = arith.constant 0 : i32
      %get3A_803 = arith.constant 23 : i32
      %get3A_804 = arith.index_cast %get3A_802 : i32 to index
      %get3A_805 = arith.index_cast %get3A_803 : i32 to index
      %get3A_806 = arith.constant 16 : index
      %get3A_807 = tpu.vector_load %arg25[%get3A_804, %get3A_805, %get3A_806] {strides = array<i32>} : memref<4x208x32xf32, #tpu.memory_space<vmem>>, vector<1x1x16xf32>,
      %get3A_808 = vector.shape_cast %get3A_807 : vector<1x1x16xf32> to vector<16xf32>
      %mul3A_809 = vector.broadcast %squeeze3A_791 : f32 to vector<16xf32>
      %mul3A_810 = arith.mulf %mul3A_809, %get3A_808 : vector<16xf32>
      %add3A_811 = arith.addf %add3A_789, %mul3A_810 : vector<16xf32>
      %slice3A_812 = vector.extract_strided_slice %exp3A_116 {offsets = [8], sizes = [1], strides = [1]} : vector<16xf32> to vector<1xf32>
      %squeeze3A_813 = vector.extract %slice3A_812[0] : f32 from vector<1xf32>
      %get3A_814 = arith.constant 0 : i32
      %get3A_815 = arith.constant 24 : i32
      %get3A_816 = arith.index_cast %get3A_814 : i32 to index
      %get3A_817 = arith.index_cast %get3A_815 : i32 to index
      %get3A_818 = arith.constant 0 : index
      %get3A_819 = tpu.vector_load %arg25[%get3A_816, %get3A_817, %get3A_818] {strides = array<i32>} : memref<4x208x32xf32, #tpu.memory_space<vmem>>, vector<1x1x16xf32>,
      %get3A_820 = vector.shape_cast %get3A_819 : vector<1x1x16xf32> to vector<16xf32>
      %mul3A_821 = vector.broadcast %squeeze3A_813 : f32 to vector<16xf32>
      %mul3A_822 = arith.mulf %mul3A_821, %get3A_820 : vector<16xf32>
      %add3A_823 = arith.addf %add3A_801, %mul3A_822 : vector<16xf32>
      %get3A_824 = arith.constant 0 : i32
      %get3A_825 = arith.constant 24 : i32
      %get3A_826 = arith.index_cast %get3A_824 : i32 to index
      %get3A_827 = arith.index_cast %get3A_825 : i32 to index
      %get3A_828 = arith.constant 16 : index
      %get3A_829 = tpu.vector_load %arg25[%get3A_826, %get3A_827, %get3A_828] {strides = array<i32>} : memref<4x208x32xf32, #tpu.memory_space<vmem>>, vector<1x1x16xf32>,
      %get3A_830 = vector.shape_cast %get3A_829 : vector<1x1x16xf32> to vector<16xf32>
      %mul3A_831 = vector.broadcast %squeeze3A_813 : f32 to vector<16xf32>
      %mul3A_832 = arith.mulf %mul3A_831, %get3A_830 : vector<16xf32>
      %add3A_833 = arith.addf %add3A_811, %mul3A_832 : vector<16xf32>
      %slice3A_834 = vector.extract_strided_slice %exp3A_116 {offsets = [9], sizes = [1], strides = [1]} : vector<16xf32> to vector<1xf32>
      %squeeze3A_835 = vector.extract %slice3A_834[0] : f32 from vector<1xf32>
      %get3A_836 = arith.constant 0 : i32
      %get3A_837 = arith.constant 25 : i32
      %get3A_838 = arith.index_cast %get3A_836 : i32 to index
      %get3A_839 = arith.index_cast %get3A_837 : i32 to index
      %get3A_840 = arith.constant 0 : index
      %get3A_841 = tpu.vector_load %arg25[%get3A_838, %get3A_839, %get3A_840] {strides = array<i32>} : memref<4x208x32xf32, #tpu.memory_space<vmem>>, vector<1x1x16xf32>,
      %get3A_842 = vector.shape_cast %get3A_841 : vector<1x1x16xf32> to vector<16xf32>
      %mul3A_843 = vector.broadcast %squeeze3A_835 : f32 to vector<16xf32>
      %mul3A_844 = arith.mulf %mul3A_843, %get3A_842 : vector<16xf32>
      %add3A_845 = arith.addf %add3A_823, %mul3A_844 : vector<16xf32>
      %get3A_846 = arith.constant 0 : i32
      %get3A_847 = arith.constant 25 : i32
      %get3A_848 = arith.index_cast %get3A_846 : i32 to index
      %get3A_849 = arith.index_cast %get3A_847 : i32 to index
      %get3A_850 = arith.constant 16 : index
      %get3A_851 = tpu.vector_load %arg25[%get3A_848, %get3A_849, %get3A_850] {strides = array<i32>} : memref<4x208x32xf32, #tpu.memory_space<vmem>>, vector<1x1x16xf32>,
      %get3A_852 = vector.shape_cast %get3A_851 : vector<1x1x16xf32> to vector<16xf32>
      %mul3A_853 = vector.broadcast %squeeze3A_835 : f32 to vector<16xf32>
      %mul3A_854 = arith.mulf %mul3A_853, %get3A_852 : vector<16xf32>
      %add3A_855 = arith.addf %add3A_833, %mul3A_854 : vector<16xf32>
      %slice3A_856 = vector.extract_strided_slice %exp3A_116 {offsets = [10], sizes = [1], strides = [1]} : vector<16xf32> to vector<1xf32>
      %squeeze3A_857 = vector.extract %slice3A_856[0] : f32 from vector<1xf32>
      %get3A_858 = arith.constant 0 : i32
      %get3A_859 = arith.constant 26 : i32
      %get3A_860 = arith.index_cast %get3A_858 : i32 to index
      %get3A_861 = arith.index_cast %get3A_859 : i32 to index
      %get3A_862 = arith.constant 0 : index
      %get3A_863 = tpu.vector_load %arg25[%get3A_860, %get3A_861, %get3A_862] {strides = array<i32>} : memref<4x208x32xf32, #tpu.memory_space<vmem>>, vector<1x1x16xf32>,
      %get3A_864 = vector.shape_cast %get3A_863 : vector<1x1x16xf32> to vector<16xf32>
      %mul3A_865 = vector.broadcast %squeeze3A_857 : f32 to vector<16xf32>
      %mul3A_866 = arith.mulf %mul3A_865, %get3A_864 : vector<16xf32>
      %add3A_867 = arith.addf %add3A_845, %mul3A_866 : vector<16xf32>
      %get3A_868 = arith.constant 0 : i32
      %get3A_869 = arith.constant 26 : i32
      %get3A_870 = arith.index_cast %get3A_868 : i32 to index
      %get3A_871 = arith.index_cast %get3A_869 : i32 to index
      %get3A_872 = arith.constant 16 : index
      %get3A_873 = tpu.vector_load %arg25[%get3A_870, %get3A_871, %get3A_872] {strides = array<i32>} : memref<4x208x32xf32, #tpu.memory_space<vmem>>, vector<1x1x16xf32>,
      %get3A_874 = vector.shape_cast %get3A_873 : vector<1x1x16xf32> to vector<16xf32>
      %mul3A_875 = vector.broadcast %squeeze3A_857 : f32 to vector<16xf32>
      %mul3A_876 = arith.mulf %mul3A_875, %get3A_874 : vector<16xf32>
      %add3A_877 = arith.addf %add3A_855, %mul3A_876 : vector<16xf32>
      %slice3A_878 = vector.extract_strided_slice %exp3A_116 {offsets = [11], sizes = [1], strides = [1]} : vector<16xf32> to vector<1xf32>
      %squeeze3A_879 = vector.extract %slice3A_878[0] : f32 from vector<1xf32>
      %get3A_880 = arith.constant 0 : i32
      %get3A_881 = arith.constant 27 : i32
      %get3A_882 = arith.index_cast %get3A_880 : i32 to index
      %get3A_883 = arith.index_cast %get3A_881 : i32 to index
      %get3A_884 = arith.constant 0 : index
      %get3A_885 = tpu.vector_load %arg25[%get3A_882, %get3A_883, %get3A_884] {strides = array<i32>} : memref<4x208x32xf32, #tpu.memory_space<vmem>>, vector<1x1x16xf32>,
      %get3A_886 = vector.shape_cast %get3A_885 : vector<1x1x16xf32> to vector<16xf32>
      %mul3A_887 = vector.broadcast %squeeze3A_879 : f32 to vector<16xf32>
      %mul3A_888 = arith.mulf %mul3A_887, %get3A_886 : vector<16xf32>
      %add3A_889 = arith.addf %add3A_867, %mul3A_888 : vector<16xf32>
      %get3A_890 = arith.constant 0 : i32
      %get3A_891 = arith.constant 27 : i32
      %get3A_892 = arith.index_cast %get3A_890 : i32 to index
      %get3A_893 = arith.index_cast %get3A_891 : i32 to index
      %get3A_894 = arith.constant 16 : index
      %get3A_895 = tpu.vector_load %arg25[%get3A_892, %get3A_893, %get3A_894] {strides = array<i32>} : memref<4x208x32xf32, #tpu.memory_space<vmem>>, vector<1x1x16xf32>,
      %get3A_896 = vector.shape_cast %get3A_895 : vector<1x1x16xf32> to vector<16xf32>
      %mul3A_897 = vector.broadcast %squeeze3A_879 : f32 to vector<16xf32>
      %mul3A_898 = arith.mulf %mul3A_897, %get3A_896 : vector<16xf32>
      %add3A_899 = arith.addf %add3A_877, %mul3A_898 : vector<16xf32>
      %slice3A_900 = vector.extract_strided_slice %exp3A_116 {offsets = [12], sizes = [1], strides = [1]} : vector<16xf32> to vector<1xf32>
      %squeeze3A_901 = vector.extract %slice3A_900[0] : f32 from vector<1xf32>
      %get3A_902 = arith.constant 0 : i32
      %get3A_903 = arith.constant 28 : i32
      %get3A_904 = arith.index_cast %get3A_902 : i32 to index
      %get3A_905 = arith.index_cast %get3A_903 : i32 to index
      %get3A_906 = arith.constant 0 : index
      %get3A_907 = tpu.vector_load %arg25[%get3A_904, %get3A_905, %get3A_906] {strides = array<i32>} : memref<4x208x32xf32, #tpu.memory_space<vmem>>, vector<1x1x16xf32>,
      %get3A_908 = vector.shape_cast %get3A_907 : vector<1x1x16xf32> to vector<16xf32>
      %mul3A_909 = vector.broadcast %squeeze3A_901 : f32 to vector<16xf32>
      %mul3A_910 = arith.mulf %mul3A_909, %get3A_908 : vector<16xf32>
      %add3A_911 = arith.addf %add3A_889, %mul3A_910 : vector<16xf32>
      %get3A_912 = arith.constant 0 : i32
      %get3A_913 = arith.constant 28 : i32
      %get3A_914 = arith.index_cast %get3A_912 : i32 to index
      %get3A_915 = arith.index_cast %get3A_913 : i32 to index
      %get3A_916 = arith.constant 16 : index
      %get3A_917 = tpu.vector_load %arg25[%get3A_914, %get3A_915, %get3A_916] {strides = array<i32>} : memref<4x208x32xf32, #tpu.memory_space<vmem>>, vector<1x1x16xf32>,
      %get3A_918 = vector.shape_cast %get3A_917 : vector<1x1x16xf32> to vector<16xf32>
      %mul3A_919 = vector.broadcast %squeeze3A_901 : f32 to vector<16xf32>
      %mul3A_920 = arith.mulf %mul3A_919, %get3A_918 : vector<16xf32>
      %add3A_921 = arith.addf %add3A_899, %mul3A_920 : vector<16xf32>
      %slice3A_922 = vector.extract_strided_slice %exp3A_116 {offsets = [13], sizes = [1], strides = [1]} : vector<16xf32> to vector<1xf32>
      %squeeze3A_923 = vector.extract %slice3A_922[0] : f32 from vector<1xf32>
      %get3A_924 = arith.constant 0 : i32
      %get3A_925 = arith.constant 29 : i32
      %get3A_926 = arith.index_cast %get3A_924 : i32 to index
      %get3A_927 = arith.index_cast %get3A_925 : i32 to index
      %get3A_928 = arith.constant 0 : index
      %get3A_929 = tpu.vector_load %arg25[%get3A_926, %get3A_927, %get3A_928] {strides = array<i32>} : memref<4x208x32xf32, #tpu.memory_space<vmem>>, vector<1x1x16xf32>,
      %get3A_930 = vector.shape_cast %get3A_929 : vector<1x1x16xf32> to vector<16xf32>
      %mul3A_931 = vector.broadcast %squeeze3A_923 : f32 to vector<16xf32>
      %mul3A_932 = arith.mulf %mul3A_931, %get3A_930 : vector<16xf32>
      %add3A_933 = arith.addf %add3A_911, %mul3A_932 : vector<16xf32>
      %get3A_934 = arith.constant 0 : i32
      %get3A_935 = arith.constant 29 : i32
      %get3A_936 = arith.index_cast %get3A_934 : i32 to index
      %get3A_937 = arith.index_cast %get3A_935 : i32 to index
      %get3A_938 = arith.constant 16 : index
      %get3A_939 = tpu.vector_load %arg25[%get3A_936, %get3A_937, %get3A_938] {strides = array<i32>} : memref<4x208x32xf32, #tpu.memory_space<vmem>>, vector<1x1x16xf32>,
      %get3A_940 = vector.shape_cast %get3A_939 : vector<1x1x16xf32> to vector<16xf32>
      %mul3A_941 = vector.broadcast %squeeze3A_923 : f32 to vector<16xf32>
      %mul3A_942 = arith.mulf %mul3A_941, %get3A_940 : vector<16xf32>
      %add3A_943 = arith.addf %add3A_921, %mul3A_942 : vector<16xf32>
      %slice3A_944 = vector.extract_strided_slice %exp3A_116 {offsets = [14], sizes = [1], strides = [1]} : vector<16xf32> to vector<1xf32>
      %squeeze3A_945 = vector.extract %slice3A_944[0] : f32 from vector<1xf32>
      %get3A_946 = arith.constant 0 : i32
      %get3A_947 = arith.constant 30 : i32
      %get3A_948 = arith.index_cast %get3A_946 : i32 to index
      %get3A_949 = arith.index_cast %get3A_947 : i32 to index
      %get3A_950 = arith.constant 0 : index
      %get3A_951 = tpu.vector_load %arg25[%get3A_948, %get3A_949, %get3A_950] {strides = array<i32>} : memref<4x208x32xf32, #tpu.memory_space<vmem>>, vector<1x1x16xf32>,
      %get3A_952 = vector.shape_cast %get3A_951 : vector<1x1x16xf32> to vector<16xf32>
      %mul3A_953 = vector.broadcast %squeeze3A_945 : f32 to vector<16xf32>
      %mul3A_954 = arith.mulf %mul3A_953, %get3A_952 : vector<16xf32>
      %add3A_955 = arith.addf %add3A_933, %mul3A_954 : vector<16xf32>
      %get3A_956 = arith.constant 0 : i32
      %get3A_957 = arith.constant 30 : i32
      %get3A_958 = arith.index_cast %get3A_956 : i32 to index
      %get3A_959 = arith.index_cast %get3A_957 : i32 to index
      %get3A_960 = arith.constant 16 : index
      %get3A_961 = tpu.vector_load %arg25[%get3A_958, %get3A_959, %get3A_960] {strides = array<i32>} : memref<4x208x32xf32, #tpu.memory_space<vmem>>, vector<1x1x16xf32>,
      %get3A_962 = vector.shape_cast %get3A_961 : vector<1x1x16xf32> to vector<16xf32>
      %mul3A_963 = vector.broadcast %squeeze3A_945 : f32 to vector<16xf32>
      %mul3A_964 = arith.mulf %mul3A_963, %get3A_962 : vector<16xf32>
      %add3A_965 = arith.addf %add3A_943, %mul3A_964 : vector<16xf32>
      %slice3A_966 = vector.extract_strided_slice %exp3A_116 {offsets = [15], sizes = [1], strides = [1]} : vector<16xf32> to vector<1xf32>
      %squeeze3A_967 = vector.extract %slice3A_966[0] : f32 from vector<1xf32>
      %get3A_968 = arith.constant 0 : i32
      %get3A_969 = arith.constant 31 : i32
      %get3A_970 = arith.index_cast %get3A_968 : i32 to index
      %get3A_971 = arith.index_cast %get3A_969 : i32 to index
      %get3A_972 = arith.constant 0 : index
      %get3A_973 = tpu.vector_load %arg25[%get3A_970, %get3A_971, %get3A_972] {strides = array<i32>} : memref<4x208x32xf32, #tpu.memory_space<vmem>>, vector<1x1x16xf32>,
      %get3A_974 = vector.shape_cast %get3A_973 : vector<1x1x16xf32> to vector<16xf32>
      %mul3A_975 = vector.broadcast %squeeze3A_967 : f32 to vector<16xf32>
      %mul3A_976 = arith.mulf %mul3A_975, %get3A_974 : vector<16xf32>
      %add3A_977 = arith.addf %add3A_955, %mul3A_976 : vector<16xf32>
      %get3A_978 = arith.constant 0 : i32
      %get3A_979 = arith.constant 31 : i32
      %get3A_980 = arith.index_cast %get3A_978 : i32 to index
      %get3A_981 = arith.index_cast %get3A_979 : i32 to index
      %get3A_982 = arith.constant 16 : index
      %get3A_983 = tpu.vector_load %arg25[%get3A_980, %get3A_981, %get3A_982] {strides = array<i32>} : memref<4x208x32xf32, #tpu.memory_space<vmem>>, vector<1x1x16xf32>,
      %get3A_984 = vector.shape_cast %get3A_983 : vector<1x1x16xf32> to vector<16xf32>
      %mul3A_985 = vector.broadcast %squeeze3A_967 : f32 to vector<16xf32>
      %mul3A_986 = arith.mulf %mul3A_985, %get3A_984 : vector<16xf32>
      %add3A_987 = arith.addf %add3A_965, %mul3A_986 : vector<16xf32>
      %slice3A_988 = vector.extract_strided_slice %exp3A_126 {offsets = [0], sizes = [1], strides = [1]} : vector<16xf32> to vector<1xf32>
      %squeeze3A_989 = vector.extract %slice3A_988[0] : f32 from vector<1xf32>
      %get3A_990 = arith.constant 0 : i32
      %get3A_991 = arith.constant 32 : i32
      %get3A_992 = arith.index_cast %get3A_990 : i32 to index
      %get3A_993 = arith.index_cast %get3A_991 : i32 to index
      %get3A_994 = arith.constant 0 : index
      %get3A_995 = tpu.vector_load %arg25[%get3A_992, %get3A_993, %get3A_994] {strides = array<i32>} : memref<4x208x32xf32, #tpu.memory_space<vmem>>, vector<1x1x16xf32>,
      %get3A_996 = vector.shape_cast %get3A_995 : vector<1x1x16xf32> to vector<16xf32>
      %mul3A_997 = vector.broadcast %squeeze3A_989 : f32 to vector<16xf32>
      %mul3A_998 = arith.mulf %mul3A_997, %get3A_996 : vector<16xf32>
      %add3A_999 = arith.addf %add3A_977, %mul3A_998 : vector<16xf32>
      %get3A_1000 = arith.constant 0 : i32
      %get3A_1001 = arith.constant 32 : i32
      %get3A_1002 = arith.index_cast %get3A_1000 : i32 to index
      %get3A_1003 = arith.index_cast %get3A_1001 : i32 to index
      %get3A_1004 = arith.constant 16 : index
      %get3A_1005 = tpu.vector_load %arg25[%get3A_1002, %get3A_1003, %get3A_1004] {strides = array<i32>} : memref<4x208x32xf32, #tpu.memory_space<vmem>>, vector<1x1x16xf32>,
      %get3A_1006 = vector.shape_cast %get3A_1005 : vector<1x1x16xf32> to vector<16xf32>
      %mul3A_1007 = vector.broadcast %squeeze3A_989 : f32 to vector<16xf32>
      %mul3A_1008 = arith.mulf %mul3A_1007, %get3A_1006 : vector<16xf32>
      %add3A_1009 = arith.addf %add3A_987, %mul3A_1008 : vector<16xf32>
      %slice3A_1010 = vector.extract_strided_slice %exp3A_126 {offsets = [1], sizes = [1], strides = [1]} : vector<16xf32> to vector<1xf32>
      %squeeze3A_1011 = vector.extract %slice3A_1010[0] : f32 from vector<1xf32>
      %get3A_1012 = arith.constant 0 : i32
      %get3A_1013 = arith.constant 33 : i32
      %get3A_1014 = arith.index_cast %get3A_1012 : i32 to index
      %get3A_1015 = arith.index_cast %get3A_1013 : i32 to index
      %get3A_1016 = arith.constant 0 : index
      %get3A_1017 = tpu.vector_load %arg25[%get3A_1014, %get3A_1015, %get3A_1016] {strides = array<i32>} : memref<4x208x32xf32, #tpu.memory_space<vmem>>, vector<1x1x16xf32>,
      %get3A_1018 = vector.shape_cast %get3A_1017 : vector<1x1x16xf32> to vector<16xf32>
      %mul3A_1019 = vector.broadcast %squeeze3A_1011 : f32 to vector<16xf32>
      %mul3A_1020 = arith.mulf %mul3A_1019, %get3A_1018 : vector<16xf32>
      %add3A_1021 = arith.addf %add3A_999, %mul3A_1020 : vector<16xf32>
      %get3A_1022 = arith.constant 0 : i32
      %get3A_1023 = arith.constant 33 : i32
      %get3A_1024 = arith.index_cast %get3A_1022 : i32 to index
      %get3A_1025 = arith.index_cast %get3A_1023 : i32 to index
      %get3A_1026 = arith.constant 16 : index
      %get3A_1027 = tpu.vector_load %arg25[%get3A_1024, %get3A_1025, %get3A_1026] {strides = array<i32>} : memref<4x208x32xf32, #tpu.memory_space<vmem>>, vector<1x1x16xf32>,
      %get3A_1028 = vector.shape_cast %get3A_1027 : vector<1x1x16xf32> to vector<16xf32>
      %mul3A_1029 = vector.broadcast %squeeze3A_1011 : f32 to vector<16xf32>
      %mul3A_1030 = arith.mulf %mul3A_1029, %get3A_1028 : vector<16xf32>
      %add3A_1031 = arith.addf %add3A_1009, %mul3A_1030 : vector<16xf32>
      %slice3A_1032 = vector.extract_strided_slice %exp3A_126 {offsets = [2], sizes = [1], strides = [1]} : vector<16xf32> to vector<1xf32>
      %squeeze3A_1033 = vector.extract %slice3A_1032[0] : f32 from vector<1xf32>
      %get3A_1034 = arith.constant 0 : i32
      %get3A_1035 = arith.constant 34 : i32
      %get3A_1036 = arith.index_cast %get3A_1034 : i32 to index
      %get3A_1037 = arith.index_cast %get3A_1035 : i32 to index
      %get3A_1038 = arith.constant 0 : index
      %get3A_1039 = tpu.vector_load %arg25[%get3A_1036, %get3A_1037, %get3A_1038] {strides = array<i32>} : memref<4x208x32xf32, #tpu.memory_space<vmem>>, vector<1x1x16xf32>,
      %get3A_1040 = vector.shape_cast %get3A_1039 : vector<1x1x16xf32> to vector<16xf32>
      %mul3A_1041 = vector.broadcast %squeeze3A_1033 : f32 to vector<16xf32>
      %mul3A_1042 = arith.mulf %mul3A_1041, %get3A_1040 : vector<16xf32>
      %add3A_1043 = arith.addf %add3A_1021, %mul3A_1042 : vector<16xf32>
      %get3A_1044 = arith.constant 0 : i32
      %get3A_1045 = arith.constant 34 : i32
      %get3A_1046 = arith.index_cast %get3A_1044 : i32 to index
      %get3A_1047 = arith.index_cast %get3A_1045 : i32 to index
      %get3A_1048 = arith.constant 16 : index
      %get3A_1049 = tpu.vector_load %arg25[%get3A_1046, %get3A_1047, %get3A_1048] {strides = array<i32>} : memref<4x208x32xf32, #tpu.memory_space<vmem>>, vector<1x1x16xf32>,
      %get3A_1050 = vector.shape_cast %get3A_1049 : vector<1x1x16xf32> to vector<16xf32>
      %mul3A_1051 = vector.broadcast %squeeze3A_1033 : f32 to vector<16xf32>
      %mul3A_1052 = arith.mulf %mul3A_1051, %get3A_1050 : vector<16xf32>
      %add3A_1053 = arith.addf %add3A_1031, %mul3A_1052 : vector<16xf32>
      %slice3A_1054 = vector.extract_strided_slice %exp3A_126 {offsets = [3], sizes = [1], strides = [1]} : vector<16xf32> to vector<1xf32>
      %squeeze3A_1055 = vector.extract %slice3A_1054[0] : f32 from vector<1xf32>
      %get3A_1056 = arith.constant 0 : i32
      %get3A_1057 = arith.constant 35 : i32
      %get3A_1058 = arith.index_cast %get3A_1056 : i32 to index
      %get3A_1059 = arith.index_cast %get3A_1057 : i32 to index
      %get3A_1060 = arith.constant 0 : index
      %get3A_1061 = tpu.vector_load %arg25[%get3A_1058, %get3A_1059, %get3A_1060] {strides = array<i32>} : memref<4x208x32xf32, #tpu.memory_space<vmem>>, vector<1x1x16xf32>,
      %get3A_1062 = vector.shape_cast %get3A_1061 : vector<1x1x16xf32> to vector<16xf32>
      %mul3A_1063 = vector.broadcast %squeeze3A_1055 : f32 to vector<16xf32>
      %mul3A_1064 = arith.mulf %mul3A_1063, %get3A_1062 : vector<16xf32>
      %add3A_1065 = arith.addf %add3A_1043, %mul3A_1064 : vector<16xf32>
      %get3A_1066 = arith.constant 0 : i32
      %get3A_1067 = arith.constant 35 : i32
      %get3A_1068 = arith.index_cast %get3A_1066 : i32 to index
      %get3A_1069 = arith.index_cast %get3A_1067 : i32 to index
      %get3A_1070 = arith.constant 16 : index
      %get3A_1071 = tpu.vector_load %arg25[%get3A_1068, %get3A_1069, %get3A_1070] {strides = array<i32>} : memref<4x208x32xf32, #tpu.memory_space<vmem>>, vector<1x1x16xf32>,
      %get3A_1072 = vector.shape_cast %get3A_1071 : vector<1x1x16xf32> to vector<16xf32>
      %mul3A_1073 = vector.broadcast %squeeze3A_1055 : f32 to vector<16xf32>
      %mul3A_1074 = arith.mulf %mul3A_1073, %get3A_1072 : vector<16xf32>
      %add3A_1075 = arith.addf %add3A_1053, %mul3A_1074 : vector<16xf32>
      %slice3A_1076 = vector.extract_strided_slice %exp3A_126 {offsets = [4], sizes = [1], strides = [1]} : vector<16xf32> to vector<1xf32>
      %squeeze3A_1077 = vector.extract %slice3A_1076[0] : f32 from vector<1xf32>
      %get3A_1078 = arith.constant 0 : i32
      %get3A_1079 = arith.constant 36 : i32
      %get3A_1080 = arith.index_cast %get3A_1078 : i32 to index
      %get3A_1081 = arith.index_cast %get3A_1079 : i32 to index
      %get3A_1082 = arith.constant 0 : index
      %get3A_1083 = tpu.vector_load %arg25[%get3A_1080, %get3A_1081, %get3A_1082] {strides = array<i32>} : memref<4x208x32xf32, #tpu.memory_space<vmem>>, vector<1x1x16xf32>,
      %get3A_1084 = vector.shape_cast %get3A_1083 : vector<1x1x16xf32> to vector<16xf32>
      %mul3A_1085 = vector.broadcast %squeeze3A_1077 : f32 to vector<16xf32>
      %mul3A_1086 = arith.mulf %mul3A_1085, %get3A_1084 : vector<16xf32>
      %add3A_1087 = arith.addf %add3A_1065, %mul3A_1086 : vector<16xf32>
      %get3A_1088 = arith.constant 0 : i32
      %get3A_1089 = arith.constant 36 : i32
      %get3A_1090 = arith.index_cast %get3A_1088 : i32 to index
      %get3A_1091 = arith.index_cast %get3A_1089 : i32 to index
      %get3A_1092 = arith.constant 16 : index
      %get3A_1093 = tpu.vector_load %arg25[%get3A_1090, %get3A_1091, %get3A_1092] {strides = array<i32>} : memref<4x208x32xf32, #tpu.memory_space<vmem>>, vector<1x1x16xf32>,
      %get3A_1094 = vector.shape_cast %get3A_1093 : vector<1x1x16xf32> to vector<16xf32>
      %mul3A_1095 = vector.broadcast %squeeze3A_1077 : f32 to vector<16xf32>
      %mul3A_1096 = arith.mulf %mul3A_1095, %get3A_1094 : vector<16xf32>
      %add3A_1097 = arith.addf %add3A_1075, %mul3A_1096 : vector<16xf32>
      %slice3A_1098 = vector.extract_strided_slice %exp3A_126 {offsets = [5], sizes = [1], strides = [1]} : vector<16xf32> to vector<1xf32>
      %squeeze3A_1099 = vector.extract %slice3A_1098[0] : f32 from vector<1xf32>
      %get3A_1100 = arith.constant 0 : i32
      %get3A_1101 = arith.constant 37 : i32
      %get3A_1102 = arith.index_cast %get3A_1100 : i32 to index
      %get3A_1103 = arith.index_cast %get3A_1101 : i32 to index
      %get3A_1104 = arith.constant 0 : index
      %get3A_1105 = tpu.vector_load %arg25[%get3A_1102, %get3A_1103, %get3A_1104] {strides = array<i32>} : memref<4x208x32xf32, #tpu.memory_space<vmem>>, vector<1x1x16xf32>,
      %get3A_1106 = vector.shape_cast %get3A_1105 : vector<1x1x16xf32> to vector<16xf32>
      %mul3A_1107 = vector.broadcast %squeeze3A_1099 : f32 to vector<16xf32>
      %mul3A_1108 = arith.mulf %mul3A_1107, %get3A_1106 : vector<16xf32>
      %add3A_1109 = arith.addf %add3A_1087, %mul3A_1108 : vector<16xf32>
      %get3A_1110 = arith.constant 0 : i32
      %get3A_1111 = arith.constant 37 : i32
      %get3A_1112 = arith.index_cast %get3A_1110 : i32 to index
      %get3A_1113 = arith.index_cast %get3A_1111 : i32 to index
      %get3A_1114 = arith.constant 16 : index
      %get3A_1115 = tpu.vector_load %arg25[%get3A_1112, %get3A_1113, %get3A_1114] {strides = array<i32>} : memref<4x208x32xf32, #tpu.memory_space<vmem>>, vector<1x1x16xf32>,
      %get3A_1116 = vector.shape_cast %get3A_1115 : vector<1x1x16xf32> to vector<16xf32>
      %mul3A_1117 = vector.broadcast %squeeze3A_1099 : f32 to vector<16xf32>
      %mul3A_1118 = arith.mulf %mul3A_1117, %get3A_1116 : vector<16xf32>
      %add3A_1119 = arith.addf %add3A_1097, %mul3A_1118 : vector<16xf32>
      %slice3A_1120 = vector.extract_strided_slice %exp3A_126 {offsets = [6], sizes = [1], strides = [1]} : vector<16xf32> to vector<1xf32>
      %squeeze3A_1121 = vector.extract %slice3A_1120[0] : f32 from vector<1xf32>
      %get3A_1122 = arith.constant 0 : i32
      %get3A_1123 = arith.constant 38 : i32
      %get3A_1124 = arith.index_cast %get3A_1122 : i32 to index
      %get3A_1125 = arith.index_cast %get3A_1123 : i32 to index
      %get3A_1126 = arith.constant 0 : index
      %get3A_1127 = tpu.vector_load %arg25[%get3A_1124, %get3A_1125, %get3A_1126] {strides = array<i32>} : memref<4x208x32xf32, #tpu.memory_space<vmem>>, vector<1x1x16xf32>,
      %get3A_1128 = vector.shape_cast %get3A_1127 : vector<1x1x16xf32> to vector<16xf32>
      %mul3A_1129 = vector.broadcast %squeeze3A_1121 : f32 to vector<16xf32>
      %mul3A_1130 = arith.mulf %mul3A_1129, %get3A_1128 : vector<16xf32>
      %add3A_1131 = arith.addf %add3A_1109, %mul3A_1130 : vector<16xf32>
      %get3A_1132 = arith.constant 0 : i32
      %get3A_1133 = arith.constant 38 : i32
      %get3A_1134 = arith.index_cast %get3A_1132 : i32 to index
      %get3A_1135 = arith.index_cast %get3A_1133 : i32 to index
      %get3A_1136 = arith.constant 16 : index
      %get3A_1137 = tpu.vector_load %arg25[%get3A_1134, %get3A_1135, %get3A_1136] {strides = array<i32>} : memref<4x208x32xf32, #tpu.memory_space<vmem>>, vector<1x1x16xf32>,
      %get3A_1138 = vector.shape_cast %get3A_1137 : vector<1x1x16xf32> to vector<16xf32>
      %mul3A_1139 = vector.broadcast %squeeze3A_1121 : f32 to vector<16xf32>
      %mul3A_1140 = arith.mulf %mul3A_1139, %get3A_1138 : vector<16xf32>
      %add3A_1141 = arith.addf %add3A_1119, %mul3A_1140 : vector<16xf32>
      %slice3A_1142 = vector.extract_strided_slice %exp3A_126 {offsets = [7], sizes = [1], strides = [1]} : vector<16xf32> to vector<1xf32>
      %squeeze3A_1143 = vector.extract %slice3A_1142[0] : f32 from vector<1xf32>
      %get3A_1144 = arith.constant 0 : i32
      %get3A_1145 = arith.constant 39 : i32
      %get3A_1146 = arith.index_cast %get3A_1144 : i32 to index
      %get3A_1147 = arith.index_cast %get3A_1145 : i32 to index
      %get3A_1148 = arith.constant 0 : index
      %get3A_1149 = tpu.vector_load %arg25[%get3A_1146, %get3A_1147, %get3A_1148] {strides = array<i32>} : memref<4x208x32xf32, #tpu.memory_space<vmem>>, vector<1x1x16xf32>,
      %get3A_1150 = vector.shape_cast %get3A_1149 : vector<1x1x16xf32> to vector<16xf32>
      %mul3A_1151 = vector.broadcast %squeeze3A_1143 : f32 to vector<16xf32>
      %mul3A_1152 = arith.mulf %mul3A_1151, %get3A_1150 : vector<16xf32>
      %add3A_1153 = arith.addf %add3A_1131, %mul3A_1152 : vector<16xf32>
      %get3A_1154 = arith.constant 0 : i32
      %get3A_1155 = arith.constant 39 : i32
      %get3A_1156 = arith.index_cast %get3A_1154 : i32 to index
      %get3A_1157 = arith.index_cast %get3A_1155 : i32 to index
      %get3A_1158 = arith.constant 16 : index
      %get3A_1159 = tpu.vector_load %arg25[%get3A_1156, %get3A_1157, %get3A_1158] {strides = array<i32>} : memref<4x208x32xf32, #tpu.memory_space<vmem>>, vector<1x1x16xf32>,
      %get3A_1160 = vector.shape_cast %get3A_1159 : vector<1x1x16xf32> to vector<16xf32>
      %mul3A_1161 = vector.broadcast %squeeze3A_1143 : f32 to vector<16xf32>
      %mul3A_1162 = arith.mulf %mul3A_1161, %get3A_1160 : vector<16xf32>
      %add3A_1163 = arith.addf %add3A_1141, %mul3A_1162 : vector<16xf32>
      %slice3A_1164 = vector.extract_strided_slice %exp3A_126 {offsets = [8], sizes = [1], strides = [1]} : vector<16xf32> to vector<1xf32>
      %squeeze3A_1165 = vector.extract %slice3A_1164[0] : f32 from vector<1xf32>
      %get3A_1166 = arith.constant 0 : i32
      %get3A_1167 = arith.constant 40 : i32
      %get3A_1168 = arith.index_cast %get3A_1166 : i32 to index
      %get3A_1169 = arith.index_cast %get3A_1167 : i32 to index
      %get3A_1170 = arith.constant 0 : index
      %get3A_1171 = tpu.vector_load %arg25[%get3A_1168, %get3A_1169, %get3A_1170] {strides = array<i32>} : memref<4x208x32xf32, #tpu.memory_space<vmem>>, vector<1x1x16xf32>,
      %get3A_1172 = vector.shape_cast %get3A_1171 : vector<1x1x16xf32> to vector<16xf32>
      %mul3A_1173 = vector.broadcast %squeeze3A_1165 : f32 to vector<16xf32>
      %mul3A_1174 = arith.mulf %mul3A_1173, %get3A_1172 : vector<16xf32>
      %add3A_1175 = arith.addf %add3A_1153, %mul3A_1174 : vector<16xf32>
      %get3A_1176 = arith.constant 0 : i32
      %get3A_1177 = arith.constant 40 : i32
      %get3A_1178 = arith.index_cast %get3A_1176 : i32 to index
      %get3A_1179 = arith.index_cast %get3A_1177 : i32 to index
      %get3A_1180 = arith.constant 16 : index
      %get3A_1181 = tpu.vector_load %arg25[%get3A_1178, %get3A_1179, %get3A_1180] {strides = array<i32>} : memref<4x208x32xf32, #tpu.memory_space<vmem>>, vector<1x1x16xf32>,
      %get3A_1182 = vector.shape_cast %get3A_1181 : vector<1x1x16xf32> to vector<16xf32>
      %mul3A_1183 = vector.broadcast %squeeze3A_1165 : f32 to vector<16xf32>
      %mul3A_1184 = arith.mulf %mul3A_1183, %get3A_1182 : vector<16xf32>
      %add3A_1185 = arith.addf %add3A_1163, %mul3A_1184 : vector<16xf32>
      %slice3A_1186 = vector.extract_strided_slice %exp3A_126 {offsets = [9], sizes = [1], strides = [1]} : vector<16xf32> to vector<1xf32>
      %squeeze3A_1187 = vector.extract %slice3A_1186[0] : f32 from vector<1xf32>
      %get3A_1188 = arith.constant 0 : i32
      %get3A_1189 = arith.constant 41 : i32
      %get3A_1190 = arith.index_cast %get3A_1188 : i32 to index
      %get3A_1191 = arith.index_cast %get3A_1189 : i32 to index
      %get3A_1192 = arith.constant 0 : index
      %get3A_1193 = tpu.vector_load %arg25[%get3A_1190, %get3A_1191, %get3A_1192] {strides = array<i32>} : memref<4x208x32xf32, #tpu.memory_space<vmem>>, vector<1x1x16xf32>,
      %get3A_1194 = vector.shape_cast %get3A_1193 : vector<1x1x16xf32> to vector<16xf32>
      %mul3A_1195 = vector.broadcast %squeeze3A_1187 : f32 to vector<16xf32>
      %mul3A_1196 = arith.mulf %mul3A_1195, %get3A_1194 : vector<16xf32>
      %add3A_1197 = arith.addf %add3A_1175, %mul3A_1196 : vector<16xf32>
      %get3A_1198 = arith.constant 0 : i32
      %get3A_1199 = arith.constant 41 : i32
      %get3A_1200 = arith.index_cast %get3A_1198 : i32 to index
      %get3A_1201 = arith.index_cast %get3A_1199 : i32 to index
      %get3A_1202 = arith.constant 16 : index
      %get3A_1203 = tpu.vector_load %arg25[%get3A_1200, %get3A_1201, %get3A_1202] {strides = array<i32>} : memref<4x208x32xf32, #tpu.memory_space<vmem>>, vector<1x1x16xf32>,
      %get3A_1204 = vector.shape_cast %get3A_1203 : vector<1x1x16xf32> to vector<16xf32>
      %mul3A_1205 = vector.broadcast %squeeze3A_1187 : f32 to vector<16xf32>
      %mul3A_1206 = arith.mulf %mul3A_1205, %get3A_1204 : vector<16xf32>
      %add3A_1207 = arith.addf %add3A_1185, %mul3A_1206 : vector<16xf32>
      %slice3A_1208 = vector.extract_strided_slice %exp3A_126 {offsets = [10], sizes = [1], strides = [1]} : vector<16xf32> to vector<1xf32>
      %squeeze3A_1209 = vector.extract %slice3A_1208[0] : f32 from vector<1xf32>
      %get3A_1210 = arith.constant 0 : i32
      %get3A_1211 = arith.constant 42 : i32
      %get3A_1212 = arith.index_cast %get3A_1210 : i32 to index
      %get3A_1213 = arith.index_cast %get3A_1211 : i32 to index
      %get3A_1214 = arith.constant 0 : index
      %get3A_1215 = tpu.vector_load %arg25[%get3A_1212, %get3A_1213, %get3A_1214] {strides = array<i32>} : memref<4x208x32xf32, #tpu.memory_space<vmem>>, vector<1x1x16xf32>,
      %get3A_1216 = vector.shape_cast %get3A_1215 : vector<1x1x16xf32> to vector<16xf32>
      %mul3A_1217 = vector.broadcast %squeeze3A_1209 : f32 to vector<16xf32>
      %mul3A_1218 = arith.mulf %mul3A_1217, %get3A_1216 : vector<16xf32>
      %add3A_1219 = arith.addf %add3A_1197, %mul3A_1218 : vector<16xf32>
      %get3A_1220 = arith.constant 0 : i32
      %get3A_1221 = arith.constant 42 : i32
      %get3A_1222 = arith.index_cast %get3A_1220 : i32 to index
      %get3A_1223 = arith.index_cast %get3A_1221 : i32 to index
      %get3A_1224 = arith.constant 16 : index
      %get3A_1225 = tpu.vector_load %arg25[%get3A_1222, %get3A_1223, %get3A_1224] {strides = array<i32>} : memref<4x208x32xf32, #tpu.memory_space<vmem>>, vector<1x1x16xf32>,
      %get3A_1226 = vector.shape_cast %get3A_1225 : vector<1x1x16xf32> to vector<16xf32>
      %mul3A_1227 = vector.broadcast %squeeze3A_1209 : f32 to vector<16xf32>
      %mul3A_1228 = arith.mulf %mul3A_1227, %get3A_1226 : vector<16xf32>
      %add3A_1229 = arith.addf %add3A_1207, %mul3A_1228 : vector<16xf32>
      %slice3A_1230 = vector.extract_strided_slice %exp3A_126 {offsets = [11], sizes = [1], strides = [1]} : vector<16xf32> to vector<1xf32>
      %squeeze3A_1231 = vector.extract %slice3A_1230[0] : f32 from vector<1xf32>
      %get3A_1232 = arith.constant 0 : i32
      %get3A_1233 = arith.constant 43 : i32
      %get3A_1234 = arith.index_cast %get3A_1232 : i32 to index
      %get3A_1235 = arith.index_cast %get3A_1233 : i32 to index
      %get3A_1236 = arith.constant 0 : index
      %get3A_1237 = tpu.vector_load %arg25[%get3A_1234, %get3A_1235, %get3A_1236] {strides = array<i32>} : memref<4x208x32xf32, #tpu.memory_space<vmem>>, vector<1x1x16xf32>,
      %get3A_1238 = vector.shape_cast %get3A_1237 : vector<1x1x16xf32> to vector<16xf32>
      %mul3A_1239 = vector.broadcast %squeeze3A_1231 : f32 to vector<16xf32>
      %mul3A_1240 = arith.mulf %mul3A_1239, %get3A_1238 : vector<16xf32>
      %add3A_1241 = arith.addf %add3A_1219, %mul3A_1240 : vector<16xf32>
      %get3A_1242 = arith.constant 0 : i32
      %get3A_1243 = arith.constant 43 : i32
      %get3A_1244 = arith.index_cast %get3A_1242 : i32 to index
      %get3A_1245 = arith.index_cast %get3A_1243 : i32 to index
      %get3A_1246 = arith.constant 16 : index
      %get3A_1247 = tpu.vector_load %arg25[%get3A_1244, %get3A_1245, %get3A_1246] {strides = array<i32>} : memref<4x208x32xf32, #tpu.memory_space<vmem>>, vector<1x1x16xf32>,
      %get3A_1248 = vector.shape_cast %get3A_1247 : vector<1x1x16xf32> to vector<16xf32>
      %mul3A_1249 = vector.broadcast %squeeze3A_1231 : f32 to vector<16xf32>
      %mul3A_1250 = arith.mulf %mul3A_1249, %get3A_1248 : vector<16xf32>
      %add3A_1251 = arith.addf %add3A_1229, %mul3A_1250 : vector<16xf32>
      %slice3A_1252 = vector.extract_strided_slice %exp3A_126 {offsets = [12], sizes = [1], strides = [1]} : vector<16xf32> to vector<1xf32>
      %squeeze3A_1253 = vector.extract %slice3A_1252[0] : f32 from vector<1xf32>
      %get3A_1254 = arith.constant 0 : i32
      %get3A_1255 = arith.constant 44 : i32
      %get3A_1256 = arith.index_cast %get3A_1254 : i32 to index
      %get3A_1257 = arith.index_cast %get3A_1255 : i32 to index
      %get3A_1258 = arith.constant 0 : index
      %get3A_1259 = tpu.vector_load %arg25[%get3A_1256, %get3A_1257, %get3A_1258] {strides = array<i32>} : memref<4x208x32xf32, #tpu.memory_space<vmem>>, vector<1x1x16xf32>,
      %get3A_1260 = vector.shape_cast %get3A_1259 : vector<1x1x16xf32> to vector<16xf32>
      %mul3A_1261 = vector.broadcast %squeeze3A_1253 : f32 to vector<16xf32>
      %mul3A_1262 = arith.mulf %mul3A_1261, %get3A_1260 : vector<16xf32>
      %add3A_1263 = arith.addf %add3A_1241, %mul3A_1262 : vector<16xf32>
      %get3A_1264 = arith.constant 0 : i32
      %get3A_1265 = arith.constant 44 : i32
      %get3A_1266 = arith.index_cast %get3A_1264 : i32 to index
      %get3A_1267 = arith.index_cast %get3A_1265 : i32 to index
      %get3A_1268 = arith.constant 16 : index
      %get3A_1269 = tpu.vector_load %arg25[%get3A_1266, %get3A_1267, %get3A_1268] {strides = array<i32>} : memref<4x208x32xf32, #tpu.memory_space<vmem>>, vector<1x1x16xf32>,
      %get3A_1270 = vector.shape_cast %get3A_1269 : vector<1x1x16xf32> to vector<16xf32>
      %mul3A_1271 = vector.broadcast %squeeze3A_1253 : f32 to vector<16xf32>
      %mul3A_1272 = arith.mulf %mul3A_1271, %get3A_1270 : vector<16xf32>
      %add3A_1273 = arith.addf %add3A_1251, %mul3A_1272 : vector<16xf32>
      %slice3A_1274 = vector.extract_strided_slice %exp3A_126 {offsets = [13], sizes = [1], strides = [1]} : vector<16xf32> to vector<1xf32>
      %squeeze3A_1275 = vector.extract %slice3A_1274[0] : f32 from vector<1xf32>
      %get3A_1276 = arith.constant 0 : i32
      %get3A_1277 = arith.constant 45 : i32
      %get3A_1278 = arith.index_cast %get3A_1276 : i32 to index
      %get3A_1279 = arith.index_cast %get3A_1277 : i32 to index
      %get3A_1280 = arith.constant 0 : index
      %get3A_1281 = tpu.vector_load %arg25[%get3A_1278, %get3A_1279, %get3A_1280] {strides = array<i32>} : memref<4x208x32xf32, #tpu.memory_space<vmem>>, vector<1x1x16xf32>,
      %get3A_1282 = vector.shape_cast %get3A_1281 : vector<1x1x16xf32> to vector<16xf32>
      %mul3A_1283 = vector.broadcast %squeeze3A_1275 : f32 to vector<16xf32>
      %mul3A_1284 = arith.mulf %mul3A_1283, %get3A_1282 : vector<16xf32>
      %add3A_1285 = arith.addf %add3A_1263, %mul3A_1284 : vector<16xf32>
      %get3A_1286 = arith.constant 0 : i32
      %get3A_1287 = arith.constant 45 : i32
      %get3A_1288 = arith.index_cast %get3A_1286 : i32 to index
      %get3A_1289 = arith.index_cast %get3A_1287 : i32 to index
      %get3A_1290 = arith.constant 16 : index
      %get3A_1291 = tpu.vector_load %arg25[%get3A_1288, %get3A_1289, %get3A_1290] {strides = array<i32>} : memref<4x208x32xf32, #tpu.memory_space<vmem>>, vector<1x1x16xf32>,
      %get3A_1292 = vector.shape_cast %get3A_1291 : vector<1x1x16xf32> to vector<16xf32>
      %mul3A_1293 = vector.broadcast %squeeze3A_1275 : f32 to vector<16xf32>
      %mul3A_1294 = arith.mulf %mul3A_1293, %get3A_1292 : vector<16xf32>
      %add3A_1295 = arith.addf %add3A_1273, %mul3A_1294 : vector<16xf32>
      %slice3A_1296 = vector.extract_strided_slice %exp3A_126 {offsets = [14], sizes = [1], strides = [1]} : vector<16xf32> to vector<1xf32>
      %squeeze3A_1297 = vector.extract %slice3A_1296[0] : f32 from vector<1xf32>
      %get3A_1298 = arith.constant 0 : i32
      %get3A_1299 = arith.constant 46 : i32
      %get3A_1300 = arith.index_cast %get3A_1298 : i32 to index
      %get3A_1301 = arith.index_cast %get3A_1299 : i32 to index
      %get3A_1302 = arith.constant 0 : index
      %get3A_1303 = tpu.vector_load %arg25[%get3A_1300, %get3A_1301, %get3A_1302] {strides = array<i32>} : memref<4x208x32xf32, #tpu.memory_space<vmem>>, vector<1x1x16xf32>,
      %get3A_1304 = vector.shape_cast %get3A_1303 : vector<1x1x16xf32> to vector<16xf32>
      %mul3A_1305 = vector.broadcast %squeeze3A_1297 : f32 to vector<16xf32>
      %mul3A_1306 = arith.mulf %mul3A_1305, %get3A_1304 : vector<16xf32>
      %add3A_1307 = arith.addf %add3A_1285, %mul3A_1306 : vector<16xf32>
      %get3A_1308 = arith.constant 0 : i32
      %get3A_1309 = arith.constant 46 : i32
      %get3A_1310 = arith.index_cast %get3A_1308 : i32 to index
      %get3A_1311 = arith.index_cast %get3A_1309 : i32 to index
      %get3A_1312 = arith.constant 16 : index
      %get3A_1313 = tpu.vector_load %arg25[%get3A_1310, %get3A_1311, %get3A_1312] {strides = array<i32>} : memref<4x208x32xf32, #tpu.memory_space<vmem>>, vector<1x1x16xf32>,
      %get3A_1314 = vector.shape_cast %get3A_1313 : vector<1x1x16xf32> to vector<16xf32>
      %mul3A_1315 = vector.broadcast %squeeze3A_1297 : f32 to vector<16xf32>
      %mul3A_1316 = arith.mulf %mul3A_1315, %get3A_1314 : vector<16xf32>
      %add3A_1317 = arith.addf %add3A_1295, %mul3A_1316 : vector<16xf32>
      %slice3A_1318 = vector.extract_strided_slice %exp3A_126 {offsets = [15], sizes = [1], strides = [1]} : vector<16xf32> to vector<1xf32>
      %squeeze3A_1319 = vector.extract %slice3A_1318[0] : f32 from vector<1xf32>
      %get3A_1320 = arith.constant 0 : i32
      %get3A_1321 = arith.constant 47 : i32
      %get3A_1322 = arith.index_cast %get3A_1320 : i32 to index
      %get3A_1323 = arith.index_cast %get3A_1321 : i32 to index
      %get3A_1324 = arith.constant 0 : index
      %get3A_1325 = tpu.vector_load %arg25[%get3A_1322, %get3A_1323, %get3A_1324] {strides = array<i32>} : memref<4x208x32xf32, #tpu.memory_space<vmem>>, vector<1x1x16xf32>,
      %get3A_1326 = vector.shape_cast %get3A_1325 : vector<1x1x16xf32> to vector<16xf32>
      %mul3A_1327 = vector.broadcast %squeeze3A_1319 : f32 to vector<16xf32>
      %mul3A_1328 = arith.mulf %mul3A_1327, %get3A_1326 : vector<16xf32>
      %add3A_1329 = arith.addf %add3A_1307, %mul3A_1328 : vector<16xf32>
      %get3A_1330 = arith.constant 0 : i32
      %get3A_1331 = arith.constant 47 : i32
      %get3A_1332 = arith.index_cast %get3A_1330 : i32 to index
      %get3A_1333 = arith.index_cast %get3A_1331 : i32 to index
      %get3A_1334 = arith.constant 16 : index
      %get3A_1335 = tpu.vector_load %arg25[%get3A_1332, %get3A_1333, %get3A_1334] {strides = array<i32>} : memref<4x208x32xf32, #tpu.memory_space<vmem>>, vector<1x1x16xf32>,
      %get3A_1336 = vector.shape_cast %get3A_1335 : vector<1x1x16xf32> to vector<16xf32>
      %mul3A_1337 = vector.broadcast %squeeze3A_1319 : f32 to vector<16xf32>
      %mul3A_1338 = arith.mulf %mul3A_1337, %get3A_1336 : vector<16xf32>
      %add3A_1339 = arith.addf %add3A_1317, %mul3A_1338 : vector<16xf32>
      %slice3A_1340 = vector.extract_strided_slice %exp3A_136 {offsets = [0], sizes = [1], strides = [1]} : vector<16xf32> to vector<1xf32>
      %squeeze3A_1341 = vector.extract %slice3A_1340[0] : f32 from vector<1xf32>
      %get3A_1342 = arith.constant 0 : i32
      %get3A_1343 = arith.constant 48 : i32
      %get3A_1344 = arith.index_cast %get3A_1342 : i32 to index
      %get3A_1345 = arith.index_cast %get3A_1343 : i32 to index
      %get3A_1346 = arith.constant 0 : index
      %get3A_1347 = tpu.vector_load %arg25[%get3A_1344, %get3A_1345, %get3A_1346] {strides = array<i32>} : memref<4x208x32xf32, #tpu.memory_space<vmem>>, vector<1x1x16xf32>,
      %get3A_1348 = vector.shape_cast %get3A_1347 : vector<1x1x16xf32> to vector<16xf32>
      %mul3A_1349 = vector.broadcast %squeeze3A_1341 : f32 to vector<16xf32>
      %mul3A_1350 = arith.mulf %mul3A_1349, %get3A_1348 : vector<16xf32>
      %add3A_1351 = arith.addf %add3A_1329, %mul3A_1350 : vector<16xf32>
      %get3A_1352 = arith.constant 0 : i32
      %get3A_1353 = arith.constant 48 : i32
      %get3A_1354 = arith.index_cast %get3A_1352 : i32 to index
      %get3A_1355 = arith.index_cast %get3A_1353 : i32 to index
      %get3A_1356 = arith.constant 16 : index
      %get3A_1357 = tpu.vector_load %arg25[%get3A_1354, %get3A_1355, %get3A_1356] {strides = array<i32>} : memref<4x208x32xf32, #tpu.memory_space<vmem>>, vector<1x1x16xf32>,
      %get3A_1358 = vector.shape_cast %get3A_1357 : vector<1x1x16xf32> to vector<16xf32>
      %mul3A_1359 = vector.broadcast %squeeze3A_1341 : f32 to vector<16xf32>
      %mul3A_1360 = arith.mulf %mul3A_1359, %get3A_1358 : vector<16xf32>
      %add3A_1361 = arith.addf %add3A_1339, %mul3A_1360 : vector<16xf32>
      %slice3A_1362 = vector.extract_strided_slice %exp3A_136 {offsets = [1], sizes = [1], strides = [1]} : vector<16xf32> to vector<1xf32>
      %squeeze3A_1363 = vector.extract %slice3A_1362[0] : f32 from vector<1xf32>
      %get3A_1364 = arith.constant 0 : i32
      %get3A_1365 = arith.constant 49 : i32
      %get3A_1366 = arith.index_cast %get3A_1364 : i32 to index
      %get3A_1367 = arith.index_cast %get3A_1365 : i32 to index
      %get3A_1368 = arith.constant 0 : index
      %get3A_1369 = tpu.vector_load %arg25[%get3A_1366, %get3A_1367, %get3A_1368] {strides = array<i32>} : memref<4x208x32xf32, #tpu.memory_space<vmem>>, vector<1x1x16xf32>,
      %get3A_1370 = vector.shape_cast %get3A_1369 : vector<1x1x16xf32> to vector<16xf32>
      %mul3A_1371 = vector.broadcast %squeeze3A_1363 : f32 to vector<16xf32>
      %mul3A_1372 = arith.mulf %mul3A_1371, %get3A_1370 : vector<16xf32>
      %add3A_1373 = arith.addf %add3A_1351, %mul3A_1372 : vector<16xf32>
      %get3A_1374 = arith.constant 0 : i32
      %get3A_1375 = arith.constant 49 : i32
      %get3A_1376 = arith.index_cast %get3A_1374 : i32 to index
      %get3A_1377 = arith.index_cast %get3A_1375 : i32 to index
      %get3A_1378 = arith.constant 16 : index
      %get3A_1379 = tpu.vector_load %arg25[%get3A_1376, %get3A_1377, %get3A_1378] {strides = array<i32>} : memref<4x208x32xf32, #tpu.memory_space<vmem>>, vector<1x1x16xf32>,
      %get3A_1380 = vector.shape_cast %get3A_1379 : vector<1x1x16xf32> to vector<16xf32>
      %mul3A_1381 = vector.broadcast %squeeze3A_1363 : f32 to vector<16xf32>
      %mul3A_1382 = arith.mulf %mul3A_1381, %get3A_1380 : vector<16xf32>
      %add3A_1383 = arith.addf %add3A_1361, %mul3A_1382 : vector<16xf32>
      %slice3A_1384 = vector.extract_strided_slice %exp3A_136 {offsets = [2], sizes = [1], strides = [1]} : vector<16xf32> to vector<1xf32>
      %squeeze3A_1385 = vector.extract %slice3A_1384[0] : f32 from vector<1xf32>
      %get3A_1386 = arith.constant 0 : i32
      %get3A_1387 = arith.constant 50 : i32
      %get3A_1388 = arith.index_cast %get3A_1386 : i32 to index
      %get3A_1389 = arith.index_cast %get3A_1387 : i32 to index
      %get3A_1390 = arith.constant 0 : index
      %get3A_1391 = tpu.vector_load %arg25[%get3A_1388, %get3A_1389, %get3A_1390] {strides = array<i32>} : memref<4x208x32xf32, #tpu.memory_space<vmem>>, vector<1x1x16xf32>,
      %get3A_1392 = vector.shape_cast %get3A_1391 : vector<1x1x16xf32> to vector<16xf32>
      %mul3A_1393 = vector.broadcast %squeeze3A_1385 : f32 to vector<16xf32>
      %mul3A_1394 = arith.mulf %mul3A_1393, %get3A_1392 : vector<16xf32>
      %add3A_1395 = arith.addf %add3A_1373, %mul3A_1394 : vector<16xf32>
      %get3A_1396 = arith.constant 0 : i32
      %get3A_1397 = arith.constant 50 : i32
      %get3A_1398 = arith.index_cast %get3A_1396 : i32 to index
      %get3A_1399 = arith.index_cast %get3A_1397 : i32 to index
      %get3A_1400 = arith.constant 16 : index
      %get3A_1401 = tpu.vector_load %arg25[%get3A_1398, %get3A_1399, %get3A_1400] {strides = array<i32>} : memref<4x208x32xf32, #tpu.memory_space<vmem>>, vector<1x1x16xf32>,
      %get3A_1402 = vector.shape_cast %get3A_1401 : vector<1x1x16xf32> to vector<16xf32>
      %mul3A_1403 = vector.broadcast %squeeze3A_1385 : f32 to vector<16xf32>
      %mul3A_1404 = arith.mulf %mul3A_1403, %get3A_1402 : vector<16xf32>
      %add3A_1405 = arith.addf %add3A_1383, %mul3A_1404 : vector<16xf32>
      %slice3A_1406 = vector.extract_strided_slice %exp3A_136 {offsets = [3], sizes = [1], strides = [1]} : vector<16xf32> to vector<1xf32>
      %squeeze3A_1407 = vector.extract %slice3A_1406[0] : f32 from vector<1xf32>
      %get3A_1408 = arith.constant 0 : i32
      %get3A_1409 = arith.constant 51 : i32
      %get3A_1410 = arith.index_cast %get3A_1408 : i32 to index
      %get3A_1411 = arith.index_cast %get3A_1409 : i32 to index
      %get3A_1412 = arith.constant 0 : index
      %get3A_1413 = tpu.vector_load %arg25[%get3A_1410, %get3A_1411, %get3A_1412] {strides = array<i32>} : memref<4x208x32xf32, #tpu.memory_space<vmem>>, vector<1x1x16xf32>,
      %get3A_1414 = vector.shape_cast %get3A_1413 : vector<1x1x16xf32> to vector<16xf32>
      %mul3A_1415 = vector.broadcast %squeeze3A_1407 : f32 to vector<16xf32>
      %mul3A_1416 = arith.mulf %mul3A_1415, %get3A_1414 : vector<16xf32>
      %add3A_1417 = arith.addf %add3A_1395, %mul3A_1416 : vector<16xf32>
      %get3A_1418 = arith.constant 0 : i32
      %get3A_1419 = arith.constant 51 : i32
      %get3A_1420 = arith.index_cast %get3A_1418 : i32 to index
      %get3A_1421 = arith.index_cast %get3A_1419 : i32 to index
      %get3A_1422 = arith.constant 16 : index
      %get3A_1423 = tpu.vector_load %arg25[%get3A_1420, %get3A_1421, %get3A_1422] {strides = array<i32>} : memref<4x208x32xf32, #tpu.memory_space<vmem>>, vector<1x1x16xf32>,
      %get3A_1424 = vector.shape_cast %get3A_1423 : vector<1x1x16xf32> to vector<16xf32>
      %mul3A_1425 = vector.broadcast %squeeze3A_1407 : f32 to vector<16xf32>
      %mul3A_1426 = arith.mulf %mul3A_1425, %get3A_1424 : vector<16xf32>
      %add3A_1427 = arith.addf %add3A_1405, %mul3A_1426 : vector<16xf32>
      %slice3A_1428 = vector.extract_strided_slice %exp3A_136 {offsets = [4], sizes = [1], strides = [1]} : vector<16xf32> to vector<1xf32>
      %squeeze3A_1429 = vector.extract %slice3A_1428[0] : f32 from vector<1xf32>
      %get3A_1430 = arith.constant 0 : i32
      %get3A_1431 = arith.constant 52 : i32
      %get3A_1432 = arith.index_cast %get3A_1430 : i32 to index
      %get3A_1433 = arith.index_cast %get3A_1431 : i32 to index
      %get3A_1434 = arith.constant 0 : index
      %get3A_1435 = tpu.vector_load %arg25[%get3A_1432, %get3A_1433, %get3A_1434] {strides = array<i32>} : memref<4x208x32xf32, #tpu.memory_space<vmem>>, vector<1x1x16xf32>,
      %get3A_1436 = vector.shape_cast %get3A_1435 : vector<1x1x16xf32> to vector<16xf32>
      %mul3A_1437 = vector.broadcast %squeeze3A_1429 : f32 to vector<16xf32>
      %mul3A_1438 = arith.mulf %mul3A_1437, %get3A_1436 : vector<16xf32>
      %add3A_1439 = arith.addf %add3A_1417, %mul3A_1438 : vector<16xf32>
      %get3A_1440 = arith.constant 0 : i32
      %get3A_1441 = arith.constant 52 : i32
      %get3A_1442 = arith.index_cast %get3A_1440 : i32 to index
      %get3A_1443 = arith.index_cast %get3A_1441 : i32 to index
      %get3A_1444 = arith.constant 16 : index
      %get3A_1445 = tpu.vector_load %arg25[%get3A_1442, %get3A_1443, %get3A_1444] {strides = array<i32>} : memref<4x208x32xf32, #tpu.memory_space<vmem>>, vector<1x1x16xf32>,
      %get3A_1446 = vector.shape_cast %get3A_1445 : vector<1x1x16xf32> to vector<16xf32>
      %mul3A_1447 = vector.broadcast %squeeze3A_1429 : f32 to vector<16xf32>
      %mul3A_1448 = arith.mulf %mul3A_1447, %get3A_1446 : vector<16xf32>
      %add3A_1449 = arith.addf %add3A_1427, %mul3A_1448 : vector<16xf32>
      %slice3A_1450 = vector.extract_strided_slice %exp3A_136 {offsets = [5], sizes = [1], strides = [1]} : vector<16xf32> to vector<1xf32>
      %squeeze3A_1451 = vector.extract %slice3A_1450[0] : f32 from vector<1xf32>
      %get3A_1452 = arith.constant 0 : i32
      %get3A_1453 = arith.constant 53 : i32
      %get3A_1454 = arith.index_cast %get3A_1452 : i32 to index
      %get3A_1455 = arith.index_cast %get3A_1453 : i32 to index
      %get3A_1456 = arith.constant 0 : index
      %get3A_1457 = tpu.vector_load %arg25[%get3A_1454, %get3A_1455, %get3A_1456] {strides = array<i32>} : memref<4x208x32xf32, #tpu.memory_space<vmem>>, vector<1x1x16xf32>,
      %get3A_1458 = vector.shape_cast %get3A_1457 : vector<1x1x16xf32> to vector<16xf32>
      %mul3A_1459 = vector.broadcast %squeeze3A_1451 : f32 to vector<16xf32>
      %mul3A_1460 = arith.mulf %mul3A_1459, %get3A_1458 : vector<16xf32>
      %add3A_1461 = arith.addf %add3A_1439, %mul3A_1460 : vector<16xf32>
      %get3A_1462 = arith.constant 0 : i32
      %get3A_1463 = arith.constant 53 : i32
      %get3A_1464 = arith.index_cast %get3A_1462 : i32 to index
      %get3A_1465 = arith.index_cast %get3A_1463 : i32 to index
      %get3A_1466 = arith.constant 16 : index
      %get3A_1467 = tpu.vector_load %arg25[%get3A_1464, %get3A_1465, %get3A_1466] {strides = array<i32>} : memref<4x208x32xf32, #tpu.memory_space<vmem>>, vector<1x1x16xf32>,
      %get3A_1468 = vector.shape_cast %get3A_1467 : vector<1x1x16xf32> to vector<16xf32>
      %mul3A_1469 = vector.broadcast %squeeze3A_1451 : f32 to vector<16xf32>
      %mul3A_1470 = arith.mulf %mul3A_1469, %get3A_1468 : vector<16xf32>
      %add3A_1471 = arith.addf %add3A_1449, %mul3A_1470 : vector<16xf32>
      %slice3A_1472 = vector.extract_strided_slice %exp3A_136 {offsets = [6], sizes = [1], strides = [1]} : vector<16xf32> to vector<1xf32>
      %squeeze3A_1473 = vector.extract %slice3A_1472[0] : f32 from vector<1xf32>
      %get3A_1474 = arith.constant 0 : i32
      %get3A_1475 = arith.constant 54 : i32
      %get3A_1476 = arith.index_cast %get3A_1474 : i32 to index
      %get3A_1477 = arith.index_cast %get3A_1475 : i32 to index
      %get3A_1478 = arith.constant 0 : index
      %get3A_1479 = tpu.vector_load %arg25[%get3A_1476, %get3A_1477, %get3A_1478] {strides = array<i32>} : memref<4x208x32xf32, #tpu.memory_space<vmem>>, vector<1x1x16xf32>,
      %get3A_1480 = vector.shape_cast %get3A_1479 : vector<1x1x16xf32> to vector<16xf32>
      %mul3A_1481 = vector.broadcast %squeeze3A_1473 : f32 to vector<16xf32>
      %mul3A_1482 = arith.mulf %mul3A_1481, %get3A_1480 : vector<16xf32>
      %add3A_1483 = arith.addf %add3A_1461, %mul3A_1482 : vector<16xf32>
      %get3A_1484 = arith.constant 0 : i32
      %get3A_1485 = arith.constant 54 : i32
      %get3A_1486 = arith.index_cast %get3A_1484 : i32 to index
      %get3A_1487 = arith.index_cast %get3A_1485 : i32 to index
      %get3A_1488 = arith.constant 16 : index
      %get3A_1489 = tpu.vector_load %arg25[%get3A_1486, %get3A_1487, %get3A_1488] {strides = array<i32>} : memref<4x208x32xf32, #tpu.memory_space<vmem>>, vector<1x1x16xf32>,
      %get3A_1490 = vector.shape_cast %get3A_1489 : vector<1x1x16xf32> to vector<16xf32>
      %mul3A_1491 = vector.broadcast %squeeze3A_1473 : f32 to vector<16xf32>
      %mul3A_1492 = arith.mulf %mul3A_1491, %get3A_1490 : vector<16xf32>
      %add3A_1493 = arith.addf %add3A_1471, %mul3A_1492 : vector<16xf32>
      %slice3A_1494 = vector.extract_strided_slice %exp3A_136 {offsets = [7], sizes = [1], strides = [1]} : vector<16xf32> to vector<1xf32>
      %squeeze3A_1495 = vector.extract %slice3A_1494[0] : f32 from vector<1xf32>
      %get3A_1496 = arith.constant 0 : i32
      %get3A_1497 = arith.constant 55 : i32
      %get3A_1498 = arith.index_cast %get3A_1496 : i32 to index
      %get3A_1499 = arith.index_cast %get3A_1497 : i32 to index
      %get3A_1500 = arith.constant 0 : index
      %get3A_1501 = tpu.vector_load %arg25[%get3A_1498, %get3A_1499, %get3A_1500] {strides = array<i32>} : memref<4x208x32xf32, #tpu.memory_space<vmem>>, vector<1x1x16xf32>,
      %get3A_1502 = vector.shape_cast %get3A_1501 : vector<1x1x16xf32> to vector<16xf32>
      %mul3A_1503 = vector.broadcast %squeeze3A_1495 : f32 to vector<16xf32>
      %mul3A_1504 = arith.mulf %mul3A_1503, %get3A_1502 : vector<16xf32>
      %add3A_1505 = arith.addf %add3A_1483, %mul3A_1504 : vector<16xf32>
      %get3A_1506 = arith.constant 0 : i32
      %get3A_1507 = arith.constant 55 : i32
      %get3A_1508 = arith.index_cast %get3A_1506 : i32 to index
      %get3A_1509 = arith.index_cast %get3A_1507 : i32 to index
      %get3A_1510 = arith.constant 16 : index
      %get3A_1511 = tpu.vector_load %arg25[%get3A_1508, %get3A_1509, %get3A_1510] {strides = array<i32>} : memref<4x208x32xf32, #tpu.memory_space<vmem>>, vector<1x1x16xf32>,
      %get3A_1512 = vector.shape_cast %get3A_1511 : vector<1x1x16xf32> to vector<16xf32>
      %mul3A_1513 = vector.broadcast %squeeze3A_1495 : f32 to vector<16xf32>
      %mul3A_1514 = arith.mulf %mul3A_1513, %get3A_1512 : vector<16xf32>
      %add3A_1515 = arith.addf %add3A_1493, %mul3A_1514 : vector<16xf32>
      %slice3A_1516 = vector.extract_strided_slice %exp3A_136 {offsets = [8], sizes = [1], strides = [1]} : vector<16xf32> to vector<1xf32>
      %squeeze3A_1517 = vector.extract %slice3A_1516[0] : f32 from vector<1xf32>
      %get3A_1518 = arith.constant 0 : i32
      %get3A_1519 = arith.constant 56 : i32
      %get3A_1520 = arith.index_cast %get3A_1518 : i32 to index
      %get3A_1521 = arith.index_cast %get3A_1519 : i32 to index
      %get3A_1522 = arith.constant 0 : index
      %get3A_1523 = tpu.vector_load %arg25[%get3A_1520, %get3A_1521, %get3A_1522] {strides = array<i32>} : memref<4x208x32xf32, #tpu.memory_space<vmem>>, vector<1x1x16xf32>,
      %get3A_1524 = vector.shape_cast %get3A_1523 : vector<1x1x16xf32> to vector<16xf32>
      %mul3A_1525 = vector.broadcast %squeeze3A_1517 : f32 to vector<16xf32>
      %mul3A_1526 = arith.mulf %mul3A_1525, %get3A_1524 : vector<16xf32>
      %add3A_1527 = arith.addf %add3A_1505, %mul3A_1526 : vector<16xf32>
      %get3A_1528 = arith.constant 0 : i32
      %get3A_1529 = arith.constant 56 : i32
      %get3A_1530 = arith.index_cast %get3A_1528 : i32 to index
      %get3A_1531 = arith.index_cast %get3A_1529 : i32 to index
      %get3A_1532 = arith.constant 16 : index
      %get3A_1533 = tpu.vector_load %arg25[%get3A_1530, %get3A_1531, %get3A_1532] {strides = array<i32>} : memref<4x208x32xf32, #tpu.memory_space<vmem>>, vector<1x1x16xf32>,
      %get3A_1534 = vector.shape_cast %get3A_1533 : vector<1x1x16xf32> to vector<16xf32>
      %mul3A_1535 = vector.broadcast %squeeze3A_1517 : f32 to vector<16xf32>
      %mul3A_1536 = arith.mulf %mul3A_1535, %get3A_1534 : vector<16xf32>
      %add3A_1537 = arith.addf %add3A_1515, %mul3A_1536 : vector<16xf32>
      %slice3A_1538 = vector.extract_strided_slice %exp3A_136 {offsets = [9], sizes = [1], strides = [1]} : vector<16xf32> to vector<1xf32>
      %squeeze3A_1539 = vector.extract %slice3A_1538[0] : f32 from vector<1xf32>
      %get3A_1540 = arith.constant 0 : i32
      %get3A_1541 = arith.constant 57 : i32
      %get3A_1542 = arith.index_cast %get3A_1540 : i32 to index
      %get3A_1543 = arith.index_cast %get3A_1541 : i32 to index
      %get3A_1544 = arith.constant 0 : index
      %get3A_1545 = tpu.vector_load %arg25[%get3A_1542, %get3A_1543, %get3A_1544] {strides = array<i32>} : memref<4x208x32xf32, #tpu.memory_space<vmem>>, vector<1x1x16xf32>,
      %get3A_1546 = vector.shape_cast %get3A_1545 : vector<1x1x16xf32> to vector<16xf32>
      %mul3A_1547 = vector.broadcast %squeeze3A_1539 : f32 to vector<16xf32>
      %mul3A_1548 = arith.mulf %mul3A_1547, %get3A_1546 : vector<16xf32>
      %add3A_1549 = arith.addf %add3A_1527, %mul3A_1548 : vector<16xf32>
      %get3A_1550 = arith.constant 0 : i32
      %get3A_1551 = arith.constant 57 : i32
      %get3A_1552 = arith.index_cast %get3A_1550 : i32 to index
      %get3A_1553 = arith.index_cast %get3A_1551 : i32 to index
      %get3A_1554 = arith.constant 16 : index
      %get3A_1555 = tpu.vector_load %arg25[%get3A_1552, %get3A_1553, %get3A_1554] {strides = array<i32>} : memref<4x208x32xf32, #tpu.memory_space<vmem>>, vector<1x1x16xf32>,
      %get3A_1556 = vector.shape_cast %get3A_1555 : vector<1x1x16xf32> to vector<16xf32>
      %mul3A_1557 = vector.broadcast %squeeze3A_1539 : f32 to vector<16xf32>
      %mul3A_1558 = arith.mulf %mul3A_1557, %get3A_1556 : vector<16xf32>
      %add3A_1559 = arith.addf %add3A_1537, %mul3A_1558 : vector<16xf32>
      %slice3A_1560 = vector.extract_strided_slice %exp3A_136 {offsets = [10], sizes = [1], strides = [1]} : vector<16xf32> to vector<1xf32>
      %squeeze3A_1561 = vector.extract %slice3A_1560[0] : f32 from vector<1xf32>
      %get3A_1562 = arith.constant 0 : i32
      %get3A_1563 = arith.constant 58 : i32
      %get3A_1564 = arith.index_cast %get3A_1562 : i32 to index
      %get3A_1565 = arith.index_cast %get3A_1563 : i32 to index
      %get3A_1566 = arith.constant 0 : index
      %get3A_1567 = tpu.vector_load %arg25[%get3A_1564, %get3A_1565, %get3A_1566] {strides = array<i32>} : memref<4x208x32xf32, #tpu.memory_space<vmem>>, vector<1x1x16xf32>,
      %get3A_1568 = vector.shape_cast %get3A_1567 : vector<1x1x16xf32> to vector<16xf32>
      %mul3A_1569 = vector.broadcast %squeeze3A_1561 : f32 to vector<16xf32>
      %mul3A_1570 = arith.mulf %mul3A_1569, %get3A_1568 : vector<16xf32>
      %add3A_1571 = arith.addf %add3A_1549, %mul3A_1570 : vector<16xf32>
      %get3A_1572 = arith.constant 0 : i32
      %get3A_1573 = arith.constant 58 : i32
      %get3A_1574 = arith.index_cast %get3A_1572 : i32 to index
      %get3A_1575 = arith.index_cast %get3A_1573 : i32 to index
      %get3A_1576 = arith.constant 16 : index
      %get3A_1577 = tpu.vector_load %arg25[%get3A_1574, %get3A_1575, %get3A_1576] {strides = array<i32>} : memref<4x208x32xf32, #tpu.memory_space<vmem>>, vector<1x1x16xf32>,
      %get3A_1578 = vector.shape_cast %get3A_1577 : vector<1x1x16xf32> to vector<16xf32>
      %mul3A_1579 = vector.broadcast %squeeze3A_1561 : f32 to vector<16xf32>
      %mul3A_1580 = arith.mulf %mul3A_1579, %get3A_1578 : vector<16xf32>
      %add3A_1581 = arith.addf %add3A_1559, %mul3A_1580 : vector<16xf32>
      %slice3A_1582 = vector.extract_strided_slice %exp3A_136 {offsets = [11], sizes = [1], strides = [1]} : vector<16xf32> to vector<1xf32>
      %squeeze3A_1583 = vector.extract %slice3A_1582[0] : f32 from vector<1xf32>
      %get3A_1584 = arith.constant 0 : i32
      %get3A_1585 = arith.constant 59 : i32
      %get3A_1586 = arith.index_cast %get3A_1584 : i32 to index
      %get3A_1587 = arith.index_cast %get3A_1585 : i32 to index
      %get3A_1588 = arith.constant 0 : index
      %get3A_1589 = tpu.vector_load %arg25[%get3A_1586, %get3A_1587, %get3A_1588] {strides = array<i32>} : memref<4x208x32xf32, #tpu.memory_space<vmem>>, vector<1x1x16xf32>,
      %get3A_1590 = vector.shape_cast %get3A_1589 : vector<1x1x16xf32> to vector<16xf32>
      %mul3A_1591 = vector.broadcast %squeeze3A_1583 : f32 to vector<16xf32>
      %mul3A_1592 = arith.mulf %mul3A_1591, %get3A_1590 : vector<16xf32>
      %add3A_1593 = arith.addf %add3A_1571, %mul3A_1592 : vector<16xf32>
      %get3A_1594 = arith.constant 0 : i32
      %get3A_1595 = arith.constant 59 : i32
      %get3A_1596 = arith.index_cast %get3A_1594 : i32 to index
      %get3A_1597 = arith.index_cast %get3A_1595 : i32 to index
      %get3A_1598 = arith.constant 16 : index
      %get3A_1599 = tpu.vector_load %arg25[%get3A_1596, %get3A_1597, %get3A_1598] {strides = array<i32>} : memref<4x208x32xf32, #tpu.memory_space<vmem>>, vector<1x1x16xf32>,
      %get3A_1600 = vector.shape_cast %get3A_1599 : vector<1x1x16xf32> to vector<16xf32>
      %mul3A_1601 = vector.broadcast %squeeze3A_1583 : f32 to vector<16xf32>
      %mul3A_1602 = arith.mulf %mul3A_1601, %get3A_1600 : vector<16xf32>
      %add3A_1603 = arith.addf %add3A_1581, %mul3A_1602 : vector<16xf32>
      %slice3A_1604 = vector.extract_strided_slice %exp3A_136 {offsets = [12], sizes = [1], strides = [1]} : vector<16xf32> to vector<1xf32>
      %squeeze3A_1605 = vector.extract %slice3A_1604[0] : f32 from vector<1xf32>
      %get3A_1606 = arith.constant 0 : i32
      %get3A_1607 = arith.constant 60 : i32
      %get3A_1608 = arith.index_cast %get3A_1606 : i32 to index
      %get3A_1609 = arith.index_cast %get3A_1607 : i32 to index
      %get3A_1610 = arith.constant 0 : index
      %get3A_1611 = tpu.vector_load %arg25[%get3A_1608, %get3A_1609, %get3A_1610] {strides = array<i32>} : memref<4x208x32xf32, #tpu.memory_space<vmem>>, vector<1x1x16xf32>,
      %get3A_1612 = vector.shape_cast %get3A_1611 : vector<1x1x16xf32> to vector<16xf32>
      %mul3A_1613 = vector.broadcast %squeeze3A_1605 : f32 to vector<16xf32>
      %mul3A_1614 = arith.mulf %mul3A_1613, %get3A_1612 : vector<16xf32>
      %add3A_1615 = arith.addf %add3A_1593, %mul3A_1614 : vector<16xf32>
      %get3A_1616 = arith.constant 0 : i32
      %get3A_1617 = arith.constant 60 : i32
      %get3A_1618 = arith.index_cast %get3A_1616 : i32 to index
      %get3A_1619 = arith.index_cast %get3A_1617 : i32 to index
      %get3A_1620 = arith.constant 16 : index
      %get3A_1621 = tpu.vector_load %arg25[%get3A_1618, %get3A_1619, %get3A_1620] {strides = array<i32>} : memref<4x208x32xf32, #tpu.memory_space<vmem>>, vector<1x1x16xf32>,
      %get3A_1622 = vector.shape_cast %get3A_1621 : vector<1x1x16xf32> to vector<16xf32>
      %mul3A_1623 = vector.broadcast %squeeze3A_1605 : f32 to vector<16xf32>
      %mul3A_1624 = arith.mulf %mul3A_1623, %get3A_1622 : vector<16xf32>
      %add3A_1625 = arith.addf %add3A_1603, %mul3A_1624 : vector<16xf32>
      %slice3A_1626 = vector.extract_strided_slice %exp3A_136 {offsets = [13], sizes = [1], strides = [1]} : vector<16xf32> to vector<1xf32>
      %squeeze3A_1627 = vector.extract %slice3A_1626[0] : f32 from vector<1xf32>
      %get3A_1628 = arith.constant 0 : i32
      %get3A_1629 = arith.constant 61 : i32
      %get3A_1630 = arith.index_cast %get3A_1628 : i32 to index
      %get3A_1631 = arith.index_cast %get3A_1629 : i32 to index
      %get3A_1632 = arith.constant 0 : index
      %get3A_1633 = tpu.vector_load %arg25[%get3A_1630, %get3A_1631, %get3A_1632] {strides = array<i32>} : memref<4x208x32xf32, #tpu.memory_space<vmem>>, vector<1x1x16xf32>,
      %get3A_1634 = vector.shape_cast %get3A_1633 : vector<1x1x16xf32> to vector<16xf32>
      %mul3A_1635 = vector.broadcast %squeeze3A_1627 : f32 to vector<16xf32>
      %mul3A_1636 = arith.mulf %mul3A_1635, %get3A_1634 : vector<16xf32>
      %add3A_1637 = arith.addf %add3A_1615, %mul3A_1636 : vector<16xf32>
      %get3A_1638 = arith.constant 0 : i32
      %get3A_1639 = arith.constant 61 : i32
      %get3A_1640 = arith.index_cast %get3A_1638 : i32 to index
      %get3A_1641 = arith.index_cast %get3A_1639 : i32 to index
      %get3A_1642 = arith.constant 16 : index
      %get3A_1643 = tpu.vector_load %arg25[%get3A_1640, %get3A_1641, %get3A_1642] {strides = array<i32>} : memref<4x208x32xf32, #tpu.memory_space<vmem>>, vector<1x1x16xf32>,
      %get3A_1644 = vector.shape_cast %get3A_1643 : vector<1x1x16xf32> to vector<16xf32>
      %mul3A_1645 = vector.broadcast %squeeze3A_1627 : f32 to vector<16xf32>
      %mul3A_1646 = arith.mulf %mul3A_1645, %get3A_1644 : vector<16xf32>
      %add3A_1647 = arith.addf %add3A_1625, %mul3A_1646 : vector<16xf32>
      %slice3A_1648 = vector.extract_strided_slice %exp3A_136 {offsets = [14], sizes = [1], strides = [1]} : vector<16xf32> to vector<1xf32>
      %squeeze3A_1649 = vector.extract %slice3A_1648[0] : f32 from vector<1xf32>
      %get3A_1650 = arith.constant 0 : i32
      %get3A_1651 = arith.constant 62 : i32
      %get3A_1652 = arith.index_cast %get3A_1650 : i32 to index
      %get3A_1653 = arith.index_cast %get3A_1651 : i32 to index
      %get3A_1654 = arith.constant 0 : index
      %get3A_1655 = tpu.vector_load %arg25[%get3A_1652, %get3A_1653, %get3A_1654] {strides = array<i32>} : memref<4x208x32xf32, #tpu.memory_space<vmem>>, vector<1x1x16xf32>,
      %get3A_1656 = vector.shape_cast %get3A_1655 : vector<1x1x16xf32> to vector<16xf32>
      %mul3A_1657 = vector.broadcast %squeeze3A_1649 : f32 to vector<16xf32>
      %mul3A_1658 = arith.mulf %mul3A_1657, %get3A_1656 : vector<16xf32>
      %add3A_1659 = arith.addf %add3A_1637, %mul3A_1658 : vector<16xf32>
      %get3A_1660 = arith.constant 0 : i32
      %get3A_1661 = arith.constant 62 : i32
      %get3A_1662 = arith.index_cast %get3A_1660 : i32 to index
      %get3A_1663 = arith.index_cast %get3A_1661 : i32 to index
      %get3A_1664 = arith.constant 16 : index
      %get3A_1665 = tpu.vector_load %arg25[%get3A_1662, %get3A_1663, %get3A_1664] {strides = array<i32>} : memref<4x208x32xf32, #tpu.memory_space<vmem>>, vector<1x1x16xf32>,
      %get3A_1666 = vector.shape_cast %get3A_1665 : vector<1x1x16xf32> to vector<16xf32>
      %mul3A_1667 = vector.broadcast %squeeze3A_1649 : f32 to vector<16xf32>
      %mul3A_1668 = arith.mulf %mul3A_1667, %get3A_1666 : vector<16xf32>
      %add3A_1669 = arith.addf %add3A_1647, %mul3A_1668 : vector<16xf32>
      %slice3A_1670 = vector.extract_strided_slice %exp3A_136 {offsets = [15], sizes = [1], strides = [1]} : vector<16xf32> to vector<1xf32>
      %squeeze3A_1671 = vector.extract %slice3A_1670[0] : f32 from vector<1xf32>
      %get3A_1672 = arith.constant 0 : i32
      %get3A_1673 = arith.constant 63 : i32
      %get3A_1674 = arith.index_cast %get3A_1672 : i32 to index
      %get3A_1675 = arith.index_cast %get3A_1673 : i32 to index
      %get3A_1676 = arith.constant 0 : index
      %get3A_1677 = tpu.vector_load %arg25[%get3A_1674, %get3A_1675, %get3A_1676] {strides = array<i32>} : memref<4x208x32xf32, #tpu.memory_space<vmem>>, vector<1x1x16xf32>,
      %get3A_1678 = vector.shape_cast %get3A_1677 : vector<1x1x16xf32> to vector<16xf32>
      %mul3A_1679 = vector.broadcast %squeeze3A_1671 : f32 to vector<16xf32>
      %mul3A_1680 = arith.mulf %mul3A_1679, %get3A_1678 : vector<16xf32>
      %add3A_1681 = arith.addf %add3A_1659, %mul3A_1680 : vector<16xf32>
      %get3A_1682 = arith.constant 0 : i32
      %get3A_1683 = arith.constant 63 : i32
      %get3A_1684 = arith.index_cast %get3A_1682 : i32 to index
      %get3A_1685 = arith.index_cast %get3A_1683 : i32 to index
      %get3A_1686 = arith.constant 16 : index
      %get3A_1687 = tpu.vector_load %arg25[%get3A_1684, %get3A_1685, %get3A_1686] {strides = array<i32>} : memref<4x208x32xf32, #tpu.memory_space<vmem>>, vector<1x1x16xf32>,
      %get3A_1688 = vector.shape_cast %get3A_1687 : vector<1x1x16xf32> to vector<16xf32>
      %mul3A_1689 = vector.broadcast %squeeze3A_1671 : f32 to vector<16xf32>
      %mul3A_1690 = arith.mulf %mul3A_1689, %get3A_1688 : vector<16xf32>
      %add3A_1691 = arith.addf %add3A_1669, %mul3A_1690 : vector<16xf32>
      %slice3A_1692 = vector.extract_strided_slice %exp3A_146 {offsets = [0], sizes = [1], strides = [1]} : vector<16xf32> to vector<1xf32>
      %squeeze3A_1693 = vector.extract %slice3A_1692[0] : f32 from vector<1xf32>
      %get3A_1694 = arith.constant 0 : i32
      %get3A_1695 = arith.constant 64 : i32
      %get3A_1696 = arith.index_cast %get3A_1694 : i32 to index
      %get3A_1697 = arith.index_cast %get3A_1695 : i32 to index
      %get3A_1698 = arith.constant 0 : index
      %get3A_1699 = tpu.vector_load %arg25[%get3A_1696, %get3A_1697, %get3A_1698] {strides = array<i32>} : memref<4x208x32xf32, #tpu.memory_space<vmem>>, vector<1x1x16xf32>,
      %get3A_1700 = vector.shape_cast %get3A_1699 : vector<1x1x16xf32> to vector<16xf32>
      %mul3A_1701 = vector.broadcast %squeeze3A_1693 : f32 to vector<16xf32>
      %mul3A_1702 = arith.mulf %mul3A_1701, %get3A_1700 : vector<16xf32>
      %add3A_1703 = arith.addf %add3A_1681, %mul3A_1702 : vector<16xf32>
      %get3A_1704 = arith.constant 0 : i32
      %get3A_1705 = arith.constant 64 : i32
      %get3A_1706 = arith.index_cast %get3A_1704 : i32 to index
      %get3A_1707 = arith.index_cast %get3A_1705 : i32 to index
      %get3A_1708 = arith.constant 16 : index
      %get3A_1709 = tpu.vector_load %arg25[%get3A_1706, %get3A_1707, %get3A_1708] {strides = array<i32>} : memref<4x208x32xf32, #tpu.memory_space<vmem>>, vector<1x1x16xf32>,
      %get3A_1710 = vector.shape_cast %get3A_1709 : vector<1x1x16xf32> to vector<16xf32>
      %mul3A_1711 = vector.broadcast %squeeze3A_1693 : f32 to vector<16xf32>
      %mul3A_1712 = arith.mulf %mul3A_1711, %get3A_1710 : vector<16xf32>
      %add3A_1713 = arith.addf %add3A_1691, %mul3A_1712 : vector<16xf32>
      %slice3A_1714 = vector.extract_strided_slice %exp3A_146 {offsets = [1], sizes = [1], strides = [1]} : vector<16xf32> to vector<1xf32>
      %squeeze3A_1715 = vector.extract %slice3A_1714[0] : f32 from vector<1xf32>
      %get3A_1716 = arith.constant 0 : i32
      %get3A_1717 = arith.constant 65 : i32
      %get3A_1718 = arith.index_cast %get3A_1716 : i32 to index
      %get3A_1719 = arith.index_cast %get3A_1717 : i32 to index
      %get3A_1720 = arith.constant 0 : index
      %get3A_1721 = tpu.vector_load %arg25[%get3A_1718, %get3A_1719, %get3A_1720] {strides = array<i32>} : memref<4x208x32xf32, #tpu.memory_space<vmem>>, vector<1x1x16xf32>,
      %get3A_1722 = vector.shape_cast %get3A_1721 : vector<1x1x16xf32> to vector<16xf32>
      %mul3A_1723 = vector.broadcast %squeeze3A_1715 : f32 to vector<16xf32>
      %mul3A_1724 = arith.mulf %mul3A_1723, %get3A_1722 : vector<16xf32>
      %add3A_1725 = arith.addf %add3A_1703, %mul3A_1724 : vector<16xf32>
      %get3A_1726 = arith.constant 0 : i32
      %get3A_1727 = arith.constant 65 : i32
      %get3A_1728 = arith.index_cast %get3A_1726 : i32 to index
      %get3A_1729 = arith.index_cast %get3A_1727 : i32 to index
      %get3A_1730 = arith.constant 16 : index
      %get3A_1731 = tpu.vector_load %arg25[%get3A_1728, %get3A_1729, %get3A_1730] {strides = array<i32>} : memref<4x208x32xf32, #tpu.memory_space<vmem>>, vector<1x1x16xf32>,
      %get3A_1732 = vector.shape_cast %get3A_1731 : vector<1x1x16xf32> to vector<16xf32>
      %mul3A_1733 = vector.broadcast %squeeze3A_1715 : f32 to vector<16xf32>
      %mul3A_1734 = arith.mulf %mul3A_1733, %get3A_1732 : vector<16xf32>
      %add3A_1735 = arith.addf %add3A_1713, %mul3A_1734 : vector<16xf32>
      %slice3A_1736 = vector.extract_strided_slice %exp3A_146 {offsets = [2], sizes = [1], strides = [1]} : vector<16xf32> to vector<1xf32>
      %squeeze3A_1737 = vector.extract %slice3A_1736[0] : f32 from vector<1xf32>
      %get3A_1738 = arith.constant 0 : i32
      %get3A_1739 = arith.constant 66 : i32
      %get3A_1740 = arith.index_cast %get3A_1738 : i32 to index
      %get3A_1741 = arith.index_cast %get3A_1739 : i32 to index
      %get3A_1742 = arith.constant 0 : index
      %get3A_1743 = tpu.vector_load %arg25[%get3A_1740, %get3A_1741, %get3A_1742] {strides = array<i32>} : memref<4x208x32xf32, #tpu.memory_space<vmem>>, vector<1x1x16xf32>,
      %get3A_1744 = vector.shape_cast %get3A_1743 : vector<1x1x16xf32> to vector<16xf32>
      %mul3A_1745 = vector.broadcast %squeeze3A_1737 : f32 to vector<16xf32>
      %mul3A_1746 = arith.mulf %mul3A_1745, %get3A_1744 : vector<16xf32>
      %add3A_1747 = arith.addf %add3A_1725, %mul3A_1746 : vector<16xf32>
      %get3A_1748 = arith.constant 0 : i32
      %get3A_1749 = arith.constant 66 : i32
      %get3A_1750 = arith.index_cast %get3A_1748 : i32 to index
      %get3A_1751 = arith.index_cast %get3A_1749 : i32 to index
      %get3A_1752 = arith.constant 16 : index
      %get3A_1753 = tpu.vector_load %arg25[%get3A_1750, %get3A_1751, %get3A_1752] {strides = array<i32>} : memref<4x208x32xf32, #tpu.memory_space<vmem>>, vector<1x1x16xf32>,
      %get3A_1754 = vector.shape_cast %get3A_1753 : vector<1x1x16xf32> to vector<16xf32>
      %mul3A_1755 = vector.broadcast %squeeze3A_1737 : f32 to vector<16xf32>
      %mul3A_1756 = arith.mulf %mul3A_1755, %get3A_1754 : vector<16xf32>
      %add3A_1757 = arith.addf %add3A_1735, %mul3A_1756 : vector<16xf32>
      %slice3A_1758 = vector.extract_strided_slice %exp3A_146 {offsets = [3], sizes = [1], strides = [1]} : vector<16xf32> to vector<1xf32>
      %squeeze3A_1759 = vector.extract %slice3A_1758[0] : f32 from vector<1xf32>
      %get3A_1760 = arith.constant 0 : i32
      %get3A_1761 = arith.constant 67 : i32
      %get3A_1762 = arith.index_cast %get3A_1760 : i32 to index
      %get3A_1763 = arith.index_cast %get3A_1761 : i32 to index
      %get3A_1764 = arith.constant 0 : index
      %get3A_1765 = tpu.vector_load %arg25[%get3A_1762, %get3A_1763, %get3A_1764] {strides = array<i32>} : memref<4x208x32xf32, #tpu.memory_space<vmem>>, vector<1x1x16xf32>,
      %get3A_1766 = vector.shape_cast %get3A_1765 : vector<1x1x16xf32> to vector<16xf32>
      %mul3A_1767 = vector.broadcast %squeeze3A_1759 : f32 to vector<16xf32>
      %mul3A_1768 = arith.mulf %mul3A_1767, %get3A_1766 : vector<16xf32>
      %add3A_1769 = arith.addf %add3A_1747, %mul3A_1768 : vector<16xf32>
      %get3A_1770 = arith.constant 0 : i32
      %get3A_1771 = arith.constant 67 : i32
      %get3A_1772 = arith.index_cast %get3A_1770 : i32 to index
      %get3A_1773 = arith.index_cast %get3A_1771 : i32 to index
      %get3A_1774 = arith.constant 16 : index
      %get3A_1775 = tpu.vector_load %arg25[%get3A_1772, %get3A_1773, %get3A_1774] {strides = array<i32>} : memref<4x208x32xf32, #tpu.memory_space<vmem>>, vector<1x1x16xf32>,
      %get3A_1776 = vector.shape_cast %get3A_1775 : vector<1x1x16xf32> to vector<16xf32>
      %mul3A_1777 = vector.broadcast %squeeze3A_1759 : f32 to vector<16xf32>
      %mul3A_1778 = arith.mulf %mul3A_1777, %get3A_1776 : vector<16xf32>
      %add3A_1779 = arith.addf %add3A_1757, %mul3A_1778 : vector<16xf32>
      %slice3A_1780 = vector.extract_strided_slice %exp3A_146 {offsets = [4], sizes = [1], strides = [1]} : vector<16xf32> to vector<1xf32>
      %squeeze3A_1781 = vector.extract %slice3A_1780[0] : f32 from vector<1xf32>
      %get3A_1782 = arith.constant 0 : i32
      %get3A_1783 = arith.constant 68 : i32
      %get3A_1784 = arith.index_cast %get3A_1782 : i32 to index
      %get3A_1785 = arith.index_cast %get3A_1783 : i32 to index
      %get3A_1786 = arith.constant 0 : index
      %get3A_1787 = tpu.vector_load %arg25[%get3A_1784, %get3A_1785, %get3A_1786] {strides = array<i32>} : memref<4x208x32xf32, #tpu.memory_space<vmem>>, vector<1x1x16xf32>,
      %get3A_1788 = vector.shape_cast %get3A_1787 : vector<1x1x16xf32> to vector<16xf32>
      %mul3A_1789 = vector.broadcast %squeeze3A_1781 : f32 to vector<16xf32>
      %mul3A_1790 = arith.mulf %mul3A_1789, %get3A_1788 : vector<16xf32>
      %add3A_1791 = arith.addf %add3A_1769, %mul3A_1790 : vector<16xf32>
      %get3A_1792 = arith.constant 0 : i32
      %get3A_1793 = arith.constant 68 : i32
      %get3A_1794 = arith.index_cast %get3A_1792 : i32 to index
      %get3A_1795 = arith.index_cast %get3A_1793 : i32 to index
      %get3A_1796 = arith.constant 16 : index
      %get3A_1797 = tpu.vector_load %arg25[%get3A_1794, %get3A_1795, %get3A_1796] {strides = array<i32>} : memref<4x208x32xf32, #tpu.memory_space<vmem>>, vector<1x1x16xf32>,
      %get3A_1798 = vector.shape_cast %get3A_1797 : vector<1x1x16xf32> to vector<16xf32>
      %mul3A_1799 = vector.broadcast %squeeze3A_1781 : f32 to vector<16xf32>
      %mul3A_1800 = arith.mulf %mul3A_1799, %get3A_1798 : vector<16xf32>
      %add3A_1801 = arith.addf %add3A_1779, %mul3A_1800 : vector<16xf32>
      %slice3A_1802 = vector.extract_strided_slice %exp3A_146 {offsets = [5], sizes = [1], strides = [1]} : vector<16xf32> to vector<1xf32>
      %squeeze3A_1803 = vector.extract %slice3A_1802[0] : f32 from vector<1xf32>
      %get3A_1804 = arith.constant 0 : i32
      %get3A_1805 = arith.constant 69 : i32
      %get3A_1806 = arith.index_cast %get3A_1804 : i32 to index
      %get3A_1807 = arith.index_cast %get3A_1805 : i32 to index
      %get3A_1808 = arith.constant 0 : index
      %get3A_1809 = tpu.vector_load %arg25[%get3A_1806, %get3A_1807, %get3A_1808] {strides = array<i32>} : memref<4x208x32xf32, #tpu.memory_space<vmem>>, vector<1x1x16xf32>,
      %get3A_1810 = vector.shape_cast %get3A_1809 : vector<1x1x16xf32> to vector<16xf32>
      %mul3A_1811 = vector.broadcast %squeeze3A_1803 : f32 to vector<16xf32>
      %mul3A_1812 = arith.mulf %mul3A_1811, %get3A_1810 : vector<16xf32>
      %add3A_1813 = arith.addf %add3A_1791, %mul3A_1812 : vector<16xf32>
      %get3A_1814 = arith.constant 0 : i32
      %get3A_1815 = arith.constant 69 : i32
      %get3A_1816 = arith.index_cast %get3A_1814 : i32 to index
      %get3A_1817 = arith.index_cast %get3A_1815 : i32 to index
      %get3A_1818 = arith.constant 16 : index
      %get3A_1819 = tpu.vector_load %arg25[%get3A_1816, %get3A_1817, %get3A_1818] {strides = array<i32>} : memref<4x208x32xf32, #tpu.memory_space<vmem>>, vector<1x1x16xf32>,
      %get3A_1820 = vector.shape_cast %get3A_1819 : vector<1x1x16xf32> to vector<16xf32>
      %mul3A_1821 = vector.broadcast %squeeze3A_1803 : f32 to vector<16xf32>
      %mul3A_1822 = arith.mulf %mul3A_1821, %get3A_1820 : vector<16xf32>
      %add3A_1823 = arith.addf %add3A_1801, %mul3A_1822 : vector<16xf32>
      %slice3A_1824 = vector.extract_strided_slice %exp3A_146 {offsets = [6], sizes = [1], strides = [1]} : vector<16xf32> to vector<1xf32>
      %squeeze3A_1825 = vector.extract %slice3A_1824[0] : f32 from vector<1xf32>
      %get3A_1826 = arith.constant 0 : i32
      %get3A_1827 = arith.constant 70 : i32
      %get3A_1828 = arith.index_cast %get3A_1826 : i32 to index
      %get3A_1829 = arith.index_cast %get3A_1827 : i32 to index
      %get3A_1830 = arith.constant 0 : index
      %get3A_1831 = tpu.vector_load %arg25[%get3A_1828, %get3A_1829, %get3A_1830] {strides = array<i32>} : memref<4x208x32xf32, #tpu.memory_space<vmem>>, vector<1x1x16xf32>,
      %get3A_1832 = vector.shape_cast %get3A_1831 : vector<1x1x16xf32> to vector<16xf32>
      %mul3A_1833 = vector.broadcast %squeeze3A_1825 : f32 to vector<16xf32>
      %mul3A_1834 = arith.mulf %mul3A_1833, %get3A_1832 : vector<16xf32>
      %add3A_1835 = arith.addf %add3A_1813, %mul3A_1834 : vector<16xf32>
      %get3A_1836 = arith.constant 0 : i32
      %get3A_1837 = arith.constant 70 : i32
      %get3A_1838 = arith.index_cast %get3A_1836 : i32 to index
      %get3A_1839 = arith.index_cast %get3A_1837 : i32 to index
      %get3A_1840 = arith.constant 16 : index
      %get3A_1841 = tpu.vector_load %arg25[%get3A_1838, %get3A_1839, %get3A_1840] {strides = array<i32>} : memref<4x208x32xf32, #tpu.memory_space<vmem>>, vector<1x1x16xf32>,
      %get3A_1842 = vector.shape_cast %get3A_1841 : vector<1x1x16xf32> to vector<16xf32>
      %mul3A_1843 = vector.broadcast %squeeze3A_1825 : f32 to vector<16xf32>
      %mul3A_1844 = arith.mulf %mul3A_1843, %get3A_1842 : vector<16xf32>
      %add3A_1845 = arith.addf %add3A_1823, %mul3A_1844 : vector<16xf32>
      %slice3A_1846 = vector.extract_strided_slice %exp3A_146 {offsets = [7], sizes = [1], strides = [1]} : vector<16xf32> to vector<1xf32>
      %squeeze3A_1847 = vector.extract %slice3A_1846[0] : f32 from vector<1xf32>
      %get3A_1848 = arith.constant 0 : i32
      %get3A_1849 = arith.constant 71 : i32
      %get3A_1850 = arith.index_cast %get3A_1848 : i32 to index
      %get3A_1851 = arith.index_cast %get3A_1849 : i32 to index
      %get3A_1852 = arith.constant 0 : index
      %get3A_1853 = tpu.vector_load %arg25[%get3A_1850, %get3A_1851, %get3A_1852] {strides = array<i32>} : memref<4x208x32xf32, #tpu.memory_space<vmem>>, vector<1x1x16xf32>,
      %get3A_1854 = vector.shape_cast %get3A_1853 : vector<1x1x16xf32> to vector<16xf32>
      %mul3A_1855 = vector.broadcast %squeeze3A_1847 : f32 to vector<16xf32>
      %mul3A_1856 = arith.mulf %mul3A_1855, %get3A_1854 : vector<16xf32>
      %add3A_1857 = arith.addf %add3A_1835, %mul3A_1856 : vector<16xf32>
      %get3A_1858 = arith.constant 0 : i32
      %get3A_1859 = arith.constant 71 : i32
      %get3A_1860 = arith.index_cast %get3A_1858 : i32 to index
      %get3A_1861 = arith.index_cast %get3A_1859 : i32 to index
      %get3A_1862 = arith.constant 16 : index
      %get3A_1863 = tpu.vector_load %arg25[%get3A_1860, %get3A_1861, %get3A_1862] {strides = array<i32>} : memref<4x208x32xf32, #tpu.memory_space<vmem>>, vector<1x1x16xf32>,
      %get3A_1864 = vector.shape_cast %get3A_1863 : vector<1x1x16xf32> to vector<16xf32>
      %mul3A_1865 = vector.broadcast %squeeze3A_1847 : f32 to vector<16xf32>
      %mul3A_1866 = arith.mulf %mul3A_1865, %get3A_1864 : vector<16xf32>
      %add3A_1867 = arith.addf %add3A_1845, %mul3A_1866 : vector<16xf32>
      %slice3A_1868 = vector.extract_strided_slice %exp3A_146 {offsets = [8], sizes = [1], strides = [1]} : vector<16xf32> to vector<1xf32>
      %squeeze3A_1869 = vector.extract %slice3A_1868[0] : f32 from vector<1xf32>
      %get3A_1870 = arith.constant 0 : i32
      %get3A_1871 = arith.constant 72 : i32
      %get3A_1872 = arith.index_cast %get3A_1870 : i32 to index
      %get3A_1873 = arith.index_cast %get3A_1871 : i32 to index
      %get3A_1874 = arith.constant 0 : index
      %get3A_1875 = tpu.vector_load %arg25[%get3A_1872, %get3A_1873, %get3A_1874] {strides = array<i32>} : memref<4x208x32xf32, #tpu.memory_space<vmem>>, vector<1x1x16xf32>,
      %get3A_1876 = vector.shape_cast %get3A_1875 : vector<1x1x16xf32> to vector<16xf32>
      %mul3A_1877 = vector.broadcast %squeeze3A_1869 : f32 to vector<16xf32>
      %mul3A_1878 = arith.mulf %mul3A_1877, %get3A_1876 : vector<16xf32>
      %add3A_1879 = arith.addf %add3A_1857, %mul3A_1878 : vector<16xf32>
      %get3A_1880 = arith.constant 0 : i32
      %get3A_1881 = arith.constant 72 : i32
      %get3A_1882 = arith.index_cast %get3A_1880 : i32 to index
      %get3A_1883 = arith.index_cast %get3A_1881 : i32 to index
      %get3A_1884 = arith.constant 16 : index
      %get3A_1885 = tpu.vector_load %arg25[%get3A_1882, %get3A_1883, %get3A_1884] {strides = array<i32>} : memref<4x208x32xf32, #tpu.memory_space<vmem>>, vector<1x1x16xf32>,
      %get3A_1886 = vector.shape_cast %get3A_1885 : vector<1x1x16xf32> to vector<16xf32>
      %mul3A_1887 = vector.broadcast %squeeze3A_1869 : f32 to vector<16xf32>
      %mul3A_1888 = arith.mulf %mul3A_1887, %get3A_1886 : vector<16xf32>
      %add3A_1889 = arith.addf %add3A_1867, %mul3A_1888 : vector<16xf32>
      %slice3A_1890 = vector.extract_strided_slice %exp3A_146 {offsets = [9], sizes = [1], strides = [1]} : vector<16xf32> to vector<1xf32>
      %squeeze3A_1891 = vector.extract %slice3A_1890[0] : f32 from vector<1xf32>
      %get3A_1892 = arith.constant 0 : i32
      %get3A_1893 = arith.constant 73 : i32
      %get3A_1894 = arith.index_cast %get3A_1892 : i32 to index
      %get3A_1895 = arith.index_cast %get3A_1893 : i32 to index
      %get3A_1896 = arith.constant 0 : index
      %get3A_1897 = tpu.vector_load %arg25[%get3A_1894, %get3A_1895, %get3A_1896] {strides = array<i32>} : memref<4x208x32xf32, #tpu.memory_space<vmem>>, vector<1x1x16xf32>,
      %get3A_1898 = vector.shape_cast %get3A_1897 : vector<1x1x16xf32> to vector<16xf32>
      %mul3A_1899 = vector.broadcast %squeeze3A_1891 : f32 to vector<16xf32>
      %mul3A_1900 = arith.mulf %mul3A_1899, %get3A_1898 : vector<16xf32>
      %add3A_1901 = arith.addf %add3A_1879, %mul3A_1900 : vector<16xf32>
      %get3A_1902 = arith.constant 0 : i32
      %get3A_1903 = arith.constant 73 : i32
      %get3A_1904 = arith.index_cast %get3A_1902 : i32 to index
      %get3A_1905 = arith.index_cast %get3A_1903 : i32 to index
      %get3A_1906 = arith.constant 16 : index
      %get3A_1907 = tpu.vector_load %arg25[%get3A_1904, %get3A_1905, %get3A_1906] {strides = array<i32>} : memref<4x208x32xf32, #tpu.memory_space<vmem>>, vector<1x1x16xf32>,
      %get3A_1908 = vector.shape_cast %get3A_1907 : vector<1x1x16xf32> to vector<16xf32>
      %mul3A_1909 = vector.broadcast %squeeze3A_1891 : f32 to vector<16xf32>
      %mul3A_1910 = arith.mulf %mul3A_1909, %get3A_1908 : vector<16xf32>
      %add3A_1911 = arith.addf %add3A_1889, %mul3A_1910 : vector<16xf32>
      %slice3A_1912 = vector.extract_strided_slice %exp3A_146 {offsets = [10], sizes = [1], strides = [1]} : vector<16xf32> to vector<1xf32>
      %squeeze3A_1913 = vector.extract %slice3A_1912[0] : f32 from vector<1xf32>
      %get3A_1914 = arith.constant 0 : i32
      %get3A_1915 = arith.constant 74 : i32
      %get3A_1916 = arith.index_cast %get3A_1914 : i32 to index
      %get3A_1917 = arith.index_cast %get3A_1915 : i32 to index
      %get3A_1918 = arith.constant 0 : index
      %get3A_1919 = tpu.vector_load %arg25[%get3A_1916, %get3A_1917, %get3A_1918] {strides = array<i32>} : memref<4x208x32xf32, #tpu.memory_space<vmem>>, vector<1x1x16xf32>,
      %get3A_1920 = vector.shape_cast %get3A_1919 : vector<1x1x16xf32> to vector<16xf32>
      %mul3A_1921 = vector.broadcast %squeeze3A_1913 : f32 to vector<16xf32>
      %mul3A_1922 = arith.mulf %mul3A_1921, %get3A_1920 : vector<16xf32>
      %add3A_1923 = arith.addf %add3A_1901, %mul3A_1922 : vector<16xf32>
      %get3A_1924 = arith.constant 0 : i32
      %get3A_1925 = arith.constant 74 : i32
      %get3A_1926 = arith.index_cast %get3A_1924 : i32 to index
      %get3A_1927 = arith.index_cast %get3A_1925 : i32 to index
      %get3A_1928 = arith.constant 16 : index
      %get3A_1929 = tpu.vector_load %arg25[%get3A_1926, %get3A_1927, %get3A_1928] {strides = array<i32>} : memref<4x208x32xf32, #tpu.memory_space<vmem>>, vector<1x1x16xf32>,
      %get3A_1930 = vector.shape_cast %get3A_1929 : vector<1x1x16xf32> to vector<16xf32>
      %mul3A_1931 = vector.broadcast %squeeze3A_1913 : f32 to vector<16xf32>
      %mul3A_1932 = arith.mulf %mul3A_1931, %get3A_1930 : vector<16xf32>
      %add3A_1933 = arith.addf %add3A_1911, %mul3A_1932 : vector<16xf32>
      %slice3A_1934 = vector.extract_strided_slice %exp3A_146 {offsets = [11], sizes = [1], strides = [1]} : vector<16xf32> to vector<1xf32>
      %squeeze3A_1935 = vector.extract %slice3A_1934[0] : f32 from vector<1xf32>
      %get3A_1936 = arith.constant 0 : i32
      %get3A_1937 = arith.constant 75 : i32
      %get3A_1938 = arith.index_cast %get3A_1936 : i32 to index
      %get3A_1939 = arith.index_cast %get3A_1937 : i32 to index
      %get3A_1940 = arith.constant 0 : index
      %get3A_1941 = tpu.vector_load %arg25[%get3A_1938, %get3A_1939, %get3A_1940] {strides = array<i32>} : memref<4x208x32xf32, #tpu.memory_space<vmem>>, vector<1x1x16xf32>,
      %get3A_1942 = vector.shape_cast %get3A_1941 : vector<1x1x16xf32> to vector<16xf32>
      %mul3A_1943 = vector.broadcast %squeeze3A_1935 : f32 to vector<16xf32>
      %mul3A_1944 = arith.mulf %mul3A_1943, %get3A_1942 : vector<16xf32>
      %add3A_1945 = arith.addf %add3A_1923, %mul3A_1944 : vector<16xf32>
      %get3A_1946 = arith.constant 0 : i32
      %get3A_1947 = arith.constant 75 : i32
      %get3A_1948 = arith.index_cast %get3A_1946 : i32 to index
      %get3A_1949 = arith.index_cast %get3A_1947 : i32 to index
      %get3A_1950 = arith.constant 16 : index
      %get3A_1951 = tpu.vector_load %arg25[%get3A_1948, %get3A_1949, %get3A_1950] {strides = array<i32>} : memref<4x208x32xf32, #tpu.memory_space<vmem>>, vector<1x1x16xf32>,
      %get3A_1952 = vector.shape_cast %get3A_1951 : vector<1x1x16xf32> to vector<16xf32>
      %mul3A_1953 = vector.broadcast %squeeze3A_1935 : f32 to vector<16xf32>
      %mul3A_1954 = arith.mulf %mul3A_1953, %get3A_1952 : vector<16xf32>
      %add3A_1955 = arith.addf %add3A_1933, %mul3A_1954 : vector<16xf32>
      %slice3A_1956 = vector.extract_strided_slice %exp3A_146 {offsets = [12], sizes = [1], strides = [1]} : vector<16xf32> to vector<1xf32>
      %squeeze3A_1957 = vector.extract %slice3A_1956[0] : f32 from vector<1xf32>
      %get3A_1958 = arith.constant 0 : i32
      %get3A_1959 = arith.constant 76 : i32
      %get3A_1960 = arith.index_cast %get3A_1958 : i32 to index
      %get3A_1961 = arith.index_cast %get3A_1959 : i32 to index
      %get3A_1962 = arith.constant 0 : index
      %get3A_1963 = tpu.vector_load %arg25[%get3A_1960, %get3A_1961, %get3A_1962] {strides = array<i32>} : memref<4x208x32xf32, #tpu.memory_space<vmem>>, vector<1x1x16xf32>,
      %get3A_1964 = vector.shape_cast %get3A_1963 : vector<1x1x16xf32> to vector<16xf32>
      %mul3A_1965 = vector.broadcast %squeeze3A_1957 : f32 to vector<16xf32>
      %mul3A_1966 = arith.mulf %mul3A_1965, %get3A_1964 : vector<16xf32>
      %add3A_1967 = arith.addf %add3A_1945, %mul3A_1966 : vector<16xf32>
      %get3A_1968 = arith.constant 0 : i32
      %get3A_1969 = arith.constant 76 : i32
      %get3A_1970 = arith.index_cast %get3A_1968 : i32 to index
      %get3A_1971 = arith.index_cast %get3A_1969 : i32 to index
      %get3A_1972 = arith.constant 16 : index
      %get3A_1973 = tpu.vector_load %arg25[%get3A_1970, %get3A_1971, %get3A_1972] {strides = array<i32>} : memref<4x208x32xf32, #tpu.memory_space<vmem>>, vector<1x1x16xf32>,
      %get3A_1974 = vector.shape_cast %get3A_1973 : vector<1x1x16xf32> to vector<16xf32>
      %mul3A_1975 = vector.broadcast %squeeze3A_1957 : f32 to vector<16xf32>
      %mul3A_1976 = arith.mulf %mul3A_1975, %get3A_1974 : vector<16xf32>
      %add3A_1977 = arith.addf %add3A_1955, %mul3A_1976 : vector<16xf32>
      %slice3A_1978 = vector.extract_strided_slice %exp3A_146 {offsets = [13], sizes = [1], strides = [1]} : vector<16xf32> to vector<1xf32>
      %squeeze3A_1979 = vector.extract %slice3A_1978[0] : f32 from vector<1xf32>
      %get3A_1980 = arith.constant 0 : i32
      %get3A_1981 = arith.constant 77 : i32
      %get3A_1982 = arith.index_cast %get3A_1980 : i32 to index
      %get3A_1983 = arith.index_cast %get3A_1981 : i32 to index
      %get3A_1984 = arith.constant 0 : index
      %get3A_1985 = tpu.vector_load %arg25[%get3A_1982, %get3A_1983, %get3A_1984] {strides = array<i32>} : memref<4x208x32xf32, #tpu.memory_space<vmem>>, vector<1x1x16xf32>,
      %get3A_1986 = vector.shape_cast %get3A_1985 : vector<1x1x16xf32> to vector<16xf32>
      %mul3A_1987 = vector.broadcast %squeeze3A_1979 : f32 to vector<16xf32>
      %mul3A_1988 = arith.mulf %mul3A_1987, %get3A_1986 : vector<16xf32>
      %add3A_1989 = arith.addf %add3A_1967, %mul3A_1988 : vector<16xf32>
      %get3A_1990 = arith.constant 0 : i32
      %get3A_1991 = arith.constant 77 : i32
      %get3A_1992 = arith.index_cast %get3A_1990 : i32 to index
      %get3A_1993 = arith.index_cast %get3A_1991 : i32 to index
      %get3A_1994 = arith.constant 16 : index
      %get3A_1995 = tpu.vector_load %arg25[%get3A_1992, %get3A_1993, %get3A_1994] {strides = array<i32>} : memref<4x208x32xf32, #tpu.memory_space<vmem>>, vector<1x1x16xf32>,
      %get3A_1996 = vector.shape_cast %get3A_1995 : vector<1x1x16xf32> to vector<16xf32>
      %mul3A_1997 = vector.broadcast %squeeze3A_1979 : f32 to vector<16xf32>
      %mul3A_1998 = arith.mulf %mul3A_1997, %get3A_1996 : vector<16xf32>
      %add3A_1999 = arith.addf %add3A_1977, %mul3A_1998 : vector<16xf32>
      %slice3A_2000 = vector.extract_strided_slice %exp3A_146 {offsets = [14], sizes = [1], strides = [1]} : vector<16xf32> to vector<1xf32>
      %squeeze3A_2001 = vector.extract %slice3A_2000[0] : f32 from vector<1xf32>
      %get3A_2002 = arith.constant 0 : i32
      %get3A_2003 = arith.constant 78 : i32
      %get3A_2004 = arith.index_cast %get3A_2002 : i32 to index
      %get3A_2005 = arith.index_cast %get3A_2003 : i32 to index
      %get3A_2006 = arith.constant 0 : index
      %get3A_2007 = tpu.vector_load %arg25[%get3A_2004, %get3A_2005, %get3A_2006] {strides = array<i32>} : memref<4x208x32xf32, #tpu.memory_space<vmem>>, vector<1x1x16xf32>,
      %get3A_2008 = vector.shape_cast %get3A_2007 : vector<1x1x16xf32> to vector<16xf32>
      %mul3A_2009 = vector.broadcast %squeeze3A_2001 : f32 to vector<16xf32>
      %mul3A_2010 = arith.mulf %mul3A_2009, %get3A_2008 : vector<16xf32>
      %add3A_2011 = arith.addf %add3A_1989, %mul3A_2010 : vector<16xf32>
      %get3A_2012 = arith.constant 0 : i32
      %get3A_2013 = arith.constant 78 : i32
      %get3A_2014 = arith.index_cast %get3A_2012 : i32 to index
      %get3A_2015 = arith.index_cast %get3A_2013 : i32 to index
      %get3A_2016 = arith.constant 16 : index
      %get3A_2017 = tpu.vector_load %arg25[%get3A_2014, %get3A_2015, %get3A_2016] {strides = array<i32>} : memref<4x208x32xf32, #tpu.memory_space<vmem>>, vector<1x1x16xf32>,
      %get3A_2018 = vector.shape_cast %get3A_2017 : vector<1x1x16xf32> to vector<16xf32>
      %mul3A_2019 = vector.broadcast %squeeze3A_2001 : f32 to vector<16xf32>
      %mul3A_2020 = arith.mulf %mul3A_2019, %get3A_2018 : vector<16xf32>
      %add3A_2021 = arith.addf %add3A_1999, %mul3A_2020 : vector<16xf32>
      %slice3A_2022 = vector.extract_strided_slice %exp3A_146 {offsets = [15], sizes = [1], strides = [1]} : vector<16xf32> to vector<1xf32>
      %squeeze3A_2023 = vector.extract %slice3A_2022[0] : f32 from vector<1xf32>
      %get3A_2024 = arith.constant 0 : i32
      %get3A_2025 = arith.constant 79 : i32
      %get3A_2026 = arith.index_cast %get3A_2024 : i32 to index
      %get3A_2027 = arith.index_cast %get3A_2025 : i32 to index
      %get3A_2028 = arith.constant 0 : index
      %get3A_2029 = tpu.vector_load %arg25[%get3A_2026, %get3A_2027, %get3A_2028] {strides = array<i32>} : memref<4x208x32xf32, #tpu.memory_space<vmem>>, vector<1x1x16xf32>,
      %get3A_2030 = vector.shape_cast %get3A_2029 : vector<1x1x16xf32> to vector<16xf32>
      %mul3A_2031 = vector.broadcast %squeeze3A_2023 : f32 to vector<16xf32>
      %mul3A_2032 = arith.mulf %mul3A_2031, %get3A_2030 : vector<16xf32>
      %add3A_2033 = arith.addf %add3A_2011, %mul3A_2032 : vector<16xf32>
      %get3A_2034 = arith.constant 0 : i32
      %get3A_2035 = arith.constant 79 : i32
      %get3A_2036 = arith.index_cast %get3A_2034 : i32 to index
      %get3A_2037 = arith.index_cast %get3A_2035 : i32 to index
      %get3A_2038 = arith.constant 16 : index
      %get3A_2039 = tpu.vector_load %arg25[%get3A_2036, %get3A_2037, %get3A_2038] {strides = array<i32>} : memref<4x208x32xf32, #tpu.memory_space<vmem>>, vector<1x1x16xf32>,
      %get3A_2040 = vector.shape_cast %get3A_2039 : vector<1x1x16xf32> to vector<16xf32>
      %mul3A_2041 = vector.broadcast %squeeze3A_2023 : f32 to vector<16xf32>
      %mul3A_2042 = arith.mulf %mul3A_2041, %get3A_2040 : vector<16xf32>
      %add3A_2043 = arith.addf %add3A_2021, %mul3A_2042 : vector<16xf32>
      %slice3A_2044 = vector.extract_strided_slice %exp3A_156 {offsets = [0], sizes = [1], strides = [1]} : vector<16xf32> to vector<1xf32>
      %squeeze3A_2045 = vector.extract %slice3A_2044[0] : f32 from vector<1xf32>
      %get3A_2046 = arith.constant 0 : i32
      %get3A_2047 = arith.constant 80 : i32
      %get3A_2048 = arith.index_cast %get3A_2046 : i32 to index
      %get3A_2049 = arith.index_cast %get3A_2047 : i32 to index
      %get3A_2050 = arith.constant 0 : index
      %get3A_2051 = tpu.vector_load %arg25[%get3A_2048, %get3A_2049, %get3A_2050] {strides = array<i32>} : memref<4x208x32xf32, #tpu.memory_space<vmem>>, vector<1x1x16xf32>,
      %get3A_2052 = vector.shape_cast %get3A_2051 : vector<1x1x16xf32> to vector<16xf32>
      %mul3A_2053 = vector.broadcast %squeeze3A_2045 : f32 to vector<16xf32>
      %mul3A_2054 = arith.mulf %mul3A_2053, %get3A_2052 : vector<16xf32>
      %add3A_2055 = arith.addf %add3A_2033, %mul3A_2054 : vector<16xf32>
      %get3A_2056 = arith.constant 0 : i32
      %get3A_2057 = arith.constant 80 : i32
      %get3A_2058 = arith.index_cast %get3A_2056 : i32 to index
      %get3A_2059 = arith.index_cast %get3A_2057 : i32 to index
      %get3A_2060 = arith.constant 16 : index
      %get3A_2061 = tpu.vector_load %arg25[%get3A_2058, %get3A_2059, %get3A_2060] {strides = array<i32>} : memref<4x208x32xf32, #tpu.memory_space<vmem>>, vector<1x1x16xf32>,
      %get3A_2062 = vector.shape_cast %get3A_2061 : vector<1x1x16xf32> to vector<16xf32>
      %mul3A_2063 = vector.broadcast %squeeze3A_2045 : f32 to vector<16xf32>
      %mul3A_2064 = arith.mulf %mul3A_2063, %get3A_2062 : vector<16xf32>
      %add3A_2065 = arith.addf %add3A_2043, %mul3A_2064 : vector<16xf32>
      %slice3A_2066 = vector.extract_strided_slice %exp3A_156 {offsets = [1], sizes = [1], strides = [1]} : vector<16xf32> to vector<1xf32>
      %squeeze3A_2067 = vector.extract %slice3A_2066[0] : f32 from vector<1xf32>
      %get3A_2068 = arith.constant 0 : i32
      %get3A_2069 = arith.constant 81 : i32
      %get3A_2070 = arith.index_cast %get3A_2068 : i32 to index
      %get3A_2071 = arith.index_cast %get3A_2069 : i32 to index
      %get3A_2072 = arith.constant 0 : index
      %get3A_2073 = tpu.vector_load %arg25[%get3A_2070, %get3A_2071, %get3A_2072] {strides = array<i32>} : memref<4x208x32xf32, #tpu.memory_space<vmem>>, vector<1x1x16xf32>,
      %get3A_2074 = vector.shape_cast %get3A_2073 : vector<1x1x16xf32> to vector<16xf32>
      %mul3A_2075 = vector.broadcast %squeeze3A_2067 : f32 to vector<16xf32>
      %mul3A_2076 = arith.mulf %mul3A_2075, %get3A_2074 : vector<16xf32>
      %add3A_2077 = arith.addf %add3A_2055, %mul3A_2076 : vector<16xf32>
      %get3A_2078 = arith.constant 0 : i32
      %get3A_2079 = arith.constant 81 : i32
      %get3A_2080 = arith.index_cast %get3A_2078 : i32 to index
      %get3A_2081 = arith.index_cast %get3A_2079 : i32 to index
      %get3A_2082 = arith.constant 16 : index
      %get3A_2083 = tpu.vector_load %arg25[%get3A_2080, %get3A_2081, %get3A_2082] {strides = array<i32>} : memref<4x208x32xf32, #tpu.memory_space<vmem>>, vector<1x1x16xf32>,
      %get3A_2084 = vector.shape_cast %get3A_2083 : vector<1x1x16xf32> to vector<16xf32>
      %mul3A_2085 = vector.broadcast %squeeze3A_2067 : f32 to vector<16xf32>
      %mul3A_2086 = arith.mulf %mul3A_2085, %get3A_2084 : vector<16xf32>
      %add3A_2087 = arith.addf %add3A_2065, %mul3A_2086 : vector<16xf32>
      %slice3A_2088 = vector.extract_strided_slice %exp3A_156 {offsets = [2], sizes = [1], strides = [1]} : vector<16xf32> to vector<1xf32>
      %squeeze3A_2089 = vector.extract %slice3A_2088[0] : f32 from vector<1xf32>
      %get3A_2090 = arith.constant 0 : i32
      %get3A_2091 = arith.constant 82 : i32
      %get3A_2092 = arith.index_cast %get3A_2090 : i32 to index
      %get3A_2093 = arith.index_cast %get3A_2091 : i32 to index
      %get3A_2094 = arith.constant 0 : index
      %get3A_2095 = tpu.vector_load %arg25[%get3A_2092, %get3A_2093, %get3A_2094] {strides = array<i32>} : memref<4x208x32xf32, #tpu.memory_space<vmem>>, vector<1x1x16xf32>,
      %get3A_2096 = vector.shape_cast %get3A_2095 : vector<1x1x16xf32> to vector<16xf32>
      %mul3A_2097 = vector.broadcast %squeeze3A_2089 : f32 to vector<16xf32>
      %mul3A_2098 = arith.mulf %mul3A_2097, %get3A_2096 : vector<16xf32>
      %add3A_2099 = arith.addf %add3A_2077, %mul3A_2098 : vector<16xf32>
      %get3A_2100 = arith.constant 0 : i32
      %get3A_2101 = arith.constant 82 : i32
      %get3A_2102 = arith.index_cast %get3A_2100 : i32 to index
      %get3A_2103 = arith.index_cast %get3A_2101 : i32 to index
      %get3A_2104 = arith.constant 16 : index
      %get3A_2105 = tpu.vector_load %arg25[%get3A_2102, %get3A_2103, %get3A_2104] {strides = array<i32>} : memref<4x208x32xf32, #tpu.memory_space<vmem>>, vector<1x1x16xf32>,
      %get3A_2106 = vector.shape_cast %get3A_2105 : vector<1x1x16xf32> to vector<16xf32>
      %mul3A_2107 = vector.broadcast %squeeze3A_2089 : f32 to vector<16xf32>
      %mul3A_2108 = arith.mulf %mul3A_2107, %get3A_2106 : vector<16xf32>
      %add3A_2109 = arith.addf %add3A_2087, %mul3A_2108 : vector<16xf32>
      %slice3A_2110 = vector.extract_strided_slice %exp3A_156 {offsets = [3], sizes = [1], strides = [1]} : vector<16xf32> to vector<1xf32>
      %squeeze3A_2111 = vector.extract %slice3A_2110[0] : f32 from vector<1xf32>
      %get3A_2112 = arith.constant 0 : i32
      %get3A_2113 = arith.constant 83 : i32
      %get3A_2114 = arith.index_cast %get3A_2112 : i32 to index
      %get3A_2115 = arith.index_cast %get3A_2113 : i32 to index
      %get3A_2116 = arith.constant 0 : index
      %get3A_2117 = tpu.vector_load %arg25[%get3A_2114, %get3A_2115, %get3A_2116] {strides = array<i32>} : memref<4x208x32xf32, #tpu.memory_space<vmem>>, vector<1x1x16xf32>,
      %get3A_2118 = vector.shape_cast %get3A_2117 : vector<1x1x16xf32> to vector<16xf32>
      %mul3A_2119 = vector.broadcast %squeeze3A_2111 : f32 to vector<16xf32>
      %mul3A_2120 = arith.mulf %mul3A_2119, %get3A_2118 : vector<16xf32>
      %add3A_2121 = arith.addf %add3A_2099, %mul3A_2120 : vector<16xf32>
      %get3A_2122 = arith.constant 0 : i32
      %get3A_2123 = arith.constant 83 : i32
      %get3A_2124 = arith.index_cast %get3A_2122 : i32 to index
      %get3A_2125 = arith.index_cast %get3A_2123 : i32 to index
      %get3A_2126 = arith.constant 16 : index
      %get3A_2127 = tpu.vector_load %arg25[%get3A_2124, %get3A_2125, %get3A_2126] {strides = array<i32>} : memref<4x208x32xf32, #tpu.memory_space<vmem>>, vector<1x1x16xf32>,
      %get3A_2128 = vector.shape_cast %get3A_2127 : vector<1x1x16xf32> to vector<16xf32>
      %mul3A_2129 = vector.broadcast %squeeze3A_2111 : f32 to vector<16xf32>
      %mul3A_2130 = arith.mulf %mul3A_2129, %get3A_2128 : vector<16xf32>
      %add3A_2131 = arith.addf %add3A_2109, %mul3A_2130 : vector<16xf32>
      %slice3A_2132 = vector.extract_strided_slice %exp3A_156 {offsets = [4], sizes = [1], strides = [1]} : vector<16xf32> to vector<1xf32>
      %squeeze3A_2133 = vector.extract %slice3A_2132[0] : f32 from vector<1xf32>
      %get3A_2134 = arith.constant 0 : i32
      %get3A_2135 = arith.constant 84 : i32
      %get3A_2136 = arith.index_cast %get3A_2134 : i32 to index
      %get3A_2137 = arith.index_cast %get3A_2135 : i32 to index
      %get3A_2138 = arith.constant 0 : index
      %get3A_2139 = tpu.vector_load %arg25[%get3A_2136, %get3A_2137, %get3A_2138] {strides = array<i32>} : memref<4x208x32xf32, #tpu.memory_space<vmem>>, vector<1x1x16xf32>,
      %get3A_2140 = vector.shape_cast %get3A_2139 : vector<1x1x16xf32> to vector<16xf32>
      %mul3A_2141 = vector.broadcast %squeeze3A_2133 : f32 to vector<16xf32>
      %mul3A_2142 = arith.mulf %mul3A_2141, %get3A_2140 : vector<16xf32>
      %add3A_2143 = arith.addf %add3A_2121, %mul3A_2142 : vector<16xf32>
      %get3A_2144 = arith.constant 0 : i32
      %get3A_2145 = arith.constant 84 : i32
      %get3A_2146 = arith.index_cast %get3A_2144 : i32 to index
      %get3A_2147 = arith.index_cast %get3A_2145 : i32 to index
      %get3A_2148 = arith.constant 16 : index
      %get3A_2149 = tpu.vector_load %arg25[%get3A_2146, %get3A_2147, %get3A_2148] {strides = array<i32>} : memref<4x208x32xf32, #tpu.memory_space<vmem>>, vector<1x1x16xf32>,
      %get3A_2150 = vector.shape_cast %get3A_2149 : vector<1x1x16xf32> to vector<16xf32>
      %mul3A_2151 = vector.broadcast %squeeze3A_2133 : f32 to vector<16xf32>
      %mul3A_2152 = arith.mulf %mul3A_2151, %get3A_2150 : vector<16xf32>
      %add3A_2153 = arith.addf %add3A_2131, %mul3A_2152 : vector<16xf32>
      %slice3A_2154 = vector.extract_strided_slice %exp3A_156 {offsets = [5], sizes = [1], strides = [1]} : vector<16xf32> to vector<1xf32>
      %squeeze3A_2155 = vector.extract %slice3A_2154[0] : f32 from vector<1xf32>
      %get3A_2156 = arith.constant 0 : i32
      %get3A_2157 = arith.constant 85 : i32
      %get3A_2158 = arith.index_cast %get3A_2156 : i32 to index
      %get3A_2159 = arith.index_cast %get3A_2157 : i32 to index
      %get3A_2160 = arith.constant 0 : index
      %get3A_2161 = tpu.vector_load %arg25[%get3A_2158, %get3A_2159, %get3A_2160] {strides = array<i32>} : memref<4x208x32xf32, #tpu.memory_space<vmem>>, vector<1x1x16xf32>,
      %get3A_2162 = vector.shape_cast %get3A_2161 : vector<1x1x16xf32> to vector<16xf32>
      %mul3A_2163 = vector.broadcast %squeeze3A_2155 : f32 to vector<16xf32>
      %mul3A_2164 = arith.mulf %mul3A_2163, %get3A_2162 : vector<16xf32>
      %add3A_2165 = arith.addf %add3A_2143, %mul3A_2164 : vector<16xf32>
      %get3A_2166 = arith.constant 0 : i32
      %get3A_2167 = arith.constant 85 : i32
      %get3A_2168 = arith.index_cast %get3A_2166 : i32 to index
      %get3A_2169 = arith.index_cast %get3A_2167 : i32 to index
      %get3A_2170 = arith.constant 16 : index
      %get3A_2171 = tpu.vector_load %arg25[%get3A_2168, %get3A_2169, %get3A_2170] {strides = array<i32>} : memref<4x208x32xf32, #tpu.memory_space<vmem>>, vector<1x1x16xf32>,
      %get3A_2172 = vector.shape_cast %get3A_2171 : vector<1x1x16xf32> to vector<16xf32>
      %mul3A_2173 = vector.broadcast %squeeze3A_2155 : f32 to vector<16xf32>
      %mul3A_2174 = arith.mulf %mul3A_2173, %get3A_2172 : vector<16xf32>
      %add3A_2175 = arith.addf %add3A_2153, %mul3A_2174 : vector<16xf32>
      %slice3A_2176 = vector.extract_strided_slice %exp3A_156 {offsets = [6], sizes = [1], strides = [1]} : vector<16xf32> to vector<1xf32>
      %squeeze3A_2177 = vector.extract %slice3A_2176[0] : f32 from vector<1xf32>
      %get3A_2178 = arith.constant 0 : i32
      %get3A_2179 = arith.constant 86 : i32
      %get3A_2180 = arith.index_cast %get3A_2178 : i32 to index
      %get3A_2181 = arith.index_cast %get3A_2179 : i32 to index
      %get3A_2182 = arith.constant 0 : index
      %get3A_2183 = tpu.vector_load %arg25[%get3A_2180, %get3A_2181, %get3A_2182] {strides = array<i32>} : memref<4x208x32xf32, #tpu.memory_space<vmem>>, vector<1x1x16xf32>,
      %get3A_2184 = vector.shape_cast %get3A_2183 : vector<1x1x16xf32> to vector<16xf32>
      %mul3A_2185 = vector.broadcast %squeeze3A_2177 : f32 to vector<16xf32>
      %mul3A_2186 = arith.mulf %mul3A_2185, %get3A_2184 : vector<16xf32>
      %add3A_2187 = arith.addf %add3A_2165, %mul3A_2186 : vector<16xf32>
      %get3A_2188 = arith.constant 0 : i32
      %get3A_2189 = arith.constant 86 : i32
      %get3A_2190 = arith.index_cast %get3A_2188 : i32 to index
      %get3A_2191 = arith.index_cast %get3A_2189 : i32 to index
      %get3A_2192 = arith.constant 16 : index
      %get3A_2193 = tpu.vector_load %arg25[%get3A_2190, %get3A_2191, %get3A_2192] {strides = array<i32>} : memref<4x208x32xf32, #tpu.memory_space<vmem>>, vector<1x1x16xf32>,
      %get3A_2194 = vector.shape_cast %get3A_2193 : vector<1x1x16xf32> to vector<16xf32>
      %mul3A_2195 = vector.broadcast %squeeze3A_2177 : f32 to vector<16xf32>
      %mul3A_2196 = arith.mulf %mul3A_2195, %get3A_2194 : vector<16xf32>
      %add3A_2197 = arith.addf %add3A_2175, %mul3A_2196 : vector<16xf32>
      %slice3A_2198 = vector.extract_strided_slice %exp3A_156 {offsets = [7], sizes = [1], strides = [1]} : vector<16xf32> to vector<1xf32>
      %squeeze3A_2199 = vector.extract %slice3A_2198[0] : f32 from vector<1xf32>
      %get3A_2200 = arith.constant 0 : i32
      %get3A_2201 = arith.constant 87 : i32
      %get3A_2202 = arith.index_cast %get3A_2200 : i32 to index
      %get3A_2203 = arith.index_cast %get3A_2201 : i32 to index
      %get3A_2204 = arith.constant 0 : index
      %get3A_2205 = tpu.vector_load %arg25[%get3A_2202, %get3A_2203, %get3A_2204] {strides = array<i32>} : memref<4x208x32xf32, #tpu.memory_space<vmem>>, vector<1x1x16xf32>,
      %get3A_2206 = vector.shape_cast %get3A_2205 : vector<1x1x16xf32> to vector<16xf32>
      %mul3A_2207 = vector.broadcast %squeeze3A_2199 : f32 to vector<16xf32>
      %mul3A_2208 = arith.mulf %mul3A_2207, %get3A_2206 : vector<16xf32>
      %add3A_2209 = arith.addf %add3A_2187, %mul3A_2208 : vector<16xf32>
      %get3A_2210 = arith.constant 0 : i32
      %get3A_2211 = arith.constant 87 : i32
      %get3A_2212 = arith.index_cast %get3A_2210 : i32 to index
      %get3A_2213 = arith.index_cast %get3A_2211 : i32 to index
      %get3A_2214 = arith.constant 16 : index
      %get3A_2215 = tpu.vector_load %arg25[%get3A_2212, %get3A_2213, %get3A_2214] {strides = array<i32>} : memref<4x208x32xf32, #tpu.memory_space<vmem>>, vector<1x1x16xf32>,
      %get3A_2216 = vector.shape_cast %get3A_2215 : vector<1x1x16xf32> to vector<16xf32>
      %mul3A_2217 = vector.broadcast %squeeze3A_2199 : f32 to vector<16xf32>
      %mul3A_2218 = arith.mulf %mul3A_2217, %get3A_2216 : vector<16xf32>
      %add3A_2219 = arith.addf %add3A_2197, %mul3A_2218 : vector<16xf32>
      %slice3A_2220 = vector.extract_strided_slice %exp3A_156 {offsets = [8], sizes = [1], strides = [1]} : vector<16xf32> to vector<1xf32>
      %squeeze3A_2221 = vector.extract %slice3A_2220[0] : f32 from vector<1xf32>
      %get3A_2222 = arith.constant 0 : i32
      %get3A_2223 = arith.constant 88 : i32
      %get3A_2224 = arith.index_cast %get3A_2222 : i32 to index
      %get3A_2225 = arith.index_cast %get3A_2223 : i32 to index
      %get3A_2226 = arith.constant 0 : index
      %get3A_2227 = tpu.vector_load %arg25[%get3A_2224, %get3A_2225, %get3A_2226] {strides = array<i32>} : memref<4x208x32xf32, #tpu.memory_space<vmem>>, vector<1x1x16xf32>,
      %get3A_2228 = vector.shape_cast %get3A_2227 : vector<1x1x16xf32> to vector<16xf32>
      %mul3A_2229 = vector.broadcast %squeeze3A_2221 : f32 to vector<16xf32>
      %mul3A_2230 = arith.mulf %mul3A_2229, %get3A_2228 : vector<16xf32>
      %add3A_2231 = arith.addf %add3A_2209, %mul3A_2230 : vector<16xf32>
      %get3A_2232 = arith.constant 0 : i32
      %get3A_2233 = arith.constant 88 : i32
      %get3A_2234 = arith.index_cast %get3A_2232 : i32 to index
      %get3A_2235 = arith.index_cast %get3A_2233 : i32 to index
      %get3A_2236 = arith.constant 16 : index
      %get3A_2237 = tpu.vector_load %arg25[%get3A_2234, %get3A_2235, %get3A_2236] {strides = array<i32>} : memref<4x208x32xf32, #tpu.memory_space<vmem>>, vector<1x1x16xf32>,
      %get3A_2238 = vector.shape_cast %get3A_2237 : vector<1x1x16xf32> to vector<16xf32>
      %mul3A_2239 = vector.broadcast %squeeze3A_2221 : f32 to vector<16xf32>
      %mul3A_2240 = arith.mulf %mul3A_2239, %get3A_2238 : vector<16xf32>
      %add3A_2241 = arith.addf %add3A_2219, %mul3A_2240 : vector<16xf32>
      %slice3A_2242 = vector.extract_strided_slice %exp3A_156 {offsets = [9], sizes = [1], strides = [1]} : vector<16xf32> to vector<1xf32>
      %squeeze3A_2243 = vector.extract %slice3A_2242[0] : f32 from vector<1xf32>
      %get3A_2244 = arith.constant 0 : i32
      %get3A_2245 = arith.constant 89 : i32
      %get3A_2246 = arith.index_cast %get3A_2244 : i32 to index
      %get3A_2247 = arith.index_cast %get3A_2245 : i32 to index
      %get3A_2248 = arith.constant 0 : index
      %get3A_2249 = tpu.vector_load %arg25[%get3A_2246, %get3A_2247, %get3A_2248] {strides = array<i32>} : memref<4x208x32xf32, #tpu.memory_space<vmem>>, vector<1x1x16xf32>,
      %get3A_2250 = vector.shape_cast %get3A_2249 : vector<1x1x16xf32> to vector<16xf32>
      %mul3A_2251 = vector.broadcast %squeeze3A_2243 : f32 to vector<16xf32>
      %mul3A_2252 = arith.mulf %mul3A_2251, %get3A_2250 : vector<16xf32>
      %add3A_2253 = arith.addf %add3A_2231, %mul3A_2252 : vector<16xf32>
      %get3A_2254 = arith.constant 0 : i32
      %get3A_2255 = arith.constant 89 : i32
      %get3A_2256 = arith.index_cast %get3A_2254 : i32 to index
      %get3A_2257 = arith.index_cast %get3A_2255 : i32 to index
      %get3A_2258 = arith.constant 16 : index
      %get3A_2259 = tpu.vector_load %arg25[%get3A_2256, %get3A_2257, %get3A_2258] {strides = array<i32>} : memref<4x208x32xf32, #tpu.memory_space<vmem>>, vector<1x1x16xf32>,
      %get3A_2260 = vector.shape_cast %get3A_2259 : vector<1x1x16xf32> to vector<16xf32>
      %mul3A_2261 = vector.broadcast %squeeze3A_2243 : f32 to vector<16xf32>
      %mul3A_2262 = arith.mulf %mul3A_2261, %get3A_2260 : vector<16xf32>
      %add3A_2263 = arith.addf %add3A_2241, %mul3A_2262 : vector<16xf32>
      %slice3A_2264 = vector.extract_strided_slice %exp3A_156 {offsets = [10], sizes = [1], strides = [1]} : vector<16xf32> to vector<1xf32>
      %squeeze3A_2265 = vector.extract %slice3A_2264[0] : f32 from vector<1xf32>
      %get3A_2266 = arith.constant 0 : i32
      %get3A_2267 = arith.constant 90 : i32
      %get3A_2268 = arith.index_cast %get3A_2266 : i32 to index
      %get3A_2269 = arith.index_cast %get3A_2267 : i32 to index
      %get3A_2270 = arith.constant 0 : index
      %get3A_2271 = tpu.vector_load %arg25[%get3A_2268, %get3A_2269, %get3A_2270] {strides = array<i32>} : memref<4x208x32xf32, #tpu.memory_space<vmem>>, vector<1x1x16xf32>,
      %get3A_2272 = vector.shape_cast %get3A_2271 : vector<1x1x16xf32> to vector<16xf32>
      %mul3A_2273 = vector.broadcast %squeeze3A_2265 : f32 to vector<16xf32>
      %mul3A_2274 = arith.mulf %mul3A_2273, %get3A_2272 : vector<16xf32>
      %add3A_2275 = arith.addf %add3A_2253, %mul3A_2274 : vector<16xf32>
      %get3A_2276 = arith.constant 0 : i32
      %get3A_2277 = arith.constant 90 : i32
      %get3A_2278 = arith.index_cast %get3A_2276 : i32 to index
      %get3A_2279 = arith.index_cast %get3A_2277 : i32 to index
      %get3A_2280 = arith.constant 16 : index
      %get3A_2281 = tpu.vector_load %arg25[%get3A_2278, %get3A_2279, %get3A_2280] {strides = array<i32>} : memref<4x208x32xf32, #tpu.memory_space<vmem>>, vector<1x1x16xf32>,
      %get3A_2282 = vector.shape_cast %get3A_2281 : vector<1x1x16xf32> to vector<16xf32>
      %mul3A_2283 = vector.broadcast %squeeze3A_2265 : f32 to vector<16xf32>
      %mul3A_2284 = arith.mulf %mul3A_2283, %get3A_2282 : vector<16xf32>
      %add3A_2285 = arith.addf %add3A_2263, %mul3A_2284 : vector<16xf32>
      %slice3A_2286 = vector.extract_strided_slice %exp3A_156 {offsets = [11], sizes = [1], strides = [1]} : vector<16xf32> to vector<1xf32>
      %squeeze3A_2287 = vector.extract %slice3A_2286[0] : f32 from vector<1xf32>
      %get3A_2288 = arith.constant 0 : i32
      %get3A_2289 = arith.constant 91 : i32
      %get3A_2290 = arith.index_cast %get3A_2288 : i32 to index
      %get3A_2291 = arith.index_cast %get3A_2289 : i32 to index
      %get3A_2292 = arith.constant 0 : index
      %get3A_2293 = tpu.vector_load %arg25[%get3A_2290, %get3A_2291, %get3A_2292] {strides = array<i32>} : memref<4x208x32xf32, #tpu.memory_space<vmem>>, vector<1x1x16xf32>,
      %get3A_2294 = vector.shape_cast %get3A_2293 : vector<1x1x16xf32> to vector<16xf32>
      %mul3A_2295 = vector.broadcast %squeeze3A_2287 : f32 to vector<16xf32>
      %mul3A_2296 = arith.mulf %mul3A_2295, %get3A_2294 : vector<16xf32>
      %add3A_2297 = arith.addf %add3A_2275, %mul3A_2296 : vector<16xf32>
      %get3A_2298 = arith.constant 0 : i32
      %get3A_2299 = arith.constant 91 : i32
      %get3A_2300 = arith.index_cast %get3A_2298 : i32 to index
      %get3A_2301 = arith.index_cast %get3A_2299 : i32 to index
      %get3A_2302 = arith.constant 16 : index
      %get3A_2303 = tpu.vector_load %arg25[%get3A_2300, %get3A_2301, %get3A_2302] {strides = array<i32>} : memref<4x208x32xf32, #tpu.memory_space<vmem>>, vector<1x1x16xf32>,
      %get3A_2304 = vector.shape_cast %get3A_2303 : vector<1x1x16xf32> to vector<16xf32>
      %mul3A_2305 = vector.broadcast %squeeze3A_2287 : f32 to vector<16xf32>
      %mul3A_2306 = arith.mulf %mul3A_2305, %get3A_2304 : vector<16xf32>
      %add3A_2307 = arith.addf %add3A_2285, %mul3A_2306 : vector<16xf32>
      %slice3A_2308 = vector.extract_strided_slice %exp3A_156 {offsets = [12], sizes = [1], strides = [1]} : vector<16xf32> to vector<1xf32>
      %squeeze3A_2309 = vector.extract %slice3A_2308[0] : f32 from vector<1xf32>
      %get3A_2310 = arith.constant 0 : i32
      %get3A_2311 = arith.constant 92 : i32
      %get3A_2312 = arith.index_cast %get3A_2310 : i32 to index
      %get3A_2313 = arith.index_cast %get3A_2311 : i32 to index
      %get3A_2314 = arith.constant 0 : index
      %get3A_2315 = tpu.vector_load %arg25[%get3A_2312, %get3A_2313, %get3A_2314] {strides = array<i32>} : memref<4x208x32xf32, #tpu.memory_space<vmem>>, vector<1x1x16xf32>,
      %get3A_2316 = vector.shape_cast %get3A_2315 : vector<1x1x16xf32> to vector<16xf32>
      %mul3A_2317 = vector.broadcast %squeeze3A_2309 : f32 to vector<16xf32>
      %mul3A_2318 = arith.mulf %mul3A_2317, %get3A_2316 : vector<16xf32>
      %add3A_2319 = arith.addf %add3A_2297, %mul3A_2318 : vector<16xf32>
      %get3A_2320 = arith.constant 0 : i32
      %get3A_2321 = arith.constant 92 : i32
      %get3A_2322 = arith.index_cast %get3A_2320 : i32 to index
      %get3A_2323 = arith.index_cast %get3A_2321 : i32 to index
      %get3A_2324 = arith.constant 16 : index
      %get3A_2325 = tpu.vector_load %arg25[%get3A_2322, %get3A_2323, %get3A_2324] {strides = array<i32>} : memref<4x208x32xf32, #tpu.memory_space<vmem>>, vector<1x1x16xf32>,
      %get3A_2326 = vector.shape_cast %get3A_2325 : vector<1x1x16xf32> to vector<16xf32>
      %mul3A_2327 = vector.broadcast %squeeze3A_2309 : f32 to vector<16xf32>
      %mul3A_2328 = arith.mulf %mul3A_2327, %get3A_2326 : vector<16xf32>
      %add3A_2329 = arith.addf %add3A_2307, %mul3A_2328 : vector<16xf32>
      %slice3A_2330 = vector.extract_strided_slice %exp3A_156 {offsets = [13], sizes = [1], strides = [1]} : vector<16xf32> to vector<1xf32>
      %squeeze3A_2331 = vector.extract %slice3A_2330[0] : f32 from vector<1xf32>
      %get3A_2332 = arith.constant 0 : i32
      %get3A_2333 = arith.constant 93 : i32
      %get3A_2334 = arith.index_cast %get3A_2332 : i32 to index
      %get3A_2335 = arith.index_cast %get3A_2333 : i32 to index
      %get3A_2336 = arith.constant 0 : index
      %get3A_2337 = tpu.vector_load %arg25[%get3A_2334, %get3A_2335, %get3A_2336] {strides = array<i32>} : memref<4x208x32xf32, #tpu.memory_space<vmem>>, vector<1x1x16xf32>,
      %get3A_2338 = vector.shape_cast %get3A_2337 : vector<1x1x16xf32> to vector<16xf32>
      %mul3A_2339 = vector.broadcast %squeeze3A_2331 : f32 to vector<16xf32>
      %mul3A_2340 = arith.mulf %mul3A_2339, %get3A_2338 : vector<16xf32>
      %add3A_2341 = arith.addf %add3A_2319, %mul3A_2340 : vector<16xf32>
      %get3A_2342 = arith.constant 0 : i32
      %get3A_2343 = arith.constant 93 : i32
      %get3A_2344 = arith.index_cast %get3A_2342 : i32 to index
      %get3A_2345 = arith.index_cast %get3A_2343 : i32 to index
      %get3A_2346 = arith.constant 16 : index
      %get3A_2347 = tpu.vector_load %arg25[%get3A_2344, %get3A_2345, %get3A_2346] {strides = array<i32>} : memref<4x208x32xf32, #tpu.memory_space<vmem>>, vector<1x1x16xf32>,
      %get3A_2348 = vector.shape_cast %get3A_2347 : vector<1x1x16xf32> to vector<16xf32>
      %mul3A_2349 = vector.broadcast %squeeze3A_2331 : f32 to vector<16xf32>
      %mul3A_2350 = arith.mulf %mul3A_2349, %get3A_2348 : vector<16xf32>
      %add3A_2351 = arith.addf %add3A_2329, %mul3A_2350 : vector<16xf32>
      %slice3A_2352 = vector.extract_strided_slice %exp3A_156 {offsets = [14], sizes = [1], strides = [1]} : vector<16xf32> to vector<1xf32>
      %squeeze3A_2353 = vector.extract %slice3A_2352[0] : f32 from vector<1xf32>
      %get3A_2354 = arith.constant 0 : i32
      %get3A_2355 = arith.constant 94 : i32
      %get3A_2356 = arith.index_cast %get3A_2354 : i32 to index
      %get3A_2357 = arith.index_cast %get3A_2355 : i32 to index
      %get3A_2358 = arith.constant 0 : index
      %get3A_2359 = tpu.vector_load %arg25[%get3A_2356, %get3A_2357, %get3A_2358] {strides = array<i32>} : memref<4x208x32xf32, #tpu.memory_space<vmem>>, vector<1x1x16xf32>,
      %get3A_2360 = vector.shape_cast %get3A_2359 : vector<1x1x16xf32> to vector<16xf32>
      %mul3A_2361 = vector.broadcast %squeeze3A_2353 : f32 to vector<16xf32>
      %mul3A_2362 = arith.mulf %mul3A_2361, %get3A_2360 : vector<16xf32>
      %add3A_2363 = arith.addf %add3A_2341, %mul3A_2362 : vector<16xf32>
      %get3A_2364 = arith.constant 0 : i32
      %get3A_2365 = arith.constant 94 : i32
      %get3A_2366 = arith.index_cast %get3A_2364 : i32 to index
      %get3A_2367 = arith.index_cast %get3A_2365 : i32 to index
      %get3A_2368 = arith.constant 16 : index
      %get3A_2369 = tpu.vector_load %arg25[%get3A_2366, %get3A_2367, %get3A_2368] {strides = array<i32>} : memref<4x208x32xf32, #tpu.memory_space<vmem>>, vector<1x1x16xf32>,
      %get3A_2370 = vector.shape_cast %get3A_2369 : vector<1x1x16xf32> to vector<16xf32>
      %mul3A_2371 = vector.broadcast %squeeze3A_2353 : f32 to vector<16xf32>
      %mul3A_2372 = arith.mulf %mul3A_2371, %get3A_2370 : vector<16xf32>
      %add3A_2373 = arith.addf %add3A_2351, %mul3A_2372 : vector<16xf32>
      %slice3A_2374 = vector.extract_strided_slice %exp3A_156 {offsets = [15], sizes = [1], strides = [1]} : vector<16xf32> to vector<1xf32>
      %squeeze3A_2375 = vector.extract %slice3A_2374[0] : f32 from vector<1xf32>
      %get3A_2376 = arith.constant 0 : i32
      %get3A_2377 = arith.constant 95 : i32
      %get3A_2378 = arith.index_cast %get3A_2376 : i32 to index
      %get3A_2379 = arith.index_cast %get3A_2377 : i32 to index
      %get3A_2380 = arith.constant 0 : index
      %get3A_2381 = tpu.vector_load %arg25[%get3A_2378, %get3A_2379, %get3A_2380] {strides = array<i32>} : memref<4x208x32xf32, #tpu.memory_space<vmem>>, vector<1x1x16xf32>,
      %get3A_2382 = vector.shape_cast %get3A_2381 : vector<1x1x16xf32> to vector<16xf32>
      %mul3A_2383 = vector.broadcast %squeeze3A_2375 : f32 to vector<16xf32>
      %mul3A_2384 = arith.mulf %mul3A_2383, %get3A_2382 : vector<16xf32>
      %add3A_2385 = arith.addf %add3A_2363, %mul3A_2384 : vector<16xf32>
      %get3A_2386 = arith.constant 0 : i32
      %get3A_2387 = arith.constant 95 : i32
      %get3A_2388 = arith.index_cast %get3A_2386 : i32 to index
      %get3A_2389 = arith.index_cast %get3A_2387 : i32 to index
      %get3A_2390 = arith.constant 16 : index
      %get3A_2391 = tpu.vector_load %arg25[%get3A_2388, %get3A_2389, %get3A_2390] {strides = array<i32>} : memref<4x208x32xf32, #tpu.memory_space<vmem>>, vector<1x1x16xf32>,
      %get3A_2392 = vector.shape_cast %get3A_2391 : vector<1x1x16xf32> to vector<16xf32>
      %mul3A_2393 = vector.broadcast %squeeze3A_2375 : f32 to vector<16xf32>
      %mul3A_2394 = arith.mulf %mul3A_2393, %get3A_2392 : vector<16xf32>
      %add3A_2395 = arith.addf %add3A_2373, %mul3A_2394 : vector<16xf32>
      %slice3A_2396 = vector.extract_strided_slice %exp3A_166 {offsets = [0], sizes = [1], strides = [1]} : vector<16xf32> to vector<1xf32>
      %squeeze3A_2397 = vector.extract %slice3A_2396[0] : f32 from vector<1xf32>
      %get3A_2398 = arith.constant 0 : i32
      %get3A_2399 = arith.constant 96 : i32
      %get3A_2400 = arith.index_cast %get3A_2398 : i32 to index
      %get3A_2401 = arith.index_cast %get3A_2399 : i32 to index
      %get3A_2402 = arith.constant 0 : index
      %get3A_2403 = tpu.vector_load %arg25[%get3A_2400, %get3A_2401, %get3A_2402] {strides = array<i32>} : memref<4x208x32xf32, #tpu.memory_space<vmem>>, vector<1x1x16xf32>,
      %get3A_2404 = vector.shape_cast %get3A_2403 : vector<1x1x16xf32> to vector<16xf32>
      %mul3A_2405 = vector.broadcast %squeeze3A_2397 : f32 to vector<16xf32>
      %mul3A_2406 = arith.mulf %mul3A_2405, %get3A_2404 : vector<16xf32>
      %add3A_2407 = arith.addf %add3A_2385, %mul3A_2406 : vector<16xf32>
      %get3A_2408 = arith.constant 0 : i32
      %get3A_2409 = arith.constant 96 : i32
      %get3A_2410 = arith.index_cast %get3A_2408 : i32 to index
      %get3A_2411 = arith.index_cast %get3A_2409 : i32 to index
      %get3A_2412 = arith.constant 16 : index
      %get3A_2413 = tpu.vector_load %arg25[%get3A_2410, %get3A_2411, %get3A_2412] {strides = array<i32>} : memref<4x208x32xf32, #tpu.memory_space<vmem>>, vector<1x1x16xf32>,
      %get3A_2414 = vector.shape_cast %get3A_2413 : vector<1x1x16xf32> to vector<16xf32>
      %mul3A_2415 = vector.broadcast %squeeze3A_2397 : f32 to vector<16xf32>
      %mul3A_2416 = arith.mulf %mul3A_2415, %get3A_2414 : vector<16xf32>
      %add3A_2417 = arith.addf %add3A_2395, %mul3A_2416 : vector<16xf32>
      %slice3A_2418 = vector.extract_strided_slice %exp3A_166 {offsets = [1], sizes = [1], strides = [1]} : vector<16xf32> to vector<1xf32>
      %squeeze3A_2419 = vector.extract %slice3A_2418[0] : f32 from vector<1xf32>
      %get3A_2420 = arith.constant 0 : i32
      %get3A_2421 = arith.constant 97 : i32
      %get3A_2422 = arith.index_cast %get3A_2420 : i32 to index
      %get3A_2423 = arith.index_cast %get3A_2421 : i32 to index
      %get3A_2424 = arith.constant 0 : index
      %get3A_2425 = tpu.vector_load %arg25[%get3A_2422, %get3A_2423, %get3A_2424] {strides = array<i32>} : memref<4x208x32xf32, #tpu.memory_space<vmem>>, vector<1x1x16xf32>,
      %get3A_2426 = vector.shape_cast %get3A_2425 : vector<1x1x16xf32> to vector<16xf32>
      %mul3A_2427 = vector.broadcast %squeeze3A_2419 : f32 to vector<16xf32>
      %mul3A_2428 = arith.mulf %mul3A_2427, %get3A_2426 : vector<16xf32>
      %add3A_2429 = arith.addf %add3A_2407, %mul3A_2428 : vector<16xf32>
      %get3A_2430 = arith.constant 0 : i32
      %get3A_2431 = arith.constant 97 : i32
      %get3A_2432 = arith.index_cast %get3A_2430 : i32 to index
      %get3A_2433 = arith.index_cast %get3A_2431 : i32 to index
      %get3A_2434 = arith.constant 16 : index
      %get3A_2435 = tpu.vector_load %arg25[%get3A_2432, %get3A_2433, %get3A_2434] {strides = array<i32>} : memref<4x208x32xf32, #tpu.memory_space<vmem>>, vector<1x1x16xf32>,
      %get3A_2436 = vector.shape_cast %get3A_2435 : vector<1x1x16xf32> to vector<16xf32>
      %mul3A_2437 = vector.broadcast %squeeze3A_2419 : f32 to vector<16xf32>
      %mul3A_2438 = arith.mulf %mul3A_2437, %get3A_2436 : vector<16xf32>
      %add3A_2439 = arith.addf %add3A_2417, %mul3A_2438 : vector<16xf32>
      %slice3A_2440 = vector.extract_strided_slice %exp3A_166 {offsets = [2], sizes = [1], strides = [1]} : vector<16xf32> to vector<1xf32>
      %squeeze3A_2441 = vector.extract %slice3A_2440[0] : f32 from vector<1xf32>
      %get3A_2442 = arith.constant 0 : i32
      %get3A_2443 = arith.constant 98 : i32
      %get3A_2444 = arith.index_cast %get3A_2442 : i32 to index
      %get3A_2445 = arith.index_cast %get3A_2443 : i32 to index
      %get3A_2446 = arith.constant 0 : index
      %get3A_2447 = tpu.vector_load %arg25[%get3A_2444, %get3A_2445, %get3A_2446] {strides = array<i32>} : memref<4x208x32xf32, #tpu.memory_space<vmem>>, vector<1x1x16xf32>,
      %get3A_2448 = vector.shape_cast %get3A_2447 : vector<1x1x16xf32> to vector<16xf32>
      %mul3A_2449 = vector.broadcast %squeeze3A_2441 : f32 to vector<16xf32>
      %mul3A_2450 = arith.mulf %mul3A_2449, %get3A_2448 : vector<16xf32>
      %add3A_2451 = arith.addf %add3A_2429, %mul3A_2450 : vector<16xf32>
      %get3A_2452 = arith.constant 0 : i32
      %get3A_2453 = arith.constant 98 : i32
      %get3A_2454 = arith.index_cast %get3A_2452 : i32 to index
      %get3A_2455 = arith.index_cast %get3A_2453 : i32 to index
      %get3A_2456 = arith.constant 16 : index
      %get3A_2457 = tpu.vector_load %arg25[%get3A_2454, %get3A_2455, %get3A_2456] {strides = array<i32>} : memref<4x208x32xf32, #tpu.memory_space<vmem>>, vector<1x1x16xf32>,
      %get3A_2458 = vector.shape_cast %get3A_2457 : vector<1x1x16xf32> to vector<16xf32>
      %mul3A_2459 = vector.broadcast %squeeze3A_2441 : f32 to vector<16xf32>
      %mul3A_2460 = arith.mulf %mul3A_2459, %get3A_2458 : vector<16xf32>
      %add3A_2461 = arith.addf %add3A_2439, %mul3A_2460 : vector<16xf32>
      %slice3A_2462 = vector.extract_strided_slice %exp3A_166 {offsets = [3], sizes = [1], strides = [1]} : vector<16xf32> to vector<1xf32>
      %squeeze3A_2463 = vector.extract %slice3A_2462[0] : f32 from vector<1xf32>
      %get3A_2464 = arith.constant 0 : i32
      %get3A_2465 = arith.constant 99 : i32
      %get3A_2466 = arith.index_cast %get3A_2464 : i32 to index
      %get3A_2467 = arith.index_cast %get3A_2465 : i32 to index
      %get3A_2468 = arith.constant 0 : index
      %get3A_2469 = tpu.vector_load %arg25[%get3A_2466, %get3A_2467, %get3A_2468] {strides = array<i32>} : memref<4x208x32xf32, #tpu.memory_space<vmem>>, vector<1x1x16xf32>,
      %get3A_2470 = vector.shape_cast %get3A_2469 : vector<1x1x16xf32> to vector<16xf32>
      %mul3A_2471 = vector.broadcast %squeeze3A_2463 : f32 to vector<16xf32>
      %mul3A_2472 = arith.mulf %mul3A_2471, %get3A_2470 : vector<16xf32>
      %add3A_2473 = arith.addf %add3A_2451, %mul3A_2472 : vector<16xf32>
      %get3A_2474 = arith.constant 0 : i32
      %get3A_2475 = arith.constant 99 : i32
      %get3A_2476 = arith.index_cast %get3A_2474 : i32 to index
      %get3A_2477 = arith.index_cast %get3A_2475 : i32 to index
      %get3A_2478 = arith.constant 16 : index
      %get3A_2479 = tpu.vector_load %arg25[%get3A_2476, %get3A_2477, %get3A_2478] {strides = array<i32>} : memref<4x208x32xf32, #tpu.memory_space<vmem>>, vector<1x1x16xf32>,
      %get3A_2480 = vector.shape_cast %get3A_2479 : vector<1x1x16xf32> to vector<16xf32>
      %mul3A_2481 = vector.broadcast %squeeze3A_2463 : f32 to vector<16xf32>
      %mul3A_2482 = arith.mulf %mul3A_2481, %get3A_2480 : vector<16xf32>
      %add3A_2483 = arith.addf %add3A_2461, %mul3A_2482 : vector<16xf32>
      %slice3A_2484 = vector.extract_strided_slice %exp3A_166 {offsets = [4], sizes = [1], strides = [1]} : vector<16xf32> to vector<1xf32>
      %squeeze3A_2485 = vector.extract %slice3A_2484[0] : f32 from vector<1xf32>
      %get3A_2486 = arith.constant 0 : i32
      %get3A_2487 = arith.constant 100 : i32
      %get3A_2488 = arith.index_cast %get3A_2486 : i32 to index
      %get3A_2489 = arith.index_cast %get3A_2487 : i32 to index
      %get3A_2490 = arith.constant 0 : index
      %get3A_2491 = tpu.vector_load %arg25[%get3A_2488, %get3A_2489, %get3A_2490] {strides = array<i32>} : memref<4x208x32xf32, #tpu.memory_space<vmem>>, vector<1x1x16xf32>,
      %get3A_2492 = vector.shape_cast %get3A_2491 : vector<1x1x16xf32> to vector<16xf32>
      %mul3A_2493 = vector.broadcast %squeeze3A_2485 : f32 to vector<16xf32>
      %mul3A_2494 = arith.mulf %mul3A_2493, %get3A_2492 : vector<16xf32>
      %add3A_2495 = arith.addf %add3A_2473, %mul3A_2494 : vector<16xf32>
      %get3A_2496 = arith.constant 0 : i32
      %get3A_2497 = arith.constant 100 : i32
      %get3A_2498 = arith.index_cast %get3A_2496 : i32 to index
      %get3A_2499 = arith.index_cast %get3A_2497 : i32 to index
      %get3A_2500 = arith.constant 16 : index
      %get3A_2501 = tpu.vector_load %arg25[%get3A_2498, %get3A_2499, %get3A_2500] {strides = array<i32>} : memref<4x208x32xf32, #tpu.memory_space<vmem>>, vector<1x1x16xf32>,
      %get3A_2502 = vector.shape_cast %get3A_2501 : vector<1x1x16xf32> to vector<16xf32>
      %mul3A_2503 = vector.broadcast %squeeze3A_2485 : f32 to vector<16xf32>
      %mul3A_2504 = arith.mulf %mul3A_2503, %get3A_2502 : vector<16xf32>
      %add3A_2505 = arith.addf %add3A_2483, %mul3A_2504 : vector<16xf32>
      %slice3A_2506 = vector.extract_strided_slice %exp3A_166 {offsets = [5], sizes = [1], strides = [1]} : vector<16xf32> to vector<1xf32>
      %squeeze3A_2507 = vector.extract %slice3A_2506[0] : f32 from vector<1xf32>
      %get3A_2508 = arith.constant 0 : i32
      %get3A_2509 = arith.constant 101 : i32
      %get3A_2510 = arith.index_cast %get3A_2508 : i32 to index
      %get3A_2511 = arith.index_cast %get3A_2509 : i32 to index
      %get3A_2512 = arith.constant 0 : index
      %get3A_2513 = tpu.vector_load %arg25[%get3A_2510, %get3A_2511, %get3A_2512] {strides = array<i32>} : memref<4x208x32xf32, #tpu.memory_space<vmem>>, vector<1x1x16xf32>,
      %get3A_2514 = vector.shape_cast %get3A_2513 : vector<1x1x16xf32> to vector<16xf32>
      %mul3A_2515 = vector.broadcast %squeeze3A_2507 : f32 to vector<16xf32>
      %mul3A_2516 = arith.mulf %mul3A_2515, %get3A_2514 : vector<16xf32>
      %add3A_2517 = arith.addf %add3A_2495, %mul3A_2516 : vector<16xf32>
      %get3A_2518 = arith.constant 0 : i32
      %get3A_2519 = arith.constant 101 : i32
      %get3A_2520 = arith.index_cast %get3A_2518 : i32 to index
      %get3A_2521 = arith.index_cast %get3A_2519 : i32 to index
      %get3A_2522 = arith.constant 16 : index
      %get3A_2523 = tpu.vector_load %arg25[%get3A_2520, %get3A_2521, %get3A_2522] {strides = array<i32>} : memref<4x208x32xf32, #tpu.memory_space<vmem>>, vector<1x1x16xf32>,
      %get3A_2524 = vector.shape_cast %get3A_2523 : vector<1x1x16xf32> to vector<16xf32>
      %mul3A_2525 = vector.broadcast %squeeze3A_2507 : f32 to vector<16xf32>
      %mul3A_2526 = arith.mulf %mul3A_2525, %get3A_2524 : vector<16xf32>
      %add3A_2527 = arith.addf %add3A_2505, %mul3A_2526 : vector<16xf32>
      %slice3A_2528 = vector.extract_strided_slice %exp3A_166 {offsets = [6], sizes = [1], strides = [1]} : vector<16xf32> to vector<1xf32>
      %squeeze3A_2529 = vector.extract %slice3A_2528[0] : f32 from vector<1xf32>
      %get3A_2530 = arith.constant 0 : i32
      %get3A_2531 = arith.constant 102 : i32
      %get3A_2532 = arith.index_cast %get3A_2530 : i32 to index
      %get3A_2533 = arith.index_cast %get3A_2531 : i32 to index
      %get3A_2534 = arith.constant 0 : index
      %get3A_2535 = tpu.vector_load %arg25[%get3A_2532, %get3A_2533, %get3A_2534] {strides = array<i32>} : memref<4x208x32xf32, #tpu.memory_space<vmem>>, vector<1x1x16xf32>,
      %get3A_2536 = vector.shape_cast %get3A_2535 : vector<1x1x16xf32> to vector<16xf32>
      %mul3A_2537 = vector.broadcast %squeeze3A_2529 : f32 to vector<16xf32>
      %mul3A_2538 = arith.mulf %mul3A_2537, %get3A_2536 : vector<16xf32>
      %add3A_2539 = arith.addf %add3A_2517, %mul3A_2538 : vector<16xf32>
      %get3A_2540 = arith.constant 0 : i32
      %get3A_2541 = arith.constant 102 : i32
      %get3A_2542 = arith.index_cast %get3A_2540 : i32 to index
      %get3A_2543 = arith.index_cast %get3A_2541 : i32 to index
      %get3A_2544 = arith.constant 16 : index
      %get3A_2545 = tpu.vector_load %arg25[%get3A_2542, %get3A_2543, %get3A_2544] {strides = array<i32>} : memref<4x208x32xf32, #tpu.memory_space<vmem>>, vector<1x1x16xf32>,
      %get3A_2546 = vector.shape_cast %get3A_2545 : vector<1x1x16xf32> to vector<16xf32>
      %mul3A_2547 = vector.broadcast %squeeze3A_2529 : f32 to vector<16xf32>
      %mul3A_2548 = arith.mulf %mul3A_2547, %get3A_2546 : vector<16xf32>
      %add3A_2549 = arith.addf %add3A_2527, %mul3A_2548 : vector<16xf32>
      %slice3A_2550 = vector.extract_strided_slice %exp3A_166 {offsets = [7], sizes = [1], strides = [1]} : vector<16xf32> to vector<1xf32>
      %squeeze3A_2551 = vector.extract %slice3A_2550[0] : f32 from vector<1xf32>
      %get3A_2552 = arith.constant 0 : i32
      %get3A_2553 = arith.constant 103 : i32
      %get3A_2554 = arith.index_cast %get3A_2552 : i32 to index
      %get3A_2555 = arith.index_cast %get3A_2553 : i32 to index
      %get3A_2556 = arith.constant 0 : index
      %get3A_2557 = tpu.vector_load %arg25[%get3A_2554, %get3A_2555, %get3A_2556] {strides = array<i32>} : memref<4x208x32xf32, #tpu.memory_space<vmem>>, vector<1x1x16xf32>,
      %get3A_2558 = vector.shape_cast %get3A_2557 : vector<1x1x16xf32> to vector<16xf32>
      %mul3A_2559 = vector.broadcast %squeeze3A_2551 : f32 to vector<16xf32>
      %mul3A_2560 = arith.mulf %mul3A_2559, %get3A_2558 : vector<16xf32>
      %add3A_2561 = arith.addf %add3A_2539, %mul3A_2560 : vector<16xf32>
      %get3A_2562 = arith.constant 0 : i32
      %get3A_2563 = arith.constant 103 : i32
      %get3A_2564 = arith.index_cast %get3A_2562 : i32 to index
      %get3A_2565 = arith.index_cast %get3A_2563 : i32 to index
      %get3A_2566 = arith.constant 16 : index
      %get3A_2567 = tpu.vector_load %arg25[%get3A_2564, %get3A_2565, %get3A_2566] {strides = array<i32>} : memref<4x208x32xf32, #tpu.memory_space<vmem>>, vector<1x1x16xf32>,
      %get3A_2568 = vector.shape_cast %get3A_2567 : vector<1x1x16xf32> to vector<16xf32>
      %mul3A_2569 = vector.broadcast %squeeze3A_2551 : f32 to vector<16xf32>
      %mul3A_2570 = arith.mulf %mul3A_2569, %get3A_2568 : vector<16xf32>
      %add3A_2571 = arith.addf %add3A_2549, %mul3A_2570 : vector<16xf32>
      %slice3A_2572 = vector.extract_strided_slice %exp3A_166 {offsets = [8], sizes = [1], strides = [1]} : vector<16xf32> to vector<1xf32>
      %squeeze3A_2573 = vector.extract %slice3A_2572[0] : f32 from vector<1xf32>
      %get3A_2574 = arith.constant 0 : i32
      %get3A_2575 = arith.constant 104 : i32
      %get3A_2576 = arith.index_cast %get3A_2574 : i32 to index
      %get3A_2577 = arith.index_cast %get3A_2575 : i32 to index
      %get3A_2578 = arith.constant 0 : index
      %get3A_2579 = tpu.vector_load %arg25[%get3A_2576, %get3A_2577, %get3A_2578] {strides = array<i32>} : memref<4x208x32xf32, #tpu.memory_space<vmem>>, vector<1x1x16xf32>,
      %get3A_2580 = vector.shape_cast %get3A_2579 : vector<1x1x16xf32> to vector<16xf32>
      %mul3A_2581 = vector.broadcast %squeeze3A_2573 : f32 to vector<16xf32>
      %mul3A_2582 = arith.mulf %mul3A_2581, %get3A_2580 : vector<16xf32>
      %add3A_2583 = arith.addf %add3A_2561, %mul3A_2582 : vector<16xf32>
      %get3A_2584 = arith.constant 0 : i32
      %get3A_2585 = arith.constant 104 : i32
      %get3A_2586 = arith.index_cast %get3A_2584 : i32 to index
      %get3A_2587 = arith.index_cast %get3A_2585 : i32 to index
      %get3A_2588 = arith.constant 16 : index
      %get3A_2589 = tpu.vector_load %arg25[%get3A_2586, %get3A_2587, %get3A_2588] {strides = array<i32>} : memref<4x208x32xf32, #tpu.memory_space<vmem>>, vector<1x1x16xf32>,
      %get3A_2590 = vector.shape_cast %get3A_2589 : vector<1x1x16xf32> to vector<16xf32>
      %mul3A_2591 = vector.broadcast %squeeze3A_2573 : f32 to vector<16xf32>
      %mul3A_2592 = arith.mulf %mul3A_2591, %get3A_2590 : vector<16xf32>
      %add3A_2593 = arith.addf %add3A_2571, %mul3A_2592 : vector<16xf32>
      %slice3A_2594 = vector.extract_strided_slice %exp3A_166 {offsets = [9], sizes = [1], strides = [1]} : vector<16xf32> to vector<1xf32>
      %squeeze3A_2595 = vector.extract %slice3A_2594[0] : f32 from vector<1xf32>
      %get3A_2596 = arith.constant 0 : i32
      %get3A_2597 = arith.constant 105 : i32
      %get3A_2598 = arith.index_cast %get3A_2596 : i32 to index
      %get3A_2599 = arith.index_cast %get3A_2597 : i32 to index
      %get3A_2600 = arith.constant 0 : index
      %get3A_2601 = tpu.vector_load %arg25[%get3A_2598, %get3A_2599, %get3A_2600] {strides = array<i32>} : memref<4x208x32xf32, #tpu.memory_space<vmem>>, vector<1x1x16xf32>,
      %get3A_2602 = vector.shape_cast %get3A_2601 : vector<1x1x16xf32> to vector<16xf32>
      %mul3A_2603 = vector.broadcast %squeeze3A_2595 : f32 to vector<16xf32>
      %mul3A_2604 = arith.mulf %mul3A_2603, %get3A_2602 : vector<16xf32>
      %add3A_2605 = arith.addf %add3A_2583, %mul3A_2604 : vector<16xf32>
      %get3A_2606 = arith.constant 0 : i32
      %get3A_2607 = arith.constant 105 : i32
      %get3A_2608 = arith.index_cast %get3A_2606 : i32 to index
      %get3A_2609 = arith.index_cast %get3A_2607 : i32 to index
      %get3A_2610 = arith.constant 16 : index
      %get3A_2611 = tpu.vector_load %arg25[%get3A_2608, %get3A_2609, %get3A_2610] {strides = array<i32>} : memref<4x208x32xf32, #tpu.memory_space<vmem>>, vector<1x1x16xf32>,
      %get3A_2612 = vector.shape_cast %get3A_2611 : vector<1x1x16xf32> to vector<16xf32>
      %mul3A_2613 = vector.broadcast %squeeze3A_2595 : f32 to vector<16xf32>
      %mul3A_2614 = arith.mulf %mul3A_2613, %get3A_2612 : vector<16xf32>
      %add3A_2615 = arith.addf %add3A_2593, %mul3A_2614 : vector<16xf32>
      %slice3A_2616 = vector.extract_strided_slice %exp3A_166 {offsets = [10], sizes = [1], strides = [1]} : vector<16xf32> to vector<1xf32>
      %squeeze3A_2617 = vector.extract %slice3A_2616[0] : f32 from vector<1xf32>
      %get3A_2618 = arith.constant 0 : i32
      %get3A_2619 = arith.constant 106 : i32
      %get3A_2620 = arith.index_cast %get3A_2618 : i32 to index
      %get3A_2621 = arith.index_cast %get3A_2619 : i32 to index
      %get3A_2622 = arith.constant 0 : index
      %get3A_2623 = tpu.vector_load %arg25[%get3A_2620, %get3A_2621, %get3A_2622] {strides = array<i32>} : memref<4x208x32xf32, #tpu.memory_space<vmem>>, vector<1x1x16xf32>,
      %get3A_2624 = vector.shape_cast %get3A_2623 : vector<1x1x16xf32> to vector<16xf32>
      %mul3A_2625 = vector.broadcast %squeeze3A_2617 : f32 to vector<16xf32>
      %mul3A_2626 = arith.mulf %mul3A_2625, %get3A_2624 : vector<16xf32>
      %add3A_2627 = arith.addf %add3A_2605, %mul3A_2626 : vector<16xf32>
      %get3A_2628 = arith.constant 0 : i32
      %get3A_2629 = arith.constant 106 : i32
      %get3A_2630 = arith.index_cast %get3A_2628 : i32 to index
      %get3A_2631 = arith.index_cast %get3A_2629 : i32 to index
      %get3A_2632 = arith.constant 16 : index
      %get3A_2633 = tpu.vector_load %arg25[%get3A_2630, %get3A_2631, %get3A_2632] {strides = array<i32>} : memref<4x208x32xf32, #tpu.memory_space<vmem>>, vector<1x1x16xf32>,
      %get3A_2634 = vector.shape_cast %get3A_2633 : vector<1x1x16xf32> to vector<16xf32>
      %mul3A_2635 = vector.broadcast %squeeze3A_2617 : f32 to vector<16xf32>
      %mul3A_2636 = arith.mulf %mul3A_2635, %get3A_2634 : vector<16xf32>
      %add3A_2637 = arith.addf %add3A_2615, %mul3A_2636 : vector<16xf32>
      %slice3A_2638 = vector.extract_strided_slice %exp3A_166 {offsets = [11], sizes = [1], strides = [1]} : vector<16xf32> to vector<1xf32>
      %squeeze3A_2639 = vector.extract %slice3A_2638[0] : f32 from vector<1xf32>
      %get3A_2640 = arith.constant 0 : i32
      %get3A_2641 = arith.constant 107 : i32
      %get3A_2642 = arith.index_cast %get3A_2640 : i32 to index
      %get3A_2643 = arith.index_cast %get3A_2641 : i32 to index
      %get3A_2644 = arith.constant 0 : index
      %get3A_2645 = tpu.vector_load %arg25[%get3A_2642, %get3A_2643, %get3A_2644] {strides = array<i32>} : memref<4x208x32xf32, #tpu.memory_space<vmem>>, vector<1x1x16xf32>,
      %get3A_2646 = vector.shape_cast %get3A_2645 : vector<1x1x16xf32> to vector<16xf32>
      %mul3A_2647 = vector.broadcast %squeeze3A_2639 : f32 to vector<16xf32>
      %mul3A_2648 = arith.mulf %mul3A_2647, %get3A_2646 : vector<16xf32>
      %add3A_2649 = arith.addf %add3A_2627, %mul3A_2648 : vector<16xf32>
      %get3A_2650 = arith.constant 0 : i32
      %get3A_2651 = arith.constant 107 : i32
      %get3A_2652 = arith.index_cast %get3A_2650 : i32 to index
      %get3A_2653 = arith.index_cast %get3A_2651 : i32 to index
      %get3A_2654 = arith.constant 16 : index
      %get3A_2655 = tpu.vector_load %arg25[%get3A_2652, %get3A_2653, %get3A_2654] {strides = array<i32>} : memref<4x208x32xf32, #tpu.memory_space<vmem>>, vector<1x1x16xf32>,
      %get3A_2656 = vector.shape_cast %get3A_2655 : vector<1x1x16xf32> to vector<16xf32>
      %mul3A_2657 = vector.broadcast %squeeze3A_2639 : f32 to vector<16xf32>
      %mul3A_2658 = arith.mulf %mul3A_2657, %get3A_2656 : vector<16xf32>
      %add3A_2659 = arith.addf %add3A_2637, %mul3A_2658 : vector<16xf32>
      %slice3A_2660 = vector.extract_strided_slice %exp3A_166 {offsets = [12], sizes = [1], strides = [1]} : vector<16xf32> to vector<1xf32>
      %squeeze3A_2661 = vector.extract %slice3A_2660[0] : f32 from vector<1xf32>
      %get3A_2662 = arith.constant 0 : i32
      %get3A_2663 = arith.constant 108 : i32
      %get3A_2664 = arith.index_cast %get3A_2662 : i32 to index
      %get3A_2665 = arith.index_cast %get3A_2663 : i32 to index
      %get3A_2666 = arith.constant 0 : index
      %get3A_2667 = tpu.vector_load %arg25[%get3A_2664, %get3A_2665, %get3A_2666] {strides = array<i32>} : memref<4x208x32xf32, #tpu.memory_space<vmem>>, vector<1x1x16xf32>,
      %get3A_2668 = vector.shape_cast %get3A_2667 : vector<1x1x16xf32> to vector<16xf32>
      %mul3A_2669 = vector.broadcast %squeeze3A_2661 : f32 to vector<16xf32>
      %mul3A_2670 = arith.mulf %mul3A_2669, %get3A_2668 : vector<16xf32>
      %add3A_2671 = arith.addf %add3A_2649, %mul3A_2670 : vector<16xf32>
      %get3A_2672 = arith.constant 0 : i32
      %get3A_2673 = arith.constant 108 : i32
      %get3A_2674 = arith.index_cast %get3A_2672 : i32 to index
      %get3A_2675 = arith.index_cast %get3A_2673 : i32 to index
      %get3A_2676 = arith.constant 16 : index
      %get3A_2677 = tpu.vector_load %arg25[%get3A_2674, %get3A_2675, %get3A_2676] {strides = array<i32>} : memref<4x208x32xf32, #tpu.memory_space<vmem>>, vector<1x1x16xf32>,
      %get3A_2678 = vector.shape_cast %get3A_2677 : vector<1x1x16xf32> to vector<16xf32>
      %mul3A_2679 = vector.broadcast %squeeze3A_2661 : f32 to vector<16xf32>
      %mul3A_2680 = arith.mulf %mul3A_2679, %get3A_2678 : vector<16xf32>
      %add3A_2681 = arith.addf %add3A_2659, %mul3A_2680 : vector<16xf32>
      %slice3A_2682 = vector.extract_strided_slice %exp3A_166 {offsets = [13], sizes = [1], strides = [1]} : vector<16xf32> to vector<1xf32>
      %squeeze3A_2683 = vector.extract %slice3A_2682[0] : f32 from vector<1xf32>
      %get3A_2684 = arith.constant 0 : i32
      %get3A_2685 = arith.constant 109 : i32
      %get3A_2686 = arith.index_cast %get3A_2684 : i32 to index
      %get3A_2687 = arith.index_cast %get3A_2685 : i32 to index
      %get3A_2688 = arith.constant 0 : index
      %get3A_2689 = tpu.vector_load %arg25[%get3A_2686, %get3A_2687, %get3A_2688] {strides = array<i32>} : memref<4x208x32xf32, #tpu.memory_space<vmem>>, vector<1x1x16xf32>,
      %get3A_2690 = vector.shape_cast %get3A_2689 : vector<1x1x16xf32> to vector<16xf32>
      %mul3A_2691 = vector.broadcast %squeeze3A_2683 : f32 to vector<16xf32>
      %mul3A_2692 = arith.mulf %mul3A_2691, %get3A_2690 : vector<16xf32>
      %add3A_2693 = arith.addf %add3A_2671, %mul3A_2692 : vector<16xf32>
      %get3A_2694 = arith.constant 0 : i32
      %get3A_2695 = arith.constant 109 : i32
      %get3A_2696 = arith.index_cast %get3A_2694 : i32 to index
      %get3A_2697 = arith.index_cast %get3A_2695 : i32 to index
      %get3A_2698 = arith.constant 16 : index
      %get3A_2699 = tpu.vector_load %arg25[%get3A_2696, %get3A_2697, %get3A_2698] {strides = array<i32>} : memref<4x208x32xf32, #tpu.memory_space<vmem>>, vector<1x1x16xf32>,
      %get3A_2700 = vector.shape_cast %get3A_2699 : vector<1x1x16xf32> to vector<16xf32>
      %mul3A_2701 = vector.broadcast %squeeze3A_2683 : f32 to vector<16xf32>
      %mul3A_2702 = arith.mulf %mul3A_2701, %get3A_2700 : vector<16xf32>
      %add3A_2703 = arith.addf %add3A_2681, %mul3A_2702 : vector<16xf32>
      %slice3A_2704 = vector.extract_strided_slice %exp3A_166 {offsets = [14], sizes = [1], strides = [1]} : vector<16xf32> to vector<1xf32>
      %squeeze3A_2705 = vector.extract %slice3A_2704[0] : f32 from vector<1xf32>
      %get3A_2706 = arith.constant 0 : i32
      %get3A_2707 = arith.constant 110 : i32
      %get3A_2708 = arith.index_cast %get3A_2706 : i32 to index
      %get3A_2709 = arith.index_cast %get3A_2707 : i32 to index
      %get3A_2710 = arith.constant 0 : index
      %get3A_2711 = tpu.vector_load %arg25[%get3A_2708, %get3A_2709, %get3A_2710] {strides = array<i32>} : memref<4x208x32xf32, #tpu.memory_space<vmem>>, vector<1x1x16xf32>,
      %get3A_2712 = vector.shape_cast %get3A_2711 : vector<1x1x16xf32> to vector<16xf32>
      %mul3A_2713 = vector.broadcast %squeeze3A_2705 : f32 to vector<16xf32>
      %mul3A_2714 = arith.mulf %mul3A_2713, %get3A_2712 : vector<16xf32>
      %add3A_2715 = arith.addf %add3A_2693, %mul3A_2714 : vector<16xf32>
      %get3A_2716 = arith.constant 0 : i32
      %get3A_2717 = arith.constant 110 : i32
      %get3A_2718 = arith.index_cast %get3A_2716 : i32 to index
      %get3A_2719 = arith.index_cast %get3A_2717 : i32 to index
      %get3A_2720 = arith.constant 16 : index
      %get3A_2721 = tpu.vector_load %arg25[%get3A_2718, %get3A_2719, %get3A_2720] {strides = array<i32>} : memref<4x208x32xf32, #tpu.memory_space<vmem>>, vector<1x1x16xf32>,
      %get3A_2722 = vector.shape_cast %get3A_2721 : vector<1x1x16xf32> to vector<16xf32>
      %mul3A_2723 = vector.broadcast %squeeze3A_2705 : f32 to vector<16xf32>
      %mul3A_2724 = arith.mulf %mul3A_2723, %get3A_2722 : vector<16xf32>
      %add3A_2725 = arith.addf %add3A_2703, %mul3A_2724 : vector<16xf32>
      %slice3A_2726 = vector.extract_strided_slice %exp3A_166 {offsets = [15], sizes = [1], strides = [1]} : vector<16xf32> to vector<1xf32>
      %squeeze3A_2727 = vector.extract %slice3A_2726[0] : f32 from vector<1xf32>
      %get3A_2728 = arith.constant 0 : i32
      %get3A_2729 = arith.constant 111 : i32
      %get3A_2730 = arith.index_cast %get3A_2728 : i32 to index
      %get3A_2731 = arith.index_cast %get3A_2729 : i32 to index
      %get3A_2732 = arith.constant 0 : index
      %get3A_2733 = tpu.vector_load %arg25[%get3A_2730, %get3A_2731, %get3A_2732] {strides = array<i32>} : memref<4x208x32xf32, #tpu.memory_space<vmem>>, vector<1x1x16xf32>,
      %get3A_2734 = vector.shape_cast %get3A_2733 : vector<1x1x16xf32> to vector<16xf32>
      %mul3A_2735 = vector.broadcast %squeeze3A_2727 : f32 to vector<16xf32>
      %mul3A_2736 = arith.mulf %mul3A_2735, %get3A_2734 : vector<16xf32>
      %add3A_2737 = arith.addf %add3A_2715, %mul3A_2736 : vector<16xf32>
      %get3A_2738 = arith.constant 0 : i32
      %get3A_2739 = arith.constant 111 : i32
      %get3A_2740 = arith.index_cast %get3A_2738 : i32 to index
      %get3A_2741 = arith.index_cast %get3A_2739 : i32 to index
      %get3A_2742 = arith.constant 16 : index
      %get3A_2743 = tpu.vector_load %arg25[%get3A_2740, %get3A_2741, %get3A_2742] {strides = array<i32>} : memref<4x208x32xf32, #tpu.memory_space<vmem>>, vector<1x1x16xf32>,
      %get3A_2744 = vector.shape_cast %get3A_2743 : vector<1x1x16xf32> to vector<16xf32>
      %mul3A_2745 = vector.broadcast %squeeze3A_2727 : f32 to vector<16xf32>
      %mul3A_2746 = arith.mulf %mul3A_2745, %get3A_2744 : vector<16xf32>
      %add3A_2747 = arith.addf %add3A_2725, %mul3A_2746 : vector<16xf32>
      %slice3A_2748 = vector.extract_strided_slice %exp3A_176 {offsets = [0], sizes = [1], strides = [1]} : vector<16xf32> to vector<1xf32>
      %squeeze3A_2749 = vector.extract %slice3A_2748[0] : f32 from vector<1xf32>
      %get3A_2750 = arith.constant 0 : i32
      %get3A_2751 = arith.constant 112 : i32
      %get3A_2752 = arith.index_cast %get3A_2750 : i32 to index
      %get3A_2753 = arith.index_cast %get3A_2751 : i32 to index
      %get3A_2754 = arith.constant 0 : index
      %get3A_2755 = tpu.vector_load %arg25[%get3A_2752, %get3A_2753, %get3A_2754] {strides = array<i32>} : memref<4x208x32xf32, #tpu.memory_space<vmem>>, vector<1x1x16xf32>,
      %get3A_2756 = vector.shape_cast %get3A_2755 : vector<1x1x16xf32> to vector<16xf32>
      %mul3A_2757 = vector.broadcast %squeeze3A_2749 : f32 to vector<16xf32>
      %mul3A_2758 = arith.mulf %mul3A_2757, %get3A_2756 : vector<16xf32>
      %add3A_2759 = arith.addf %add3A_2737, %mul3A_2758 : vector<16xf32>
      %get3A_2760 = arith.constant 0 : i32
      %get3A_2761 = arith.constant 112 : i32
      %get3A_2762 = arith.index_cast %get3A_2760 : i32 to index
      %get3A_2763 = arith.index_cast %get3A_2761 : i32 to index
      %get3A_2764 = arith.constant 16 : index
      %get3A_2765 = tpu.vector_load %arg25[%get3A_2762, %get3A_2763, %get3A_2764] {strides = array<i32>} : memref<4x208x32xf32, #tpu.memory_space<vmem>>, vector<1x1x16xf32>,
      %get3A_2766 = vector.shape_cast %get3A_2765 : vector<1x1x16xf32> to vector<16xf32>
      %mul3A_2767 = vector.broadcast %squeeze3A_2749 : f32 to vector<16xf32>
      %mul3A_2768 = arith.mulf %mul3A_2767, %get3A_2766 : vector<16xf32>
      %add3A_2769 = arith.addf %add3A_2747, %mul3A_2768 : vector<16xf32>
      %slice3A_2770 = vector.extract_strided_slice %exp3A_176 {offsets = [1], sizes = [1], strides = [1]} : vector<16xf32> to vector<1xf32>
      %squeeze3A_2771 = vector.extract %slice3A_2770[0] : f32 from vector<1xf32>
      %get3A_2772 = arith.constant 0 : i32
      %get3A_2773 = arith.constant 113 : i32
      %get3A_2774 = arith.index_cast %get3A_2772 : i32 to index
      %get3A_2775 = arith.index_cast %get3A_2773 : i32 to index
      %get3A_2776 = arith.constant 0 : index
      %get3A_2777 = tpu.vector_load %arg25[%get3A_2774, %get3A_2775, %get3A_2776] {strides = array<i32>} : memref<4x208x32xf32, #tpu.memory_space<vmem>>, vector<1x1x16xf32>,
      %get3A_2778 = vector.shape_cast %get3A_2777 : vector<1x1x16xf32> to vector<16xf32>
      %mul3A_2779 = vector.broadcast %squeeze3A_2771 : f32 to vector<16xf32>
      %mul3A_2780 = arith.mulf %mul3A_2779, %get3A_2778 : vector<16xf32>
      %add3A_2781 = arith.addf %add3A_2759, %mul3A_2780 : vector<16xf32>
      %get3A_2782 = arith.constant 0 : i32
      %get3A_2783 = arith.constant 113 : i32
      %get3A_2784 = arith.index_cast %get3A_2782 : i32 to index
      %get3A_2785 = arith.index_cast %get3A_2783 : i32 to index
      %get3A_2786 = arith.constant 16 : index
      %get3A_2787 = tpu.vector_load %arg25[%get3A_2784, %get3A_2785, %get3A_2786] {strides = array<i32>} : memref<4x208x32xf32, #tpu.memory_space<vmem>>, vector<1x1x16xf32>,
      %get3A_2788 = vector.shape_cast %get3A_2787 : vector<1x1x16xf32> to vector<16xf32>
      %mul3A_2789 = vector.broadcast %squeeze3A_2771 : f32 to vector<16xf32>
      %mul3A_2790 = arith.mulf %mul3A_2789, %get3A_2788 : vector<16xf32>
      %add3A_2791 = arith.addf %add3A_2769, %mul3A_2790 : vector<16xf32>
      %slice3A_2792 = vector.extract_strided_slice %exp3A_176 {offsets = [2], sizes = [1], strides = [1]} : vector<16xf32> to vector<1xf32>
      %squeeze3A_2793 = vector.extract %slice3A_2792[0] : f32 from vector<1xf32>
      %get3A_2794 = arith.constant 0 : i32
      %get3A_2795 = arith.constant 114 : i32
      %get3A_2796 = arith.index_cast %get3A_2794 : i32 to index
      %get3A_2797 = arith.index_cast %get3A_2795 : i32 to index
      %get3A_2798 = arith.constant 0 : index
      %get3A_2799 = tpu.vector_load %arg25[%get3A_2796, %get3A_2797, %get3A_2798] {strides = array<i32>} : memref<4x208x32xf32, #tpu.memory_space<vmem>>, vector<1x1x16xf32>,
      %get3A_2800 = vector.shape_cast %get3A_2799 : vector<1x1x16xf32> to vector<16xf32>
      %mul3A_2801 = vector.broadcast %squeeze3A_2793 : f32 to vector<16xf32>
      %mul3A_2802 = arith.mulf %mul3A_2801, %get3A_2800 : vector<16xf32>
      %add3A_2803 = arith.addf %add3A_2781, %mul3A_2802 : vector<16xf32>
      %get3A_2804 = arith.constant 0 : i32
      %get3A_2805 = arith.constant 114 : i32
      %get3A_2806 = arith.index_cast %get3A_2804 : i32 to index
      %get3A_2807 = arith.index_cast %get3A_2805 : i32 to index
      %get3A_2808 = arith.constant 16 : index
      %get3A_2809 = tpu.vector_load %arg25[%get3A_2806, %get3A_2807, %get3A_2808] {strides = array<i32>} : memref<4x208x32xf32, #tpu.memory_space<vmem>>, vector<1x1x16xf32>,
      %get3A_2810 = vector.shape_cast %get3A_2809 : vector<1x1x16xf32> to vector<16xf32>
      %mul3A_2811 = vector.broadcast %squeeze3A_2793 : f32 to vector<16xf32>
      %mul3A_2812 = arith.mulf %mul3A_2811, %get3A_2810 : vector<16xf32>
      %add3A_2813 = arith.addf %add3A_2791, %mul3A_2812 : vector<16xf32>
      %slice3A_2814 = vector.extract_strided_slice %exp3A_176 {offsets = [3], sizes = [1], strides = [1]} : vector<16xf32> to vector<1xf32>
      %squeeze3A_2815 = vector.extract %slice3A_2814[0] : f32 from vector<1xf32>
      %get3A_2816 = arith.constant 0 : i32
      %get3A_2817 = arith.constant 115 : i32
      %get3A_2818 = arith.index_cast %get3A_2816 : i32 to index
      %get3A_2819 = arith.index_cast %get3A_2817 : i32 to index
      %get3A_2820 = arith.constant 0 : index
      %get3A_2821 = tpu.vector_load %arg25[%get3A_2818, %get3A_2819, %get3A_2820] {strides = array<i32>} : memref<4x208x32xf32, #tpu.memory_space<vmem>>, vector<1x1x16xf32>,
      %get3A_2822 = vector.shape_cast %get3A_2821 : vector<1x1x16xf32> to vector<16xf32>
      %mul3A_2823 = vector.broadcast %squeeze3A_2815 : f32 to vector<16xf32>
      %mul3A_2824 = arith.mulf %mul3A_2823, %get3A_2822 : vector<16xf32>
      %add3A_2825 = arith.addf %add3A_2803, %mul3A_2824 : vector<16xf32>
      %get3A_2826 = arith.constant 0 : i32
      %get3A_2827 = arith.constant 115 : i32
      %get3A_2828 = arith.index_cast %get3A_2826 : i32 to index
      %get3A_2829 = arith.index_cast %get3A_2827 : i32 to index
      %get3A_2830 = arith.constant 16 : index
      %get3A_2831 = tpu.vector_load %arg25[%get3A_2828, %get3A_2829, %get3A_2830] {strides = array<i32>} : memref<4x208x32xf32, #tpu.memory_space<vmem>>, vector<1x1x16xf32>,
      %get3A_2832 = vector.shape_cast %get3A_2831 : vector<1x1x16xf32> to vector<16xf32>
      %mul3A_2833 = vector.broadcast %squeeze3A_2815 : f32 to vector<16xf32>
      %mul3A_2834 = arith.mulf %mul3A_2833, %get3A_2832 : vector<16xf32>
      %add3A_2835 = arith.addf %add3A_2813, %mul3A_2834 : vector<16xf32>
      %slice3A_2836 = vector.extract_strided_slice %exp3A_176 {offsets = [4], sizes = [1], strides = [1]} : vector<16xf32> to vector<1xf32>
      %squeeze3A_2837 = vector.extract %slice3A_2836[0] : f32 from vector<1xf32>
      %get3A_2838 = arith.constant 0 : i32
      %get3A_2839 = arith.constant 116 : i32
      %get3A_2840 = arith.index_cast %get3A_2838 : i32 to index
      %get3A_2841 = arith.index_cast %get3A_2839 : i32 to index
      %get3A_2842 = arith.constant 0 : index
      %get3A_2843 = tpu.vector_load %arg25[%get3A_2840, %get3A_2841, %get3A_2842] {strides = array<i32>} : memref<4x208x32xf32, #tpu.memory_space<vmem>>, vector<1x1x16xf32>,
      %get3A_2844 = vector.shape_cast %get3A_2843 : vector<1x1x16xf32> to vector<16xf32>
      %mul3A_2845 = vector.broadcast %squeeze3A_2837 : f32 to vector<16xf32>
      %mul3A_2846 = arith.mulf %mul3A_2845, %get3A_2844 : vector<16xf32>
      %add3A_2847 = arith.addf %add3A_2825, %mul3A_2846 : vector<16xf32>
      %get3A_2848 = arith.constant 0 : i32
      %get3A_2849 = arith.constant 116 : i32
      %get3A_2850 = arith.index_cast %get3A_2848 : i32 to index
      %get3A_2851 = arith.index_cast %get3A_2849 : i32 to index
      %get3A_2852 = arith.constant 16 : index
      %get3A_2853 = tpu.vector_load %arg25[%get3A_2850, %get3A_2851, %get3A_2852] {strides = array<i32>} : memref<4x208x32xf32, #tpu.memory_space<vmem>>, vector<1x1x16xf32>,
      %get3A_2854 = vector.shape_cast %get3A_2853 : vector<1x1x16xf32> to vector<16xf32>
      %mul3A_2855 = vector.broadcast %squeeze3A_2837 : f32 to vector<16xf32>
      %mul3A_2856 = arith.mulf %mul3A_2855, %get3A_2854 : vector<16xf32>
      %add3A_2857 = arith.addf %add3A_2835, %mul3A_2856 : vector<16xf32>
      %slice3A_2858 = vector.extract_strided_slice %exp3A_176 {offsets = [5], sizes = [1], strides = [1]} : vector<16xf32> to vector<1xf32>
      %squeeze3A_2859 = vector.extract %slice3A_2858[0] : f32 from vector<1xf32>
      %get3A_2860 = arith.constant 0 : i32
      %get3A_2861 = arith.constant 117 : i32
      %get3A_2862 = arith.index_cast %get3A_2860 : i32 to index
      %get3A_2863 = arith.index_cast %get3A_2861 : i32 to index
      %get3A_2864 = arith.constant 0 : index
      %get3A_2865 = tpu.vector_load %arg25[%get3A_2862, %get3A_2863, %get3A_2864] {strides = array<i32>} : memref<4x208x32xf32, #tpu.memory_space<vmem>>, vector<1x1x16xf32>,
      %get3A_2866 = vector.shape_cast %get3A_2865 : vector<1x1x16xf32> to vector<16xf32>
      %mul3A_2867 = vector.broadcast %squeeze3A_2859 : f32 to vector<16xf32>
      %mul3A_2868 = arith.mulf %mul3A_2867, %get3A_2866 : vector<16xf32>
      %add3A_2869 = arith.addf %add3A_2847, %mul3A_2868 : vector<16xf32>
      %get3A_2870 = arith.constant 0 : i32
      %get3A_2871 = arith.constant 117 : i32
      %get3A_2872 = arith.index_cast %get3A_2870 : i32 to index
      %get3A_2873 = arith.index_cast %get3A_2871 : i32 to index
      %get3A_2874 = arith.constant 16 : index
      %get3A_2875 = tpu.vector_load %arg25[%get3A_2872, %get3A_2873, %get3A_2874] {strides = array<i32>} : memref<4x208x32xf32, #tpu.memory_space<vmem>>, vector<1x1x16xf32>,
      %get3A_2876 = vector.shape_cast %get3A_2875 : vector<1x1x16xf32> to vector<16xf32>
      %mul3A_2877 = vector.broadcast %squeeze3A_2859 : f32 to vector<16xf32>
      %mul3A_2878 = arith.mulf %mul3A_2877, %get3A_2876 : vector<16xf32>
      %add3A_2879 = arith.addf %add3A_2857, %mul3A_2878 : vector<16xf32>
      %slice3A_2880 = vector.extract_strided_slice %exp3A_176 {offsets = [6], sizes = [1], strides = [1]} : vector<16xf32> to vector<1xf32>
      %squeeze3A_2881 = vector.extract %slice3A_2880[0] : f32 from vector<1xf32>
      %get3A_2882 = arith.constant 0 : i32
      %get3A_2883 = arith.constant 118 : i32
      %get3A_2884 = arith.index_cast %get3A_2882 : i32 to index
      %get3A_2885 = arith.index_cast %get3A_2883 : i32 to index
      %get3A_2886 = arith.constant 0 : index
      %get3A_2887 = tpu.vector_load %arg25[%get3A_2884, %get3A_2885, %get3A_2886] {strides = array<i32>} : memref<4x208x32xf32, #tpu.memory_space<vmem>>, vector<1x1x16xf32>,
      %get3A_2888 = vector.shape_cast %get3A_2887 : vector<1x1x16xf32> to vector<16xf32>
      %mul3A_2889 = vector.broadcast %squeeze3A_2881 : f32 to vector<16xf32>
      %mul3A_2890 = arith.mulf %mul3A_2889, %get3A_2888 : vector<16xf32>
      %add3A_2891 = arith.addf %add3A_2869, %mul3A_2890 : vector<16xf32>
      %get3A_2892 = arith.constant 0 : i32
      %get3A_2893 = arith.constant 118 : i32
      %get3A_2894 = arith.index_cast %get3A_2892 : i32 to index
      %get3A_2895 = arith.index_cast %get3A_2893 : i32 to index
      %get3A_2896 = arith.constant 16 : index
      %get3A_2897 = tpu.vector_load %arg25[%get3A_2894, %get3A_2895, %get3A_2896] {strides = array<i32>} : memref<4x208x32xf32, #tpu.memory_space<vmem>>, vector<1x1x16xf32>,
      %get3A_2898 = vector.shape_cast %get3A_2897 : vector<1x1x16xf32> to vector<16xf32>
      %mul3A_2899 = vector.broadcast %squeeze3A_2881 : f32 to vector<16xf32>
      %mul3A_2900 = arith.mulf %mul3A_2899, %get3A_2898 : vector<16xf32>
      %add3A_2901 = arith.addf %add3A_2879, %mul3A_2900 : vector<16xf32>
      %slice3A_2902 = vector.extract_strided_slice %exp3A_176 {offsets = [7], sizes = [1], strides = [1]} : vector<16xf32> to vector<1xf32>
      %squeeze3A_2903 = vector.extract %slice3A_2902[0] : f32 from vector<1xf32>
      %get3A_2904 = arith.constant 0 : i32
      %get3A_2905 = arith.constant 119 : i32
      %get3A_2906 = arith.index_cast %get3A_2904 : i32 to index
      %get3A_2907 = arith.index_cast %get3A_2905 : i32 to index
      %get3A_2908 = arith.constant 0 : index
      %get3A_2909 = tpu.vector_load %arg25[%get3A_2906, %get3A_2907, %get3A_2908] {strides = array<i32>} : memref<4x208x32xf32, #tpu.memory_space<vmem>>, vector<1x1x16xf32>,
      %get3A_2910 = vector.shape_cast %get3A_2909 : vector<1x1x16xf32> to vector<16xf32>
      %mul3A_2911 = vector.broadcast %squeeze3A_2903 : f32 to vector<16xf32>
      %mul3A_2912 = arith.mulf %mul3A_2911, %get3A_2910 : vector<16xf32>
      %add3A_2913 = arith.addf %add3A_2891, %mul3A_2912 : vector<16xf32>
      %get3A_2914 = arith.constant 0 : i32
      %get3A_2915 = arith.constant 119 : i32
      %get3A_2916 = arith.index_cast %get3A_2914 : i32 to index
      %get3A_2917 = arith.index_cast %get3A_2915 : i32 to index
      %get3A_2918 = arith.constant 16 : index
      %get3A_2919 = tpu.vector_load %arg25[%get3A_2916, %get3A_2917, %get3A_2918] {strides = array<i32>} : memref<4x208x32xf32, #tpu.memory_space<vmem>>, vector<1x1x16xf32>,
      %get3A_2920 = vector.shape_cast %get3A_2919 : vector<1x1x16xf32> to vector<16xf32>
      %mul3A_2921 = vector.broadcast %squeeze3A_2903 : f32 to vector<16xf32>
      %mul3A_2922 = arith.mulf %mul3A_2921, %get3A_2920 : vector<16xf32>
      %add3A_2923 = arith.addf %add3A_2901, %mul3A_2922 : vector<16xf32>
      %slice3A_2924 = vector.extract_strided_slice %exp3A_176 {offsets = [8], sizes = [1], strides = [1]} : vector<16xf32> to vector<1xf32>
      %squeeze3A_2925 = vector.extract %slice3A_2924[0] : f32 from vector<1xf32>
      %get3A_2926 = arith.constant 0 : i32
      %get3A_2927 = arith.constant 120 : i32
      %get3A_2928 = arith.index_cast %get3A_2926 : i32 to index
      %get3A_2929 = arith.index_cast %get3A_2927 : i32 to index
      %get3A_2930 = arith.constant 0 : index
      %get3A_2931 = tpu.vector_load %arg25[%get3A_2928, %get3A_2929, %get3A_2930] {strides = array<i32>} : memref<4x208x32xf32, #tpu.memory_space<vmem>>, vector<1x1x16xf32>,
      %get3A_2932 = vector.shape_cast %get3A_2931 : vector<1x1x16xf32> to vector<16xf32>
      %mul3A_2933 = vector.broadcast %squeeze3A_2925 : f32 to vector<16xf32>
      %mul3A_2934 = arith.mulf %mul3A_2933, %get3A_2932 : vector<16xf32>
      %add3A_2935 = arith.addf %add3A_2913, %mul3A_2934 : vector<16xf32>
      %get3A_2936 = arith.constant 0 : i32
      %get3A_2937 = arith.constant 120 : i32
      %get3A_2938 = arith.index_cast %get3A_2936 : i32 to index
      %get3A_2939 = arith.index_cast %get3A_2937 : i32 to index
      %get3A_2940 = arith.constant 16 : index
      %get3A_2941 = tpu.vector_load %arg25[%get3A_2938, %get3A_2939, %get3A_2940] {strides = array<i32>} : memref<4x208x32xf32, #tpu.memory_space<vmem>>, vector<1x1x16xf32>,
      %get3A_2942 = vector.shape_cast %get3A_2941 : vector<1x1x16xf32> to vector<16xf32>
      %mul3A_2943 = vector.broadcast %squeeze3A_2925 : f32 to vector<16xf32>
      %mul3A_2944 = arith.mulf %mul3A_2943, %get3A_2942 : vector<16xf32>
      %add3A_2945 = arith.addf %add3A_2923, %mul3A_2944 : vector<16xf32>
      %slice3A_2946 = vector.extract_strided_slice %exp3A_176 {offsets = [9], sizes = [1], strides = [1]} : vector<16xf32> to vector<1xf32>
      %squeeze3A_2947 = vector.extract %slice3A_2946[0] : f32 from vector<1xf32>
      %get3A_2948 = arith.constant 0 : i32
      %get3A_2949 = arith.constant 121 : i32
      %get3A_2950 = arith.index_cast %get3A_2948 : i32 to index
      %get3A_2951 = arith.index_cast %get3A_2949 : i32 to index
      %get3A_2952 = arith.constant 0 : index
      %get3A_2953 = tpu.vector_load %arg25[%get3A_2950, %get3A_2951, %get3A_2952] {strides = array<i32>} : memref<4x208x32xf32, #tpu.memory_space<vmem>>, vector<1x1x16xf32>,
      %get3A_2954 = vector.shape_cast %get3A_2953 : vector<1x1x16xf32> to vector<16xf32>
      %mul3A_2955 = vector.broadcast %squeeze3A_2947 : f32 to vector<16xf32>
      %mul3A_2956 = arith.mulf %mul3A_2955, %get3A_2954 : vector<16xf32>
      %add3A_2957 = arith.addf %add3A_2935, %mul3A_2956 : vector<16xf32>
      %get3A_2958 = arith.constant 0 : i32
      %get3A_2959 = arith.constant 121 : i32
      %get3A_2960 = arith.index_cast %get3A_2958 : i32 to index
      %get3A_2961 = arith.index_cast %get3A_2959 : i32 to index
      %get3A_2962 = arith.constant 16 : index
      %get3A_2963 = tpu.vector_load %arg25[%get3A_2960, %get3A_2961, %get3A_2962] {strides = array<i32>} : memref<4x208x32xf32, #tpu.memory_space<vmem>>, vector<1x1x16xf32>,
      %get3A_2964 = vector.shape_cast %get3A_2963 : vector<1x1x16xf32> to vector<16xf32>
      %mul3A_2965 = vector.broadcast %squeeze3A_2947 : f32 to vector<16xf32>
      %mul3A_2966 = arith.mulf %mul3A_2965, %get3A_2964 : vector<16xf32>
      %add3A_2967 = arith.addf %add3A_2945, %mul3A_2966 : vector<16xf32>
      %slice3A_2968 = vector.extract_strided_slice %exp3A_176 {offsets = [10], sizes = [1], strides = [1]} : vector<16xf32> to vector<1xf32>
      %squeeze3A_2969 = vector.extract %slice3A_2968[0] : f32 from vector<1xf32>
      %get3A_2970 = arith.constant 0 : i32
      %get3A_2971 = arith.constant 122 : i32
      %get3A_2972 = arith.index_cast %get3A_2970 : i32 to index
      %get3A_2973 = arith.index_cast %get3A_2971 : i32 to index
      %get3A_2974 = arith.constant 0 : index
      %get3A_2975 = tpu.vector_load %arg25[%get3A_2972, %get3A_2973, %get3A_2974] {strides = array<i32>} : memref<4x208x32xf32, #tpu.memory_space<vmem>>, vector<1x1x16xf32>,
      %get3A_2976 = vector.shape_cast %get3A_2975 : vector<1x1x16xf32> to vector<16xf32>
      %mul3A_2977 = vector.broadcast %squeeze3A_2969 : f32 to vector<16xf32>
      %mul3A_2978 = arith.mulf %mul3A_2977, %get3A_2976 : vector<16xf32>
      %add3A_2979 = arith.addf %add3A_2957, %mul3A_2978 : vector<16xf32>
      %get3A_2980 = arith.constant 0 : i32
      %get3A_2981 = arith.constant 122 : i32
      %get3A_2982 = arith.index_cast %get3A_2980 : i32 to index
      %get3A_2983 = arith.index_cast %get3A_2981 : i32 to index
      %get3A_2984 = arith.constant 16 : index
      %get3A_2985 = tpu.vector_load %arg25[%get3A_2982, %get3A_2983, %get3A_2984] {strides = array<i32>} : memref<4x208x32xf32, #tpu.memory_space<vmem>>, vector<1x1x16xf32>,
      %get3A_2986 = vector.shape_cast %get3A_2985 : vector<1x1x16xf32> to vector<16xf32>
      %mul3A_2987 = vector.broadcast %squeeze3A_2969 : f32 to vector<16xf32>
      %mul3A_2988 = arith.mulf %mul3A_2987, %get3A_2986 : vector<16xf32>
      %add3A_2989 = arith.addf %add3A_2967, %mul3A_2988 : vector<16xf32>
      %slice3A_2990 = vector.extract_strided_slice %exp3A_176 {offsets = [11], sizes = [1], strides = [1]} : vector<16xf32> to vector<1xf32>
      %squeeze3A_2991 = vector.extract %slice3A_2990[0] : f32 from vector<1xf32>
      %get3A_2992 = arith.constant 0 : i32
      %get3A_2993 = arith.constant 123 : i32
      %get3A_2994 = arith.index_cast %get3A_2992 : i32 to index
      %get3A_2995 = arith.index_cast %get3A_2993 : i32 to index
      %get3A_2996 = arith.constant 0 : index
      %get3A_2997 = tpu.vector_load %arg25[%get3A_2994, %get3A_2995, %get3A_2996] {strides = array<i32>} : memref<4x208x32xf32, #tpu.memory_space<vmem>>, vector<1x1x16xf32>,
      %get3A_2998 = vector.shape_cast %get3A_2997 : vector<1x1x16xf32> to vector<16xf32>
      %mul3A_2999 = vector.broadcast %squeeze3A_2991 : f32 to vector<16xf32>
      %mul3A_3000 = arith.mulf %mul3A_2999, %get3A_2998 : vector<16xf32>
      %add3A_3001 = arith.addf %add3A_2979, %mul3A_3000 : vector<16xf32>
      %get3A_3002 = arith.constant 0 : i32
      %get3A_3003 = arith.constant 123 : i32
      %get3A_3004 = arith.index_cast %get3A_3002 : i32 to index
      %get3A_3005 = arith.index_cast %get3A_3003 : i32 to index
      %get3A_3006 = arith.constant 16 : index
      %get3A_3007 = tpu.vector_load %arg25[%get3A_3004, %get3A_3005, %get3A_3006] {strides = array<i32>} : memref<4x208x32xf32, #tpu.memory_space<vmem>>, vector<1x1x16xf32>,
      %get3A_3008 = vector.shape_cast %get3A_3007 : vector<1x1x16xf32> to vector<16xf32>
      %mul3A_3009 = vector.broadcast %squeeze3A_2991 : f32 to vector<16xf32>
      %mul3A_3010 = arith.mulf %mul3A_3009, %get3A_3008 : vector<16xf32>
      %add3A_3011 = arith.addf %add3A_2989, %mul3A_3010 : vector<16xf32>
      %slice3A_3012 = vector.extract_strided_slice %exp3A_176 {offsets = [12], sizes = [1], strides = [1]} : vector<16xf32> to vector<1xf32>
      %squeeze3A_3013 = vector.extract %slice3A_3012[0] : f32 from vector<1xf32>
      %get3A_3014 = arith.constant 0 : i32
      %get3A_3015 = arith.constant 124 : i32
      %get3A_3016 = arith.index_cast %get3A_3014 : i32 to index
      %get3A_3017 = arith.index_cast %get3A_3015 : i32 to index
      %get3A_3018 = arith.constant 0 : index
      %get3A_3019 = tpu.vector_load %arg25[%get3A_3016, %get3A_3017, %get3A_3018] {strides = array<i32>} : memref<4x208x32xf32, #tpu.memory_space<vmem>>, vector<1x1x16xf32>,
      %get3A_3020 = vector.shape_cast %get3A_3019 : vector<1x1x16xf32> to vector<16xf32>
      %mul3A_3021 = vector.broadcast %squeeze3A_3013 : f32 to vector<16xf32>
      %mul3A_3022 = arith.mulf %mul3A_3021, %get3A_3020 : vector<16xf32>
      %add3A_3023 = arith.addf %add3A_3001, %mul3A_3022 : vector<16xf32>
      %get3A_3024 = arith.constant 0 : i32
      %get3A_3025 = arith.constant 124 : i32
      %get3A_3026 = arith.index_cast %get3A_3024 : i32 to index
      %get3A_3027 = arith.index_cast %get3A_3025 : i32 to index
      %get3A_3028 = arith.constant 16 : index
      %get3A_3029 = tpu.vector_load %arg25[%get3A_3026, %get3A_3027, %get3A_3028] {strides = array<i32>} : memref<4x208x32xf32, #tpu.memory_space<vmem>>, vector<1x1x16xf32>,
      %get3A_3030 = vector.shape_cast %get3A_3029 : vector<1x1x16xf32> to vector<16xf32>
      %mul3A_3031 = vector.broadcast %squeeze3A_3013 : f32 to vector<16xf32>
      %mul3A_3032 = arith.mulf %mul3A_3031, %get3A_3030 : vector<16xf32>
      %add3A_3033 = arith.addf %add3A_3011, %mul3A_3032 : vector<16xf32>
      %slice3A_3034 = vector.extract_strided_slice %exp3A_176 {offsets = [13], sizes = [1], strides = [1]} : vector<16xf32> to vector<1xf32>
      %squeeze3A_3035 = vector.extract %slice3A_3034[0] : f32 from vector<1xf32>
      %get3A_3036 = arith.constant 0 : i32
      %get3A_3037 = arith.constant 125 : i32
      %get3A_3038 = arith.index_cast %get3A_3036 : i32 to index
      %get3A_3039 = arith.index_cast %get3A_3037 : i32 to index
      %get3A_3040 = arith.constant 0 : index
      %get3A_3041 = tpu.vector_load %arg25[%get3A_3038, %get3A_3039, %get3A_3040] {strides = array<i32>} : memref<4x208x32xf32, #tpu.memory_space<vmem>>, vector<1x1x16xf32>,
      %get3A_3042 = vector.shape_cast %get3A_3041 : vector<1x1x16xf32> to vector<16xf32>
      %mul3A_3043 = vector.broadcast %squeeze3A_3035 : f32 to vector<16xf32>
      %mul3A_3044 = arith.mulf %mul3A_3043, %get3A_3042 : vector<16xf32>
      %add3A_3045 = arith.addf %add3A_3023, %mul3A_3044 : vector<16xf32>
      %get3A_3046 = arith.constant 0 : i32
      %get3A_3047 = arith.constant 125 : i32
      %get3A_3048 = arith.index_cast %get3A_3046 : i32 to index
      %get3A_3049 = arith.index_cast %get3A_3047 : i32 to index
      %get3A_3050 = arith.constant 16 : index
      %get3A_3051 = tpu.vector_load %arg25[%get3A_3048, %get3A_3049, %get3A_3050] {strides = array<i32>} : memref<4x208x32xf32, #tpu.memory_space<vmem>>, vector<1x1x16xf32>,
      %get3A_3052 = vector.shape_cast %get3A_3051 : vector<1x1x16xf32> to vector<16xf32>
      %mul3A_3053 = vector.broadcast %squeeze3A_3035 : f32 to vector<16xf32>
      %mul3A_3054 = arith.mulf %mul3A_3053, %get3A_3052 : vector<16xf32>
      %add3A_3055 = arith.addf %add3A_3033, %mul3A_3054 : vector<16xf32>
      %slice3A_3056 = vector.extract_strided_slice %exp3A_176 {offsets = [14], sizes = [1], strides = [1]} : vector<16xf32> to vector<1xf32>
      %squeeze3A_3057 = vector.extract %slice3A_3056[0] : f32 from vector<1xf32>
      %get3A_3058 = arith.constant 0 : i32
      %get3A_3059 = arith.constant 126 : i32
      %get3A_3060 = arith.index_cast %get3A_3058 : i32 to index
      %get3A_3061 = arith.index_cast %get3A_3059 : i32 to index
      %get3A_3062 = arith.constant 0 : index
      %get3A_3063 = tpu.vector_load %arg25[%get3A_3060, %get3A_3061, %get3A_3062] {strides = array<i32>} : memref<4x208x32xf32, #tpu.memory_space<vmem>>, vector<1x1x16xf32>,
      %get3A_3064 = vector.shape_cast %get3A_3063 : vector<1x1x16xf32> to vector<16xf32>
      %mul3A_3065 = vector.broadcast %squeeze3A_3057 : f32 to vector<16xf32>
      %mul3A_3066 = arith.mulf %mul3A_3065, %get3A_3064 : vector<16xf32>
      %add3A_3067 = arith.addf %add3A_3045, %mul3A_3066 : vector<16xf32>
      %get3A_3068 = arith.constant 0 : i32
      %get3A_3069 = arith.constant 126 : i32
      %get3A_3070 = arith.index_cast %get3A_3068 : i32 to index
      %get3A_3071 = arith.index_cast %get3A_3069 : i32 to index
      %get3A_3072 = arith.constant 16 : index
      %get3A_3073 = tpu.vector_load %arg25[%get3A_3070, %get3A_3071, %get3A_3072] {strides = array<i32>} : memref<4x208x32xf32, #tpu.memory_space<vmem>>, vector<1x1x16xf32>,
      %get3A_3074 = vector.shape_cast %get3A_3073 : vector<1x1x16xf32> to vector<16xf32>
      %mul3A_3075 = vector.broadcast %squeeze3A_3057 : f32 to vector<16xf32>
      %mul3A_3076 = arith.mulf %mul3A_3075, %get3A_3074 : vector<16xf32>
      %add3A_3077 = arith.addf %add3A_3055, %mul3A_3076 : vector<16xf32>
      %slice3A_3078 = vector.extract_strided_slice %exp3A_176 {offsets = [15], sizes = [1], strides = [1]} : vector<16xf32> to vector<1xf32>
      %squeeze3A_3079 = vector.extract %slice3A_3078[0] : f32 from vector<1xf32>
      %get3A_3080 = arith.constant 0 : i32
      %get3A_3081 = arith.constant 127 : i32
      %get3A_3082 = arith.index_cast %get3A_3080 : i32 to index
      %get3A_3083 = arith.index_cast %get3A_3081 : i32 to index
      %get3A_3084 = arith.constant 0 : index
      %get3A_3085 = tpu.vector_load %arg25[%get3A_3082, %get3A_3083, %get3A_3084] {strides = array<i32>} : memref<4x208x32xf32, #tpu.memory_space<vmem>>, vector<1x1x16xf32>,
      %get3A_3086 = vector.shape_cast %get3A_3085 : vector<1x1x16xf32> to vector<16xf32>
      %mul3A_3087 = vector.broadcast %squeeze3A_3079 : f32 to vector<16xf32>
      %mul3A_3088 = arith.mulf %mul3A_3087, %get3A_3086 : vector<16xf32>
      %add3A_3089 = arith.addf %add3A_3067, %mul3A_3088 : vector<16xf32>
      %get3A_3090 = arith.constant 0 : i32
      %get3A_3091 = arith.constant 127 : i32
      %get3A_3092 = arith.index_cast %get3A_3090 : i32 to index
      %get3A_3093 = arith.index_cast %get3A_3091 : i32 to index
      %get3A_3094 = arith.constant 16 : index
      %get3A_3095 = tpu.vector_load %arg25[%get3A_3092, %get3A_3093, %get3A_3094] {strides = array<i32>} : memref<4x208x32xf32, #tpu.memory_space<vmem>>, vector<1x1x16xf32>,
      %get3A_3096 = vector.shape_cast %get3A_3095 : vector<1x1x16xf32> to vector<16xf32>
      %mul3A_3097 = vector.broadcast %squeeze3A_3079 : f32 to vector<16xf32>
      %mul3A_3098 = arith.mulf %mul3A_3097, %get3A_3096 : vector<16xf32>
      %add3A_3099 = arith.addf %add3A_3077, %mul3A_3098 : vector<16xf32>
      %slice3A_3100 = vector.extract_strided_slice %exp3A_186 {offsets = [0], sizes = [1], strides = [1]} : vector<16xf32> to vector<1xf32>
      %squeeze3A_3101 = vector.extract %slice3A_3100[0] : f32 from vector<1xf32>
      %get3A_3102 = arith.constant 0 : i32
      %get3A_3103 = arith.constant 128 : i32
      %get3A_3104 = arith.index_cast %get3A_3102 : i32 to index
      %get3A_3105 = arith.index_cast %get3A_3103 : i32 to index
      %get3A_3106 = arith.constant 0 : index
      %get3A_3107 = tpu.vector_load %arg25[%get3A_3104, %get3A_3105, %get3A_3106] {strides = array<i32>} : memref<4x208x32xf32, #tpu.memory_space<vmem>>, vector<1x1x16xf32>,
      %get3A_3108 = vector.shape_cast %get3A_3107 : vector<1x1x16xf32> to vector<16xf32>
      %mul3A_3109 = vector.broadcast %squeeze3A_3101 : f32 to vector<16xf32>
      %mul3A_3110 = arith.mulf %mul3A_3109, %get3A_3108 : vector<16xf32>
      %add3A_3111 = arith.addf %add3A_3089, %mul3A_3110 : vector<16xf32>
      %get3A_3112 = arith.constant 0 : i32
      %get3A_3113 = arith.constant 128 : i32
      %get3A_3114 = arith.index_cast %get3A_3112 : i32 to index
      %get3A_3115 = arith.index_cast %get3A_3113 : i32 to index
      %get3A_3116 = arith.constant 16 : index
      %get3A_3117 = tpu.vector_load %arg25[%get3A_3114, %get3A_3115, %get3A_3116] {strides = array<i32>} : memref<4x208x32xf32, #tpu.memory_space<vmem>>, vector<1x1x16xf32>,
      %get3A_3118 = vector.shape_cast %get3A_3117 : vector<1x1x16xf32> to vector<16xf32>
      %mul3A_3119 = vector.broadcast %squeeze3A_3101 : f32 to vector<16xf32>
      %mul3A_3120 = arith.mulf %mul3A_3119, %get3A_3118 : vector<16xf32>
      %add3A_3121 = arith.addf %add3A_3099, %mul3A_3120 : vector<16xf32>
      %slice3A_3122 = vector.extract_strided_slice %exp3A_186 {offsets = [1], sizes = [1], strides = [1]} : vector<16xf32> to vector<1xf32>
      %squeeze3A_3123 = vector.extract %slice3A_3122[0] : f32 from vector<1xf32>
      %get3A_3124 = arith.constant 0 : i32
      %get3A_3125 = arith.constant 129 : i32
      %get3A_3126 = arith.index_cast %get3A_3124 : i32 to index
      %get3A_3127 = arith.index_cast %get3A_3125 : i32 to index
      %get3A_3128 = arith.constant 0 : index
      %get3A_3129 = tpu.vector_load %arg25[%get3A_3126, %get3A_3127, %get3A_3128] {strides = array<i32>} : memref<4x208x32xf32, #tpu.memory_space<vmem>>, vector<1x1x16xf32>,
      %get3A_3130 = vector.shape_cast %get3A_3129 : vector<1x1x16xf32> to vector<16xf32>
      %mul3A_3131 = vector.broadcast %squeeze3A_3123 : f32 to vector<16xf32>
      %mul3A_3132 = arith.mulf %mul3A_3131, %get3A_3130 : vector<16xf32>
      %add3A_3133 = arith.addf %add3A_3111, %mul3A_3132 : vector<16xf32>
      %get3A_3134 = arith.constant 0 : i32
      %get3A_3135 = arith.constant 129 : i32
      %get3A_3136 = arith.index_cast %get3A_3134 : i32 to index
      %get3A_3137 = arith.index_cast %get3A_3135 : i32 to index
      %get3A_3138 = arith.constant 16 : index
      %get3A_3139 = tpu.vector_load %arg25[%get3A_3136, %get3A_3137, %get3A_3138] {strides = array<i32>} : memref<4x208x32xf32, #tpu.memory_space<vmem>>, vector<1x1x16xf32>,
      %get3A_3140 = vector.shape_cast %get3A_3139 : vector<1x1x16xf32> to vector<16xf32>
      %mul3A_3141 = vector.broadcast %squeeze3A_3123 : f32 to vector<16xf32>
      %mul3A_3142 = arith.mulf %mul3A_3141, %get3A_3140 : vector<16xf32>
      %add3A_3143 = arith.addf %add3A_3121, %mul3A_3142 : vector<16xf32>
      %slice3A_3144 = vector.extract_strided_slice %exp3A_186 {offsets = [2], sizes = [1], strides = [1]} : vector<16xf32> to vector<1xf32>
      %squeeze3A_3145 = vector.extract %slice3A_3144[0] : f32 from vector<1xf32>
      %get3A_3146 = arith.constant 0 : i32
      %get3A_3147 = arith.constant 130 : i32
      %get3A_3148 = arith.index_cast %get3A_3146 : i32 to index
      %get3A_3149 = arith.index_cast %get3A_3147 : i32 to index
      %get3A_3150 = arith.constant 0 : index
      %get3A_3151 = tpu.vector_load %arg25[%get3A_3148, %get3A_3149, %get3A_3150] {strides = array<i32>} : memref<4x208x32xf32, #tpu.memory_space<vmem>>, vector<1x1x16xf32>,
      %get3A_3152 = vector.shape_cast %get3A_3151 : vector<1x1x16xf32> to vector<16xf32>
      %mul3A_3153 = vector.broadcast %squeeze3A_3145 : f32 to vector<16xf32>
      %mul3A_3154 = arith.mulf %mul3A_3153, %get3A_3152 : vector<16xf32>
      %add3A_3155 = arith.addf %add3A_3133, %mul3A_3154 : vector<16xf32>
      %get3A_3156 = arith.constant 0 : i32
      %get3A_3157 = arith.constant 130 : i32
      %get3A_3158 = arith.index_cast %get3A_3156 : i32 to index
      %get3A_3159 = arith.index_cast %get3A_3157 : i32 to index
      %get3A_3160 = arith.constant 16 : index
      %get3A_3161 = tpu.vector_load %arg25[%get3A_3158, %get3A_3159, %get3A_3160] {strides = array<i32>} : memref<4x208x32xf32, #tpu.memory_space<vmem>>, vector<1x1x16xf32>,
      %get3A_3162 = vector.shape_cast %get3A_3161 : vector<1x1x16xf32> to vector<16xf32>
      %mul3A_3163 = vector.broadcast %squeeze3A_3145 : f32 to vector<16xf32>
      %mul3A_3164 = arith.mulf %mul3A_3163, %get3A_3162 : vector<16xf32>
      %add3A_3165 = arith.addf %add3A_3143, %mul3A_3164 : vector<16xf32>
      %slice3A_3166 = vector.extract_strided_slice %exp3A_186 {offsets = [3], sizes = [1], strides = [1]} : vector<16xf32> to vector<1xf32>
      %squeeze3A_3167 = vector.extract %slice3A_3166[0] : f32 from vector<1xf32>
      %get3A_3168 = arith.constant 0 : i32
      %get3A_3169 = arith.constant 131 : i32
      %get3A_3170 = arith.index_cast %get3A_3168 : i32 to index
      %get3A_3171 = arith.index_cast %get3A_3169 : i32 to index
      %get3A_3172 = arith.constant 0 : index
      %get3A_3173 = tpu.vector_load %arg25[%get3A_3170, %get3A_3171, %get3A_3172] {strides = array<i32>} : memref<4x208x32xf32, #tpu.memory_space<vmem>>, vector<1x1x16xf32>,
      %get3A_3174 = vector.shape_cast %get3A_3173 : vector<1x1x16xf32> to vector<16xf32>
      %mul3A_3175 = vector.broadcast %squeeze3A_3167 : f32 to vector<16xf32>
      %mul3A_3176 = arith.mulf %mul3A_3175, %get3A_3174 : vector<16xf32>
      %add3A_3177 = arith.addf %add3A_3155, %mul3A_3176 : vector<16xf32>
      %get3A_3178 = arith.constant 0 : i32
      %get3A_3179 = arith.constant 131 : i32
      %get3A_3180 = arith.index_cast %get3A_3178 : i32 to index
      %get3A_3181 = arith.index_cast %get3A_3179 : i32 to index
      %get3A_3182 = arith.constant 16 : index
      %get3A_3183 = tpu.vector_load %arg25[%get3A_3180, %get3A_3181, %get3A_3182] {strides = array<i32>} : memref<4x208x32xf32, #tpu.memory_space<vmem>>, vector<1x1x16xf32>,
      %get3A_3184 = vector.shape_cast %get3A_3183 : vector<1x1x16xf32> to vector<16xf32>
      %mul3A_3185 = vector.broadcast %squeeze3A_3167 : f32 to vector<16xf32>
      %mul3A_3186 = arith.mulf %mul3A_3185, %get3A_3184 : vector<16xf32>
      %add3A_3187 = arith.addf %add3A_3165, %mul3A_3186 : vector<16xf32>
      %slice3A_3188 = vector.extract_strided_slice %exp3A_186 {offsets = [4], sizes = [1], strides = [1]} : vector<16xf32> to vector<1xf32>
      %squeeze3A_3189 = vector.extract %slice3A_3188[0] : f32 from vector<1xf32>
      %get3A_3190 = arith.constant 0 : i32
      %get3A_3191 = arith.constant 132 : i32
      %get3A_3192 = arith.index_cast %get3A_3190 : i32 to index
      %get3A_3193 = arith.index_cast %get3A_3191 : i32 to index
      %get3A_3194 = arith.constant 0 : index
      %get3A_3195 = tpu.vector_load %arg25[%get3A_3192, %get3A_3193, %get3A_3194] {strides = array<i32>} : memref<4x208x32xf32, #tpu.memory_space<vmem>>, vector<1x1x16xf32>,
      %get3A_3196 = vector.shape_cast %get3A_3195 : vector<1x1x16xf32> to vector<16xf32>
      %mul3A_3197 = vector.broadcast %squeeze3A_3189 : f32 to vector<16xf32>
      %mul3A_3198 = arith.mulf %mul3A_3197, %get3A_3196 : vector<16xf32>
      %add3A_3199 = arith.addf %add3A_3177, %mul3A_3198 : vector<16xf32>
      %get3A_3200 = arith.constant 0 : i32
      %get3A_3201 = arith.constant 132 : i32
      %get3A_3202 = arith.index_cast %get3A_3200 : i32 to index
      %get3A_3203 = arith.index_cast %get3A_3201 : i32 to index
      %get3A_3204 = arith.constant 16 : index
      %get3A_3205 = tpu.vector_load %arg25[%get3A_3202, %get3A_3203, %get3A_3204] {strides = array<i32>} : memref<4x208x32xf32, #tpu.memory_space<vmem>>, vector<1x1x16xf32>,
      %get3A_3206 = vector.shape_cast %get3A_3205 : vector<1x1x16xf32> to vector<16xf32>
      %mul3A_3207 = vector.broadcast %squeeze3A_3189 : f32 to vector<16xf32>
      %mul3A_3208 = arith.mulf %mul3A_3207, %get3A_3206 : vector<16xf32>
      %add3A_3209 = arith.addf %add3A_3187, %mul3A_3208 : vector<16xf32>
      %slice3A_3210 = vector.extract_strided_slice %exp3A_186 {offsets = [5], sizes = [1], strides = [1]} : vector<16xf32> to vector<1xf32>
      %squeeze3A_3211 = vector.extract %slice3A_3210[0] : f32 from vector<1xf32>
      %get3A_3212 = arith.constant 0 : i32
      %get3A_3213 = arith.constant 133 : i32
      %get3A_3214 = arith.index_cast %get3A_3212 : i32 to index
      %get3A_3215 = arith.index_cast %get3A_3213 : i32 to index
      %get3A_3216 = arith.constant 0 : index
      %get3A_3217 = tpu.vector_load %arg25[%get3A_3214, %get3A_3215, %get3A_3216] {strides = array<i32>} : memref<4x208x32xf32, #tpu.memory_space<vmem>>, vector<1x1x16xf32>,
      %get3A_3218 = vector.shape_cast %get3A_3217 : vector<1x1x16xf32> to vector<16xf32>
      %mul3A_3219 = vector.broadcast %squeeze3A_3211 : f32 to vector<16xf32>
      %mul3A_3220 = arith.mulf %mul3A_3219, %get3A_3218 : vector<16xf32>
      %add3A_3221 = arith.addf %add3A_3199, %mul3A_3220 : vector<16xf32>
      %get3A_3222 = arith.constant 0 : i32
      %get3A_3223 = arith.constant 133 : i32
      %get3A_3224 = arith.index_cast %get3A_3222 : i32 to index
      %get3A_3225 = arith.index_cast %get3A_3223 : i32 to index
      %get3A_3226 = arith.constant 16 : index
      %get3A_3227 = tpu.vector_load %arg25[%get3A_3224, %get3A_3225, %get3A_3226] {strides = array<i32>} : memref<4x208x32xf32, #tpu.memory_space<vmem>>, vector<1x1x16xf32>,
      %get3A_3228 = vector.shape_cast %get3A_3227 : vector<1x1x16xf32> to vector<16xf32>
      %mul3A_3229 = vector.broadcast %squeeze3A_3211 : f32 to vector<16xf32>
      %mul3A_3230 = arith.mulf %mul3A_3229, %get3A_3228 : vector<16xf32>
      %add3A_3231 = arith.addf %add3A_3209, %mul3A_3230 : vector<16xf32>
      %slice3A_3232 = vector.extract_strided_slice %exp3A_186 {offsets = [6], sizes = [1], strides = [1]} : vector<16xf32> to vector<1xf32>
      %squeeze3A_3233 = vector.extract %slice3A_3232[0] : f32 from vector<1xf32>
      %get3A_3234 = arith.constant 0 : i32
      %get3A_3235 = arith.constant 134 : i32
      %get3A_3236 = arith.index_cast %get3A_3234 : i32 to index
      %get3A_3237 = arith.index_cast %get3A_3235 : i32 to index
      %get3A_3238 = arith.constant 0 : index
      %get3A_3239 = tpu.vector_load %arg25[%get3A_3236, %get3A_3237, %get3A_3238] {strides = array<i32>} : memref<4x208x32xf32, #tpu.memory_space<vmem>>, vector<1x1x16xf32>,
      %get3A_3240 = vector.shape_cast %get3A_3239 : vector<1x1x16xf32> to vector<16xf32>
      %mul3A_3241 = vector.broadcast %squeeze3A_3233 : f32 to vector<16xf32>
      %mul3A_3242 = arith.mulf %mul3A_3241, %get3A_3240 : vector<16xf32>
      %add3A_3243 = arith.addf %add3A_3221, %mul3A_3242 : vector<16xf32>
      %get3A_3244 = arith.constant 0 : i32
      %get3A_3245 = arith.constant 134 : i32
      %get3A_3246 = arith.index_cast %get3A_3244 : i32 to index
      %get3A_3247 = arith.index_cast %get3A_3245 : i32 to index
      %get3A_3248 = arith.constant 16 : index
      %get3A_3249 = tpu.vector_load %arg25[%get3A_3246, %get3A_3247, %get3A_3248] {strides = array<i32>} : memref<4x208x32xf32, #tpu.memory_space<vmem>>, vector<1x1x16xf32>,
      %get3A_3250 = vector.shape_cast %get3A_3249 : vector<1x1x16xf32> to vector<16xf32>
      %mul3A_3251 = vector.broadcast %squeeze3A_3233 : f32 to vector<16xf32>
      %mul3A_3252 = arith.mulf %mul3A_3251, %get3A_3250 : vector<16xf32>
      %add3A_3253 = arith.addf %add3A_3231, %mul3A_3252 : vector<16xf32>
      %slice3A_3254 = vector.extract_strided_slice %exp3A_186 {offsets = [7], sizes = [1], strides = [1]} : vector<16xf32> to vector<1xf32>
      %squeeze3A_3255 = vector.extract %slice3A_3254[0] : f32 from vector<1xf32>
      %get3A_3256 = arith.constant 0 : i32
      %get3A_3257 = arith.constant 135 : i32
      %get3A_3258 = arith.index_cast %get3A_3256 : i32 to index
      %get3A_3259 = arith.index_cast %get3A_3257 : i32 to index
      %get3A_3260 = arith.constant 0 : index
      %get3A_3261 = tpu.vector_load %arg25[%get3A_3258, %get3A_3259, %get3A_3260] {strides = array<i32>} : memref<4x208x32xf32, #tpu.memory_space<vmem>>, vector<1x1x16xf32>,
      %get3A_3262 = vector.shape_cast %get3A_3261 : vector<1x1x16xf32> to vector<16xf32>
      %mul3A_3263 = vector.broadcast %squeeze3A_3255 : f32 to vector<16xf32>
      %mul3A_3264 = arith.mulf %mul3A_3263, %get3A_3262 : vector<16xf32>
      %add3A_3265 = arith.addf %add3A_3243, %mul3A_3264 : vector<16xf32>
      %get3A_3266 = arith.constant 0 : i32
      %get3A_3267 = arith.constant 135 : i32
      %get3A_3268 = arith.index_cast %get3A_3266 : i32 to index
      %get3A_3269 = arith.index_cast %get3A_3267 : i32 to index
      %get3A_3270 = arith.constant 16 : index
      %get3A_3271 = tpu.vector_load %arg25[%get3A_3268, %get3A_3269, %get3A_3270] {strides = array<i32>} : memref<4x208x32xf32, #tpu.memory_space<vmem>>, vector<1x1x16xf32>,
      %get3A_3272 = vector.shape_cast %get3A_3271 : vector<1x1x16xf32> to vector<16xf32>
      %mul3A_3273 = vector.broadcast %squeeze3A_3255 : f32 to vector<16xf32>
      %mul3A_3274 = arith.mulf %mul3A_3273, %get3A_3272 : vector<16xf32>
      %add3A_3275 = arith.addf %add3A_3253, %mul3A_3274 : vector<16xf32>
      %slice3A_3276 = vector.extract_strided_slice %exp3A_186 {offsets = [8], sizes = [1], strides = [1]} : vector<16xf32> to vector<1xf32>
      %squeeze3A_3277 = vector.extract %slice3A_3276[0] : f32 from vector<1xf32>
      %get3A_3278 = arith.constant 0 : i32
      %get3A_3279 = arith.constant 136 : i32
      %get3A_3280 = arith.index_cast %get3A_3278 : i32 to index
      %get3A_3281 = arith.index_cast %get3A_3279 : i32 to index
      %get3A_3282 = arith.constant 0 : index
      %get3A_3283 = tpu.vector_load %arg25[%get3A_3280, %get3A_3281, %get3A_3282] {strides = array<i32>} : memref<4x208x32xf32, #tpu.memory_space<vmem>>, vector<1x1x16xf32>,
      %get3A_3284 = vector.shape_cast %get3A_3283 : vector<1x1x16xf32> to vector<16xf32>
      %mul3A_3285 = vector.broadcast %squeeze3A_3277 : f32 to vector<16xf32>
      %mul3A_3286 = arith.mulf %mul3A_3285, %get3A_3284 : vector<16xf32>
      %add3A_3287 = arith.addf %add3A_3265, %mul3A_3286 : vector<16xf32>
      %get3A_3288 = arith.constant 0 : i32
      %get3A_3289 = arith.constant 136 : i32
      %get3A_3290 = arith.index_cast %get3A_3288 : i32 to index
      %get3A_3291 = arith.index_cast %get3A_3289 : i32 to index
      %get3A_3292 = arith.constant 16 : index
      %get3A_3293 = tpu.vector_load %arg25[%get3A_3290, %get3A_3291, %get3A_3292] {strides = array<i32>} : memref<4x208x32xf32, #tpu.memory_space<vmem>>, vector<1x1x16xf32>,
      %get3A_3294 = vector.shape_cast %get3A_3293 : vector<1x1x16xf32> to vector<16xf32>
      %mul3A_3295 = vector.broadcast %squeeze3A_3277 : f32 to vector<16xf32>
      %mul3A_3296 = arith.mulf %mul3A_3295, %get3A_3294 : vector<16xf32>
      %add3A_3297 = arith.addf %add3A_3275, %mul3A_3296 : vector<16xf32>
      %slice3A_3298 = vector.extract_strided_slice %exp3A_186 {offsets = [9], sizes = [1], strides = [1]} : vector<16xf32> to vector<1xf32>
      %squeeze3A_3299 = vector.extract %slice3A_3298[0] : f32 from vector<1xf32>
      %get3A_3300 = arith.constant 0 : i32
      %get3A_3301 = arith.constant 137 : i32
      %get3A_3302 = arith.index_cast %get3A_3300 : i32 to index
      %get3A_3303 = arith.index_cast %get3A_3301 : i32 to index
      %get3A_3304 = arith.constant 0 : index
      %get3A_3305 = tpu.vector_load %arg25[%get3A_3302, %get3A_3303, %get3A_3304] {strides = array<i32>} : memref<4x208x32xf32, #tpu.memory_space<vmem>>, vector<1x1x16xf32>,
      %get3A_3306 = vector.shape_cast %get3A_3305 : vector<1x1x16xf32> to vector<16xf32>
      %mul3A_3307 = vector.broadcast %squeeze3A_3299 : f32 to vector<16xf32>
      %mul3A_3308 = arith.mulf %mul3A_3307, %get3A_3306 : vector<16xf32>
      %add3A_3309 = arith.addf %add3A_3287, %mul3A_3308 : vector<16xf32>
      %get3A_3310 = arith.constant 0 : i32
      %get3A_3311 = arith.constant 137 : i32
      %get3A_3312 = arith.index_cast %get3A_3310 : i32 to index
      %get3A_3313 = arith.index_cast %get3A_3311 : i32 to index
      %get3A_3314 = arith.constant 16 : index
      %get3A_3315 = tpu.vector_load %arg25[%get3A_3312, %get3A_3313, %get3A_3314] {strides = array<i32>} : memref<4x208x32xf32, #tpu.memory_space<vmem>>, vector<1x1x16xf32>,
      %get3A_3316 = vector.shape_cast %get3A_3315 : vector<1x1x16xf32> to vector<16xf32>
      %mul3A_3317 = vector.broadcast %squeeze3A_3299 : f32 to vector<16xf32>
      %mul3A_3318 = arith.mulf %mul3A_3317, %get3A_3316 : vector<16xf32>
      %add3A_3319 = arith.addf %add3A_3297, %mul3A_3318 : vector<16xf32>
      %slice3A_3320 = vector.extract_strided_slice %exp3A_186 {offsets = [10], sizes = [1], strides = [1]} : vector<16xf32> to vector<1xf32>
      %squeeze3A_3321 = vector.extract %slice3A_3320[0] : f32 from vector<1xf32>
      %get3A_3322 = arith.constant 0 : i32
      %get3A_3323 = arith.constant 138 : i32
      %get3A_3324 = arith.index_cast %get3A_3322 : i32 to index
      %get3A_3325 = arith.index_cast %get3A_3323 : i32 to index
      %get3A_3326 = arith.constant 0 : index
      %get3A_3327 = tpu.vector_load %arg25[%get3A_3324, %get3A_3325, %get3A_3326] {strides = array<i32>} : memref<4x208x32xf32, #tpu.memory_space<vmem>>, vector<1x1x16xf32>,
      %get3A_3328 = vector.shape_cast %get3A_3327 : vector<1x1x16xf32> to vector<16xf32>
      %mul3A_3329 = vector.broadcast %squeeze3A_3321 : f32 to vector<16xf32>
      %mul3A_3330 = arith.mulf %mul3A_3329, %get3A_3328 : vector<16xf32>
      %add3A_3331 = arith.addf %add3A_3309, %mul3A_3330 : vector<16xf32>
      %get3A_3332 = arith.constant 0 : i32
      %get3A_3333 = arith.constant 138 : i32
      %get3A_3334 = arith.index_cast %get3A_3332 : i32 to index
      %get3A_3335 = arith.index_cast %get3A_3333 : i32 to index
      %get3A_3336 = arith.constant 16 : index
      %get3A_3337 = tpu.vector_load %arg25[%get3A_3334, %get3A_3335, %get3A_3336] {strides = array<i32>} : memref<4x208x32xf32, #tpu.memory_space<vmem>>, vector<1x1x16xf32>,
      %get3A_3338 = vector.shape_cast %get3A_3337 : vector<1x1x16xf32> to vector<16xf32>
      %mul3A_3339 = vector.broadcast %squeeze3A_3321 : f32 to vector<16xf32>
      %mul3A_3340 = arith.mulf %mul3A_3339, %get3A_3338 : vector<16xf32>
      %add3A_3341 = arith.addf %add3A_3319, %mul3A_3340 : vector<16xf32>
      %slice3A_3342 = vector.extract_strided_slice %exp3A_186 {offsets = [11], sizes = [1], strides = [1]} : vector<16xf32> to vector<1xf32>
      %squeeze3A_3343 = vector.extract %slice3A_3342[0] : f32 from vector<1xf32>
      %get3A_3344 = arith.constant 0 : i32
      %get3A_3345 = arith.constant 139 : i32
      %get3A_3346 = arith.index_cast %get3A_3344 : i32 to index
      %get3A_3347 = arith.index_cast %get3A_3345 : i32 to index
      %get3A_3348 = arith.constant 0 : index
      %get3A_3349 = tpu.vector_load %arg25[%get3A_3346, %get3A_3347, %get3A_3348] {strides = array<i32>} : memref<4x208x32xf32, #tpu.memory_space<vmem>>, vector<1x1x16xf32>,
      %get3A_3350 = vector.shape_cast %get3A_3349 : vector<1x1x16xf32> to vector<16xf32>
      %mul3A_3351 = vector.broadcast %squeeze3A_3343 : f32 to vector<16xf32>
      %mul3A_3352 = arith.mulf %mul3A_3351, %get3A_3350 : vector<16xf32>
      %add3A_3353 = arith.addf %add3A_3331, %mul3A_3352 : vector<16xf32>
      %get3A_3354 = arith.constant 0 : i32
      %get3A_3355 = arith.constant 139 : i32
      %get3A_3356 = arith.index_cast %get3A_3354 : i32 to index
      %get3A_3357 = arith.index_cast %get3A_3355 : i32 to index
      %get3A_3358 = arith.constant 16 : index
      %get3A_3359 = tpu.vector_load %arg25[%get3A_3356, %get3A_3357, %get3A_3358] {strides = array<i32>} : memref<4x208x32xf32, #tpu.memory_space<vmem>>, vector<1x1x16xf32>,
      %get3A_3360 = vector.shape_cast %get3A_3359 : vector<1x1x16xf32> to vector<16xf32>
      %mul3A_3361 = vector.broadcast %squeeze3A_3343 : f32 to vector<16xf32>
      %mul3A_3362 = arith.mulf %mul3A_3361, %get3A_3360 : vector<16xf32>
      %add3A_3363 = arith.addf %add3A_3341, %mul3A_3362 : vector<16xf32>
      %slice3A_3364 = vector.extract_strided_slice %exp3A_186 {offsets = [12], sizes = [1], strides = [1]} : vector<16xf32> to vector<1xf32>
      %squeeze3A_3365 = vector.extract %slice3A_3364[0] : f32 from vector<1xf32>
      %get3A_3366 = arith.constant 0 : i32
      %get3A_3367 = arith.constant 140 : i32
      %get3A_3368 = arith.index_cast %get3A_3366 : i32 to index
      %get3A_3369 = arith.index_cast %get3A_3367 : i32 to index
      %get3A_3370 = arith.constant 0 : index
      %get3A_3371 = tpu.vector_load %arg25[%get3A_3368, %get3A_3369, %get3A_3370] {strides = array<i32>} : memref<4x208x32xf32, #tpu.memory_space<vmem>>, vector<1x1x16xf32>,
      %get3A_3372 = vector.shape_cast %get3A_3371 : vector<1x1x16xf32> to vector<16xf32>
      %mul3A_3373 = vector.broadcast %squeeze3A_3365 : f32 to vector<16xf32>
      %mul3A_3374 = arith.mulf %mul3A_3373, %get3A_3372 : vector<16xf32>
      %add3A_3375 = arith.addf %add3A_3353, %mul3A_3374 : vector<16xf32>
      %get3A_3376 = arith.constant 0 : i32
      %get3A_3377 = arith.constant 140 : i32
      %get3A_3378 = arith.index_cast %get3A_3376 : i32 to index
      %get3A_3379 = arith.index_cast %get3A_3377 : i32 to index
      %get3A_3380 = arith.constant 16 : index
      %get3A_3381 = tpu.vector_load %arg25[%get3A_3378, %get3A_3379, %get3A_3380] {strides = array<i32>} : memref<4x208x32xf32, #tpu.memory_space<vmem>>, vector<1x1x16xf32>,
      %get3A_3382 = vector.shape_cast %get3A_3381 : vector<1x1x16xf32> to vector<16xf32>
      %mul3A_3383 = vector.broadcast %squeeze3A_3365 : f32 to vector<16xf32>
      %mul3A_3384 = arith.mulf %mul3A_3383, %get3A_3382 : vector<16xf32>
      %add3A_3385 = arith.addf %add3A_3363, %mul3A_3384 : vector<16xf32>
      %slice3A_3386 = vector.extract_strided_slice %exp3A_186 {offsets = [13], sizes = [1], strides = [1]} : vector<16xf32> to vector<1xf32>
      %squeeze3A_3387 = vector.extract %slice3A_3386[0] : f32 from vector<1xf32>
      %get3A_3388 = arith.constant 0 : i32
      %get3A_3389 = arith.constant 141 : i32
      %get3A_3390 = arith.index_cast %get3A_3388 : i32 to index
      %get3A_3391 = arith.index_cast %get3A_3389 : i32 to index
      %get3A_3392 = arith.constant 0 : index
      %get3A_3393 = tpu.vector_load %arg25[%get3A_3390, %get3A_3391, %get3A_3392] {strides = array<i32>} : memref<4x208x32xf32, #tpu.memory_space<vmem>>, vector<1x1x16xf32>,
      %get3A_3394 = vector.shape_cast %get3A_3393 : vector<1x1x16xf32> to vector<16xf32>
      %mul3A_3395 = vector.broadcast %squeeze3A_3387 : f32 to vector<16xf32>
      %mul3A_3396 = arith.mulf %mul3A_3395, %get3A_3394 : vector<16xf32>
      %add3A_3397 = arith.addf %add3A_3375, %mul3A_3396 : vector<16xf32>
      %get3A_3398 = arith.constant 0 : i32
      %get3A_3399 = arith.constant 141 : i32
      %get3A_3400 = arith.index_cast %get3A_3398 : i32 to index
      %get3A_3401 = arith.index_cast %get3A_3399 : i32 to index
      %get3A_3402 = arith.constant 16 : index
      %get3A_3403 = tpu.vector_load %arg25[%get3A_3400, %get3A_3401, %get3A_3402] {strides = array<i32>} : memref<4x208x32xf32, #tpu.memory_space<vmem>>, vector<1x1x16xf32>,
      %get3A_3404 = vector.shape_cast %get3A_3403 : vector<1x1x16xf32> to vector<16xf32>
      %mul3A_3405 = vector.broadcast %squeeze3A_3387 : f32 to vector<16xf32>
      %mul3A_3406 = arith.mulf %mul3A_3405, %get3A_3404 : vector<16xf32>
      %add3A_3407 = arith.addf %add3A_3385, %mul3A_3406 : vector<16xf32>
      %slice3A_3408 = vector.extract_strided_slice %exp3A_186 {offsets = [14], sizes = [1], strides = [1]} : vector<16xf32> to vector<1xf32>
      %squeeze3A_3409 = vector.extract %slice3A_3408[0] : f32 from vector<1xf32>
      %get3A_3410 = arith.constant 0 : i32
      %get3A_3411 = arith.constant 142 : i32
      %get3A_3412 = arith.index_cast %get3A_3410 : i32 to index
      %get3A_3413 = arith.index_cast %get3A_3411 : i32 to index
      %get3A_3414 = arith.constant 0 : index
      %get3A_3415 = tpu.vector_load %arg25[%get3A_3412, %get3A_3413, %get3A_3414] {strides = array<i32>} : memref<4x208x32xf32, #tpu.memory_space<vmem>>, vector<1x1x16xf32>,
      %get3A_3416 = vector.shape_cast %get3A_3415 : vector<1x1x16xf32> to vector<16xf32>
      %mul3A_3417 = vector.broadcast %squeeze3A_3409 : f32 to vector<16xf32>
      %mul3A_3418 = arith.mulf %mul3A_3417, %get3A_3416 : vector<16xf32>
      %add3A_3419 = arith.addf %add3A_3397, %mul3A_3418 : vector<16xf32>
      %get3A_3420 = arith.constant 0 : i32
      %get3A_3421 = arith.constant 142 : i32
      %get3A_3422 = arith.index_cast %get3A_3420 : i32 to index
      %get3A_3423 = arith.index_cast %get3A_3421 : i32 to index
      %get3A_3424 = arith.constant 16 : index
      %get3A_3425 = tpu.vector_load %arg25[%get3A_3422, %get3A_3423, %get3A_3424] {strides = array<i32>} : memref<4x208x32xf32, #tpu.memory_space<vmem>>, vector<1x1x16xf32>,
      %get3A_3426 = vector.shape_cast %get3A_3425 : vector<1x1x16xf32> to vector<16xf32>
      %mul3A_3427 = vector.broadcast %squeeze3A_3409 : f32 to vector<16xf32>
      %mul3A_3428 = arith.mulf %mul3A_3427, %get3A_3426 : vector<16xf32>
      %add3A_3429 = arith.addf %add3A_3407, %mul3A_3428 : vector<16xf32>
      %slice3A_3430 = vector.extract_strided_slice %exp3A_186 {offsets = [15], sizes = [1], strides = [1]} : vector<16xf32> to vector<1xf32>
      %squeeze3A_3431 = vector.extract %slice3A_3430[0] : f32 from vector<1xf32>
      %get3A_3432 = arith.constant 0 : i32
      %get3A_3433 = arith.constant 143 : i32
      %get3A_3434 = arith.index_cast %get3A_3432 : i32 to index
      %get3A_3435 = arith.index_cast %get3A_3433 : i32 to index
      %get3A_3436 = arith.constant 0 : index
      %get3A_3437 = tpu.vector_load %arg25[%get3A_3434, %get3A_3435, %get3A_3436] {strides = array<i32>} : memref<4x208x32xf32, #tpu.memory_space<vmem>>, vector<1x1x16xf32>,
      %get3A_3438 = vector.shape_cast %get3A_3437 : vector<1x1x16xf32> to vector<16xf32>
      %mul3A_3439 = vector.broadcast %squeeze3A_3431 : f32 to vector<16xf32>
      %mul3A_3440 = arith.mulf %mul3A_3439, %get3A_3438 : vector<16xf32>
      %add3A_3441 = arith.addf %add3A_3419, %mul3A_3440 : vector<16xf32>
      %get3A_3442 = arith.constant 0 : i32
      %get3A_3443 = arith.constant 143 : i32
      %get3A_3444 = arith.index_cast %get3A_3442 : i32 to index
      %get3A_3445 = arith.index_cast %get3A_3443 : i32 to index
      %get3A_3446 = arith.constant 16 : index
      %get3A_3447 = tpu.vector_load %arg25[%get3A_3444, %get3A_3445, %get3A_3446] {strides = array<i32>} : memref<4x208x32xf32, #tpu.memory_space<vmem>>, vector<1x1x16xf32>,
      %get3A_3448 = vector.shape_cast %get3A_3447 : vector<1x1x16xf32> to vector<16xf32>
      %mul3A_3449 = vector.broadcast %squeeze3A_3431 : f32 to vector<16xf32>
      %mul3A_3450 = arith.mulf %mul3A_3449, %get3A_3448 : vector<16xf32>
      %add3A_3451 = arith.addf %add3A_3429, %mul3A_3450 : vector<16xf32>
      %slice3A_3452 = vector.extract_strided_slice %exp3A_196 {offsets = [0], sizes = [1], strides = [1]} : vector<16xf32> to vector<1xf32>
      %squeeze3A_3453 = vector.extract %slice3A_3452[0] : f32 from vector<1xf32>
      %get3A_3454 = arith.constant 0 : i32
      %get3A_3455 = arith.constant 144 : i32
      %get3A_3456 = arith.index_cast %get3A_3454 : i32 to index
      %get3A_3457 = arith.index_cast %get3A_3455 : i32 to index
      %get3A_3458 = arith.constant 0 : index
      %get3A_3459 = tpu.vector_load %arg25[%get3A_3456, %get3A_3457, %get3A_3458] {strides = array<i32>} : memref<4x208x32xf32, #tpu.memory_space<vmem>>, vector<1x1x16xf32>,
      %get3A_3460 = vector.shape_cast %get3A_3459 : vector<1x1x16xf32> to vector<16xf32>
      %mul3A_3461 = vector.broadcast %squeeze3A_3453 : f32 to vector<16xf32>
      %mul3A_3462 = arith.mulf %mul3A_3461, %get3A_3460 : vector<16xf32>
      %add3A_3463 = arith.addf %add3A_3441, %mul3A_3462 : vector<16xf32>
      %get3A_3464 = arith.constant 0 : i32
      %get3A_3465 = arith.constant 144 : i32
      %get3A_3466 = arith.index_cast %get3A_3464 : i32 to index
      %get3A_3467 = arith.index_cast %get3A_3465 : i32 to index
      %get3A_3468 = arith.constant 16 : index
      %get3A_3469 = tpu.vector_load %arg25[%get3A_3466, %get3A_3467, %get3A_3468] {strides = array<i32>} : memref<4x208x32xf32, #tpu.memory_space<vmem>>, vector<1x1x16xf32>,
      %get3A_3470 = vector.shape_cast %get3A_3469 : vector<1x1x16xf32> to vector<16xf32>
      %mul3A_3471 = vector.broadcast %squeeze3A_3453 : f32 to vector<16xf32>
      %mul3A_3472 = arith.mulf %mul3A_3471, %get3A_3470 : vector<16xf32>
      %add3A_3473 = arith.addf %add3A_3451, %mul3A_3472 : vector<16xf32>
      %slice3A_3474 = vector.extract_strided_slice %exp3A_196 {offsets = [1], sizes = [1], strides = [1]} : vector<16xf32> to vector<1xf32>
      %squeeze3A_3475 = vector.extract %slice3A_3474[0] : f32 from vector<1xf32>
      %get3A_3476 = arith.constant 0 : i32
      %get3A_3477 = arith.constant 145 : i32
      %get3A_3478 = arith.index_cast %get3A_3476 : i32 to index
      %get3A_3479 = arith.index_cast %get3A_3477 : i32 to index
      %get3A_3480 = arith.constant 0 : index
      %get3A_3481 = tpu.vector_load %arg25[%get3A_3478, %get3A_3479, %get3A_3480] {strides = array<i32>} : memref<4x208x32xf32, #tpu.memory_space<vmem>>, vector<1x1x16xf32>,
      %get3A_3482 = vector.shape_cast %get3A_3481 : vector<1x1x16xf32> to vector<16xf32>
      %mul3A_3483 = vector.broadcast %squeeze3A_3475 : f32 to vector<16xf32>
      %mul3A_3484 = arith.mulf %mul3A_3483, %get3A_3482 : vector<16xf32>
      %add3A_3485 = arith.addf %add3A_3463, %mul3A_3484 : vector<16xf32>
      %get3A_3486 = arith.constant 0 : i32
      %get3A_3487 = arith.constant 145 : i32
      %get3A_3488 = arith.index_cast %get3A_3486 : i32 to index
      %get3A_3489 = arith.index_cast %get3A_3487 : i32 to index
      %get3A_3490 = arith.constant 16 : index
      %get3A_3491 = tpu.vector_load %arg25[%get3A_3488, %get3A_3489, %get3A_3490] {strides = array<i32>} : memref<4x208x32xf32, #tpu.memory_space<vmem>>, vector<1x1x16xf32>,
      %get3A_3492 = vector.shape_cast %get3A_3491 : vector<1x1x16xf32> to vector<16xf32>
      %mul3A_3493 = vector.broadcast %squeeze3A_3475 : f32 to vector<16xf32>
      %mul3A_3494 = arith.mulf %mul3A_3493, %get3A_3492 : vector<16xf32>
      %add3A_3495 = arith.addf %add3A_3473, %mul3A_3494 : vector<16xf32>
      %slice3A_3496 = vector.extract_strided_slice %exp3A_196 {offsets = [2], sizes = [1], strides = [1]} : vector<16xf32> to vector<1xf32>
      %squeeze3A_3497 = vector.extract %slice3A_3496[0] : f32 from vector<1xf32>
      %get3A_3498 = arith.constant 0 : i32
      %get3A_3499 = arith.constant 146 : i32
      %get3A_3500 = arith.index_cast %get3A_3498 : i32 to index
      %get3A_3501 = arith.index_cast %get3A_3499 : i32 to index
      %get3A_3502 = arith.constant 0 : index
      %get3A_3503 = tpu.vector_load %arg25[%get3A_3500, %get3A_3501, %get3A_3502] {strides = array<i32>} : memref<4x208x32xf32, #tpu.memory_space<vmem>>, vector<1x1x16xf32>,
      %get3A_3504 = vector.shape_cast %get3A_3503 : vector<1x1x16xf32> to vector<16xf32>
      %mul3A_3505 = vector.broadcast %squeeze3A_3497 : f32 to vector<16xf32>
      %mul3A_3506 = arith.mulf %mul3A_3505, %get3A_3504 : vector<16xf32>
      %add3A_3507 = arith.addf %add3A_3485, %mul3A_3506 : vector<16xf32>
      %get3A_3508 = arith.constant 0 : i32
      %get3A_3509 = arith.constant 146 : i32
      %get3A_3510 = arith.index_cast %get3A_3508 : i32 to index
      %get3A_3511 = arith.index_cast %get3A_3509 : i32 to index
      %get3A_3512 = arith.constant 16 : index
      %get3A_3513 = tpu.vector_load %arg25[%get3A_3510, %get3A_3511, %get3A_3512] {strides = array<i32>} : memref<4x208x32xf32, #tpu.memory_space<vmem>>, vector<1x1x16xf32>,
      %get3A_3514 = vector.shape_cast %get3A_3513 : vector<1x1x16xf32> to vector<16xf32>
      %mul3A_3515 = vector.broadcast %squeeze3A_3497 : f32 to vector<16xf32>
      %mul3A_3516 = arith.mulf %mul3A_3515, %get3A_3514 : vector<16xf32>
      %add3A_3517 = arith.addf %add3A_3495, %mul3A_3516 : vector<16xf32>
      %slice3A_3518 = vector.extract_strided_slice %exp3A_196 {offsets = [3], sizes = [1], strides = [1]} : vector<16xf32> to vector<1xf32>
      %squeeze3A_3519 = vector.extract %slice3A_3518[0] : f32 from vector<1xf32>
      %get3A_3520 = arith.constant 0 : i32
      %get3A_3521 = arith.constant 147 : i32
      %get3A_3522 = arith.index_cast %get3A_3520 : i32 to index
      %get3A_3523 = arith.index_cast %get3A_3521 : i32 to index
      %get3A_3524 = arith.constant 0 : index
      %get3A_3525 = tpu.vector_load %arg25[%get3A_3522, %get3A_3523, %get3A_3524] {strides = array<i32>} : memref<4x208x32xf32, #tpu.memory_space<vmem>>, vector<1x1x16xf32>,
      %get3A_3526 = vector.shape_cast %get3A_3525 : vector<1x1x16xf32> to vector<16xf32>
      %mul3A_3527 = vector.broadcast %squeeze3A_3519 : f32 to vector<16xf32>
      %mul3A_3528 = arith.mulf %mul3A_3527, %get3A_3526 : vector<16xf32>
      %add3A_3529 = arith.addf %add3A_3507, %mul3A_3528 : vector<16xf32>
      %get3A_3530 = arith.constant 0 : i32
      %get3A_3531 = arith.constant 147 : i32
      %get3A_3532 = arith.index_cast %get3A_3530 : i32 to index
      %get3A_3533 = arith.index_cast %get3A_3531 : i32 to index
      %get3A_3534 = arith.constant 16 : index
      %get3A_3535 = tpu.vector_load %arg25[%get3A_3532, %get3A_3533, %get3A_3534] {strides = array<i32>} : memref<4x208x32xf32, #tpu.memory_space<vmem>>, vector<1x1x16xf32>,
      %get3A_3536 = vector.shape_cast %get3A_3535 : vector<1x1x16xf32> to vector<16xf32>
      %mul3A_3537 = vector.broadcast %squeeze3A_3519 : f32 to vector<16xf32>
      %mul3A_3538 = arith.mulf %mul3A_3537, %get3A_3536 : vector<16xf32>
      %add3A_3539 = arith.addf %add3A_3517, %mul3A_3538 : vector<16xf32>
      %slice3A_3540 = vector.extract_strided_slice %exp3A_196 {offsets = [4], sizes = [1], strides = [1]} : vector<16xf32> to vector<1xf32>
      %squeeze3A_3541 = vector.extract %slice3A_3540[0] : f32 from vector<1xf32>
      %get3A_3542 = arith.constant 0 : i32
      %get3A_3543 = arith.constant 148 : i32
      %get3A_3544 = arith.index_cast %get3A_3542 : i32 to index
      %get3A_3545 = arith.index_cast %get3A_3543 : i32 to index
      %get3A_3546 = arith.constant 0 : index
      %get3A_3547 = tpu.vector_load %arg25[%get3A_3544, %get3A_3545, %get3A_3546] {strides = array<i32>} : memref<4x208x32xf32, #tpu.memory_space<vmem>>, vector<1x1x16xf32>,
      %get3A_3548 = vector.shape_cast %get3A_3547 : vector<1x1x16xf32> to vector<16xf32>
      %mul3A_3549 = vector.broadcast %squeeze3A_3541 : f32 to vector<16xf32>
      %mul3A_3550 = arith.mulf %mul3A_3549, %get3A_3548 : vector<16xf32>
      %add3A_3551 = arith.addf %add3A_3529, %mul3A_3550 : vector<16xf32>
      %get3A_3552 = arith.constant 0 : i32
      %get3A_3553 = arith.constant 148 : i32
      %get3A_3554 = arith.index_cast %get3A_3552 : i32 to index
      %get3A_3555 = arith.index_cast %get3A_3553 : i32 to index
      %get3A_3556 = arith.constant 16 : index
      %get3A_3557 = tpu.vector_load %arg25[%get3A_3554, %get3A_3555, %get3A_3556] {strides = array<i32>} : memref<4x208x32xf32, #tpu.memory_space<vmem>>, vector<1x1x16xf32>,
      %get3A_3558 = vector.shape_cast %get3A_3557 : vector<1x1x16xf32> to vector<16xf32>
      %mul3A_3559 = vector.broadcast %squeeze3A_3541 : f32 to vector<16xf32>
      %mul3A_3560 = arith.mulf %mul3A_3559, %get3A_3558 : vector<16xf32>
      %add3A_3561 = arith.addf %add3A_3539, %mul3A_3560 : vector<16xf32>
      %slice3A_3562 = vector.extract_strided_slice %exp3A_196 {offsets = [5], sizes = [1], strides = [1]} : vector<16xf32> to vector<1xf32>
      %squeeze3A_3563 = vector.extract %slice3A_3562[0] : f32 from vector<1xf32>
      %get3A_3564 = arith.constant 0 : i32
      %get3A_3565 = arith.constant 149 : i32
      %get3A_3566 = arith.index_cast %get3A_3564 : i32 to index
      %get3A_3567 = arith.index_cast %get3A_3565 : i32 to index
      %get3A_3568 = arith.constant 0 : index
      %get3A_3569 = tpu.vector_load %arg25[%get3A_3566, %get3A_3567, %get3A_3568] {strides = array<i32>} : memref<4x208x32xf32, #tpu.memory_space<vmem>>, vector<1x1x16xf32>,
      %get3A_3570 = vector.shape_cast %get3A_3569 : vector<1x1x16xf32> to vector<16xf32>
      %mul3A_3571 = vector.broadcast %squeeze3A_3563 : f32 to vector<16xf32>
      %mul3A_3572 = arith.mulf %mul3A_3571, %get3A_3570 : vector<16xf32>
      %add3A_3573 = arith.addf %add3A_3551, %mul3A_3572 : vector<16xf32>
      %get3A_3574 = arith.constant 0 : i32
      %get3A_3575 = arith.constant 149 : i32
      %get3A_3576 = arith.index_cast %get3A_3574 : i32 to index
      %get3A_3577 = arith.index_cast %get3A_3575 : i32 to index
      %get3A_3578 = arith.constant 16 : index
      %get3A_3579 = tpu.vector_load %arg25[%get3A_3576, %get3A_3577, %get3A_3578] {strides = array<i32>} : memref<4x208x32xf32, #tpu.memory_space<vmem>>, vector<1x1x16xf32>,
      %get3A_3580 = vector.shape_cast %get3A_3579 : vector<1x1x16xf32> to vector<16xf32>
      %mul3A_3581 = vector.broadcast %squeeze3A_3563 : f32 to vector<16xf32>
      %mul3A_3582 = arith.mulf %mul3A_3581, %get3A_3580 : vector<16xf32>
      %add3A_3583 = arith.addf %add3A_3561, %mul3A_3582 : vector<16xf32>
      %slice3A_3584 = vector.extract_strided_slice %exp3A_196 {offsets = [6], sizes = [1], strides = [1]} : vector<16xf32> to vector<1xf32>
      %squeeze3A_3585 = vector.extract %slice3A_3584[0] : f32 from vector<1xf32>
      %get3A_3586 = arith.constant 0 : i32
      %get3A_3587 = arith.constant 150 : i32
      %get3A_3588 = arith.index_cast %get3A_3586 : i32 to index
      %get3A_3589 = arith.index_cast %get3A_3587 : i32 to index
      %get3A_3590 = arith.constant 0 : index
      %get3A_3591 = tpu.vector_load %arg25[%get3A_3588, %get3A_3589, %get3A_3590] {strides = array<i32>} : memref<4x208x32xf32, #tpu.memory_space<vmem>>, vector<1x1x16xf32>,
      %get3A_3592 = vector.shape_cast %get3A_3591 : vector<1x1x16xf32> to vector<16xf32>
      %mul3A_3593 = vector.broadcast %squeeze3A_3585 : f32 to vector<16xf32>
      %mul3A_3594 = arith.mulf %mul3A_3593, %get3A_3592 : vector<16xf32>
      %add3A_3595 = arith.addf %add3A_3573, %mul3A_3594 : vector<16xf32>
      %get3A_3596 = arith.constant 0 : i32
      %get3A_3597 = arith.constant 150 : i32
      %get3A_3598 = arith.index_cast %get3A_3596 : i32 to index
      %get3A_3599 = arith.index_cast %get3A_3597 : i32 to index
      %get3A_3600 = arith.constant 16 : index
      %get3A_3601 = tpu.vector_load %arg25[%get3A_3598, %get3A_3599, %get3A_3600] {strides = array<i32>} : memref<4x208x32xf32, #tpu.memory_space<vmem>>, vector<1x1x16xf32>,
      %get3A_3602 = vector.shape_cast %get3A_3601 : vector<1x1x16xf32> to vector<16xf32>
      %mul3A_3603 = vector.broadcast %squeeze3A_3585 : f32 to vector<16xf32>
      %mul3A_3604 = arith.mulf %mul3A_3603, %get3A_3602 : vector<16xf32>
      %add3A_3605 = arith.addf %add3A_3583, %mul3A_3604 : vector<16xf32>
      %slice3A_3606 = vector.extract_strided_slice %exp3A_196 {offsets = [7], sizes = [1], strides = [1]} : vector<16xf32> to vector<1xf32>
      %squeeze3A_3607 = vector.extract %slice3A_3606[0] : f32 from vector<1xf32>
      %get3A_3608 = arith.constant 0 : i32
      %get3A_3609 = arith.constant 151 : i32
      %get3A_3610 = arith.index_cast %get3A_3608 : i32 to index
      %get3A_3611 = arith.index_cast %get3A_3609 : i32 to index
      %get3A_3612 = arith.constant 0 : index
      %get3A_3613 = tpu.vector_load %arg25[%get3A_3610, %get3A_3611, %get3A_3612] {strides = array<i32>} : memref<4x208x32xf32, #tpu.memory_space<vmem>>, vector<1x1x16xf32>,
      %get3A_3614 = vector.shape_cast %get3A_3613 : vector<1x1x16xf32> to vector<16xf32>
      %mul3A_3615 = vector.broadcast %squeeze3A_3607 : f32 to vector<16xf32>
      %mul3A_3616 = arith.mulf %mul3A_3615, %get3A_3614 : vector<16xf32>
      %add3A_3617 = arith.addf %add3A_3595, %mul3A_3616 : vector<16xf32>
      %get3A_3618 = arith.constant 0 : i32
      %get3A_3619 = arith.constant 151 : i32
      %get3A_3620 = arith.index_cast %get3A_3618 : i32 to index
      %get3A_3621 = arith.index_cast %get3A_3619 : i32 to index
      %get3A_3622 = arith.constant 16 : index
      %get3A_3623 = tpu.vector_load %arg25[%get3A_3620, %get3A_3621, %get3A_3622] {strides = array<i32>} : memref<4x208x32xf32, #tpu.memory_space<vmem>>, vector<1x1x16xf32>,
      %get3A_3624 = vector.shape_cast %get3A_3623 : vector<1x1x16xf32> to vector<16xf32>
      %mul3A_3625 = vector.broadcast %squeeze3A_3607 : f32 to vector<16xf32>
      %mul3A_3626 = arith.mulf %mul3A_3625, %get3A_3624 : vector<16xf32>
      %add3A_3627 = arith.addf %add3A_3605, %mul3A_3626 : vector<16xf32>
      %slice3A_3628 = vector.extract_strided_slice %exp3A_196 {offsets = [8], sizes = [1], strides = [1]} : vector<16xf32> to vector<1xf32>
      %squeeze3A_3629 = vector.extract %slice3A_3628[0] : f32 from vector<1xf32>
      %get3A_3630 = arith.constant 0 : i32
      %get3A_3631 = arith.constant 152 : i32
      %get3A_3632 = arith.index_cast %get3A_3630 : i32 to index
      %get3A_3633 = arith.index_cast %get3A_3631 : i32 to index
      %get3A_3634 = arith.constant 0 : index
      %get3A_3635 = tpu.vector_load %arg25[%get3A_3632, %get3A_3633, %get3A_3634] {strides = array<i32>} : memref<4x208x32xf32, #tpu.memory_space<vmem>>, vector<1x1x16xf32>,
      %get3A_3636 = vector.shape_cast %get3A_3635 : vector<1x1x16xf32> to vector<16xf32>
      %mul3A_3637 = vector.broadcast %squeeze3A_3629 : f32 to vector<16xf32>
      %mul3A_3638 = arith.mulf %mul3A_3637, %get3A_3636 : vector<16xf32>
      %add3A_3639 = arith.addf %add3A_3617, %mul3A_3638 : vector<16xf32>
      %get3A_3640 = arith.constant 0 : i32
      %get3A_3641 = arith.constant 152 : i32
      %get3A_3642 = arith.index_cast %get3A_3640 : i32 to index
      %get3A_3643 = arith.index_cast %get3A_3641 : i32 to index
      %get3A_3644 = arith.constant 16 : index
      %get3A_3645 = tpu.vector_load %arg25[%get3A_3642, %get3A_3643, %get3A_3644] {strides = array<i32>} : memref<4x208x32xf32, #tpu.memory_space<vmem>>, vector<1x1x16xf32>,
      %get3A_3646 = vector.shape_cast %get3A_3645 : vector<1x1x16xf32> to vector<16xf32>
      %mul3A_3647 = vector.broadcast %squeeze3A_3629 : f32 to vector<16xf32>
      %mul3A_3648 = arith.mulf %mul3A_3647, %get3A_3646 : vector<16xf32>
      %add3A_3649 = arith.addf %add3A_3627, %mul3A_3648 : vector<16xf32>
      %slice3A_3650 = vector.extract_strided_slice %exp3A_196 {offsets = [9], sizes = [1], strides = [1]} : vector<16xf32> to vector<1xf32>
      %squeeze3A_3651 = vector.extract %slice3A_3650[0] : f32 from vector<1xf32>
      %get3A_3652 = arith.constant 0 : i32
      %get3A_3653 = arith.constant 153 : i32
      %get3A_3654 = arith.index_cast %get3A_3652 : i32 to index
      %get3A_3655 = arith.index_cast %get3A_3653 : i32 to index
      %get3A_3656 = arith.constant 0 : index
      %get3A_3657 = tpu.vector_load %arg25[%get3A_3654, %get3A_3655, %get3A_3656] {strides = array<i32>} : memref<4x208x32xf32, #tpu.memory_space<vmem>>, vector<1x1x16xf32>,
      %get3A_3658 = vector.shape_cast %get3A_3657 : vector<1x1x16xf32> to vector<16xf32>
      %mul3A_3659 = vector.broadcast %squeeze3A_3651 : f32 to vector<16xf32>
      %mul3A_3660 = arith.mulf %mul3A_3659, %get3A_3658 : vector<16xf32>
      %add3A_3661 = arith.addf %add3A_3639, %mul3A_3660 : vector<16xf32>
      %get3A_3662 = arith.constant 0 : i32
      %get3A_3663 = arith.constant 153 : i32
      %get3A_3664 = arith.index_cast %get3A_3662 : i32 to index
      %get3A_3665 = arith.index_cast %get3A_3663 : i32 to index
      %get3A_3666 = arith.constant 16 : index
      %get3A_3667 = tpu.vector_load %arg25[%get3A_3664, %get3A_3665, %get3A_3666] {strides = array<i32>} : memref<4x208x32xf32, #tpu.memory_space<vmem>>, vector<1x1x16xf32>,
      %get3A_3668 = vector.shape_cast %get3A_3667 : vector<1x1x16xf32> to vector<16xf32>
      %mul3A_3669 = vector.broadcast %squeeze3A_3651 : f32 to vector<16xf32>
      %mul3A_3670 = arith.mulf %mul3A_3669, %get3A_3668 : vector<16xf32>
      %add3A_3671 = arith.addf %add3A_3649, %mul3A_3670 : vector<16xf32>
      %slice3A_3672 = vector.extract_strided_slice %exp3A_196 {offsets = [10], sizes = [1], strides = [1]} : vector<16xf32> to vector<1xf32>
      %squeeze3A_3673 = vector.extract %slice3A_3672[0] : f32 from vector<1xf32>
      %get3A_3674 = arith.constant 0 : i32
      %get3A_3675 = arith.constant 154 : i32
      %get3A_3676 = arith.index_cast %get3A_3674 : i32 to index
      %get3A_3677 = arith.index_cast %get3A_3675 : i32 to index
      %get3A_3678 = arith.constant 0 : index
      %get3A_3679 = tpu.vector_load %arg25[%get3A_3676, %get3A_3677, %get3A_3678] {strides = array<i32>} : memref<4x208x32xf32, #tpu.memory_space<vmem>>, vector<1x1x16xf32>,
      %get3A_3680 = vector.shape_cast %get3A_3679 : vector<1x1x16xf32> to vector<16xf32>
      %mul3A_3681 = vector.broadcast %squeeze3A_3673 : f32 to vector<16xf32>
      %mul3A_3682 = arith.mulf %mul3A_3681, %get3A_3680 : vector<16xf32>
      %add3A_3683 = arith.addf %add3A_3661, %mul3A_3682 : vector<16xf32>
      %get3A_3684 = arith.constant 0 : i32
      %get3A_3685 = arith.constant 154 : i32
      %get3A_3686 = arith.index_cast %get3A_3684 : i32 to index
      %get3A_3687 = arith.index_cast %get3A_3685 : i32 to index
      %get3A_3688 = arith.constant 16 : index
      %get3A_3689 = tpu.vector_load %arg25[%get3A_3686, %get3A_3687, %get3A_3688] {strides = array<i32>} : memref<4x208x32xf32, #tpu.memory_space<vmem>>, vector<1x1x16xf32>,
      %get3A_3690 = vector.shape_cast %get3A_3689 : vector<1x1x16xf32> to vector<16xf32>
      %mul3A_3691 = vector.broadcast %squeeze3A_3673 : f32 to vector<16xf32>
      %mul3A_3692 = arith.mulf %mul3A_3691, %get3A_3690 : vector<16xf32>
      %add3A_3693 = arith.addf %add3A_3671, %mul3A_3692 : vector<16xf32>
      %slice3A_3694 = vector.extract_strided_slice %exp3A_196 {offsets = [11], sizes = [1], strides = [1]} : vector<16xf32> to vector<1xf32>
      %squeeze3A_3695 = vector.extract %slice3A_3694[0] : f32 from vector<1xf32>
      %get3A_3696 = arith.constant 0 : i32
      %get3A_3697 = arith.constant 155 : i32
      %get3A_3698 = arith.index_cast %get3A_3696 : i32 to index
      %get3A_3699 = arith.index_cast %get3A_3697 : i32 to index
      %get3A_3700 = arith.constant 0 : index
      %get3A_3701 = tpu.vector_load %arg25[%get3A_3698, %get3A_3699, %get3A_3700] {strides = array<i32>} : memref<4x208x32xf32, #tpu.memory_space<vmem>>, vector<1x1x16xf32>,
      %get3A_3702 = vector.shape_cast %get3A_3701 : vector<1x1x16xf32> to vector<16xf32>
      %mul3A_3703 = vector.broadcast %squeeze3A_3695 : f32 to vector<16xf32>
      %mul3A_3704 = arith.mulf %mul3A_3703, %get3A_3702 : vector<16xf32>
      %add3A_3705 = arith.addf %add3A_3683, %mul3A_3704 : vector<16xf32>
      %get3A_3706 = arith.constant 0 : i32
      %get3A_3707 = arith.constant 155 : i32
      %get3A_3708 = arith.index_cast %get3A_3706 : i32 to index
      %get3A_3709 = arith.index_cast %get3A_3707 : i32 to index
      %get3A_3710 = arith.constant 16 : index
      %get3A_3711 = tpu.vector_load %arg25[%get3A_3708, %get3A_3709, %get3A_3710] {strides = array<i32>} : memref<4x208x32xf32, #tpu.memory_space<vmem>>, vector<1x1x16xf32>,
      %get3A_3712 = vector.shape_cast %get3A_3711 : vector<1x1x16xf32> to vector<16xf32>
      %mul3A_3713 = vector.broadcast %squeeze3A_3695 : f32 to vector<16xf32>
      %mul3A_3714 = arith.mulf %mul3A_3713, %get3A_3712 : vector<16xf32>
      %add3A_3715 = arith.addf %add3A_3693, %mul3A_3714 : vector<16xf32>
      %slice3A_3716 = vector.extract_strided_slice %exp3A_196 {offsets = [12], sizes = [1], strides = [1]} : vector<16xf32> to vector<1xf32>
      %squeeze3A_3717 = vector.extract %slice3A_3716[0] : f32 from vector<1xf32>
      %get3A_3718 = arith.constant 0 : i32
      %get3A_3719 = arith.constant 156 : i32
      %get3A_3720 = arith.index_cast %get3A_3718 : i32 to index
      %get3A_3721 = arith.index_cast %get3A_3719 : i32 to index
      %get3A_3722 = arith.constant 0 : index
      %get3A_3723 = tpu.vector_load %arg25[%get3A_3720, %get3A_3721, %get3A_3722] {strides = array<i32>} : memref<4x208x32xf32, #tpu.memory_space<vmem>>, vector<1x1x16xf32>,
      %get3A_3724 = vector.shape_cast %get3A_3723 : vector<1x1x16xf32> to vector<16xf32>
      %mul3A_3725 = vector.broadcast %squeeze3A_3717 : f32 to vector<16xf32>
      %mul3A_3726 = arith.mulf %mul3A_3725, %get3A_3724 : vector<16xf32>
      %add3A_3727 = arith.addf %add3A_3705, %mul3A_3726 : vector<16xf32>
      %get3A_3728 = arith.constant 0 : i32
      %get3A_3729 = arith.constant 156 : i32
      %get3A_3730 = arith.index_cast %get3A_3728 : i32 to index
      %get3A_3731 = arith.index_cast %get3A_3729 : i32 to index
      %get3A_3732 = arith.constant 16 : index
      %get3A_3733 = tpu.vector_load %arg25[%get3A_3730, %get3A_3731, %get3A_3732] {strides = array<i32>} : memref<4x208x32xf32, #tpu.memory_space<vmem>>, vector<1x1x16xf32>,
      %get3A_3734 = vector.shape_cast %get3A_3733 : vector<1x1x16xf32> to vector<16xf32>
      %mul3A_3735 = vector.broadcast %squeeze3A_3717 : f32 to vector<16xf32>
      %mul3A_3736 = arith.mulf %mul3A_3735, %get3A_3734 : vector<16xf32>
      %add3A_3737 = arith.addf %add3A_3715, %mul3A_3736 : vector<16xf32>
      %slice3A_3738 = vector.extract_strided_slice %exp3A_196 {offsets = [13], sizes = [1], strides = [1]} : vector<16xf32> to vector<1xf32>
      %squeeze3A_3739 = vector.extract %slice3A_3738[0] : f32 from vector<1xf32>
      %get3A_3740 = arith.constant 0 : i32
      %get3A_3741 = arith.constant 157 : i32
      %get3A_3742 = arith.index_cast %get3A_3740 : i32 to index
      %get3A_3743 = arith.index_cast %get3A_3741 : i32 to index
      %get3A_3744 = arith.constant 0 : index
      %get3A_3745 = tpu.vector_load %arg25[%get3A_3742, %get3A_3743, %get3A_3744] {strides = array<i32>} : memref<4x208x32xf32, #tpu.memory_space<vmem>>, vector<1x1x16xf32>,
      %get3A_3746 = vector.shape_cast %get3A_3745 : vector<1x1x16xf32> to vector<16xf32>
      %mul3A_3747 = vector.broadcast %squeeze3A_3739 : f32 to vector<16xf32>
      %mul3A_3748 = arith.mulf %mul3A_3747, %get3A_3746 : vector<16xf32>
      %add3A_3749 = arith.addf %add3A_3727, %mul3A_3748 : vector<16xf32>
      %get3A_3750 = arith.constant 0 : i32
      %get3A_3751 = arith.constant 157 : i32
      %get3A_3752 = arith.index_cast %get3A_3750 : i32 to index
      %get3A_3753 = arith.index_cast %get3A_3751 : i32 to index
      %get3A_3754 = arith.constant 16 : index
      %get3A_3755 = tpu.vector_load %arg25[%get3A_3752, %get3A_3753, %get3A_3754] {strides = array<i32>} : memref<4x208x32xf32, #tpu.memory_space<vmem>>, vector<1x1x16xf32>,
      %get3A_3756 = vector.shape_cast %get3A_3755 : vector<1x1x16xf32> to vector<16xf32>
      %mul3A_3757 = vector.broadcast %squeeze3A_3739 : f32 to vector<16xf32>
      %mul3A_3758 = arith.mulf %mul3A_3757, %get3A_3756 : vector<16xf32>
      %add3A_3759 = arith.addf %add3A_3737, %mul3A_3758 : vector<16xf32>
      %slice3A_3760 = vector.extract_strided_slice %exp3A_196 {offsets = [14], sizes = [1], strides = [1]} : vector<16xf32> to vector<1xf32>
      %squeeze3A_3761 = vector.extract %slice3A_3760[0] : f32 from vector<1xf32>
      %get3A_3762 = arith.constant 0 : i32
      %get3A_3763 = arith.constant 158 : i32
      %get3A_3764 = arith.index_cast %get3A_3762 : i32 to index
      %get3A_3765 = arith.index_cast %get3A_3763 : i32 to index
      %get3A_3766 = arith.constant 0 : index
      %get3A_3767 = tpu.vector_load %arg25[%get3A_3764, %get3A_3765, %get3A_3766] {strides = array<i32>} : memref<4x208x32xf32, #tpu.memory_space<vmem>>, vector<1x1x16xf32>,
      %get3A_3768 = vector.shape_cast %get3A_3767 : vector<1x1x16xf32> to vector<16xf32>
      %mul3A_3769 = vector.broadcast %squeeze3A_3761 : f32 to vector<16xf32>
      %mul3A_3770 = arith.mulf %mul3A_3769, %get3A_3768 : vector<16xf32>
      %add3A_3771 = arith.addf %add3A_3749, %mul3A_3770 : vector<16xf32>
      %get3A_3772 = arith.constant 0 : i32
      %get3A_3773 = arith.constant 158 : i32
      %get3A_3774 = arith.index_cast %get3A_3772 : i32 to index
      %get3A_3775 = arith.index_cast %get3A_3773 : i32 to index
      %get3A_3776 = arith.constant 16 : index
      %get3A_3777 = tpu.vector_load %arg25[%get3A_3774, %get3A_3775, %get3A_3776] {strides = array<i32>} : memref<4x208x32xf32, #tpu.memory_space<vmem>>, vector<1x1x16xf32>,
      %get3A_3778 = vector.shape_cast %get3A_3777 : vector<1x1x16xf32> to vector<16xf32>
      %mul3A_3779 = vector.broadcast %squeeze3A_3761 : f32 to vector<16xf32>
      %mul3A_3780 = arith.mulf %mul3A_3779, %get3A_3778 : vector<16xf32>
      %add3A_3781 = arith.addf %add3A_3759, %mul3A_3780 : vector<16xf32>
      %slice3A_3782 = vector.extract_strided_slice %exp3A_196 {offsets = [15], sizes = [1], strides = [1]} : vector<16xf32> to vector<1xf32>
      %squeeze3A_3783 = vector.extract %slice3A_3782[0] : f32 from vector<1xf32>
      %get3A_3784 = arith.constant 0 : i32
      %get3A_3785 = arith.constant 159 : i32
      %get3A_3786 = arith.index_cast %get3A_3784 : i32 to index
      %get3A_3787 = arith.index_cast %get3A_3785 : i32 to index
      %get3A_3788 = arith.constant 0 : index
      %get3A_3789 = tpu.vector_load %arg25[%get3A_3786, %get3A_3787, %get3A_3788] {strides = array<i32>} : memref<4x208x32xf32, #tpu.memory_space<vmem>>, vector<1x1x16xf32>,
      %get3A_3790 = vector.shape_cast %get3A_3789 : vector<1x1x16xf32> to vector<16xf32>
      %mul3A_3791 = vector.broadcast %squeeze3A_3783 : f32 to vector<16xf32>
      %mul3A_3792 = arith.mulf %mul3A_3791, %get3A_3790 : vector<16xf32>
      %add3A_3793 = arith.addf %add3A_3771, %mul3A_3792 : vector<16xf32>
      %get3A_3794 = arith.constant 0 : i32
      %get3A_3795 = arith.constant 159 : i32
      %get3A_3796 = arith.index_cast %get3A_3794 : i32 to index
      %get3A_3797 = arith.index_cast %get3A_3795 : i32 to index
      %get3A_3798 = arith.constant 16 : index
      %get3A_3799 = tpu.vector_load %arg25[%get3A_3796, %get3A_3797, %get3A_3798] {strides = array<i32>} : memref<4x208x32xf32, #tpu.memory_space<vmem>>, vector<1x1x16xf32>,
      %get3A_3800 = vector.shape_cast %get3A_3799 : vector<1x1x16xf32> to vector<16xf32>
      %mul3A_3801 = vector.broadcast %squeeze3A_3783 : f32 to vector<16xf32>
      %mul3A_3802 = arith.mulf %mul3A_3801, %get3A_3800 : vector<16xf32>
      %add3A_3803 = arith.addf %add3A_3781, %mul3A_3802 : vector<16xf32>
      %slice3A_3804 = vector.extract_strided_slice %exp3A_206 {offsets = [0], sizes = [1], strides = [1]} : vector<16xf32> to vector<1xf32>
      %squeeze3A_3805 = vector.extract %slice3A_3804[0] : f32 from vector<1xf32>
      %get3A_3806 = arith.constant 0 : i32
      %get3A_3807 = arith.constant 160 : i32
      %get3A_3808 = arith.index_cast %get3A_3806 : i32 to index
      %get3A_3809 = arith.index_cast %get3A_3807 : i32 to index
      %get3A_3810 = arith.constant 0 : index
      %get3A_3811 = tpu.vector_load %arg25[%get3A_3808, %get3A_3809, %get3A_3810] {strides = array<i32>} : memref<4x208x32xf32, #tpu.memory_space<vmem>>, vector<1x1x16xf32>,
      %get3A_3812 = vector.shape_cast %get3A_3811 : vector<1x1x16xf32> to vector<16xf32>
      %mul3A_3813 = vector.broadcast %squeeze3A_3805 : f32 to vector<16xf32>
      %mul3A_3814 = arith.mulf %mul3A_3813, %get3A_3812 : vector<16xf32>
      %add3A_3815 = arith.addf %add3A_3793, %mul3A_3814 : vector<16xf32>
      %get3A_3816 = arith.constant 0 : i32
      %get3A_3817 = arith.constant 160 : i32
      %get3A_3818 = arith.index_cast %get3A_3816 : i32 to index
      %get3A_3819 = arith.index_cast %get3A_3817 : i32 to index
      %get3A_3820 = arith.constant 16 : index
      %get3A_3821 = tpu.vector_load %arg25[%get3A_3818, %get3A_3819, %get3A_3820] {strides = array<i32>} : memref<4x208x32xf32, #tpu.memory_space<vmem>>, vector<1x1x16xf32>,
      %get3A_3822 = vector.shape_cast %get3A_3821 : vector<1x1x16xf32> to vector<16xf32>
      %mul3A_3823 = vector.broadcast %squeeze3A_3805 : f32 to vector<16xf32>
      %mul3A_3824 = arith.mulf %mul3A_3823, %get3A_3822 : vector<16xf32>
      %add3A_3825 = arith.addf %add3A_3803, %mul3A_3824 : vector<16xf32>
      %slice3A_3826 = vector.extract_strided_slice %exp3A_206 {offsets = [1], sizes = [1], strides = [1]} : vector<16xf32> to vector<1xf32>
      %squeeze3A_3827 = vector.extract %slice3A_3826[0] : f32 from vector<1xf32>
      %get3A_3828 = arith.constant 0 : i32
      %get3A_3829 = arith.constant 161 : i32
      %get3A_3830 = arith.index_cast %get3A_3828 : i32 to index
      %get3A_3831 = arith.index_cast %get3A_3829 : i32 to index
      %get3A_3832 = arith.constant 0 : index
      %get3A_3833 = tpu.vector_load %arg25[%get3A_3830, %get3A_3831, %get3A_3832] {strides = array<i32>} : memref<4x208x32xf32, #tpu.memory_space<vmem>>, vector<1x1x16xf32>,
      %get3A_3834 = vector.shape_cast %get3A_3833 : vector<1x1x16xf32> to vector<16xf32>
      %mul3A_3835 = vector.broadcast %squeeze3A_3827 : f32 to vector<16xf32>
      %mul3A_3836 = arith.mulf %mul3A_3835, %get3A_3834 : vector<16xf32>
      %add3A_3837 = arith.addf %add3A_3815, %mul3A_3836 : vector<16xf32>
      %get3A_3838 = arith.constant 0 : i32
      %get3A_3839 = arith.constant 161 : i32
      %get3A_3840 = arith.index_cast %get3A_3838 : i32 to index
      %get3A_3841 = arith.index_cast %get3A_3839 : i32 to index
      %get3A_3842 = arith.constant 16 : index
      %get3A_3843 = tpu.vector_load %arg25[%get3A_3840, %get3A_3841, %get3A_3842] {strides = array<i32>} : memref<4x208x32xf32, #tpu.memory_space<vmem>>, vector<1x1x16xf32>,
      %get3A_3844 = vector.shape_cast %get3A_3843 : vector<1x1x16xf32> to vector<16xf32>
      %mul3A_3845 = vector.broadcast %squeeze3A_3827 : f32 to vector<16xf32>
      %mul3A_3846 = arith.mulf %mul3A_3845, %get3A_3844 : vector<16xf32>
      %add3A_3847 = arith.addf %add3A_3825, %mul3A_3846 : vector<16xf32>
      %slice3A_3848 = vector.extract_strided_slice %exp3A_206 {offsets = [2], sizes = [1], strides = [1]} : vector<16xf32> to vector<1xf32>
      %squeeze3A_3849 = vector.extract %slice3A_3848[0] : f32 from vector<1xf32>
      %get3A_3850 = arith.constant 0 : i32
      %get3A_3851 = arith.constant 162 : i32
      %get3A_3852 = arith.index_cast %get3A_3850 : i32 to index
      %get3A_3853 = arith.index_cast %get3A_3851 : i32 to index
      %get3A_3854 = arith.constant 0 : index
      %get3A_3855 = tpu.vector_load %arg25[%get3A_3852, %get3A_3853, %get3A_3854] {strides = array<i32>} : memref<4x208x32xf32, #tpu.memory_space<vmem>>, vector<1x1x16xf32>,
      %get3A_3856 = vector.shape_cast %get3A_3855 : vector<1x1x16xf32> to vector<16xf32>
      %mul3A_3857 = vector.broadcast %squeeze3A_3849 : f32 to vector<16xf32>
      %mul3A_3858 = arith.mulf %mul3A_3857, %get3A_3856 : vector<16xf32>
      %add3A_3859 = arith.addf %add3A_3837, %mul3A_3858 : vector<16xf32>
      %get3A_3860 = arith.constant 0 : i32
      %get3A_3861 = arith.constant 162 : i32
      %get3A_3862 = arith.index_cast %get3A_3860 : i32 to index
      %get3A_3863 = arith.index_cast %get3A_3861 : i32 to index
      %get3A_3864 = arith.constant 16 : index
      %get3A_3865 = tpu.vector_load %arg25[%get3A_3862, %get3A_3863, %get3A_3864] {strides = array<i32>} : memref<4x208x32xf32, #tpu.memory_space<vmem>>, vector<1x1x16xf32>,
      %get3A_3866 = vector.shape_cast %get3A_3865 : vector<1x1x16xf32> to vector<16xf32>
      %mul3A_3867 = vector.broadcast %squeeze3A_3849 : f32 to vector<16xf32>
      %mul3A_3868 = arith.mulf %mul3A_3867, %get3A_3866 : vector<16xf32>
      %add3A_3869 = arith.addf %add3A_3847, %mul3A_3868 : vector<16xf32>
      %slice3A_3870 = vector.extract_strided_slice %exp3A_206 {offsets = [3], sizes = [1], strides = [1]} : vector<16xf32> to vector<1xf32>
      %squeeze3A_3871 = vector.extract %slice3A_3870[0] : f32 from vector<1xf32>
      %get3A_3872 = arith.constant 0 : i32
      %get3A_3873 = arith.constant 163 : i32
      %get3A_3874 = arith.index_cast %get3A_3872 : i32 to index
      %get3A_3875 = arith.index_cast %get3A_3873 : i32 to index
      %get3A_3876 = arith.constant 0 : index
      %get3A_3877 = tpu.vector_load %arg25[%get3A_3874, %get3A_3875, %get3A_3876] {strides = array<i32>} : memref<4x208x32xf32, #tpu.memory_space<vmem>>, vector<1x1x16xf32>,
      %get3A_3878 = vector.shape_cast %get3A_3877 : vector<1x1x16xf32> to vector<16xf32>
      %mul3A_3879 = vector.broadcast %squeeze3A_3871 : f32 to vector<16xf32>
      %mul3A_3880 = arith.mulf %mul3A_3879, %get3A_3878 : vector<16xf32>
      %add3A_3881 = arith.addf %add3A_3859, %mul3A_3880 : vector<16xf32>
      %get3A_3882 = arith.constant 0 : i32
      %get3A_3883 = arith.constant 163 : i32
      %get3A_3884 = arith.index_cast %get3A_3882 : i32 to index
      %get3A_3885 = arith.index_cast %get3A_3883 : i32 to index
      %get3A_3886 = arith.constant 16 : index
      %get3A_3887 = tpu.vector_load %arg25[%get3A_3884, %get3A_3885, %get3A_3886] {strides = array<i32>} : memref<4x208x32xf32, #tpu.memory_space<vmem>>, vector<1x1x16xf32>,
      %get3A_3888 = vector.shape_cast %get3A_3887 : vector<1x1x16xf32> to vector<16xf32>
      %mul3A_3889 = vector.broadcast %squeeze3A_3871 : f32 to vector<16xf32>
      %mul3A_3890 = arith.mulf %mul3A_3889, %get3A_3888 : vector<16xf32>
      %add3A_3891 = arith.addf %add3A_3869, %mul3A_3890 : vector<16xf32>
      %slice3A_3892 = vector.extract_strided_slice %exp3A_206 {offsets = [4], sizes = [1], strides = [1]} : vector<16xf32> to vector<1xf32>
      %squeeze3A_3893 = vector.extract %slice3A_3892[0] : f32 from vector<1xf32>
      %get3A_3894 = arith.constant 0 : i32
      %get3A_3895 = arith.constant 164 : i32
      %get3A_3896 = arith.index_cast %get3A_3894 : i32 to index
      %get3A_3897 = arith.index_cast %get3A_3895 : i32 to index
      %get3A_3898 = arith.constant 0 : index
      %get3A_3899 = tpu.vector_load %arg25[%get3A_3896, %get3A_3897, %get3A_3898] {strides = array<i32>} : memref<4x208x32xf32, #tpu.memory_space<vmem>>, vector<1x1x16xf32>,
      %get3A_3900 = vector.shape_cast %get3A_3899 : vector<1x1x16xf32> to vector<16xf32>
      %mul3A_3901 = vector.broadcast %squeeze3A_3893 : f32 to vector<16xf32>
      %mul3A_3902 = arith.mulf %mul3A_3901, %get3A_3900 : vector<16xf32>
      %add3A_3903 = arith.addf %add3A_3881, %mul3A_3902 : vector<16xf32>
      %get3A_3904 = arith.constant 0 : i32
      %get3A_3905 = arith.constant 164 : i32
      %get3A_3906 = arith.index_cast %get3A_3904 : i32 to index
      %get3A_3907 = arith.index_cast %get3A_3905 : i32 to index
      %get3A_3908 = arith.constant 16 : index
      %get3A_3909 = tpu.vector_load %arg25[%get3A_3906, %get3A_3907, %get3A_3908] {strides = array<i32>} : memref<4x208x32xf32, #tpu.memory_space<vmem>>, vector<1x1x16xf32>,
      %get3A_3910 = vector.shape_cast %get3A_3909 : vector<1x1x16xf32> to vector<16xf32>
      %mul3A_3911 = vector.broadcast %squeeze3A_3893 : f32 to vector<16xf32>
      %mul3A_3912 = arith.mulf %mul3A_3911, %get3A_3910 : vector<16xf32>
      %add3A_3913 = arith.addf %add3A_3891, %mul3A_3912 : vector<16xf32>
      %slice3A_3914 = vector.extract_strided_slice %exp3A_206 {offsets = [5], sizes = [1], strides = [1]} : vector<16xf32> to vector<1xf32>
      %squeeze3A_3915 = vector.extract %slice3A_3914[0] : f32 from vector<1xf32>
      %get3A_3916 = arith.constant 0 : i32
      %get3A_3917 = arith.constant 165 : i32
      %get3A_3918 = arith.index_cast %get3A_3916 : i32 to index
      %get3A_3919 = arith.index_cast %get3A_3917 : i32 to index
      %get3A_3920 = arith.constant 0 : index
      %get3A_3921 = tpu.vector_load %arg25[%get3A_3918, %get3A_3919, %get3A_3920] {strides = array<i32>} : memref<4x208x32xf32, #tpu.memory_space<vmem>>, vector<1x1x16xf32>,
      %get3A_3922 = vector.shape_cast %get3A_3921 : vector<1x1x16xf32> to vector<16xf32>
      %mul3A_3923 = vector.broadcast %squeeze3A_3915 : f32 to vector<16xf32>
      %mul3A_3924 = arith.mulf %mul3A_3923, %get3A_3922 : vector<16xf32>
      %add3A_3925 = arith.addf %add3A_3903, %mul3A_3924 : vector<16xf32>
      %get3A_3926 = arith.constant 0 : i32
      %get3A_3927 = arith.constant 165 : i32
      %get3A_3928 = arith.index_cast %get3A_3926 : i32 to index
      %get3A_3929 = arith.index_cast %get3A_3927 : i32 to index
      %get3A_3930 = arith.constant 16 : index
      %get3A_3931 = tpu.vector_load %arg25[%get3A_3928, %get3A_3929, %get3A_3930] {strides = array<i32>} : memref<4x208x32xf32, #tpu.memory_space<vmem>>, vector<1x1x16xf32>,
      %get3A_3932 = vector.shape_cast %get3A_3931 : vector<1x1x16xf32> to vector<16xf32>
      %mul3A_3933 = vector.broadcast %squeeze3A_3915 : f32 to vector<16xf32>
      %mul3A_3934 = arith.mulf %mul3A_3933, %get3A_3932 : vector<16xf32>
      %add3A_3935 = arith.addf %add3A_3913, %mul3A_3934 : vector<16xf32>
      %slice3A_3936 = vector.extract_strided_slice %exp3A_206 {offsets = [6], sizes = [1], strides = [1]} : vector<16xf32> to vector<1xf32>
      %squeeze3A_3937 = vector.extract %slice3A_3936[0] : f32 from vector<1xf32>
      %get3A_3938 = arith.constant 0 : i32
      %get3A_3939 = arith.constant 166 : i32
      %get3A_3940 = arith.index_cast %get3A_3938 : i32 to index
      %get3A_3941 = arith.index_cast %get3A_3939 : i32 to index
      %get3A_3942 = arith.constant 0 : index
      %get3A_3943 = tpu.vector_load %arg25[%get3A_3940, %get3A_3941, %get3A_3942] {strides = array<i32>} : memref<4x208x32xf32, #tpu.memory_space<vmem>>, vector<1x1x16xf32>,
      %get3A_3944 = vector.shape_cast %get3A_3943 : vector<1x1x16xf32> to vector<16xf32>
      %mul3A_3945 = vector.broadcast %squeeze3A_3937 : f32 to vector<16xf32>
      %mul3A_3946 = arith.mulf %mul3A_3945, %get3A_3944 : vector<16xf32>
      %add3A_3947 = arith.addf %add3A_3925, %mul3A_3946 : vector<16xf32>
      %get3A_3948 = arith.constant 0 : i32
      %get3A_3949 = arith.constant 166 : i32
      %get3A_3950 = arith.index_cast %get3A_3948 : i32 to index
      %get3A_3951 = arith.index_cast %get3A_3949 : i32 to index
      %get3A_3952 = arith.constant 16 : index
      %get3A_3953 = tpu.vector_load %arg25[%get3A_3950, %get3A_3951, %get3A_3952] {strides = array<i32>} : memref<4x208x32xf32, #tpu.memory_space<vmem>>, vector<1x1x16xf32>,
      %get3A_3954 = vector.shape_cast %get3A_3953 : vector<1x1x16xf32> to vector<16xf32>
      %mul3A_3955 = vector.broadcast %squeeze3A_3937 : f32 to vector<16xf32>
      %mul3A_3956 = arith.mulf %mul3A_3955, %get3A_3954 : vector<16xf32>
      %add3A_3957 = arith.addf %add3A_3935, %mul3A_3956 : vector<16xf32>
      %slice3A_3958 = vector.extract_strided_slice %exp3A_206 {offsets = [7], sizes = [1], strides = [1]} : vector<16xf32> to vector<1xf32>
      %squeeze3A_3959 = vector.extract %slice3A_3958[0] : f32 from vector<1xf32>
      %get3A_3960 = arith.constant 0 : i32
      %get3A_3961 = arith.constant 167 : i32
      %get3A_3962 = arith.index_cast %get3A_3960 : i32 to index
      %get3A_3963 = arith.index_cast %get3A_3961 : i32 to index
      %get3A_3964 = arith.constant 0 : index
      %get3A_3965 = tpu.vector_load %arg25[%get3A_3962, %get3A_3963, %get3A_3964] {strides = array<i32>} : memref<4x208x32xf32, #tpu.memory_space<vmem>>, vector<1x1x16xf32>,
      %get3A_3966 = vector.shape_cast %get3A_3965 : vector<1x1x16xf32> to vector<16xf32>
      %mul3A_3967 = vector.broadcast %squeeze3A_3959 : f32 to vector<16xf32>
      %mul3A_3968 = arith.mulf %mul3A_3967, %get3A_3966 : vector<16xf32>
      %add3A_3969 = arith.addf %add3A_3947, %mul3A_3968 : vector<16xf32>
      %get3A_3970 = arith.constant 0 : i32
      %get3A_3971 = arith.constant 167 : i32
      %get3A_3972 = arith.index_cast %get3A_3970 : i32 to index
      %get3A_3973 = arith.index_cast %get3A_3971 : i32 to index
      %get3A_3974 = arith.constant 16 : index
      %get3A_3975 = tpu.vector_load %arg25[%get3A_3972, %get3A_3973, %get3A_3974] {strides = array<i32>} : memref<4x208x32xf32, #tpu.memory_space<vmem>>, vector<1x1x16xf32>,
      %get3A_3976 = vector.shape_cast %get3A_3975 : vector<1x1x16xf32> to vector<16xf32>
      %mul3A_3977 = vector.broadcast %squeeze3A_3959 : f32 to vector<16xf32>
      %mul3A_3978 = arith.mulf %mul3A_3977, %get3A_3976 : vector<16xf32>
      %add3A_3979 = arith.addf %add3A_3957, %mul3A_3978 : vector<16xf32>
      %slice3A_3980 = vector.extract_strided_slice %exp3A_206 {offsets = [8], sizes = [1], strides = [1]} : vector<16xf32> to vector<1xf32>
      %squeeze3A_3981 = vector.extract %slice3A_3980[0] : f32 from vector<1xf32>
      %get3A_3982 = arith.constant 0 : i32
      %get3A_3983 = arith.constant 168 : i32
      %get3A_3984 = arith.index_cast %get3A_3982 : i32 to index
      %get3A_3985 = arith.index_cast %get3A_3983 : i32 to index
      %get3A_3986 = arith.constant 0 : index
      %get3A_3987 = tpu.vector_load %arg25[%get3A_3984, %get3A_3985, %get3A_3986] {strides = array<i32>} : memref<4x208x32xf32, #tpu.memory_space<vmem>>, vector<1x1x16xf32>,
      %get3A_3988 = vector.shape_cast %get3A_3987 : vector<1x1x16xf32> to vector<16xf32>
      %mul3A_3989 = vector.broadcast %squeeze3A_3981 : f32 to vector<16xf32>
      %mul3A_3990 = arith.mulf %mul3A_3989, %get3A_3988 : vector<16xf32>
      %add3A_3991 = arith.addf %add3A_3969, %mul3A_3990 : vector<16xf32>
      %get3A_3992 = arith.constant 0 : i32
      %get3A_3993 = arith.constant 168 : i32
      %get3A_3994 = arith.index_cast %get3A_3992 : i32 to index
      %get3A_3995 = arith.index_cast %get3A_3993 : i32 to index
      %get3A_3996 = arith.constant 16 : index
      %get3A_3997 = tpu.vector_load %arg25[%get3A_3994, %get3A_3995, %get3A_3996] {strides = array<i32>} : memref<4x208x32xf32, #tpu.memory_space<vmem>>, vector<1x1x16xf32>,
      %get3A_3998 = vector.shape_cast %get3A_3997 : vector<1x1x16xf32> to vector<16xf32>
      %mul3A_3999 = vector.broadcast %squeeze3A_3981 : f32 to vector<16xf32>
      %mul3A_4000 = arith.mulf %mul3A_3999, %get3A_3998 : vector<16xf32>
      %add3A_4001 = arith.addf %add3A_3979, %mul3A_4000 : vector<16xf32>
      %slice3A_4002 = vector.extract_strided_slice %exp3A_206 {offsets = [9], sizes = [1], strides = [1]} : vector<16xf32> to vector<1xf32>
      %squeeze3A_4003 = vector.extract %slice3A_4002[0] : f32 from vector<1xf32>
      %get3A_4004 = arith.constant 0 : i32
      %get3A_4005 = arith.constant 169 : i32
      %get3A_4006 = arith.index_cast %get3A_4004 : i32 to index
      %get3A_4007 = arith.index_cast %get3A_4005 : i32 to index
      %get3A_4008 = arith.constant 0 : index
      %get3A_4009 = tpu.vector_load %arg25[%get3A_4006, %get3A_4007, %get3A_4008] {strides = array<i32>} : memref<4x208x32xf32, #tpu.memory_space<vmem>>, vector<1x1x16xf32>,
      %get3A_4010 = vector.shape_cast %get3A_4009 : vector<1x1x16xf32> to vector<16xf32>
      %mul3A_4011 = vector.broadcast %squeeze3A_4003 : f32 to vector<16xf32>
      %mul3A_4012 = arith.mulf %mul3A_4011, %get3A_4010 : vector<16xf32>
      %add3A_4013 = arith.addf %add3A_3991, %mul3A_4012 : vector<16xf32>
      %get3A_4014 = arith.constant 0 : i32
      %get3A_4015 = arith.constant 169 : i32
      %get3A_4016 = arith.index_cast %get3A_4014 : i32 to index
      %get3A_4017 = arith.index_cast %get3A_4015 : i32 to index
      %get3A_4018 = arith.constant 16 : index
      %get3A_4019 = tpu.vector_load %arg25[%get3A_4016, %get3A_4017, %get3A_4018] {strides = array<i32>} : memref<4x208x32xf32, #tpu.memory_space<vmem>>, vector<1x1x16xf32>,
      %get3A_4020 = vector.shape_cast %get3A_4019 : vector<1x1x16xf32> to vector<16xf32>
      %mul3A_4021 = vector.broadcast %squeeze3A_4003 : f32 to vector<16xf32>
      %mul3A_4022 = arith.mulf %mul3A_4021, %get3A_4020 : vector<16xf32>
      %add3A_4023 = arith.addf %add3A_4001, %mul3A_4022 : vector<16xf32>
      %slice3A_4024 = vector.extract_strided_slice %exp3A_206 {offsets = [10], sizes = [1], strides = [1]} : vector<16xf32> to vector<1xf32>
      %squeeze3A_4025 = vector.extract %slice3A_4024[0] : f32 from vector<1xf32>
      %get3A_4026 = arith.constant 0 : i32
      %get3A_4027 = arith.constant 170 : i32
      %get3A_4028 = arith.index_cast %get3A_4026 : i32 to index
      %get3A_4029 = arith.index_cast %get3A_4027 : i32 to index
      %get3A_4030 = arith.constant 0 : index
      %get3A_4031 = tpu.vector_load %arg25[%get3A_4028, %get3A_4029, %get3A_4030] {strides = array<i32>} : memref<4x208x32xf32, #tpu.memory_space<vmem>>, vector<1x1x16xf32>,
      %get3A_4032 = vector.shape_cast %get3A_4031 : vector<1x1x16xf32> to vector<16xf32>
      %mul3A_4033 = vector.broadcast %squeeze3A_4025 : f32 to vector<16xf32>
      %mul3A_4034 = arith.mulf %mul3A_4033, %get3A_4032 : vector<16xf32>
      %add3A_4035 = arith.addf %add3A_4013, %mul3A_4034 : vector<16xf32>
      %get3A_4036 = arith.constant 0 : i32
      %get3A_4037 = arith.constant 170 : i32
      %get3A_4038 = arith.index_cast %get3A_4036 : i32 to index
      %get3A_4039 = arith.index_cast %get3A_4037 : i32 to index
      %get3A_4040 = arith.constant 16 : index
      %get3A_4041 = tpu.vector_load %arg25[%get3A_4038, %get3A_4039, %get3A_4040] {strides = array<i32>} : memref<4x208x32xf32, #tpu.memory_space<vmem>>, vector<1x1x16xf32>,
      %get3A_4042 = vector.shape_cast %get3A_4041 : vector<1x1x16xf32> to vector<16xf32>
      %mul3A_4043 = vector.broadcast %squeeze3A_4025 : f32 to vector<16xf32>
      %mul3A_4044 = arith.mulf %mul3A_4043, %get3A_4042 : vector<16xf32>
      %add3A_4045 = arith.addf %add3A_4023, %mul3A_4044 : vector<16xf32>
      %slice3A_4046 = vector.extract_strided_slice %exp3A_206 {offsets = [11], sizes = [1], strides = [1]} : vector<16xf32> to vector<1xf32>
      %squeeze3A_4047 = vector.extract %slice3A_4046[0] : f32 from vector<1xf32>
      %get3A_4048 = arith.constant 0 : i32
      %get3A_4049 = arith.constant 171 : i32
      %get3A_4050 = arith.index_cast %get3A_4048 : i32 to index
      %get3A_4051 = arith.index_cast %get3A_4049 : i32 to index
      %get3A_4052 = arith.constant 0 : index
      %get3A_4053 = tpu.vector_load %arg25[%get3A_4050, %get3A_4051, %get3A_4052] {strides = array<i32>} : memref<4x208x32xf32, #tpu.memory_space<vmem>>, vector<1x1x16xf32>,
      %get3A_4054 = vector.shape_cast %get3A_4053 : vector<1x1x16xf32> to vector<16xf32>
      %mul3A_4055 = vector.broadcast %squeeze3A_4047 : f32 to vector<16xf32>
      %mul3A_4056 = arith.mulf %mul3A_4055, %get3A_4054 : vector<16xf32>
      %add3A_4057 = arith.addf %add3A_4035, %mul3A_4056 : vector<16xf32>
      %get3A_4058 = arith.constant 0 : i32
      %get3A_4059 = arith.constant 171 : i32
      %get3A_4060 = arith.index_cast %get3A_4058 : i32 to index
      %get3A_4061 = arith.index_cast %get3A_4059 : i32 to index
      %get3A_4062 = arith.constant 16 : index
      %get3A_4063 = tpu.vector_load %arg25[%get3A_4060, %get3A_4061, %get3A_4062] {strides = array<i32>} : memref<4x208x32xf32, #tpu.memory_space<vmem>>, vector<1x1x16xf32>,
      %get3A_4064 = vector.shape_cast %get3A_4063 : vector<1x1x16xf32> to vector<16xf32>
      %mul3A_4065 = vector.broadcast %squeeze3A_4047 : f32 to vector<16xf32>
      %mul3A_4066 = arith.mulf %mul3A_4065, %get3A_4064 : vector<16xf32>
      %add3A_4067 = arith.addf %add3A_4045, %mul3A_4066 : vector<16xf32>
      %slice3A_4068 = vector.extract_strided_slice %exp3A_206 {offsets = [12], sizes = [1], strides = [1]} : vector<16xf32> to vector<1xf32>
      %squeeze3A_4069 = vector.extract %slice3A_4068[0] : f32 from vector<1xf32>
      %get3A_4070 = arith.constant 0 : i32
      %get3A_4071 = arith.constant 172 : i32
      %get3A_4072 = arith.index_cast %get3A_4070 : i32 to index
      %get3A_4073 = arith.index_cast %get3A_4071 : i32 to index
      %get3A_4074 = arith.constant 0 : index
      %get3A_4075 = tpu.vector_load %arg25[%get3A_4072, %get3A_4073, %get3A_4074] {strides = array<i32>} : memref<4x208x32xf32, #tpu.memory_space<vmem>>, vector<1x1x16xf32>,
      %get3A_4076 = vector.shape_cast %get3A_4075 : vector<1x1x16xf32> to vector<16xf32>
      %mul3A_4077 = vector.broadcast %squeeze3A_4069 : f32 to vector<16xf32>
      %mul3A_4078 = arith.mulf %mul3A_4077, %get3A_4076 : vector<16xf32>
      %add3A_4079 = arith.addf %add3A_4057, %mul3A_4078 : vector<16xf32>
      %get3A_4080 = arith.constant 0 : i32
      %get3A_4081 = arith.constant 172 : i32
      %get3A_4082 = arith.index_cast %get3A_4080 : i32 to index
      %get3A_4083 = arith.index_cast %get3A_4081 : i32 to index
      %get3A_4084 = arith.constant 16 : index
      %get3A_4085 = tpu.vector_load %arg25[%get3A_4082, %get3A_4083, %get3A_4084] {strides = array<i32>} : memref<4x208x32xf32, #tpu.memory_space<vmem>>, vector<1x1x16xf32>,
      %get3A_4086 = vector.shape_cast %get3A_4085 : vector<1x1x16xf32> to vector<16xf32>
      %mul3A_4087 = vector.broadcast %squeeze3A_4069 : f32 to vector<16xf32>
      %mul3A_4088 = arith.mulf %mul3A_4087, %get3A_4086 : vector<16xf32>
      %add3A_4089 = arith.addf %add3A_4067, %mul3A_4088 : vector<16xf32>
      %slice3A_4090 = vector.extract_strided_slice %exp3A_206 {offsets = [13], sizes = [1], strides = [1]} : vector<16xf32> to vector<1xf32>
      %squeeze3A_4091 = vector.extract %slice3A_4090[0] : f32 from vector<1xf32>
      %get3A_4092 = arith.constant 0 : i32
      %get3A_4093 = arith.constant 173 : i32
      %get3A_4094 = arith.index_cast %get3A_4092 : i32 to index
      %get3A_4095 = arith.index_cast %get3A_4093 : i32 to index
      %get3A_4096 = arith.constant 0 : index
      %get3A_4097 = tpu.vector_load %arg25[%get3A_4094, %get3A_4095, %get3A_4096] {strides = array<i32>} : memref<4x208x32xf32, #tpu.memory_space<vmem>>, vector<1x1x16xf32>,
      %get3A_4098 = vector.shape_cast %get3A_4097 : vector<1x1x16xf32> to vector<16xf32>
      %mul3A_4099 = vector.broadcast %squeeze3A_4091 : f32 to vector<16xf32>
      %mul3A_4100 = arith.mulf %mul3A_4099, %get3A_4098 : vector<16xf32>
      %add3A_4101 = arith.addf %add3A_4079, %mul3A_4100 : vector<16xf32>
      %get3A_4102 = arith.constant 0 : i32
      %get3A_4103 = arith.constant 173 : i32
      %get3A_4104 = arith.index_cast %get3A_4102 : i32 to index
      %get3A_4105 = arith.index_cast %get3A_4103 : i32 to index
      %get3A_4106 = arith.constant 16 : index
      %get3A_4107 = tpu.vector_load %arg25[%get3A_4104, %get3A_4105, %get3A_4106] {strides = array<i32>} : memref<4x208x32xf32, #tpu.memory_space<vmem>>, vector<1x1x16xf32>,
      %get3A_4108 = vector.shape_cast %get3A_4107 : vector<1x1x16xf32> to vector<16xf32>
      %mul3A_4109 = vector.broadcast %squeeze3A_4091 : f32 to vector<16xf32>
      %mul3A_4110 = arith.mulf %mul3A_4109, %get3A_4108 : vector<16xf32>
      %add3A_4111 = arith.addf %add3A_4089, %mul3A_4110 : vector<16xf32>
      %slice3A_4112 = vector.extract_strided_slice %exp3A_206 {offsets = [14], sizes = [1], strides = [1]} : vector<16xf32> to vector<1xf32>
      %squeeze3A_4113 = vector.extract %slice3A_4112[0] : f32 from vector<1xf32>
      %get3A_4114 = arith.constant 0 : i32
      %get3A_4115 = arith.constant 174 : i32
      %get3A_4116 = arith.index_cast %get3A_4114 : i32 to index
      %get3A_4117 = arith.index_cast %get3A_4115 : i32 to index
      %get3A_4118 = arith.constant 0 : index
      %get3A_4119 = tpu.vector_load %arg25[%get3A_4116, %get3A_4117, %get3A_4118] {strides = array<i32>} : memref<4x208x32xf32, #tpu.memory_space<vmem>>, vector<1x1x16xf32>,
      %get3A_4120 = vector.shape_cast %get3A_4119 : vector<1x1x16xf32> to vector<16xf32>
      %mul3A_4121 = vector.broadcast %squeeze3A_4113 : f32 to vector<16xf32>
      %mul3A_4122 = arith.mulf %mul3A_4121, %get3A_4120 : vector<16xf32>
      %add3A_4123 = arith.addf %add3A_4101, %mul3A_4122 : vector<16xf32>
      %get3A_4124 = arith.constant 0 : i32
      %get3A_4125 = arith.constant 174 : i32
      %get3A_4126 = arith.index_cast %get3A_4124 : i32 to index
      %get3A_4127 = arith.index_cast %get3A_4125 : i32 to index
      %get3A_4128 = arith.constant 16 : index
      %get3A_4129 = tpu.vector_load %arg25[%get3A_4126, %get3A_4127, %get3A_4128] {strides = array<i32>} : memref<4x208x32xf32, #tpu.memory_space<vmem>>, vector<1x1x16xf32>,
      %get3A_4130 = vector.shape_cast %get3A_4129 : vector<1x1x16xf32> to vector<16xf32>
      %mul3A_4131 = vector.broadcast %squeeze3A_4113 : f32 to vector<16xf32>
      %mul3A_4132 = arith.mulf %mul3A_4131, %get3A_4130 : vector<16xf32>
      %add3A_4133 = arith.addf %add3A_4111, %mul3A_4132 : vector<16xf32>
      %slice3A_4134 = vector.extract_strided_slice %exp3A_206 {offsets = [15], sizes = [1], strides = [1]} : vector<16xf32> to vector<1xf32>
      %squeeze3A_4135 = vector.extract %slice3A_4134[0] : f32 from vector<1xf32>
      %get3A_4136 = arith.constant 0 : i32
      %get3A_4137 = arith.constant 175 : i32
      %get3A_4138 = arith.index_cast %get3A_4136 : i32 to index
      %get3A_4139 = arith.index_cast %get3A_4137 : i32 to index
      %get3A_4140 = arith.constant 0 : index
      %get3A_4141 = tpu.vector_load %arg25[%get3A_4138, %get3A_4139, %get3A_4140] {strides = array<i32>} : memref<4x208x32xf32, #tpu.memory_space<vmem>>, vector<1x1x16xf32>,
      %get3A_4142 = vector.shape_cast %get3A_4141 : vector<1x1x16xf32> to vector<16xf32>
      %mul3A_4143 = vector.broadcast %squeeze3A_4135 : f32 to vector<16xf32>
      %mul3A_4144 = arith.mulf %mul3A_4143, %get3A_4142 : vector<16xf32>
      %add3A_4145 = arith.addf %add3A_4123, %mul3A_4144 : vector<16xf32>
      %get3A_4146 = arith.constant 0 : i32
      %get3A_4147 = arith.constant 175 : i32
      %get3A_4148 = arith.index_cast %get3A_4146 : i32 to index
      %get3A_4149 = arith.index_cast %get3A_4147 : i32 to index
      %get3A_4150 = arith.constant 16 : index
      %get3A_4151 = tpu.vector_load %arg25[%get3A_4148, %get3A_4149, %get3A_4150] {strides = array<i32>} : memref<4x208x32xf32, #tpu.memory_space<vmem>>, vector<1x1x16xf32>,
      %get3A_4152 = vector.shape_cast %get3A_4151 : vector<1x1x16xf32> to vector<16xf32>
      %mul3A_4153 = vector.broadcast %squeeze3A_4135 : f32 to vector<16xf32>
      %mul3A_4154 = arith.mulf %mul3A_4153, %get3A_4152 : vector<16xf32>
      %add3A_4155 = arith.addf %add3A_4133, %mul3A_4154 : vector<16xf32>
      %slice3A_4156 = vector.extract_strided_slice %exp3A_216 {offsets = [0], sizes = [1], strides = [1]} : vector<16xf32> to vector<1xf32>
      %squeeze3A_4157 = vector.extract %slice3A_4156[0] : f32 from vector<1xf32>
      %get3A_4158 = arith.constant 0 : i32
      %get3A_4159 = arith.constant 176 : i32
      %get3A_4160 = arith.index_cast %get3A_4158 : i32 to index
      %get3A_4161 = arith.index_cast %get3A_4159 : i32 to index
      %get3A_4162 = arith.constant 0 : index
      %get3A_4163 = tpu.vector_load %arg25[%get3A_4160, %get3A_4161, %get3A_4162] {strides = array<i32>} : memref<4x208x32xf32, #tpu.memory_space<vmem>>, vector<1x1x16xf32>,
      %get3A_4164 = vector.shape_cast %get3A_4163 : vector<1x1x16xf32> to vector<16xf32>
      %mul3A_4165 = vector.broadcast %squeeze3A_4157 : f32 to vector<16xf32>
      %mul3A_4166 = arith.mulf %mul3A_4165, %get3A_4164 : vector<16xf32>
      %add3A_4167 = arith.addf %add3A_4145, %mul3A_4166 : vector<16xf32>
      %get3A_4168 = arith.constant 0 : i32
      %get3A_4169 = arith.constant 176 : i32
      %get3A_4170 = arith.index_cast %get3A_4168 : i32 to index
      %get3A_4171 = arith.index_cast %get3A_4169 : i32 to index
      %get3A_4172 = arith.constant 16 : index
      %get3A_4173 = tpu.vector_load %arg25[%get3A_4170, %get3A_4171, %get3A_4172] {strides = array<i32>} : memref<4x208x32xf32, #tpu.memory_space<vmem>>, vector<1x1x16xf32>,
      %get3A_4174 = vector.shape_cast %get3A_4173 : vector<1x1x16xf32> to vector<16xf32>
      %mul3A_4175 = vector.broadcast %squeeze3A_4157 : f32 to vector<16xf32>
      %mul3A_4176 = arith.mulf %mul3A_4175, %get3A_4174 : vector<16xf32>
      %add3A_4177 = arith.addf %add3A_4155, %mul3A_4176 : vector<16xf32>
      %slice3A_4178 = vector.extract_strided_slice %exp3A_216 {offsets = [1], sizes = [1], strides = [1]} : vector<16xf32> to vector<1xf32>
      %squeeze3A_4179 = vector.extract %slice3A_4178[0] : f32 from vector<1xf32>
      %get3A_4180 = arith.constant 0 : i32
      %get3A_4181 = arith.constant 177 : i32
      %get3A_4182 = arith.index_cast %get3A_4180 : i32 to index
      %get3A_4183 = arith.index_cast %get3A_4181 : i32 to index
      %get3A_4184 = arith.constant 0 : index
      %get3A_4185 = tpu.vector_load %arg25[%get3A_4182, %get3A_4183, %get3A_4184] {strides = array<i32>} : memref<4x208x32xf32, #tpu.memory_space<vmem>>, vector<1x1x16xf32>,
      %get3A_4186 = vector.shape_cast %get3A_4185 : vector<1x1x16xf32> to vector<16xf32>
      %mul3A_4187 = vector.broadcast %squeeze3A_4179 : f32 to vector<16xf32>
      %mul3A_4188 = arith.mulf %mul3A_4187, %get3A_4186 : vector<16xf32>
      %add3A_4189 = arith.addf %add3A_4167, %mul3A_4188 : vector<16xf32>
      %get3A_4190 = arith.constant 0 : i32
      %get3A_4191 = arith.constant 177 : i32
      %get3A_4192 = arith.index_cast %get3A_4190 : i32 to index
      %get3A_4193 = arith.index_cast %get3A_4191 : i32 to index
      %get3A_4194 = arith.constant 16 : index
      %get3A_4195 = tpu.vector_load %arg25[%get3A_4192, %get3A_4193, %get3A_4194] {strides = array<i32>} : memref<4x208x32xf32, #tpu.memory_space<vmem>>, vector<1x1x16xf32>,
      %get3A_4196 = vector.shape_cast %get3A_4195 : vector<1x1x16xf32> to vector<16xf32>
      %mul3A_4197 = vector.broadcast %squeeze3A_4179 : f32 to vector<16xf32>
      %mul3A_4198 = arith.mulf %mul3A_4197, %get3A_4196 : vector<16xf32>
      %add3A_4199 = arith.addf %add3A_4177, %mul3A_4198 : vector<16xf32>
      %slice3A_4200 = vector.extract_strided_slice %exp3A_216 {offsets = [2], sizes = [1], strides = [1]} : vector<16xf32> to vector<1xf32>
      %squeeze3A_4201 = vector.extract %slice3A_4200[0] : f32 from vector<1xf32>
      %get3A_4202 = arith.constant 0 : i32
      %get3A_4203 = arith.constant 178 : i32
      %get3A_4204 = arith.index_cast %get3A_4202 : i32 to index
      %get3A_4205 = arith.index_cast %get3A_4203 : i32 to index
      %get3A_4206 = arith.constant 0 : index
      %get3A_4207 = tpu.vector_load %arg25[%get3A_4204, %get3A_4205, %get3A_4206] {strides = array<i32>} : memref<4x208x32xf32, #tpu.memory_space<vmem>>, vector<1x1x16xf32>,
      %get3A_4208 = vector.shape_cast %get3A_4207 : vector<1x1x16xf32> to vector<16xf32>
      %mul3A_4209 = vector.broadcast %squeeze3A_4201 : f32 to vector<16xf32>
      %mul3A_4210 = arith.mulf %mul3A_4209, %get3A_4208 : vector<16xf32>
      %add3A_4211 = arith.addf %add3A_4189, %mul3A_4210 : vector<16xf32>
      %get3A_4212 = arith.constant 0 : i32
      %get3A_4213 = arith.constant 178 : i32
      %get3A_4214 = arith.index_cast %get3A_4212 : i32 to index
      %get3A_4215 = arith.index_cast %get3A_4213 : i32 to index
      %get3A_4216 = arith.constant 16 : index
      %get3A_4217 = tpu.vector_load %arg25[%get3A_4214, %get3A_4215, %get3A_4216] {strides = array<i32>} : memref<4x208x32xf32, #tpu.memory_space<vmem>>, vector<1x1x16xf32>,
      %get3A_4218 = vector.shape_cast %get3A_4217 : vector<1x1x16xf32> to vector<16xf32>
      %mul3A_4219 = vector.broadcast %squeeze3A_4201 : f32 to vector<16xf32>
      %mul3A_4220 = arith.mulf %mul3A_4219, %get3A_4218 : vector<16xf32>
      %add3A_4221 = arith.addf %add3A_4199, %mul3A_4220 : vector<16xf32>
      %slice3A_4222 = vector.extract_strided_slice %exp3A_216 {offsets = [3], sizes = [1], strides = [1]} : vector<16xf32> to vector<1xf32>
      %squeeze3A_4223 = vector.extract %slice3A_4222[0] : f32 from vector<1xf32>
      %get3A_4224 = arith.constant 0 : i32
      %get3A_4225 = arith.constant 179 : i32
      %get3A_4226 = arith.index_cast %get3A_4224 : i32 to index
      %get3A_4227 = arith.index_cast %get3A_4225 : i32 to index
      %get3A_4228 = arith.constant 0 : index
      %get3A_4229 = tpu.vector_load %arg25[%get3A_4226, %get3A_4227, %get3A_4228] {strides = array<i32>} : memref<4x208x32xf32, #tpu.memory_space<vmem>>, vector<1x1x16xf32>,
      %get3A_4230 = vector.shape_cast %get3A_4229 : vector<1x1x16xf32> to vector<16xf32>
      %mul3A_4231 = vector.broadcast %squeeze3A_4223 : f32 to vector<16xf32>
      %mul3A_4232 = arith.mulf %mul3A_4231, %get3A_4230 : vector<16xf32>
      %add3A_4233 = arith.addf %add3A_4211, %mul3A_4232 : vector<16xf32>
      %get3A_4234 = arith.constant 0 : i32
      %get3A_4235 = arith.constant 179 : i32
      %get3A_4236 = arith.index_cast %get3A_4234 : i32 to index
      %get3A_4237 = arith.index_cast %get3A_4235 : i32 to index
      %get3A_4238 = arith.constant 16 : index
      %get3A_4239 = tpu.vector_load %arg25[%get3A_4236, %get3A_4237, %get3A_4238] {strides = array<i32>} : memref<4x208x32xf32, #tpu.memory_space<vmem>>, vector<1x1x16xf32>,
      %get3A_4240 = vector.shape_cast %get3A_4239 : vector<1x1x16xf32> to vector<16xf32>
      %mul3A_4241 = vector.broadcast %squeeze3A_4223 : f32 to vector<16xf32>
      %mul3A_4242 = arith.mulf %mul3A_4241, %get3A_4240 : vector<16xf32>
      %add3A_4243 = arith.addf %add3A_4221, %mul3A_4242 : vector<16xf32>
      %slice3A_4244 = vector.extract_strided_slice %exp3A_216 {offsets = [4], sizes = [1], strides = [1]} : vector<16xf32> to vector<1xf32>
      %squeeze3A_4245 = vector.extract %slice3A_4244[0] : f32 from vector<1xf32>
      %get3A_4246 = arith.constant 0 : i32
      %get3A_4247 = arith.constant 180 : i32
      %get3A_4248 = arith.index_cast %get3A_4246 : i32 to index
      %get3A_4249 = arith.index_cast %get3A_4247 : i32 to index
      %get3A_4250 = arith.constant 0 : index
      %get3A_4251 = tpu.vector_load %arg25[%get3A_4248, %get3A_4249, %get3A_4250] {strides = array<i32>} : memref<4x208x32xf32, #tpu.memory_space<vmem>>, vector<1x1x16xf32>,
      %get3A_4252 = vector.shape_cast %get3A_4251 : vector<1x1x16xf32> to vector<16xf32>
      %mul3A_4253 = vector.broadcast %squeeze3A_4245 : f32 to vector<16xf32>
      %mul3A_4254 = arith.mulf %mul3A_4253, %get3A_4252 : vector<16xf32>
      %add3A_4255 = arith.addf %add3A_4233, %mul3A_4254 : vector<16xf32>
      %get3A_4256 = arith.constant 0 : i32
      %get3A_4257 = arith.constant 180 : i32
      %get3A_4258 = arith.index_cast %get3A_4256 : i32 to index
      %get3A_4259 = arith.index_cast %get3A_4257 : i32 to index
      %get3A_4260 = arith.constant 16 : index
      %get3A_4261 = tpu.vector_load %arg25[%get3A_4258, %get3A_4259, %get3A_4260] {strides = array<i32>} : memref<4x208x32xf32, #tpu.memory_space<vmem>>, vector<1x1x16xf32>,
      %get3A_4262 = vector.shape_cast %get3A_4261 : vector<1x1x16xf32> to vector<16xf32>
      %mul3A_4263 = vector.broadcast %squeeze3A_4245 : f32 to vector<16xf32>
      %mul3A_4264 = arith.mulf %mul3A_4263, %get3A_4262 : vector<16xf32>
      %add3A_4265 = arith.addf %add3A_4243, %mul3A_4264 : vector<16xf32>
      %slice3A_4266 = vector.extract_strided_slice %exp3A_216 {offsets = [5], sizes = [1], strides = [1]} : vector<16xf32> to vector<1xf32>
      %squeeze3A_4267 = vector.extract %slice3A_4266[0] : f32 from vector<1xf32>
      %get3A_4268 = arith.constant 0 : i32
      %get3A_4269 = arith.constant 181 : i32
      %get3A_4270 = arith.index_cast %get3A_4268 : i32 to index
      %get3A_4271 = arith.index_cast %get3A_4269 : i32 to index
      %get3A_4272 = arith.constant 0 : index
      %get3A_4273 = tpu.vector_load %arg25[%get3A_4270, %get3A_4271, %get3A_4272] {strides = array<i32>} : memref<4x208x32xf32, #tpu.memory_space<vmem>>, vector<1x1x16xf32>,
      %get3A_4274 = vector.shape_cast %get3A_4273 : vector<1x1x16xf32> to vector<16xf32>
      %mul3A_4275 = vector.broadcast %squeeze3A_4267 : f32 to vector<16xf32>
      %mul3A_4276 = arith.mulf %mul3A_4275, %get3A_4274 : vector<16xf32>
      %add3A_4277 = arith.addf %add3A_4255, %mul3A_4276 : vector<16xf32>
      %get3A_4278 = arith.constant 0 : i32
      %get3A_4279 = arith.constant 181 : i32
      %get3A_4280 = arith.index_cast %get3A_4278 : i32 to index
      %get3A_4281 = arith.index_cast %get3A_4279 : i32 to index
      %get3A_4282 = arith.constant 16 : index
      %get3A_4283 = tpu.vector_load %arg25[%get3A_4280, %get3A_4281, %get3A_4282] {strides = array<i32>} : memref<4x208x32xf32, #tpu.memory_space<vmem>>, vector<1x1x16xf32>,
      %get3A_4284 = vector.shape_cast %get3A_4283 : vector<1x1x16xf32> to vector<16xf32>
      %mul3A_4285 = vector.broadcast %squeeze3A_4267 : f32 to vector<16xf32>
      %mul3A_4286 = arith.mulf %mul3A_4285, %get3A_4284 : vector<16xf32>
      %add3A_4287 = arith.addf %add3A_4265, %mul3A_4286 : vector<16xf32>
      %slice3A_4288 = vector.extract_strided_slice %exp3A_216 {offsets = [6], sizes = [1], strides = [1]} : vector<16xf32> to vector<1xf32>
      %squeeze3A_4289 = vector.extract %slice3A_4288[0] : f32 from vector<1xf32>
      %get3A_4290 = arith.constant 0 : i32
      %get3A_4291 = arith.constant 182 : i32
      %get3A_4292 = arith.index_cast %get3A_4290 : i32 to index
      %get3A_4293 = arith.index_cast %get3A_4291 : i32 to index
      %get3A_4294 = arith.constant 0 : index
      %get3A_4295 = tpu.vector_load %arg25[%get3A_4292, %get3A_4293, %get3A_4294] {strides = array<i32>} : memref<4x208x32xf32, #tpu.memory_space<vmem>>, vector<1x1x16xf32>,
      %get3A_4296 = vector.shape_cast %get3A_4295 : vector<1x1x16xf32> to vector<16xf32>
      %mul3A_4297 = vector.broadcast %squeeze3A_4289 : f32 to vector<16xf32>
      %mul3A_4298 = arith.mulf %mul3A_4297, %get3A_4296 : vector<16xf32>
      %add3A_4299 = arith.addf %add3A_4277, %mul3A_4298 : vector<16xf32>
      %get3A_4300 = arith.constant 0 : i32
      %get3A_4301 = arith.constant 182 : i32
      %get3A_4302 = arith.index_cast %get3A_4300 : i32 to index
      %get3A_4303 = arith.index_cast %get3A_4301 : i32 to index
      %get3A_4304 = arith.constant 16 : index
      %get3A_4305 = tpu.vector_load %arg25[%get3A_4302, %get3A_4303, %get3A_4304] {strides = array<i32>} : memref<4x208x32xf32, #tpu.memory_space<vmem>>, vector<1x1x16xf32>,
      %get3A_4306 = vector.shape_cast %get3A_4305 : vector<1x1x16xf32> to vector<16xf32>
      %mul3A_4307 = vector.broadcast %squeeze3A_4289 : f32 to vector<16xf32>
      %mul3A_4308 = arith.mulf %mul3A_4307, %get3A_4306 : vector<16xf32>
      %add3A_4309 = arith.addf %add3A_4287, %mul3A_4308 : vector<16xf32>
      %slice3A_4310 = vector.extract_strided_slice %exp3A_216 {offsets = [7], sizes = [1], strides = [1]} : vector<16xf32> to vector<1xf32>
      %squeeze3A_4311 = vector.extract %slice3A_4310[0] : f32 from vector<1xf32>
      %get3A_4312 = arith.constant 0 : i32
      %get3A_4313 = arith.constant 183 : i32
      %get3A_4314 = arith.index_cast %get3A_4312 : i32 to index
      %get3A_4315 = arith.index_cast %get3A_4313 : i32 to index
      %get3A_4316 = arith.constant 0 : index
      %get3A_4317 = tpu.vector_load %arg25[%get3A_4314, %get3A_4315, %get3A_4316] {strides = array<i32>} : memref<4x208x32xf32, #tpu.memory_space<vmem>>, vector<1x1x16xf32>,
      %get3A_4318 = vector.shape_cast %get3A_4317 : vector<1x1x16xf32> to vector<16xf32>
      %mul3A_4319 = vector.broadcast %squeeze3A_4311 : f32 to vector<16xf32>
      %mul3A_4320 = arith.mulf %mul3A_4319, %get3A_4318 : vector<16xf32>
      %add3A_4321 = arith.addf %add3A_4299, %mul3A_4320 : vector<16xf32>
      %get3A_4322 = arith.constant 0 : i32
      %get3A_4323 = arith.constant 183 : i32
      %get3A_4324 = arith.index_cast %get3A_4322 : i32 to index
      %get3A_4325 = arith.index_cast %get3A_4323 : i32 to index
      %get3A_4326 = arith.constant 16 : index
      %get3A_4327 = tpu.vector_load %arg25[%get3A_4324, %get3A_4325, %get3A_4326] {strides = array<i32>} : memref<4x208x32xf32, #tpu.memory_space<vmem>>, vector<1x1x16xf32>,
      %get3A_4328 = vector.shape_cast %get3A_4327 : vector<1x1x16xf32> to vector<16xf32>
      %mul3A_4329 = vector.broadcast %squeeze3A_4311 : f32 to vector<16xf32>
      %mul3A_4330 = arith.mulf %mul3A_4329, %get3A_4328 : vector<16xf32>
      %add3A_4331 = arith.addf %add3A_4309, %mul3A_4330 : vector<16xf32>
      %slice3A_4332 = vector.extract_strided_slice %exp3A_216 {offsets = [8], sizes = [1], strides = [1]} : vector<16xf32> to vector<1xf32>
      %squeeze3A_4333 = vector.extract %slice3A_4332[0] : f32 from vector<1xf32>
      %get3A_4334 = arith.constant 0 : i32
      %get3A_4335 = arith.constant 184 : i32
      %get3A_4336 = arith.index_cast %get3A_4334 : i32 to index
      %get3A_4337 = arith.index_cast %get3A_4335 : i32 to index
      %get3A_4338 = arith.constant 0 : index
      %get3A_4339 = tpu.vector_load %arg25[%get3A_4336, %get3A_4337, %get3A_4338] {strides = array<i32>} : memref<4x208x32xf32, #tpu.memory_space<vmem>>, vector<1x1x16xf32>,
      %get3A_4340 = vector.shape_cast %get3A_4339 : vector<1x1x16xf32> to vector<16xf32>
      %mul3A_4341 = vector.broadcast %squeeze3A_4333 : f32 to vector<16xf32>
      %mul3A_4342 = arith.mulf %mul3A_4341, %get3A_4340 : vector<16xf32>
      %add3A_4343 = arith.addf %add3A_4321, %mul3A_4342 : vector<16xf32>
      %get3A_4344 = arith.constant 0 : i32
      %get3A_4345 = arith.constant 184 : i32
      %get3A_4346 = arith.index_cast %get3A_4344 : i32 to index
      %get3A_4347 = arith.index_cast %get3A_4345 : i32 to index
      %get3A_4348 = arith.constant 16 : index
      %get3A_4349 = tpu.vector_load %arg25[%get3A_4346, %get3A_4347, %get3A_4348] {strides = array<i32>} : memref<4x208x32xf32, #tpu.memory_space<vmem>>, vector<1x1x16xf32>,
      %get3A_4350 = vector.shape_cast %get3A_4349 : vector<1x1x16xf32> to vector<16xf32>
      %mul3A_4351 = vector.broadcast %squeeze3A_4333 : f32 to vector<16xf32>
      %mul3A_4352 = arith.mulf %mul3A_4351, %get3A_4350 : vector<16xf32>
      %add3A_4353 = arith.addf %add3A_4331, %mul3A_4352 : vector<16xf32>
      %slice3A_4354 = vector.extract_strided_slice %exp3A_216 {offsets = [9], sizes = [1], strides = [1]} : vector<16xf32> to vector<1xf32>
      %squeeze3A_4355 = vector.extract %slice3A_4354[0] : f32 from vector<1xf32>
      %get3A_4356 = arith.constant 0 : i32
      %get3A_4357 = arith.constant 185 : i32
      %get3A_4358 = arith.index_cast %get3A_4356 : i32 to index
      %get3A_4359 = arith.index_cast %get3A_4357 : i32 to index
      %get3A_4360 = arith.constant 0 : index
      %get3A_4361 = tpu.vector_load %arg25[%get3A_4358, %get3A_4359, %get3A_4360] {strides = array<i32>} : memref<4x208x32xf32, #tpu.memory_space<vmem>>, vector<1x1x16xf32>,
      %get3A_4362 = vector.shape_cast %get3A_4361 : vector<1x1x16xf32> to vector<16xf32>
      %mul3A_4363 = vector.broadcast %squeeze3A_4355 : f32 to vector<16xf32>
      %mul3A_4364 = arith.mulf %mul3A_4363, %get3A_4362 : vector<16xf32>
      %add3A_4365 = arith.addf %add3A_4343, %mul3A_4364 : vector<16xf32>
      %get3A_4366 = arith.constant 0 : i32
      %get3A_4367 = arith.constant 185 : i32
      %get3A_4368 = arith.index_cast %get3A_4366 : i32 to index
      %get3A_4369 = arith.index_cast %get3A_4367 : i32 to index
      %get3A_4370 = arith.constant 16 : index
      %get3A_4371 = tpu.vector_load %arg25[%get3A_4368, %get3A_4369, %get3A_4370] {strides = array<i32>} : memref<4x208x32xf32, #tpu.memory_space<vmem>>, vector<1x1x16xf32>,
      %get3A_4372 = vector.shape_cast %get3A_4371 : vector<1x1x16xf32> to vector<16xf32>
      %mul3A_4373 = vector.broadcast %squeeze3A_4355 : f32 to vector<16xf32>
      %mul3A_4374 = arith.mulf %mul3A_4373, %get3A_4372 : vector<16xf32>
      %add3A_4375 = arith.addf %add3A_4353, %mul3A_4374 : vector<16xf32>
      %slice3A_4376 = vector.extract_strided_slice %exp3A_216 {offsets = [10], sizes = [1], strides = [1]} : vector<16xf32> to vector<1xf32>
      %squeeze3A_4377 = vector.extract %slice3A_4376[0] : f32 from vector<1xf32>
      %get3A_4378 = arith.constant 0 : i32
      %get3A_4379 = arith.constant 186 : i32
      %get3A_4380 = arith.index_cast %get3A_4378 : i32 to index
      %get3A_4381 = arith.index_cast %get3A_4379 : i32 to index
      %get3A_4382 = arith.constant 0 : index
      %get3A_4383 = tpu.vector_load %arg25[%get3A_4380, %get3A_4381, %get3A_4382] {strides = array<i32>} : memref<4x208x32xf32, #tpu.memory_space<vmem>>, vector<1x1x16xf32>,
      %get3A_4384 = vector.shape_cast %get3A_4383 : vector<1x1x16xf32> to vector<16xf32>
      %mul3A_4385 = vector.broadcast %squeeze3A_4377 : f32 to vector<16xf32>
      %mul3A_4386 = arith.mulf %mul3A_4385, %get3A_4384 : vector<16xf32>
      %add3A_4387 = arith.addf %add3A_4365, %mul3A_4386 : vector<16xf32>
      %get3A_4388 = arith.constant 0 : i32
      %get3A_4389 = arith.constant 186 : i32
      %get3A_4390 = arith.index_cast %get3A_4388 : i32 to index
      %get3A_4391 = arith.index_cast %get3A_4389 : i32 to index
      %get3A_4392 = arith.constant 16 : index
      %get3A_4393 = tpu.vector_load %arg25[%get3A_4390, %get3A_4391, %get3A_4392] {strides = array<i32>} : memref<4x208x32xf32, #tpu.memory_space<vmem>>, vector<1x1x16xf32>,
      %get3A_4394 = vector.shape_cast %get3A_4393 : vector<1x1x16xf32> to vector<16xf32>
      %mul3A_4395 = vector.broadcast %squeeze3A_4377 : f32 to vector<16xf32>
      %mul3A_4396 = arith.mulf %mul3A_4395, %get3A_4394 : vector<16xf32>
      %add3A_4397 = arith.addf %add3A_4375, %mul3A_4396 : vector<16xf32>
      %slice3A_4398 = vector.extract_strided_slice %exp3A_216 {offsets = [11], sizes = [1], strides = [1]} : vector<16xf32> to vector<1xf32>
      %squeeze3A_4399 = vector.extract %slice3A_4398[0] : f32 from vector<1xf32>
      %get3A_4400 = arith.constant 0 : i32
      %get3A_4401 = arith.constant 187 : i32
      %get3A_4402 = arith.index_cast %get3A_4400 : i32 to index
      %get3A_4403 = arith.index_cast %get3A_4401 : i32 to index
      %get3A_4404 = arith.constant 0 : index
      %get3A_4405 = tpu.vector_load %arg25[%get3A_4402, %get3A_4403, %get3A_4404] {strides = array<i32>} : memref<4x208x32xf32, #tpu.memory_space<vmem>>, vector<1x1x16xf32>,
      %get3A_4406 = vector.shape_cast %get3A_4405 : vector<1x1x16xf32> to vector<16xf32>
      %mul3A_4407 = vector.broadcast %squeeze3A_4399 : f32 to vector<16xf32>
      %mul3A_4408 = arith.mulf %mul3A_4407, %get3A_4406 : vector<16xf32>
      %add3A_4409 = arith.addf %add3A_4387, %mul3A_4408 : vector<16xf32>
      %get3A_4410 = arith.constant 0 : i32
      %get3A_4411 = arith.constant 187 : i32
      %get3A_4412 = arith.index_cast %get3A_4410 : i32 to index
      %get3A_4413 = arith.index_cast %get3A_4411 : i32 to index
      %get3A_4414 = arith.constant 16 : index
      %get3A_4415 = tpu.vector_load %arg25[%get3A_4412, %get3A_4413, %get3A_4414] {strides = array<i32>} : memref<4x208x32xf32, #tpu.memory_space<vmem>>, vector<1x1x16xf32>,
      %get3A_4416 = vector.shape_cast %get3A_4415 : vector<1x1x16xf32> to vector<16xf32>
      %mul3A_4417 = vector.broadcast %squeeze3A_4399 : f32 to vector<16xf32>
      %mul3A_4418 = arith.mulf %mul3A_4417, %get3A_4416 : vector<16xf32>
      %add3A_4419 = arith.addf %add3A_4397, %mul3A_4418 : vector<16xf32>
      %slice3A_4420 = vector.extract_strided_slice %exp3A_216 {offsets = [12], sizes = [1], strides = [1]} : vector<16xf32> to vector<1xf32>
      %squeeze3A_4421 = vector.extract %slice3A_4420[0] : f32 from vector<1xf32>
      %get3A_4422 = arith.constant 0 : i32
      %get3A_4423 = arith.constant 188 : i32
      %get3A_4424 = arith.index_cast %get3A_4422 : i32 to index
      %get3A_4425 = arith.index_cast %get3A_4423 : i32 to index
      %get3A_4426 = arith.constant 0 : index
      %get3A_4427 = tpu.vector_load %arg25[%get3A_4424, %get3A_4425, %get3A_4426] {strides = array<i32>} : memref<4x208x32xf32, #tpu.memory_space<vmem>>, vector<1x1x16xf32>,
      %get3A_4428 = vector.shape_cast %get3A_4427 : vector<1x1x16xf32> to vector<16xf32>
      %mul3A_4429 = vector.broadcast %squeeze3A_4421 : f32 to vector<16xf32>
      %mul3A_4430 = arith.mulf %mul3A_4429, %get3A_4428 : vector<16xf32>
      %add3A_4431 = arith.addf %add3A_4409, %mul3A_4430 : vector<16xf32>
      %get3A_4432 = arith.constant 0 : i32
      %get3A_4433 = arith.constant 188 : i32
      %get3A_4434 = arith.index_cast %get3A_4432 : i32 to index
      %get3A_4435 = arith.index_cast %get3A_4433 : i32 to index
      %get3A_4436 = arith.constant 16 : index
      %get3A_4437 = tpu.vector_load %arg25[%get3A_4434, %get3A_4435, %get3A_4436] {strides = array<i32>} : memref<4x208x32xf32, #tpu.memory_space<vmem>>, vector<1x1x16xf32>,
      %get3A_4438 = vector.shape_cast %get3A_4437 : vector<1x1x16xf32> to vector<16xf32>
      %mul3A_4439 = vector.broadcast %squeeze3A_4421 : f32 to vector<16xf32>
      %mul3A_4440 = arith.mulf %mul3A_4439, %get3A_4438 : vector<16xf32>
      %add3A_4441 = arith.addf %add3A_4419, %mul3A_4440 : vector<16xf32>
      %slice3A_4442 = vector.extract_strided_slice %exp3A_216 {offsets = [13], sizes = [1], strides = [1]} : vector<16xf32> to vector<1xf32>
      %squeeze3A_4443 = vector.extract %slice3A_4442[0] : f32 from vector<1xf32>
      %get3A_4444 = arith.constant 0 : i32
      %get3A_4445 = arith.constant 189 : i32
      %get3A_4446 = arith.index_cast %get3A_4444 : i32 to index
      %get3A_4447 = arith.index_cast %get3A_4445 : i32 to index
      %get3A_4448 = arith.constant 0 : index
      %get3A_4449 = tpu.vector_load %arg25[%get3A_4446, %get3A_4447, %get3A_4448] {strides = array<i32>} : memref<4x208x32xf32, #tpu.memory_space<vmem>>, vector<1x1x16xf32>,
      %get3A_4450 = vector.shape_cast %get3A_4449 : vector<1x1x16xf32> to vector<16xf32>
      %mul3A_4451 = vector.broadcast %squeeze3A_4443 : f32 to vector<16xf32>
      %mul3A_4452 = arith.mulf %mul3A_4451, %get3A_4450 : vector<16xf32>
      %add3A_4453 = arith.addf %add3A_4431, %mul3A_4452 : vector<16xf32>
      %get3A_4454 = arith.constant 0 : i32
      %get3A_4455 = arith.constant 189 : i32
      %get3A_4456 = arith.index_cast %get3A_4454 : i32 to index
      %get3A_4457 = arith.index_cast %get3A_4455 : i32 to index
      %get3A_4458 = arith.constant 16 : index
      %get3A_4459 = tpu.vector_load %arg25[%get3A_4456, %get3A_4457, %get3A_4458] {strides = array<i32>} : memref<4x208x32xf32, #tpu.memory_space<vmem>>, vector<1x1x16xf32>,
      %get3A_4460 = vector.shape_cast %get3A_4459 : vector<1x1x16xf32> to vector<16xf32>
      %mul3A_4461 = vector.broadcast %squeeze3A_4443 : f32 to vector<16xf32>
      %mul3A_4462 = arith.mulf %mul3A_4461, %get3A_4460 : vector<16xf32>
      %add3A_4463 = arith.addf %add3A_4441, %mul3A_4462 : vector<16xf32>
      %slice3A_4464 = vector.extract_strided_slice %exp3A_216 {offsets = [14], sizes = [1], strides = [1]} : vector<16xf32> to vector<1xf32>
      %squeeze3A_4465 = vector.extract %slice3A_4464[0] : f32 from vector<1xf32>
      %get3A_4466 = arith.constant 0 : i32
      %get3A_4467 = arith.constant 190 : i32
      %get3A_4468 = arith.index_cast %get3A_4466 : i32 to index
      %get3A_4469 = arith.index_cast %get3A_4467 : i32 to index
      %get3A_4470 = arith.constant 0 : index
      %get3A_4471 = tpu.vector_load %arg25[%get3A_4468, %get3A_4469, %get3A_4470] {strides = array<i32>} : memref<4x208x32xf32, #tpu.memory_space<vmem>>, vector<1x1x16xf32>,
      %get3A_4472 = vector.shape_cast %get3A_4471 : vector<1x1x16xf32> to vector<16xf32>
      %mul3A_4473 = vector.broadcast %squeeze3A_4465 : f32 to vector<16xf32>
      %mul3A_4474 = arith.mulf %mul3A_4473, %get3A_4472 : vector<16xf32>
      %add3A_4475 = arith.addf %add3A_4453, %mul3A_4474 : vector<16xf32>
      %get3A_4476 = arith.constant 0 : i32
      %get3A_4477 = arith.constant 190 : i32
      %get3A_4478 = arith.index_cast %get3A_4476 : i32 to index
      %get3A_4479 = arith.index_cast %get3A_4477 : i32 to index
      %get3A_4480 = arith.constant 16 : index
      %get3A_4481 = tpu.vector_load %arg25[%get3A_4478, %get3A_4479, %get3A_4480] {strides = array<i32>} : memref<4x208x32xf32, #tpu.memory_space<vmem>>, vector<1x1x16xf32>,
      %get3A_4482 = vector.shape_cast %get3A_4481 : vector<1x1x16xf32> to vector<16xf32>
      %mul3A_4483 = vector.broadcast %squeeze3A_4465 : f32 to vector<16xf32>
      %mul3A_4484 = arith.mulf %mul3A_4483, %get3A_4482 : vector<16xf32>
      %add3A_4485 = arith.addf %add3A_4463, %mul3A_4484 : vector<16xf32>
      %slice3A_4486 = vector.extract_strided_slice %exp3A_216 {offsets = [15], sizes = [1], strides = [1]} : vector<16xf32> to vector<1xf32>
      %squeeze3A_4487 = vector.extract %slice3A_4486[0] : f32 from vector<1xf32>
      %get3A_4488 = arith.constant 0 : i32
      %get3A_4489 = arith.constant 191 : i32
      %get3A_4490 = arith.index_cast %get3A_4488 : i32 to index
      %get3A_4491 = arith.index_cast %get3A_4489 : i32 to index
      %get3A_4492 = arith.constant 0 : index
      %get3A_4493 = tpu.vector_load %arg25[%get3A_4490, %get3A_4491, %get3A_4492] {strides = array<i32>} : memref<4x208x32xf32, #tpu.memory_space<vmem>>, vector<1x1x16xf32>,
      %get3A_4494 = vector.shape_cast %get3A_4493 : vector<1x1x16xf32> to vector<16xf32>
      %mul3A_4495 = vector.broadcast %squeeze3A_4487 : f32 to vector<16xf32>
      %mul3A_4496 = arith.mulf %mul3A_4495, %get3A_4494 : vector<16xf32>
      %add3A_4497 = arith.addf %add3A_4475, %mul3A_4496 : vector<16xf32>
      %get3A_4498 = arith.constant 0 : i32
      %get3A_4499 = arith.constant 191 : i32
      %get3A_4500 = arith.index_cast %get3A_4498 : i32 to index
      %get3A_4501 = arith.index_cast %get3A_4499 : i32 to index
      %get3A_4502 = arith.constant 16 : index
      %get3A_4503 = tpu.vector_load %arg25[%get3A_4500, %get3A_4501, %get3A_4502] {strides = array<i32>} : memref<4x208x32xf32, #tpu.memory_space<vmem>>, vector<1x1x16xf32>,
      %get3A_4504 = vector.shape_cast %get3A_4503 : vector<1x1x16xf32> to vector<16xf32>
      %mul3A_4505 = vector.broadcast %squeeze3A_4487 : f32 to vector<16xf32>
      %mul3A_4506 = arith.mulf %mul3A_4505, %get3A_4504 : vector<16xf32>
      %add3A_4507 = arith.addf %add3A_4485, %mul3A_4506 : vector<16xf32>
      %slice3A_4508 = vector.extract_strided_slice %exp3A_226 {offsets = [0], sizes = [1], strides = [1]} : vector<16xf32> to vector<1xf32>
      %squeeze3A_4509 = vector.extract %slice3A_4508[0] : f32 from vector<1xf32>
      %get3A_4510 = arith.constant 0 : i32
      %get3A_4511 = arith.constant 192 : i32
      %get3A_4512 = arith.index_cast %get3A_4510 : i32 to index
      %get3A_4513 = arith.index_cast %get3A_4511 : i32 to index
      %get3A_4514 = arith.constant 0 : index
      %get3A_4515 = tpu.vector_load %arg25[%get3A_4512, %get3A_4513, %get3A_4514] {strides = array<i32>} : memref<4x208x32xf32, #tpu.memory_space<vmem>>, vector<1x1x16xf32>,
      %get3A_4516 = vector.shape_cast %get3A_4515 : vector<1x1x16xf32> to vector<16xf32>
      %mul3A_4517 = vector.broadcast %squeeze3A_4509 : f32 to vector<16xf32>
      %mul3A_4518 = arith.mulf %mul3A_4517, %get3A_4516 : vector<16xf32>
      %add3A_4519 = arith.addf %add3A_4497, %mul3A_4518 : vector<16xf32>
      %get3A_4520 = arith.constant 0 : i32
      %get3A_4521 = arith.constant 192 : i32
      %get3A_4522 = arith.index_cast %get3A_4520 : i32 to index
      %get3A_4523 = arith.index_cast %get3A_4521 : i32 to index
      %get3A_4524 = arith.constant 16 : index
      %get3A_4525 = tpu.vector_load %arg25[%get3A_4522, %get3A_4523, %get3A_4524] {strides = array<i32>} : memref<4x208x32xf32, #tpu.memory_space<vmem>>, vector<1x1x16xf32>,
      %get3A_4526 = vector.shape_cast %get3A_4525 : vector<1x1x16xf32> to vector<16xf32>
      %mul3A_4527 = vector.broadcast %squeeze3A_4509 : f32 to vector<16xf32>
      %mul3A_4528 = arith.mulf %mul3A_4527, %get3A_4526 : vector<16xf32>
      %add3A_4529 = arith.addf %add3A_4507, %mul3A_4528 : vector<16xf32>
      %slice3A_4530 = vector.extract_strided_slice %exp3A_226 {offsets = [1], sizes = [1], strides = [1]} : vector<16xf32> to vector<1xf32>
      %squeeze3A_4531 = vector.extract %slice3A_4530[0] : f32 from vector<1xf32>
      %get3A_4532 = arith.constant 0 : i32
      %get3A_4533 = arith.constant 193 : i32
      %get3A_4534 = arith.index_cast %get3A_4532 : i32 to index
      %get3A_4535 = arith.index_cast %get3A_4533 : i32 to index
      %get3A_4536 = arith.constant 0 : index
      %get3A_4537 = tpu.vector_load %arg25[%get3A_4534, %get3A_4535, %get3A_4536] {strides = array<i32>} : memref<4x208x32xf32, #tpu.memory_space<vmem>>, vector<1x1x16xf32>,
      %get3A_4538 = vector.shape_cast %get3A_4537 : vector<1x1x16xf32> to vector<16xf32>
      %mul3A_4539 = vector.broadcast %squeeze3A_4531 : f32 to vector<16xf32>
      %mul3A_4540 = arith.mulf %mul3A_4539, %get3A_4538 : vector<16xf32>
      %add3A_4541 = arith.addf %add3A_4519, %mul3A_4540 : vector<16xf32>
      %get3A_4542 = arith.constant 0 : i32
      %get3A_4543 = arith.constant 193 : i32
      %get3A_4544 = arith.index_cast %get3A_4542 : i32 to index
      %get3A_4545 = arith.index_cast %get3A_4543 : i32 to index
      %get3A_4546 = arith.constant 16 : index
      %get3A_4547 = tpu.vector_load %arg25[%get3A_4544, %get3A_4545, %get3A_4546] {strides = array<i32>} : memref<4x208x32xf32, #tpu.memory_space<vmem>>, vector<1x1x16xf32>,
      %get3A_4548 = vector.shape_cast %get3A_4547 : vector<1x1x16xf32> to vector<16xf32>
      %mul3A_4549 = vector.broadcast %squeeze3A_4531 : f32 to vector<16xf32>
      %mul3A_4550 = arith.mulf %mul3A_4549, %get3A_4548 : vector<16xf32>
      %add3A_4551 = arith.addf %add3A_4529, %mul3A_4550 : vector<16xf32>
      %slice3A_4552 = vector.extract_strided_slice %exp3A_226 {offsets = [2], sizes = [1], strides = [1]} : vector<16xf32> to vector<1xf32>
      %squeeze3A_4553 = vector.extract %slice3A_4552[0] : f32 from vector<1xf32>
      %get3A_4554 = arith.constant 0 : i32
      %get3A_4555 = arith.constant 194 : i32
      %get3A_4556 = arith.index_cast %get3A_4554 : i32 to index
      %get3A_4557 = arith.index_cast %get3A_4555 : i32 to index
      %get3A_4558 = arith.constant 0 : index
      %get3A_4559 = tpu.vector_load %arg25[%get3A_4556, %get3A_4557, %get3A_4558] {strides = array<i32>} : memref<4x208x32xf32, #tpu.memory_space<vmem>>, vector<1x1x16xf32>,
      %get3A_4560 = vector.shape_cast %get3A_4559 : vector<1x1x16xf32> to vector<16xf32>
      %mul3A_4561 = vector.broadcast %squeeze3A_4553 : f32 to vector<16xf32>
      %mul3A_4562 = arith.mulf %mul3A_4561, %get3A_4560 : vector<16xf32>
      %add3A_4563 = arith.addf %add3A_4541, %mul3A_4562 : vector<16xf32>
      %get3A_4564 = arith.constant 0 : i32
      %get3A_4565 = arith.constant 194 : i32
      %get3A_4566 = arith.index_cast %get3A_4564 : i32 to index
      %get3A_4567 = arith.index_cast %get3A_4565 : i32 to index
      %get3A_4568 = arith.constant 16 : index
      %get3A_4569 = tpu.vector_load %arg25[%get3A_4566, %get3A_4567, %get3A_4568] {strides = array<i32>} : memref<4x208x32xf32, #tpu.memory_space<vmem>>, vector<1x1x16xf32>,
      %get3A_4570 = vector.shape_cast %get3A_4569 : vector<1x1x16xf32> to vector<16xf32>
      %mul3A_4571 = vector.broadcast %squeeze3A_4553 : f32 to vector<16xf32>
      %mul3A_4572 = arith.mulf %mul3A_4571, %get3A_4570 : vector<16xf32>
      %add3A_4573 = arith.addf %add3A_4551, %mul3A_4572 : vector<16xf32>
      %slice3A_4574 = vector.extract_strided_slice %exp3A_226 {offsets = [3], sizes = [1], strides = [1]} : vector<16xf32> to vector<1xf32>
      %squeeze3A_4575 = vector.extract %slice3A_4574[0] : f32 from vector<1xf32>
      %get3A_4576 = arith.constant 0 : i32
      %get3A_4577 = arith.constant 195 : i32
      %get3A_4578 = arith.index_cast %get3A_4576 : i32 to index
      %get3A_4579 = arith.index_cast %get3A_4577 : i32 to index
      %get3A_4580 = arith.constant 0 : index
      %get3A_4581 = tpu.vector_load %arg25[%get3A_4578, %get3A_4579, %get3A_4580] {strides = array<i32>} : memref<4x208x32xf32, #tpu.memory_space<vmem>>, vector<1x1x16xf32>,
      %get3A_4582 = vector.shape_cast %get3A_4581 : vector<1x1x16xf32> to vector<16xf32>
      %mul3A_4583 = vector.broadcast %squeeze3A_4575 : f32 to vector<16xf32>
      %mul3A_4584 = arith.mulf %mul3A_4583, %get3A_4582 : vector<16xf32>
      %add3A_4585 = arith.addf %add3A_4563, %mul3A_4584 : vector<16xf32>
      %get3A_4586 = arith.constant 0 : i32
      %get3A_4587 = arith.constant 195 : i32
      %get3A_4588 = arith.index_cast %get3A_4586 : i32 to index
      %get3A_4589 = arith.index_cast %get3A_4587 : i32 to index
      %get3A_4590 = arith.constant 16 : index
      %get3A_4591 = tpu.vector_load %arg25[%get3A_4588, %get3A_4589, %get3A_4590] {strides = array<i32>} : memref<4x208x32xf32, #tpu.memory_space<vmem>>, vector<1x1x16xf32>,
      %get3A_4592 = vector.shape_cast %get3A_4591 : vector<1x1x16xf32> to vector<16xf32>
      %mul3A_4593 = vector.broadcast %squeeze3A_4575 : f32 to vector<16xf32>
      %mul3A_4594 = arith.mulf %mul3A_4593, %get3A_4592 : vector<16xf32>
      %add3A_4595 = arith.addf %add3A_4573, %mul3A_4594 : vector<16xf32>
      %slice3A_4596 = vector.extract_strided_slice %exp3A_226 {offsets = [4], sizes = [1], strides = [1]} : vector<16xf32> to vector<1xf32>
      %squeeze3A_4597 = vector.extract %slice3A_4596[0] : f32 from vector<1xf32>
      %get3A_4598 = arith.constant 0 : i32
      %get3A_4599 = arith.constant 196 : i32
      %get3A_4600 = arith.index_cast %get3A_4598 : i32 to index
      %get3A_4601 = arith.index_cast %get3A_4599 : i32 to index
      %get3A_4602 = arith.constant 0 : index
      %get3A_4603 = tpu.vector_load %arg25[%get3A_4600, %get3A_4601, %get3A_4602] {strides = array<i32>} : memref<4x208x32xf32, #tpu.memory_space<vmem>>, vector<1x1x16xf32>,
      %get3A_4604 = vector.shape_cast %get3A_4603 : vector<1x1x16xf32> to vector<16xf32>
      %mul3A_4605 = vector.broadcast %squeeze3A_4597 : f32 to vector<16xf32>
      %mul3A_4606 = arith.mulf %mul3A_4605, %get3A_4604 : vector<16xf32>
      %add3A_4607 = arith.addf %add3A_4585, %mul3A_4606 : vector<16xf32>
      %get3A_4608 = arith.constant 0 : i32
      %get3A_4609 = arith.constant 196 : i32
      %get3A_4610 = arith.index_cast %get3A_4608 : i32 to index
      %get3A_4611 = arith.index_cast %get3A_4609 : i32 to index
      %get3A_4612 = arith.constant 16 : index
      %get3A_4613 = tpu.vector_load %arg25[%get3A_4610, %get3A_4611, %get3A_4612] {strides = array<i32>} : memref<4x208x32xf32, #tpu.memory_space<vmem>>, vector<1x1x16xf32>,
      %get3A_4614 = vector.shape_cast %get3A_4613 : vector<1x1x16xf32> to vector<16xf32>
      %mul3A_4615 = vector.broadcast %squeeze3A_4597 : f32 to vector<16xf32>
      %mul3A_4616 = arith.mulf %mul3A_4615, %get3A_4614 : vector<16xf32>
      %add3A_4617 = arith.addf %add3A_4595, %mul3A_4616 : vector<16xf32>
      %slice3A_4618 = vector.extract_strided_slice %exp3A_226 {offsets = [5], sizes = [1], strides = [1]} : vector<16xf32> to vector<1xf32>
      %squeeze3A_4619 = vector.extract %slice3A_4618[0] : f32 from vector<1xf32>
      %get3A_4620 = arith.constant 0 : i32
      %get3A_4621 = arith.constant 197 : i32
      %get3A_4622 = arith.index_cast %get3A_4620 : i32 to index
      %get3A_4623 = arith.index_cast %get3A_4621 : i32 to index
      %get3A_4624 = arith.constant 0 : index
      %get3A_4625 = tpu.vector_load %arg25[%get3A_4622, %get3A_4623, %get3A_4624] {strides = array<i32>} : memref<4x208x32xf32, #tpu.memory_space<vmem>>, vector<1x1x16xf32>,
      %get3A_4626 = vector.shape_cast %get3A_4625 : vector<1x1x16xf32> to vector<16xf32>
      %mul3A_4627 = vector.broadcast %squeeze3A_4619 : f32 to vector<16xf32>
      %mul3A_4628 = arith.mulf %mul3A_4627, %get3A_4626 : vector<16xf32>
      %add3A_4629 = arith.addf %add3A_4607, %mul3A_4628 : vector<16xf32>
      %get3A_4630 = arith.constant 0 : i32
      %get3A_4631 = arith.constant 197 : i32
      %get3A_4632 = arith.index_cast %get3A_4630 : i32 to index
      %get3A_4633 = arith.index_cast %get3A_4631 : i32 to index
      %get3A_4634 = arith.constant 16 : index
      %get3A_4635 = tpu.vector_load %arg25[%get3A_4632, %get3A_4633, %get3A_4634] {strides = array<i32>} : memref<4x208x32xf32, #tpu.memory_space<vmem>>, vector<1x1x16xf32>,
      %get3A_4636 = vector.shape_cast %get3A_4635 : vector<1x1x16xf32> to vector<16xf32>
      %mul3A_4637 = vector.broadcast %squeeze3A_4619 : f32 to vector<16xf32>
      %mul3A_4638 = arith.mulf %mul3A_4637, %get3A_4636 : vector<16xf32>
      %add3A_4639 = arith.addf %add3A_4617, %mul3A_4638 : vector<16xf32>
      %slice3A_4640 = vector.extract_strided_slice %exp3A_226 {offsets = [6], sizes = [1], strides = [1]} : vector<16xf32> to vector<1xf32>
      %squeeze3A_4641 = vector.extract %slice3A_4640[0] : f32 from vector<1xf32>
      %get3A_4642 = arith.constant 0 : i32
      %get3A_4643 = arith.constant 198 : i32
      %get3A_4644 = arith.index_cast %get3A_4642 : i32 to index
      %get3A_4645 = arith.index_cast %get3A_4643 : i32 to index
      %get3A_4646 = arith.constant 0 : index
      %get3A_4647 = tpu.vector_load %arg25[%get3A_4644, %get3A_4645, %get3A_4646] {strides = array<i32>} : memref<4x208x32xf32, #tpu.memory_space<vmem>>, vector<1x1x16xf32>,
      %get3A_4648 = vector.shape_cast %get3A_4647 : vector<1x1x16xf32> to vector<16xf32>
      %mul3A_4649 = vector.broadcast %squeeze3A_4641 : f32 to vector<16xf32>
      %mul3A_4650 = arith.mulf %mul3A_4649, %get3A_4648 : vector<16xf32>
      %add3A_4651 = arith.addf %add3A_4629, %mul3A_4650 : vector<16xf32>
      %get3A_4652 = arith.constant 0 : i32
      %get3A_4653 = arith.constant 198 : i32
      %get3A_4654 = arith.index_cast %get3A_4652 : i32 to index
      %get3A_4655 = arith.index_cast %get3A_4653 : i32 to index
      %get3A_4656 = arith.constant 16 : index
      %get3A_4657 = tpu.vector_load %arg25[%get3A_4654, %get3A_4655, %get3A_4656] {strides = array<i32>} : memref<4x208x32xf32, #tpu.memory_space<vmem>>, vector<1x1x16xf32>,
      %get3A_4658 = vector.shape_cast %get3A_4657 : vector<1x1x16xf32> to vector<16xf32>
      %mul3A_4659 = vector.broadcast %squeeze3A_4641 : f32 to vector<16xf32>
      %mul3A_4660 = arith.mulf %mul3A_4659, %get3A_4658 : vector<16xf32>
      %add3A_4661 = arith.addf %add3A_4639, %mul3A_4660 : vector<16xf32>
      %slice3A_4662 = vector.extract_strided_slice %exp3A_226 {offsets = [7], sizes = [1], strides = [1]} : vector<16xf32> to vector<1xf32>
      %squeeze3A_4663 = vector.extract %slice3A_4662[0] : f32 from vector<1xf32>
      %get3A_4664 = arith.constant 0 : i32
      %get3A_4665 = arith.constant 199 : i32
      %get3A_4666 = arith.index_cast %get3A_4664 : i32 to index
      %get3A_4667 = arith.index_cast %get3A_4665 : i32 to index
      %get3A_4668 = arith.constant 0 : index
      %get3A_4669 = tpu.vector_load %arg25[%get3A_4666, %get3A_4667, %get3A_4668] {strides = array<i32>} : memref<4x208x32xf32, #tpu.memory_space<vmem>>, vector<1x1x16xf32>,
      %get3A_4670 = vector.shape_cast %get3A_4669 : vector<1x1x16xf32> to vector<16xf32>
      %mul3A_4671 = vector.broadcast %squeeze3A_4663 : f32 to vector<16xf32>
      %mul3A_4672 = arith.mulf %mul3A_4671, %get3A_4670 : vector<16xf32>
      %add3A_4673 = arith.addf %add3A_4651, %mul3A_4672 : vector<16xf32>
      %get3A_4674 = arith.constant 0 : i32
      %get3A_4675 = arith.constant 199 : i32
      %get3A_4676 = arith.index_cast %get3A_4674 : i32 to index
      %get3A_4677 = arith.index_cast %get3A_4675 : i32 to index
      %get3A_4678 = arith.constant 16 : index
      %get3A_4679 = tpu.vector_load %arg25[%get3A_4676, %get3A_4677, %get3A_4678] {strides = array<i32>} : memref<4x208x32xf32, #tpu.memory_space<vmem>>, vector<1x1x16xf32>,
      %get3A_4680 = vector.shape_cast %get3A_4679 : vector<1x1x16xf32> to vector<16xf32>
      %mul3A_4681 = vector.broadcast %squeeze3A_4663 : f32 to vector<16xf32>
      %mul3A_4682 = arith.mulf %mul3A_4681, %get3A_4680 : vector<16xf32>
      %add3A_4683 = arith.addf %add3A_4661, %mul3A_4682 : vector<16xf32>
      %slice3A_4684 = vector.extract_strided_slice %exp3A_226 {offsets = [8], sizes = [1], strides = [1]} : vector<16xf32> to vector<1xf32>
      %squeeze3A_4685 = vector.extract %slice3A_4684[0] : f32 from vector<1xf32>
      %get3A_4686 = arith.constant 0 : i32
      %get3A_4687 = arith.constant 200 : i32
      %get3A_4688 = arith.index_cast %get3A_4686 : i32 to index
      %get3A_4689 = arith.index_cast %get3A_4687 : i32 to index
      %get3A_4690 = arith.constant 0 : index
      %get3A_4691 = tpu.vector_load %arg25[%get3A_4688, %get3A_4689, %get3A_4690] {strides = array<i32>} : memref<4x208x32xf32, #tpu.memory_space<vmem>>, vector<1x1x16xf32>,
      %get3A_4692 = vector.shape_cast %get3A_4691 : vector<1x1x16xf32> to vector<16xf32>
      %mul3A_4693 = vector.broadcast %squeeze3A_4685 : f32 to vector<16xf32>
      %mul3A_4694 = arith.mulf %mul3A_4693, %get3A_4692 : vector<16xf32>
      %add3A_4695 = arith.addf %add3A_4673, %mul3A_4694 : vector<16xf32>
      %get3A_4696 = arith.constant 0 : i32
      %get3A_4697 = arith.constant 200 : i32
      %get3A_4698 = arith.index_cast %get3A_4696 : i32 to index
      %get3A_4699 = arith.index_cast %get3A_4697 : i32 to index
      %get3A_4700 = arith.constant 16 : index
      %get3A_4701 = tpu.vector_load %arg25[%get3A_4698, %get3A_4699, %get3A_4700] {strides = array<i32>} : memref<4x208x32xf32, #tpu.memory_space<vmem>>, vector<1x1x16xf32>,
      %get3A_4702 = vector.shape_cast %get3A_4701 : vector<1x1x16xf32> to vector<16xf32>
      %mul3A_4703 = vector.broadcast %squeeze3A_4685 : f32 to vector<16xf32>
      %mul3A_4704 = arith.mulf %mul3A_4703, %get3A_4702 : vector<16xf32>
      %add3A_4705 = arith.addf %add3A_4683, %mul3A_4704 : vector<16xf32>
      %slice3A_4706 = vector.extract_strided_slice %exp3A_226 {offsets = [9], sizes = [1], strides = [1]} : vector<16xf32> to vector<1xf32>
      %squeeze3A_4707 = vector.extract %slice3A_4706[0] : f32 from vector<1xf32>
      %get3A_4708 = arith.constant 0 : i32
      %get3A_4709 = arith.constant 201 : i32
      %get3A_4710 = arith.index_cast %get3A_4708 : i32 to index
      %get3A_4711 = arith.index_cast %get3A_4709 : i32 to index
      %get3A_4712 = arith.constant 0 : index
      %get3A_4713 = tpu.vector_load %arg25[%get3A_4710, %get3A_4711, %get3A_4712] {strides = array<i32>} : memref<4x208x32xf32, #tpu.memory_space<vmem>>, vector<1x1x16xf32>,
      %get3A_4714 = vector.shape_cast %get3A_4713 : vector<1x1x16xf32> to vector<16xf32>
      %mul3A_4715 = vector.broadcast %squeeze3A_4707 : f32 to vector<16xf32>
      %mul3A_4716 = arith.mulf %mul3A_4715, %get3A_4714 : vector<16xf32>
      %add3A_4717 = arith.addf %add3A_4695, %mul3A_4716 : vector<16xf32>
      %get3A_4718 = arith.constant 0 : i32
      %get3A_4719 = arith.constant 201 : i32
      %get3A_4720 = arith.index_cast %get3A_4718 : i32 to index
      %get3A_4721 = arith.index_cast %get3A_4719 : i32 to index
      %get3A_4722 = arith.constant 16 : index
      %get3A_4723 = tpu.vector_load %arg25[%get3A_4720, %get3A_4721, %get3A_4722] {strides = array<i32>} : memref<4x208x32xf32, #tpu.memory_space<vmem>>, vector<1x1x16xf32>,
      %get3A_4724 = vector.shape_cast %get3A_4723 : vector<1x1x16xf32> to vector<16xf32>
      %mul3A_4725 = vector.broadcast %squeeze3A_4707 : f32 to vector<16xf32>
      %mul3A_4726 = arith.mulf %mul3A_4725, %get3A_4724 : vector<16xf32>
      %add3A_4727 = arith.addf %add3A_4705, %mul3A_4726 : vector<16xf32>
      %slice3A_4728 = vector.extract_strided_slice %exp3A_226 {offsets = [10], sizes = [1], strides = [1]} : vector<16xf32> to vector<1xf32>
      %squeeze3A_4729 = vector.extract %slice3A_4728[0] : f32 from vector<1xf32>
      %get3A_4730 = arith.constant 0 : i32
      %get3A_4731 = arith.constant 202 : i32
      %get3A_4732 = arith.index_cast %get3A_4730 : i32 to index
      %get3A_4733 = arith.index_cast %get3A_4731 : i32 to index
      %get3A_4734 = arith.constant 0 : index
      %get3A_4735 = tpu.vector_load %arg25[%get3A_4732, %get3A_4733, %get3A_4734] {strides = array<i32>} : memref<4x208x32xf32, #tpu.memory_space<vmem>>, vector<1x1x16xf32>,
      %get3A_4736 = vector.shape_cast %get3A_4735 : vector<1x1x16xf32> to vector<16xf32>
      %mul3A_4737 = vector.broadcast %squeeze3A_4729 : f32 to vector<16xf32>
      %mul3A_4738 = arith.mulf %mul3A_4737, %get3A_4736 : vector<16xf32>
      %add3A_4739 = arith.addf %add3A_4717, %mul3A_4738 : vector<16xf32>
      %get3A_4740 = arith.constant 0 : i32
      %get3A_4741 = arith.constant 202 : i32
      %get3A_4742 = arith.index_cast %get3A_4740 : i32 to index
      %get3A_4743 = arith.index_cast %get3A_4741 : i32 to index
      %get3A_4744 = arith.constant 16 : index
      %get3A_4745 = tpu.vector_load %arg25[%get3A_4742, %get3A_4743, %get3A_4744] {strides = array<i32>} : memref<4x208x32xf32, #tpu.memory_space<vmem>>, vector<1x1x16xf32>,
      %get3A_4746 = vector.shape_cast %get3A_4745 : vector<1x1x16xf32> to vector<16xf32>
      %mul3A_4747 = vector.broadcast %squeeze3A_4729 : f32 to vector<16xf32>
      %mul3A_4748 = arith.mulf %mul3A_4747, %get3A_4746 : vector<16xf32>
      %add3A_4749 = arith.addf %add3A_4727, %mul3A_4748 : vector<16xf32>
      %slice3A_4750 = vector.extract_strided_slice %exp3A_226 {offsets = [11], sizes = [1], strides = [1]} : vector<16xf32> to vector<1xf32>
      %squeeze3A_4751 = vector.extract %slice3A_4750[0] : f32 from vector<1xf32>
      %get3A_4752 = arith.constant 0 : i32
      %get3A_4753 = arith.constant 203 : i32
      %get3A_4754 = arith.index_cast %get3A_4752 : i32 to index
      %get3A_4755 = arith.index_cast %get3A_4753 : i32 to index
      %get3A_4756 = arith.constant 0 : index
      %get3A_4757 = tpu.vector_load %arg25[%get3A_4754, %get3A_4755, %get3A_4756] {strides = array<i32>} : memref<4x208x32xf32, #tpu.memory_space<vmem>>, vector<1x1x16xf32>,
      %get3A_4758 = vector.shape_cast %get3A_4757 : vector<1x1x16xf32> to vector<16xf32>
      %mul3A_4759 = vector.broadcast %squeeze3A_4751 : f32 to vector<16xf32>
      %mul3A_4760 = arith.mulf %mul3A_4759, %get3A_4758 : vector<16xf32>
      %add3A_4761 = arith.addf %add3A_4739, %mul3A_4760 : vector<16xf32>
      %get3A_4762 = arith.constant 0 : i32
      %get3A_4763 = arith.constant 203 : i32
      %get3A_4764 = arith.index_cast %get3A_4762 : i32 to index
      %get3A_4765 = arith.index_cast %get3A_4763 : i32 to index
      %get3A_4766 = arith.constant 16 : index
      %get3A_4767 = tpu.vector_load %arg25[%get3A_4764, %get3A_4765, %get3A_4766] {strides = array<i32>} : memref<4x208x32xf32, #tpu.memory_space<vmem>>, vector<1x1x16xf32>,
      %get3A_4768 = vector.shape_cast %get3A_4767 : vector<1x1x16xf32> to vector<16xf32>
      %mul3A_4769 = vector.broadcast %squeeze3A_4751 : f32 to vector<16xf32>
      %mul3A_4770 = arith.mulf %mul3A_4769, %get3A_4768 : vector<16xf32>
      %add3A_4771 = arith.addf %add3A_4749, %mul3A_4770 : vector<16xf32>
      %slice3A_4772 = vector.extract_strided_slice %exp3A_226 {offsets = [12], sizes = [1], strides = [1]} : vector<16xf32> to vector<1xf32>
      %squeeze3A_4773 = vector.extract %slice3A_4772[0] : f32 from vector<1xf32>
      %get3A_4774 = arith.constant 0 : i32
      %get3A_4775 = arith.constant 204 : i32
      %get3A_4776 = arith.index_cast %get3A_4774 : i32 to index
      %get3A_4777 = arith.index_cast %get3A_4775 : i32 to index
      %get3A_4778 = arith.constant 0 : index
      %get3A_4779 = tpu.vector_load %arg25[%get3A_4776, %get3A_4777, %get3A_4778] {strides = array<i32>} : memref<4x208x32xf32, #tpu.memory_space<vmem>>, vector<1x1x16xf32>,
      %get3A_4780 = vector.shape_cast %get3A_4779 : vector<1x1x16xf32> to vector<16xf32>
      %mul3A_4781 = vector.broadcast %squeeze3A_4773 : f32 to vector<16xf32>
      %mul3A_4782 = arith.mulf %mul3A_4781, %get3A_4780 : vector<16xf32>
      %add3A_4783 = arith.addf %add3A_4761, %mul3A_4782 : vector<16xf32>
      %get3A_4784 = arith.constant 0 : i32
      %get3A_4785 = arith.constant 204 : i32
      %get3A_4786 = arith.index_cast %get3A_4784 : i32 to index
      %get3A_4787 = arith.index_cast %get3A_4785 : i32 to index
      %get3A_4788 = arith.constant 16 : index
      %get3A_4789 = tpu.vector_load %arg25[%get3A_4786, %get3A_4787, %get3A_4788] {strides = array<i32>} : memref<4x208x32xf32, #tpu.memory_space<vmem>>, vector<1x1x16xf32>,
      %get3A_4790 = vector.shape_cast %get3A_4789 : vector<1x1x16xf32> to vector<16xf32>
      %mul3A_4791 = vector.broadcast %squeeze3A_4773 : f32 to vector<16xf32>
      %mul3A_4792 = arith.mulf %mul3A_4791, %get3A_4790 : vector<16xf32>
      %add3A_4793 = arith.addf %add3A_4771, %mul3A_4792 : vector<16xf32>
      %slice3A_4794 = vector.extract_strided_slice %exp3A_226 {offsets = [13], sizes = [1], strides = [1]} : vector<16xf32> to vector<1xf32>
      %squeeze3A_4795 = vector.extract %slice3A_4794[0] : f32 from vector<1xf32>
      %get3A_4796 = arith.constant 0 : i32
      %get3A_4797 = arith.constant 205 : i32
      %get3A_4798 = arith.index_cast %get3A_4796 : i32 to index
      %get3A_4799 = arith.index_cast %get3A_4797 : i32 to index
      %get3A_4800 = arith.constant 0 : index
      %get3A_4801 = tpu.vector_load %arg25[%get3A_4798, %get3A_4799, %get3A_4800] {strides = array<i32>} : memref<4x208x32xf32, #tpu.memory_space<vmem>>, vector<1x1x16xf32>,
      %get3A_4802 = vector.shape_cast %get3A_4801 : vector<1x1x16xf32> to vector<16xf32>
      %mul3A_4803 = vector.broadcast %squeeze3A_4795 : f32 to vector<16xf32>
      %mul3A_4804 = arith.mulf %mul3A_4803, %get3A_4802 : vector<16xf32>
      %add3A_4805 = arith.addf %add3A_4783, %mul3A_4804 : vector<16xf32>
      %get3A_4806 = arith.constant 0 : i32
      %get3A_4807 = arith.constant 205 : i32
      %get3A_4808 = arith.index_cast %get3A_4806 : i32 to index
      %get3A_4809 = arith.index_cast %get3A_4807 : i32 to index
      %get3A_4810 = arith.constant 16 : index
      %get3A_4811 = tpu.vector_load %arg25[%get3A_4808, %get3A_4809, %get3A_4810] {strides = array<i32>} : memref<4x208x32xf32, #tpu.memory_space<vmem>>, vector<1x1x16xf32>,
      %get3A_4812 = vector.shape_cast %get3A_4811 : vector<1x1x16xf32> to vector<16xf32>
      %mul3A_4813 = vector.broadcast %squeeze3A_4795 : f32 to vector<16xf32>
      %mul3A_4814 = arith.mulf %mul3A_4813, %get3A_4812 : vector<16xf32>
      %add3A_4815 = arith.addf %add3A_4793, %mul3A_4814 : vector<16xf32>
      %slice3A_4816 = vector.extract_strided_slice %exp3A_226 {offsets = [14], sizes = [1], strides = [1]} : vector<16xf32> to vector<1xf32>
      %squeeze3A_4817 = vector.extract %slice3A_4816[0] : f32 from vector<1xf32>
      %get3A_4818 = arith.constant 0 : i32
      %get3A_4819 = arith.constant 206 : i32
      %get3A_4820 = arith.index_cast %get3A_4818 : i32 to index
      %get3A_4821 = arith.index_cast %get3A_4819 : i32 to index
      %get3A_4822 = arith.constant 0 : index
      %get3A_4823 = tpu.vector_load %arg25[%get3A_4820, %get3A_4821, %get3A_4822] {strides = array<i32>} : memref<4x208x32xf32, #tpu.memory_space<vmem>>, vector<1x1x16xf32>,
      %get3A_4824 = vector.shape_cast %get3A_4823 : vector<1x1x16xf32> to vector<16xf32>
      %mul3A_4825 = vector.broadcast %squeeze3A_4817 : f32 to vector<16xf32>
      %mul3A_4826 = arith.mulf %mul3A_4825, %get3A_4824 : vector<16xf32>
      %add3A_4827 = arith.addf %add3A_4805, %mul3A_4826 : vector<16xf32>
      %get3A_4828 = arith.constant 0 : i32
      %get3A_4829 = arith.constant 206 : i32
      %get3A_4830 = arith.index_cast %get3A_4828 : i32 to index
      %get3A_4831 = arith.index_cast %get3A_4829 : i32 to index
      %get3A_4832 = arith.constant 16 : index
      %get3A_4833 = tpu.vector_load %arg25[%get3A_4830, %get3A_4831, %get3A_4832] {strides = array<i32>} : memref<4x208x32xf32, #tpu.memory_space<vmem>>, vector<1x1x16xf32>,
      %get3A_4834 = vector.shape_cast %get3A_4833 : vector<1x1x16xf32> to vector<16xf32>
      %mul3A_4835 = vector.broadcast %squeeze3A_4817 : f32 to vector<16xf32>
      %mul3A_4836 = arith.mulf %mul3A_4835, %get3A_4834 : vector<16xf32>
      %add3A_4837 = arith.addf %add3A_4815, %mul3A_4836 : vector<16xf32>
      %slice3A_4838 = vector.extract_strided_slice %exp3A_226 {offsets = [15], sizes = [1], strides = [1]} : vector<16xf32> to vector<1xf32>
      %squeeze3A_4839 = vector.extract %slice3A_4838[0] : f32 from vector<1xf32>
      %get3A_4840 = arith.constant 0 : i32
      %get3A_4841 = arith.constant 207 : i32
      %get3A_4842 = arith.index_cast %get3A_4840 : i32 to index
      %get3A_4843 = arith.index_cast %get3A_4841 : i32 to index
      %get3A_4844 = arith.constant 0 : index
      %get3A_4845 = tpu.vector_load %arg25[%get3A_4842, %get3A_4843, %get3A_4844] {strides = array<i32>} : memref<4x208x32xf32, #tpu.memory_space<vmem>>, vector<1x1x16xf32>,
      %get3A_4846 = vector.shape_cast %get3A_4845 : vector<1x1x16xf32> to vector<16xf32>
      %mul3A_4847 = vector.broadcast %squeeze3A_4839 : f32 to vector<16xf32>
      %mul3A_4848 = arith.mulf %mul3A_4847, %get3A_4846 : vector<16xf32>
      %add3A_4849 = arith.addf %add3A_4827, %mul3A_4848 : vector<16xf32>
      %get3A_4850 = arith.constant 0 : i32
      %get3A_4851 = arith.constant 207 : i32
      %get3A_4852 = arith.index_cast %get3A_4850 : i32 to index
      %get3A_4853 = arith.index_cast %get3A_4851 : i32 to index
      %get3A_4854 = arith.constant 16 : index
      %get3A_4855 = tpu.vector_load %arg25[%get3A_4852, %get3A_4853, %get3A_4854] {strides = array<i32>} : memref<4x208x32xf32, #tpu.memory_space<vmem>>, vector<1x1x16xf32>,
      %get3A_4856 = vector.shape_cast %get3A_4855 : vector<1x1x16xf32> to vector<16xf32>
      %mul3A_4857 = vector.broadcast %squeeze3A_4839 : f32 to vector<16xf32>
      %mul3A_4858 = arith.mulf %mul3A_4857, %get3A_4856 : vector<16xf32>
      %add3A_4859 = arith.addf %add3A_4837, %mul3A_4858 : vector<16xf32>
      %mul3A_4860 = arith.constant 6.000000e-01 : f32
      %mul3A_4861 = vector.broadcast %mul3A_4860 : f32 to vector<16xf32>
      %mul3A_4862 = arith.mulf %mul3A_4861, %div3A_281 : vector<16xf32>
      %get3A_4863 = arith.index_cast %scan3A_97 : i32 to index
      %get3A_4864 = arith.constant 0 : index
      %get3A_4865 = tpu.vector_load %arg19[%get3A_4863, %get3A_4864] {strides = array<i32>} : memref<128x32xf32, #tpu.memory_space<vmem>>, vector<1x16xf32>,
      %get3A_4866 = vector.shape_cast %get3A_4865 : vector<1x16xf32> to vector<16xf32>
      %mul3A_4867 = arith.constant 4.000000e-01 : f32
      %mul3A_4868 = vector.broadcast %mul3A_4867 : f32 to vector<16xf32>
      %mul3A_4869 = arith.mulf %mul3A_4868, %get3A_4866 : vector<16xf32>
      %mul3A_4870 = arith.mulf %mul3A_4862, %add3A_4849 : vector<16xf32>
      %add3A_4871 = arith.addf %mul3A_4869, %mul3A_4870 : vector<16xf32>
      %get3A_4872 = arith.index_cast %scan3A_97 : i32 to index
      %get3A_4873 = arith.constant 16 : index
      %get3A_4874 = tpu.vector_load %arg19[%get3A_4872, %get3A_4873] {strides = array<i32>} : memref<128x32xf32, #tpu.memory_space<vmem>>, vector<1x16xf32>,
      %get3A_4875 = vector.shape_cast %get3A_4874 : vector<1x16xf32> to vector<16xf32>
      %mul3A_4876 = arith.constant 4.000000e-01 : f32
      %mul3A_4877 = vector.broadcast %mul3A_4876 : f32 to vector<16xf32>
      %mul3A_4878 = arith.mulf %mul3A_4877, %get3A_4875 : vector<16xf32>
      %mul3A_4879 = arith.mulf %mul3A_4862, %add3A_4859 : vector<16xf32>
      %add3A_4880 = arith.addf %mul3A_4878, %mul3A_4879 : vector<16xf32>
      %get3A_4881 = arith.index_cast %scan3A_97 : i32 to index
      %get3A_4882 = arith.constant 0 : index
      %get3A_4883 = tpu.vector_load %arg21[%get3A_4881, %get3A_4882] {strides = array<i32>} : memref<128x32xf32, #tpu.memory_space<vmem>>, vector<1x16xf32>,
      %get3A_4884 = vector.shape_cast %get3A_4883 : vector<1x16xf32> to vector<16xf32>
      %get3A_4885 = arith.index_cast %scan3A_97 : i32 to index
      %get3A_4886 = arith.constant 0 : index
      %get3A_4887 = tpu.vector_load %arg23[%get3A_4885, %get3A_4886] {strides = array<i32>} : memref<128x32xf32, #tpu.memory_space<vmem>>, vector<1x16xf32>,
      %get3A_4888 = vector.shape_cast %get3A_4887 : vector<1x16xf32> to vector<16xf32>
      %sub3A = arith.subf %get3A_4884, %get3A_4888 : vector<16xf32>
      %get3A_4889 = arith.index_cast %scan3A_97 : i32 to index
      %get3A_4890 = arith.constant 16 : index
      %get3A_4891 = tpu.vector_load %arg21[%get3A_4889, %get3A_4890] {strides = array<i32>} : memref<128x32xf32, #tpu.memory_space<vmem>>, vector<1x16xf32>,
      %get3A_4892 = vector.shape_cast %get3A_4891 : vector<1x16xf32> to vector<16xf32>
      %get3A_4893 = arith.index_cast %scan3A_97 : i32 to index
      %get3A_4894 = arith.constant 16 : index
      %get3A_4895 = tpu.vector_load %arg23[%get3A_4893, %get3A_4894] {strides = array<i32>} : memref<128x32xf32, #tpu.memory_space<vmem>>, vector<1x16xf32>,
      %get3A_4896 = vector.shape_cast %get3A_4895 : vector<1x16xf32> to vector<16xf32>
      %sub3A_4897 = arith.subf %get3A_4892, %get3A_4896 : vector<16xf32>
      %get3A_4898 = arith.index_cast %scan3A_97 : i32 to index
      %get3A_4899 = arith.constant 0 : index
      %get3A_4900 = tpu.vector_load %arg22[%get3A_4898, %get3A_4899] {strides = array<i32>} : memref<128x32xf32, #tpu.memory_space<vmem>>, vector<1x16xf32>,
      %get3A_4901 = vector.shape_cast %get3A_4900 : vector<1x16xf32> to vector<16xf32>
      %get3A_4902 = arith.index_cast %scan3A_97 : i32 to index
      %get3A_4903 = arith.constant 0 : index
      %get3A_4904 = tpu.vector_load %arg24[%get3A_4902, %get3A_4903] {strides = array<i32>} : memref<128x32xf32, #tpu.memory_space<vmem>>, vector<1x16xf32>,
      %get3A_4905 = vector.shape_cast %get3A_4904 : vector<1x16xf32> to vector<16xf32>
      %sub3A_4906 = arith.subf %get3A_4901, %get3A_4905 : vector<16xf32>
      %get3A_4907 = arith.index_cast %scan3A_97 : i32 to index
      %get3A_4908 = arith.constant 16 : index
      %get3A_4909 = tpu.vector_load %arg22[%get3A_4907, %get3A_4908] {strides = array<i32>} : memref<128x32xf32, #tpu.memory_space<vmem>>, vector<1x16xf32>,
      %get3A_4910 = vector.shape_cast %get3A_4909 : vector<1x16xf32> to vector<16xf32>
      %get3A_4911 = arith.index_cast %scan3A_97 : i32 to index
      %get3A_4912 = arith.constant 16 : index
      %get3A_4913 = tpu.vector_load %arg24[%get3A_4911, %get3A_4912] {strides = array<i32>} : memref<128x32xf32, #tpu.memory_space<vmem>>, vector<1x16xf32>,
      %get3A_4914 = vector.shape_cast %get3A_4913 : vector<1x16xf32> to vector<16xf32>
      %sub3A_4915 = arith.subf %get3A_4910, %get3A_4914 : vector<16xf32>
      %mul3A_4916 = arith.mulf %add3A_4871, %sub3A : vector<16xf32>
      %mul3A_4917 = arith.mulf %add3A_4880, %sub3A_4897 : vector<16xf32>
      %add3A_4918 = arith.addf %mul3A_4916, %mul3A_4917 : vector<16xf32>
      %get3A_4919 = arith.index_cast %scan3A_97 : i32 to index
      %get3A_4920 = arith.constant 0 : index
      %get3A_4921 = tpu.vector_load %arg20[%get3A_4919, %get3A_4920] {strides = array<i32>} : memref<128x32xf32, #tpu.memory_space<vmem>>, vector<1x16xf32>,
      %get3A_4922 = vector.shape_cast %get3A_4921 : vector<1x16xf32> to vector<16xf32>
      %mul3A_4923 = arith.mulf %get3A_4922, %sub3A_4906 : vector<16xf32>
      %add3A_4924 = arith.addf %add3A_4918, %mul3A_4923 : vector<16xf32>
      %get3A_4925 = arith.index_cast %scan3A_97 : i32 to index
      %get3A_4926 = arith.constant 16 : index
      %get3A_4927 = tpu.vector_load %arg20[%get3A_4925, %get3A_4926] {strides = array<i32>} : memref<128x32xf32, #tpu.memory_space<vmem>>, vector<1x16xf32>,
      %get3A_4928 = vector.shape_cast %get3A_4927 : vector<1x16xf32> to vector<16xf32>
      %mul3A_4929 = arith.mulf %get3A_4928, %sub3A_4915 : vector<16xf32>
      %add3A_4930 = arith.addf %add3A_4924, %mul3A_4929 : vector<16xf32>
      %xor3A_4931 = arith.constant 8 : i32
      %xor3A_4932 = vector.broadcast %xor3A_4931 : i32 to vector<16xi32>
      %xor3A_4933 = arith.xori %iota3A, %xor3A_4932 : vector<16xi32>
      %lt3A_4934 = arith.constant 0 : i32
      %lt3A_4935 = vector.broadcast %lt3A_4934 : i32 to vector<16xi32>
      %lt3A_4936 = arith.cmpi slt, %xor3A_4933, %lt3A_4935 : vector<16xi32>
      %add3A_4937 = arith.constant 16 : i32
      %add3A_4938 = vector.broadcast %add3A_4937 : i32 to vector<16xi32>
      %add3A_4939 = arith.addi %xor3A_4933, %add3A_4938 : vector<16xi32>
      %select_n3A_4940 = arith.select %lt3A_4936, %add3A_4939, %xor3A_4933 : vector<16xi1>, vector<16xi32>
      %broadcast_in_dim3A_4941 = vector.shape_cast %select_n3A_4940 : vector<16xi32> to vector<16x1xi32>
      %gather3A_4942 = vector.shape_cast %broadcast_in_dim3A_4941 : vector<16x1xi32> to vector<16xi32>
      %gather3A_4943 = tpu.dynamic_gather %add3A_4930[%gather3A_4942] in [0] : vector<16xf32>, vector<16xi32> -> vector<16xf32>
      %add3A_4944 = arith.addf %add3A_4930, %gather3A_4943 : vector<16xf32>
      %xor3A_4945 = arith.constant 4 : i32
      %xor3A_4946 = vector.broadcast %xor3A_4945 : i32 to vector<16xi32>
      %xor3A_4947 = arith.xori %iota3A, %xor3A_4946 : vector<16xi32>
      %lt3A_4948 = arith.constant 0 : i32
      %lt3A_4949 = vector.broadcast %lt3A_4948 : i32 to vector<16xi32>
      %lt3A_4950 = arith.cmpi slt, %xor3A_4947, %lt3A_4949 : vector<16xi32>
      %add3A_4951 = arith.constant 16 : i32
      %add3A_4952 = vector.broadcast %add3A_4951 : i32 to vector<16xi32>
      %add3A_4953 = arith.addi %xor3A_4947, %add3A_4952 : vector<16xi32>
      %select_n3A_4954 = arith.select %lt3A_4950, %add3A_4953, %xor3A_4947 : vector<16xi1>, vector<16xi32>
      %broadcast_in_dim3A_4955 = vector.shape_cast %select_n3A_4954 : vector<16xi32> to vector<16x1xi32>
      %gather3A_4956 = vector.shape_cast %broadcast_in_dim3A_4955 : vector<16x1xi32> to vector<16xi32>
      %gather3A_4957 = tpu.dynamic_gather %add3A_4944[%gather3A_4956] in [0] : vector<16xf32>, vector<16xi32> -> vector<16xf32>
      %add3A_4958 = arith.addf %add3A_4944, %gather3A_4957 : vector<16xf32>
      %xor3A_4959 = arith.constant 2 : i32
      %xor3A_4960 = vector.broadcast %xor3A_4959 : i32 to vector<16xi32>
      %xor3A_4961 = arith.xori %iota3A, %xor3A_4960 : vector<16xi32>
      %lt3A_4962 = arith.constant 0 : i32
      %lt3A_4963 = vector.broadcast %lt3A_4962 : i32 to vector<16xi32>
      %lt3A_4964 = arith.cmpi slt, %xor3A_4961, %lt3A_4963 : vector<16xi32>
      %add3A_4965 = arith.constant 16 : i32
      %add3A_4966 = vector.broadcast %add3A_4965 : i32 to vector<16xi32>
      %add3A_4967 = arith.addi %xor3A_4961, %add3A_4966 : vector<16xi32>
      %select_n3A_4968 = arith.select %lt3A_4964, %add3A_4967, %xor3A_4961 : vector<16xi1>, vector<16xi32>
      %broadcast_in_dim3A_4969 = vector.shape_cast %select_n3A_4968 : vector<16xi32> to vector<16x1xi32>
      %gather3A_4970 = vector.shape_cast %broadcast_in_dim3A_4969 : vector<16x1xi32> to vector<16xi32>
      %gather3A_4971 = tpu.dynamic_gather %add3A_4958[%gather3A_4970] in [0] : vector<16xf32>, vector<16xi32> -> vector<16xf32>
      %add3A_4972 = arith.addf %add3A_4958, %gather3A_4971 : vector<16xf32>
      %xor3A_4973 = arith.constant 1 : i32
      %xor3A_4974 = vector.broadcast %xor3A_4973 : i32 to vector<16xi32>
      %xor3A_4975 = arith.xori %iota3A, %xor3A_4974 : vector<16xi32>
      %lt3A_4976 = arith.constant 0 : i32
      %lt3A_4977 = vector.broadcast %lt3A_4976 : i32 to vector<16xi32>
      %lt3A_4978 = arith.cmpi slt, %xor3A_4975, %lt3A_4977 : vector<16xi32>
      %add3A_4979 = arith.constant 16 : i32
      %add3A_4980 = vector.broadcast %add3A_4979 : i32 to vector<16xi32>
      %add3A_4981 = arith.addi %xor3A_4975, %add3A_4980 : vector<16xi32>
      %select_n3A_4982 = arith.select %lt3A_4978, %add3A_4981, %xor3A_4975 : vector<16xi1>, vector<16xi32>
      %broadcast_in_dim3A_4983 = vector.shape_cast %select_n3A_4982 : vector<16xi32> to vector<16x1xi32>
      %gather3A_4984 = vector.shape_cast %broadcast_in_dim3A_4983 : vector<16x1xi32> to vector<16xi32>
      %gather3A_4985 = tpu.dynamic_gather %add3A_4972[%gather3A_4984] in [0] : vector<16xf32>, vector<16xi32> -> vector<16xf32>
      %add3A_4986 = arith.addf %add3A_4972, %gather3A_4985 : vector<16xf32>
      %and3A = arith.constant 15 : i32
      %and3A_4987 = arith.andi %scan3A_97, %and3A : i32
      %eq3A = vector.broadcast %and3A_4987 : i32 to vector<16xi32>
      %eq3A_4988 = arith.cmpi eq, %iota3A, %eq3A : vector<16xi32>
      %select_n3A_4989 = arith.select %eq3A_4988, %add3A_4986, %scan3A_98 : vector<16xi1>, vector<16xf32>
      %shift_right_arithmetic3A = arith.constant 4 : i32
      %shift_right_arithmetic3A_4990 = arith.shrsi %scan3A_97, %shift_right_arithmetic3A : i32
      %swap3A = arith.index_cast %shift_right_arithmetic3A_4990 : i32 to index
      %swap3A_4991 = arith.constant 0 : index
      %swap3A_4992 = tpu.vector_load %arg26[%swap3A, %swap3A_4991] {strides = array<i32>} : memref<8x16xf32, #tpu.memory_space<vmem>>, vector<1x16xf32>,
      %swap3A_4993 = vector.shape_cast %swap3A_4992 : vector<1x16xf32> to vector<16xf32>
      %swap3A_4994 = vector.shape_cast %select_n3A_4989 : vector<16xf32> to vector<1x16xf32>
      tpu.vector_store %arg26[%swap3A, %swap3A_4991], %swap3A_4994 {strides = array<i32>} : memref<8x16xf32, #tpu.memory_space<vmem>>, vector<1x16xf32>,
      scf.yield %select_n3A_4989 : vector<16xf32>
    }
    %scan3A_94 = arith.constant 128 : i32
    %mul3A_95 = arith.constant 8 : i32
    %mul3A_96 = arith.muli %add3A, %mul3A_95 : i32
    "tpu.region"() ({
      %run_scoped3A = tpu.sem_alloc : memref<!tpu.dma_semaphore, #tpu.memory_space<semaphore_mem>>
      %dma_start3A_97 = arith.constant 0 : i32
      %dma_start3A_98 = tpu.memref_slice %arg12[%mul3A_96, %dma_start3A_97] : memref<256x16xf32, #tpu.memory_space<hbm>> -> memref<8x16xf32, #tpu.memory_space<hbm>>
      %dma_start3A_99 = arith.constant 0 : i32
      %dma_start3A_100 = tpu.memref_slice %arg12[%mul3A_96, %dma_start3A_99] : memref<256x16xf32, #tpu.memory_space<hbm>> -> memref<8x16xf32, #tpu.memory_space<hbm>>
      tpu.enqueue_dma source(%arg26 : memref<8x16xf32, #tpu.memory_space<vmem>>) target(%dma_start3A_100 : memref<8x16xf32, #tpu.memory_space<hbm>>) target_semaphore(%run_scoped3A : memref<!tpu.dma_semaphore, #tpu.memory_space<semaphore_mem>>)
      %dma_wait3A_101 = arith.constant 0 : i32
      %dma_wait3A_102 = tpu.memref_slice %arg12[%mul3A_96, %dma_wait3A_101] : memref<256x16xf32, #tpu.memory_space<hbm>> -> memref<8x16xf32, #tpu.memory_space<hbm>>
      %dma_wait3A_103 = arith.constant 0 : i32
      %dma_wait3A_104 = tpu.memref_slice %arg12[%mul3A_96, %dma_wait3A_103] : memref<256x16xf32, #tpu.memory_space<hbm>> -> memref<8x16xf32, #tpu.memory_space<hbm>>
      tpu.wait_dma2 semaphore(%run_scoped3A : memref<!tpu.dma_semaphore, #tpu.memory_space<semaphore_mem>>) src(%arg26 : memref<8x16xf32, #tpu.memory_space<vmem>>) dst(%dma_wait3A_104 : memref<8x16xf32, #tpu.memory_space<hbm>>)
      tpu.yield
    }) : () -> ()
    return
  }
}

</mosaic_0001>

<sc_bundles>
// kernel: kernel.3.cloned.1.call-start
scs
__scs_entry_jumppad:
0x0: {  	(pc) =	sbr.rel $0x88, $3  }
0x1: {  	(tag) =	ssettag $0x0;
	lr =	simm.s32 $0x1  }
0x2: {  	[smem:$0x3F9C] =	sst lr;
	_ =	strace $0xD0000000  }
0x3: {  	_ = 	snop  }
0x4: {  	_ = 	snop  }
0x5: {  	_ = 	snop  }
0x6: {  	_ = 	snop  }
0x7: {  	_ = 	snop  }
__scs_overlays_trampoline_lowered:
0x8: {  	[smem:$0x3FAB] =	sst s0  }
0x9: {  	[smem:$0x3FAC] =	sst s1  }
0xa: {  	[smem:$0x3FAD] =	sst s2  }
0xb: {  	[smem:$0x3FAE] =	sst s3  }
0xc: {  	[smem:$0x3FAF] =	sst s4  }
0xd: {  	[smem:$0x3FB0] =	sst s5  }
0xe: {  	[smem:$0x3FB1] =	sst s6  }
0xf: {  	[smem:$0x3FB2] =	sst s7  }
0x10: {  	[smem:$0x3FB3] =	sst s8  }
0x11: {  	[smem:$0x3FB4] =	sst s9;
	s0 =	simm.s32 @!p0 $0x0  }
0x12: {  	s1 =	sld [smem:$0x3F9A];
	s0 =	simm.s32 @p0 $0x1  }
0x13: {  	[smem:$0x3FB5] =	sst s0;
	s0 =	simm.s32 @!p1 $0x0  }
0x14: {  	s2 =	sld [smem:$0x3F99];
	s0 =	simm.s32 @p1 $0x1  }
0x15: {  	[smem:$0x3FB6] =	sst s0;
	s0 =	simm.s32 @!p2 $0x0  }
0x16: {  	s3 =	sld [smem:$0x3FDB];
	s0 =	simm.s32 @p2 $0x1  }
0x17: {  	s4 =	simm.s32 $0x1BF5;
	[smem:$0x3FB8] =	sst s0  }
0x18: {  	s0 =	sld [smem:$0x3F9B];
	_ =	swait.ge [sflag:s4], $0x0  }
0x19: {  	s7 =	sld [smem:$0x3F9C]  }
0x1a: {  	s8 =	sadd.s32 $0xFFFFE003, lr  }
0x1b: {  	s9 =	sadd.s32 $0xFFFFFEF7, lr;
	s5 =	simm.s32 $0xFFFFFFFF;
	p2 =	slt.u32 s8, $0xFFFFF086  }
0x1c: {  	p1 =	slt.u32 s9, $0xF7A;
	s5 =	simm.s32 @!p2 $0x0  }
0x1d: {  	s5 =	simm.s32 @p1 $0x1;
	p0 =	seq.s32 s7, s2  }
0x1e: {  	s7 =	smul.u32 @!p0 $0xF7A, s2;
	p2 =	seq.s32 @!p0 s5, $0x0  }
0x1f: {  	s9 =	smul.u32 $0xF7A, s1;
	s8 =	simm.s32 @!p0 $0x1BF5;
	p2 =	por !p2, p0  }
0x20: {  	[sflag:s8] =	ssyncset.s32 @!p0 $0xFFFFF086;
	s6 =	sadd.s32 @!p0 s3, s7;
	s7 =	simm.s32 @!p0 $0x108  }
0x21: {  	s3 =	sadd.s32 s3, s9;
	s6 =	sadd.s32 @!p0 $0x88, s6;
	s7 =	simm.s32 @p2 $0x1082  }
0x22: {  	[simem:s7], [sflag:s8] =	dma.local @!p0 [hbm:s6], $0xF7A  }
0x23: {  	s9 =	sor.u32 $0xD0000000, s2;
	s6 =	simm.s32 $0x108;
	_ =	swait.ge @!p0 [sflag:s8], $0x0  }
0x24: {  	s3 =	sadd.s32 $0x88, s3;
	s6 =	simm.s32 @!p1 $0x1082;
	[sflag:s4] =	ssyncset.s32 $0xFFFFF086  }
0x25: {  	[simem:s6], [sflag:s4] =	dma.local [hbm:s3], $0xF7A  }
0x26: {  	[smem:$0x3F9C] =	sst s1;
	(tag) =	ssettag s2;
	_ =	strace s9  }
0x27: {  	s1 =	sld [smem:$0x3FAC]  }
0x28: {  	s2 =	sld [smem:$0x3FAD]  }
0x29: {  	s4 =	sld [smem:$0x3FAF]  }
0x2a: {  	p0 =	seq.s32 s5, $0x0;
	s5 =	sld [smem:$0x3FB0]  }
0x2b: {  	s6 =	sld [smem:$0x3FB1]  }
0x2c: {  	s7 =	sld [smem:$0x3FB2]  }
0x2d: {  	s3 =	simm.s32 $0x108;
	s8 =	sld [smem:$0x3FB3]  }
0x2e: {  	s3 =	simm.s32 @!p0 $0x1082;
	s9 =	sld [smem:$0x3FB4]  }
0x2f: {  	lr =	sadd.s32 s0, s3;
	s0 =	sld [smem:$0x3FAB]  }
0x30: {  	s3 =	sld [smem:$0x3FAE]  }
0x31: {  	[smem:$0x3FB7] =	sst s10  }
0x32: {  	s10 =	sld [smem:$0x3FB5];
	_ =	sdelay $0x3  }
0x33: {  	p0 =	seq.s32 s10, $0x1;
	s10 =	sld [smem:$0x3FB7];
	_ =	sdelay $0x3  }
0x34: {  	[smem:$0x3FB7] =	sst s10  }
0x35: {  	s10 =	sld [smem:$0x3FB6];
	_ =	sdelay $0x3  }
0x36: {  	p1 =	seq.s32 s10, $0x1;
	s10 =	sld [smem:$0x3FB7];
	_ =	sdelay $0x3  }
0x37: {  	[smem:$0x3FB7] =	sst s10  }
0x38: {  	s10 =	sld [smem:$0x3FB8]  }
0x39: {  	_ = 	snop;
	(pc) =	sbr.ind lr, $3  }
0x3a: {  	_ = 	snop  }
0x3b: {  	_ = 	snop  }
0x3c: {  	p2 =	seq.s32 s10, $0x1;
	s10 =	sld [smem:$0x3FB7]  }
0x3d: {  	_ =	shalt  }
0x3e: {  	_ =	shalt  }
0x3f: {  	_ =	shalt  }
0x40: {  	_ =	shalt  }
0x41: {  	_ =	shalt  }
0x42: {  	_ =	shalt  }
0x43: {  	_ =	shalt  }
0x44: {  	_ =	shalt  }
0x45: {  	_ =	shalt  }
0x46: {  	_ =	shalt  }
0x47: {  	_ =	shalt  }
0x48: {  	_ =	shalt  }
0x49: {  	_ =	shalt  }
0x4a: {  	_ =	shalt  }
0x4b: {  	_ =	shalt  }
0x4c: {  	_ =	shalt  }
0x4d: {  	_ =	shalt  }
0x4e: {  	_ =	shalt  }
0x4f: {  	_ =	shalt  }
0x50: {  	_ =	shalt  }
0x51: {  	_ =	shalt  }
0x52: {  	_ =	shalt  }
0x53: {  	_ =	shalt  }
0x54: {  	_ =	shalt  }
0x55: {  	_ =	shalt  }
0x56: {  	_ =	shalt  }
0x57: {  	_ =	shalt  }
0x58: {  	_ =	shalt  }
0x59: {  	_ =	shalt  }
0x5a: {  	_ =	shalt  }
0x5b: {  	_ =	shalt  }
0x5c: {  	_ =	shalt  }
0x5d: {  	_ =	shalt  }
0x5e: {  	_ =	shalt  }
0x5f: {  	_ =	shalt  }
0x60: {  	_ =	shalt  }
0x61: {  	_ =	shalt  }
0x62: {  	_ =	shalt  }
0x63: {  	_ =	shalt  }
0x64: {  	_ =	shalt  }
0x65: {  	_ =	shalt  }
0x66: {  	_ =	shalt  }
0x67: {  	_ =	shalt  }
0x68: {  	_ =	shalt  }
0x69: {  	_ =	shalt  }
0x6a: {  	_ =	shalt  }
0x6b: {  	_ =	shalt  }
0x6c: {  	_ =	shalt  }
0x6d: {  	_ =	shalt  }
0x6e: {  	_ =	shalt  }
0x6f: {  	_ =	shalt  }
0x70: {  	_ =	shalt  }
0x71: {  	_ =	shalt  }
0x72: {  	_ =	shalt  }
0x73: {  	_ =	shalt  }
0x74: {  	_ =	shalt  }
0x75: {  	_ =	shalt  }
0x76: {  	_ =	shalt  }
0x77: {  	_ =	shalt  }
0x78: {  	_ =	shalt  }
0x79: {  	_ =	shalt  }
0x7a: {  	_ =	shalt  }
0x7b: {  	_ =	shalt  }
0x7c: {  	_ =	shalt  }
0x7d: {  	_ =	shalt  }
0x7e: {  	_ =	shalt  }
0x7f: {  	_ =	shalt  }
0x80: {  	_ =	shalt  }
0x81: {  	_ =	shalt  }
0x82: {  	_ =	shalt  }
0x83: {  	_ =	shalt  }
0x84: {  	_ =	shalt  }
0x85: {  	_ =	shalt  }
0x86: {  	_ =	shalt  }
0x87: {  	_ =	shalt  }
.Lfunc_end0:
.L_simem_size_0:
called_computation_lowered:
.L_overlay_start_0:
0x88: {  	s2 =	sld [smem:$0x3FD9]  }
0x89: {  	s3 =	sld [smem:$0x3FFE];
	_ =	sdelay $0x1  }
0x8a: {  	s1 =	srdreg.scid  }
0x8b: {  	s0 =	sand.u32 $0x1, s1  }
0x8c: {  	s17 =	sshll.u32 s0, $0xA;
	s2 =	sadd.s32 s3, s2  }
0x8d: {  	s2 =	sadd.s32 s2, s17  }
0x8e: {  	[smem:$0x3FC3] =	sst s2  }
0x8f: {  	_ = 	snop  }
0x90: {  	s2 =	sld [smem:$0x3FD0];
	(tm) =	ssettm $0x1  }
0x91: {  	s18 =	sld [smem:$0x3FFB];
	_ =	sdelay $0x3  }
0x92: {  	_ =	strace s18  }
0x93: {  	s3 =	sld [smem:$0x3FFC];
	_ =	sdelay $0x3  }
0x94: {  	_ =	strace s3  }
0x95: {  	s3 =	sld [smem:$0x3FFD];
	_ =	sdelay $0x3  }
0x96: {  	_ =	strace s3  }
0x97: {  	_ =	strace $0x8FFFFFFF  }
0x98: {  	s19 =	sld [smem:$0x3FDB];
	_ =	sdelay $0x1  }
0x99: {  	s4 =	simm.s32 $_scs_section_size  }
0x9a: {  	s5 =	simm.s32 $_size__tile_overlayer_lowered;
	s6 =	simm.s32 $_tile_overlayer_lowered  }
0x9b: {  	s22 =	simm.s32 $0x1BFF;
	s21 =	sshll.u32 s6, $0x1;
	s3 =	sadd.s32 s4, s19  }
0x9c: {  	s7 =	simm.s32 $0x0;
	s20 =	sshll.u32 s5, $0x1;
	s5 =	sadd.s32 s21, s3  }
0x9d: {  	[timem:s7], [sflag:s22] =	dma.local [hbm:s5], s20  }
0x9e: {  	_ =	swait.ge [sflag:s22], s20  }
0x9f: {  	s4 =	ssub.s32 $0x0, s20;
	[sflag:s22] =	ssyncset.done $0x0  }
0xa0: {  	[sflag:s22] =	ssyncadd.s32 s4;
	_ =	sdelay $0x1  }
0xa1: {  	s23 =	simm.s32 $0x1B8B  }
0xa2: {  	_ =	swait.ge [sflag:s23], $0x1  }
0xa3: {  	[sflag:s23] =	ssyncset.done $0x0  }
0xa4: {  	s25 =	simm.s32 $0x1B8E;
	s24 =	sld [smem:$0x3FFE];
	[sflag:s23] =	ssyncadd.s32 $0xFFFFFFFF  }
0xa5: {  	s26 =	simm.s32 $execute0_lowered;
	[smem:$0x3FD2] =	sst s25  }
0xa6: {  	s5 =	sshll.u32 s26, $0x1;
	_ =	strace $0x80000046;
	[dreg:$0x1] =	wrdreg $0xFFFFFFFF  }
0xa7: {  	s28 =	simm.s32 $_size_execute0_lowered;
	s3 =	sadd.s32 s3, s5;
	[dreg:$0x0] =	wrdreg $0x0  }
0xa8: {  	s5 =	sshll.u32 s28, $0x1;
	[dreg:$0x2] =	wrdreg s3  }
0xa9: {  	[dreg:$0x3] =	wrdreg s5  }
0xaa: {  	[dreg:$0x4] =	wrdreg $0xC0  }
0xab: {  	_ =	task [dreg:s7], $0x5FFFF  }
0xac: {  	[dreg:$0x1] =	wrdreg $0xFFFFFFFF  }
0xad: {  	[dreg:$0x0] =	wrdreg $0x60  }
0xae: {  	[dreg:$0x2] =	wrdreg s24  }
0xaf: {  	[dreg:$0x3] =	wrdreg s2  }
0xb0: {  	[dreg:$0x4] =	wrdreg $0x9  }
0xb1: {  	_ =	task.clear_ibuf [dreg:s7], $0x5FFFF;
	_ =	strace $0x90000046  }
0xb2: {  	s29 =	simm.s32 $0x9;
	_ =	strace $0x80000048  }
0xb3: {  	_ =	swait.ge [sflag:s29], $0x1  }
0xb4: {  	[sflag:s29] =	ssyncadd.s32 $0xFFFFFFFF  }
0xb5: {  	_ =	strace $0x90000048  }
0xb6: {  	_ =	sfence  }
0xb7: {  	s30 =	sld [smem:$0x0];
	_ =	sdelay $0x2  }
0xb8: {  	s31 =	sshll.u32 s1, $0xD;
	s1 =	sshrl.u32 s1, $0x2  }
0xb9: {  	s3 =	sand.u32 $0x4000, s31;
	s1 =	sadd.s32 s1, s30  }
0xba: {  	s0 =	sor.u32 s3, s0;
	s1 =	sshll.u32 s1, $0x11  }
0xbb: {  	s0 =	sor.u32 s1, s0  }
0xbc: {  	s0 =	sadd.s32 $0x8F2B, s0  }
0xbd: {  	[sflag:s0] =	ssyncadd.remote.s32 $0x1  }
0xbe: {  	_ =	sfence.sel $0xFFFF  }
0xbf: {  	[dreg:$0x0] =	wrdreg $0xFFFFFFFF;
	(pc) =	sbr.abs _section_cstart, $3  }
0xc0: {  	[dreg:$0x1] =	wrdreg $0xFFFFFFFF  }
0xc1: {  	_ =	task.clear_ibuf [dreg:s7], $0x2FFFF;
	_ =	strace $0x9FFFFFFF  }
0xc2: {  	(tm) =	ssettm $0x7FFFFFFF  }
0xc3: {  	_ =	shalt  }
tec
execute0_lowered:
.L_overlay_start_1:
0x0: {  	(tag) =	ssettag $0x1  }
0x1: {  	s0 =	rddreg [dreg:$0x0];
	s1 =	srdreg.scid  }
0x2: {  	s2 =	stileid.u32;
	s13 =	rddreg [dreg:$0x1]  }
0x3: {  	v0 =	vimm.s32 $0xFEDCBA98;
	v1 =	vimm.s32 $0x76543210;
	s15 =	simm.s32 $0x2;
	s17 =	simm.s32 $0xD000;
	s18 =	simm.s32 $0xD080  }
0x4: {  	v2 =	vimm.s32 $0xBA98FEDC;
	v3 =	vimm.s32 $0x32107654;
	s19 =	simm.s32 $0xD100;
	s20 =	simm.s32 $0xD180;
	s21 =	simm.s32 $0x80  }
0x5: {  	v4 =	vimm.s32 $0xDCFE98BA;
	v5 =	vimm.s32 $0x54761032;
	s28 =	simm.s32 $0x12200;
	s29 =	simm.s32 $0x1;
	s30 =	simm.s32 $0x68  }
0x6: {  	v6 =	vimm.s32 $0xEFCDAB89;
	v7 =	vimm.s32 $0x67452301;
	s31 =	simm.s32 $0x13200;
	s16 =	simm.s32 $0x0;
	s1 =	sand.u32 $0x1, s1  }
0x7: {  	s3 =	sshll.u32 s2, $0x1;
	s2 =	simm.s32 $0x0;
	s4 =	sadd.s32 $0x1BCA00, s0;
	v0 =	vunpack.c.l.s4.s8 v0;
	v1 =	vunpack.c.l.s4.s8 v1;
	v2 =	vunpack.c.l.s4.s8 v2  }
0x8: {  	s5 =	sadd.s32 $0x1348E00, s0;
	v3 =	vunpack.c.l.s4.s8 v3;
	v4 =	vunpack.c.l.s4.s8 v4;
	v5 =	vunpack.c.l.s4.s8 v5;
	s3 =	sor.u32 s1, s3;
	[smem:$0x7FF] =	sst s2  }
0x9: {  	v6 =	vunpack.c.l.s4.s8 v6;
	v7 =	vunpack.c.l.s4.s8 v7;
	s26 =	ssub.s32 $0x2, s1;
	s14 =	sshll.u32 s3, $0x4;
	s3 =	smul.u32 $0xD00, s3;
	v0 =	vunpack.c.0.s8.s32 v0  }
0xa: {  	s6 =	sadd.s32 $0xF78400, s0;
	_ =	strace $0x80000047;
	s1 =	sshrl.u32 s26, $0x1;
	v2 =	vunpack.c.0.s8.s32 v2;
	v3 =	vunpack.c.0.s8.s32 v3;
	v4 =	vunpack.c.0.s8.s32 v4  }
0xb: {  	v5 =	vunpack.c.0.s8.s32 v5;
	v6 =	vunpack.c.0.s8.s32 v6;
	v7 =	vunpack.c.0.s8.s32 v7;
	s12 =	sadd.s32 s14, s0;
	s13 =	sadd.s32 s13, s14;
	s8 =	sadd.s32 s3, s0  }
0xc: {  	v1 =	vunpack.c.0.s8.s32 v1;
	s3 =	sadd.s32 $0x21E600, s0;
	s9 =	sadd.s32 $0x1E00, s12;
	s10 =	sadd.s32 $0x1C00, s12;
	v2 =	vcombine.low v3, v2  }
0xd: {  	s11 =	sadd.s32 $0x1A00, s12;
	s12 =	sadd.s32 $0x1800, s12;
	s0 =	ssub.s32 s26, s1;
	v3 =	vcombine.low v5, v4;
	v4 =	vcombine.low v7, v6;
	v0 =	vand.u32 $0xF, v0  }
0xe: {  	s26 =	simm.s32 $0x11200;
	s1 =	simm.s32 $0x13F00;
	s7 =	sadd.s32 $0x1C000, s8;
	v0 =	vcombine.low v0, v1;
	v1 =	vand.u32 $0xF, v2  }
0xf: {  	s8 =	sadd.s32 $0x2000, s8;
	s14 =	smax.u32 s0, $0x1;
	s0 =	simm.s32 $0x19A00;
	v2 =	vand.u32 $0xF, v3;
	v3 =	vand.u32 $0xF, v4;
	v4 =	vlaneseq.u32  }
.LBB2_1:
0x10: {  	[tilespmem:s2], [sflag:$0x2] =	stream.linear.gather [hbm4b:s7+s2], $0x6800, $0x38;
	[tilespmem:$0x19A80] =	vst v63  }
0x11: {  	_ =	swait.ge [sflag:s15], $0x6800  }
0x12: {  	[sflag:s15] =	ssyncset.done $0x0  }
0x13: {  	s22 =	simm.s32 $0x6800;
	[sflag:s15] =	ssyncadd.s32 $0xFFFF9800  }
0x14: {  	[tilespmem:s22], [sflag:$0x2] =	stream.linear.gather [hbm4b:s8+s2], $0x6800, $0x38;
	[tilespmem:$0x19A80] =	vst v63  }
0x15: {  	_ =	swait.ge [sflag:s15], $0x6800  }
0x16: {  	[sflag:s15] =	ssyncset.done $0x0  }
0x17: {  	[sflag:s15] =	ssyncadd.s32 $0xFFFF9800  }
0x18: {  	[tilespmem:s17], [sflag:$0x2] =	stream.linear.gather [hbm4b:s9+s2], $0x80, $0x38;
	[tilespmem:$0x19A80] =	vst v63  }
0x19: {  	_ =	swait.ge [sflag:s15], $0x80  }
0x1a: {  	[sflag:s15] =	ssyncset.done $0x0  }
0x1b: {  	[sflag:s15] =	ssyncadd.s32 $0xFFFFFF80  }
0x1c: {  	[tilespmem:s18], [sflag:$0x2] =	stream.linear.gather [hbm4b:s10+s2], $0x80, $0x38;
	[tilespmem:$0x19A80] =	vst v63  }
0x1d: {  	_ =	swait.ge [sflag:s15], $0x80  }
0x1e: {  	[sflag:s15] =	ssyncset.done $0x0  }
0x1f: {  	[sflag:s15] =	ssyncadd.s32 $0xFFFFFF80  }
0x20: {  	[tilespmem:s19], [sflag:$0x2] =	stream.linear.gather [hbm4b:s11+s2], $0x80, $0x38;
	[tilespmem:$0x19A80] =	vst v63  }
0x21: {  	_ =	swait.ge [sflag:s15], $0x80  }
0x22: {  	[sflag:s15] =	ssyncset.done $0x0  }
0x23: {  	[sflag:s15] =	ssyncadd.s32 $0xFFFFFF80  }
0x24: {  	[tilespmem:s20], [sflag:$0x2] =	stream.linear.gather [hbm4b:s12+s2], $0x80, $0x38;
	[tilespmem:$0x19A80] =	vst v63  }
0x25: {  	_ =	swait.ge [sflag:s15], $0x80  }
0x26: {  	[sflag:s15] =	ssyncset.done $0x0  }
0x27: {  	s25 =	simm.s32 $0xD200;
	[sflag:s15] =	ssyncadd.s32 $0xFFFFFF80  }
0x28: {  	[tilespmem:s25], [sflag:$0x1] =	stream.indirect.gather [hbm4b:s3+s21], $0x20, s17, s21, $0xb8;
	[tilespmem:$0x19A80] =	vst v63  }
0x29: {  	s23 =	simm.s32 $0xE200  }
0x2a: {  	[tilespmem:s23], [sflag:$0x1] =	stream.indirect.gather [hbm4b:s4+s21], $0x20, s18, s21, $0xb8;
	[tilespmem:$0x19A80] =	vst v63  }
0x2b: {  	s24 =	simm.s32 $0xF200  }
0x2c: {  	[tilespmem:s24], [sflag:$0x1] =	stream.indirect.gather [hbm4b:s5+s21], $0x20, s19, s21, $0xb8;
	[tilespmem:$0x19A80] =	vst v63  }
0x2d: {  	s25 =	simm.s32 $0x10200  }
0x2e: {  	[tilespmem:s25], [sflag:$0x1] =	stream.indirect.gather [hbm4b:s6+s21], $0x20, s19, s21, $0xb8;
	[tilespmem:$0x19A80] =	vst v63  }
0x2f: {  	_ = 	snop  }
0x30: {  	[tilespmem:s26], [sflag:$0x1] =	stream.indirect.gather [hbm4b:s5+s21], $0x20, s20, s21, $0xb8;
	[tilespmem:$0x19A80] =	vst v63  }
0x31: {  	_ = 	snop  }
0x32: {  	[tilespmem:s28], [sflag:$0x1] =	stream.indirect.gather [hbm4b:s6+s21], $0x20, s20, s21, $0xb8;
	[tilespmem:$0x19A80] =	vst v63  }
0x33: {  	_ =	swait.ge [sflag:s29], $0x1000  }
0x34: {  	[sflag:s29] =	ssyncset.done $0x0  }
0x35: {  	[sflag:s29] =	ssyncadd.s32 $0xFFFFF000  }
0x36: {  	_ =	swait.ge [sflag:s29], $0x1000  }
0x37: {  	[sflag:s29] =	ssyncset.done $0x0  }
0x38: {  	[sflag:s29] =	ssyncadd.s32 $0xFFFFF000  }
0x39: {  	_ =	swait.ge [sflag:s29], $0x1000  }
0x3a: {  	[sflag:s29] =	ssyncset.done $0x0  }
0x3b: {  	[sflag:s29] =	ssyncadd.s32 $0xFFFFF000  }
0x3c: {  	_ =	swait.ge [sflag:s29], $0x1000  }
0x3d: {  	[sflag:s29] =	ssyncset.done $0x0  }
0x3e: {  	[sflag:s29] =	ssyncadd.s32 $0xFFFFF000  }
0x3f: {  	_ =	swait.ge [sflag:s29], $0x1000  }
0x40: {  	[sflag:s29] =	ssyncset.done $0x0  }
0x41: {  	[sflag:s29] =	ssyncadd.s32 $0xFFFFF000  }
0x42: {  	_ =	swait.ge [sflag:s29], $0x1000  }
0x43: {  	[sflag:s29] =	ssyncset.done $0x0  }
0x44: {  	[sflag:s29] =	ssyncadd.s32 $0xFFFFF000  }
0x45: {  	[tilespmem:s31], [sflag:$0x1] =	stream.indirect.gather [hbm4b:s5+s30], $0x20, s2, s30, $0xb8;
	[tilespmem:$0x19A80] =	vst v63  }
0x46: {  	_ = 	snop  }
0x47: {  	[tilespmem:s1], [sflag:$0x1] =	stream.indirect.gather [hbm4b:s5+s30], $0x20, s30, s30, $0xb8;
	[tilespmem:$0x19A80] =	vst v63  }
0x48: {  	_ =	swait.ge [sflag:s29], $0xD00  }
0x49: {  	[sflag:s29] =	ssyncset.done $0x0  }
0x4a: {  	[sflag:s29] =	ssyncadd.s32 $0xFFFFF300  }
0x4b: {  	_ =	swait.ge [sflag:s29], $0xD00  }
0x4c: {  	s22 =	simm.s32 $0x6860;
	[sflag:s29] =	ssyncset.done $0x0  }
0x4d: {  	v5 =	vimm.f32 $0.0e+00;
	s23 =	simm.s32 $0x0;
	s24 =	simm.s32 $0x0;
	[sflag:s29] =	ssyncadd.s32 $0xFFFFF300  }
.LBB2_2:
0x4e: {  	v6 =	vld [tilespmem:s22+$0xFFFFFFA0];
	_ =	sdelay $0x2  }
0x4f: {  	v9 =	vld [tilespmem:s22+$0xFFFFFFB0]  }
0x50: {  	v11 =	vld [tilespmem:s22+$0xFFFFFFC0]  }
0x51: {  	v13 =	vld [tilespmem:s22+$0xFFFFFFD0];
	v6 =	vcvt.s32.f32 v6  }
0x52: {  	v15 =	vld [tilespmem:s22+$0xFFFFFFE0]  }
0x53: {  	v16 =	vld [tilespmem:s22+$0xFFFFFFF0];
	v6 =	vmul.f32 $-5.000000000e-01, v6  }
0x54: {  	v18 =	vld [tilespmem:s22+$0x0]  }
0x55: {  	v17 =	vld [tilespmem:s22+$0x10];
	v6 =	vmul.f32 $1.442695020e+00, v6  }
0x56: {  	v14 =	vld [tilespmem:s22+$0x20]  }
0x57: {  	v12 =	vld [tilespmem:s22+$0x30];
	(erf) = vpow2.f32 v6  }
0x58: {  	v10 =	vld [tilespmem:s22+$0x40]  }
0x59: {  	v8 =	vld [tilespmem:s22+$0x50]  }
0x5a: {  	v19 =	vld [tilespmem:$0x13200]  }
0x5b: {  	v20 =	vld [tilespmem:$0x13210]  }
0x5c: {  	v21 =	vld [tilespmem:$0x13220]  }
0x5d: {  	v23 =	vld [tilespmem:$0x13230]  }
0x5e: {  	v24 =	vld [tilespmem:$0x13240]  }
0x5f: {  	v26 =	vld [tilespmem:$0x13250]  }
0x60: {  	v63 =	vld [tilespmem:$0x13260];
	v7 =	vpop (erf)  }
0x61: {  	v28 =	vld [tilespmem:$0x13270];
	v22 =	vbroadcast v7, $0x0  }
0x62: {  	v32 =	vld [tilespmem:$0x13280]  }
0x63: {  	v29 =	vld [tilespmem:$0x13290];
	v25 =	vbroadcast v7, $0x1;
	v20 =	vmul.f32 v20, v22  }
0x64: {  	v36 =	vld [tilespmem:$0x132A0];
	v19 =	vmul.f32 v19, v22  }
0x65: {  	v39 =	vld [tilespmem:$0x132B0];
	v27 =	vbroadcast v7, $0x2;
	v23 =	vmul.f32 v23, v25;
	v20 =	vadd.f32 $0.0e+00, v20  }
0x66: {  	v41 =	vld [tilespmem:$0x132C0];
	v21 =	vmul.f32 v21, v25;
	v19 =	vadd.f32 $0.0e+00, v19  }
0x67: {  	v44 =	vld [tilespmem:$0x132D0];
	v34 =	vbroadcast v7, $0x3;
	v35 =	vmul.f32 v26, v27;
	v20 =	vadd.f32 v23, v20  }
0x68: {  	v45 =	vld [tilespmem:$0x132E0];
	v33 =	vmul.f32 v24, v27;
	v19 =	vadd.f32 v21, v19  }
0x69: {  	v48 =	vld [tilespmem:$0x132F0];
	v38 =	vbroadcast v7, $0x4;
	v40 =	vmul.f32 v28, v34;
	v20 =	vadd.f32 v35, v20  }
0x6a: {  	v50 =	vld [tilespmem:$0x13300];
	v37 =	vmul.f32 v63, v34;
	v19 =	vadd.f32 v33, v19  }
0x6b: {  	v53 =	vld [tilespmem:$0x13310];
	v43 =	vbroadcast v7, $0x5;
	v22 =	vmul.f32 v29, v38;
	v20 =	vadd.f32 v40, v20  }
0x6c: {  	v55 =	vld [tilespmem:$0x13320];
	v42 =	vmul.f32 v32, v38;
	v19 =	vadd.f32 v37, v19  }
0x6d: {  	v58 =	vld [tilespmem:$0x13330];
	v47 =	vbroadcast v7, $0x6;
	v49 =	vmul.f32 v39, v43;
	v20 =	vadd.f32 v22, v20  }
0x6e: {  	v60 =	vld [tilespmem:$0x13340];
	v46 =	vmul.f32 v36, v43;
	v19 =	vadd.f32 v42, v19  }
0x6f: {  	v31 =	vld [tilespmem:$0x13F60];
	v52 =	vbroadcast v7, $0x7;
	v54 =	vmul.f32 v44, v47;
	v20 =	vadd.f32 v49, v20  }
0x70: {  	v9 =	vcvt.s32.f32 v9;
	v6 =	vld [tilespmem:s22+$0x60];
	v51 =	vmul.f32 v41, v47;
	v19 =	vadd.f32 v46, v19  }
0x71: {  	v57 =	vbroadcast v7, $0x8;
	v59 =	vmul.f32 v48, v52;
	v63 =	vld [tilespmem:$0x13350];
	v20 =	vadd.f32 v54, v20  }
0x72: {  	v9 =	vmul.f32 $-5.000000000e-01, v9;
	v56 =	vmul.f32 v45, v52;
	v36 =	vld [tilespmem:$0x13370];
	v19 =	vadd.f32 v51, v19  }
0x73: {  	v62 =	vbroadcast v7, $0x9;
	v32 =	vmul.f32 v53, v57;
	v39 =	vld [tilespmem:$0x13380];
	v20 =	vadd.f32 v59, v20  }
0x74: {  	v9 =	vmul.f32 $1.442695020e+00, v9;
	v61 =	vmul.f32 v50, v57;
	v44 =	vld [tilespmem:$0x133A0];
	v19 =	vadd.f32 v56, v19  }
0x75: {  	v38 =	vmul.f32 v58, v62;
	v33 =	vld [tilespmem:$0x13360];
	v35 =	vbroadcast v7, $0xA;
	v37 =	vadd.f32 v32, v20  }
0x76: {  	(erf) = vpow2.f32 v9;
	v34 =	vmul.f32 v55, v62;
	v42 =	vld [tilespmem:$0x13390];
	v19 =	vadd.f32 v61, v19  }
0x77: {  	v41 =	vbroadcast v7, $0xB;
	v47 =	vld [tilespmem:$0x133B0];
	v43 =	vmul.f32 v63, v35;
	v9 =	vadd.f32 v38, v37  }
0x78: {  	v52 =	vld [tilespmem:$0x133D0];
	v40 =	vmul.f32 v60, v35;
	v19 =	vadd.f32 v34, v19  }
0x79: {  	v57 =	vld [tilespmem:$0x133F0];
	v48 =	vmul.f32 v36, v41;
	v46 =	vbroadcast v7, $0xC;
	v9 =	vadd.f32 v43, v9  }
0x7a: {  	v58 =	vld [tilespmem:$0x13400];
	v45 =	vmul.f32 v33, v41;
	v19 =	vadd.f32 v40, v19  }
0x7b: {  	v49 =	vld [tilespmem:$0x133C0];
	v51 =	vbroadcast v7, $0xD;
	v53 =	vmul.f32 v42, v46;
	v9 =	vadd.f32 v48, v9  }
0x7c: {  	v36 =	vld [tilespmem:$0x13440];
	v50 =	vmul.f32 v39, v46;
	v19 =	vadd.f32 v45, v19  }
0x7d: {  	v54 =	vld [tilespmem:$0x133E0];
	v56 =	vbroadcast v7, $0xE;
	v22 =	vmul.f32 v47, v51;
	v20 =	vadd.f32 v53, v9  }
0x7e: {  	v55 =	vmul.f32 v44, v51;
	v61 =	vld [tilespmem:$0x13410];
	v19 =	vadd.f32 v50, v19  }
0x7f: {  	v60 =	vbroadcast v7, $0xF;
	v63 =	vld [tilespmem:$0x13420];
	v62 =	vmul.f32 v52, v56;
	v20 =	vadd.f32 v22, v20  }
0x80: {  	v59 =	vmul.f32 v49, v56;
	v34 =	vld [tilespmem:$0x13430];
	v19 =	vadd.f32 v55, v19;
	v9 =	vpop (erf)  }
0x81: {  	v35 =	vmul.f32 v57, v60;
	v41 =	vld [tilespmem:$0x13460];
	v33 =	vbroadcast v9, $0x0;
	v20 =	vadd.f32 v62, v20  }
0x82: {  	v39 =	vld [tilespmem:$0x13450];
	v32 =	vmul.f32 v54, v60;
	v19 =	vadd.f32 v59, v19  }
0x83: {  	v46 =	vld [tilespmem:$0x13480];
	v38 =	vbroadcast v9, $0x1;
	v40 =	vmul.f32 v61, v33;
	v20 =	vadd.f32 v35, v20  }
0x84: {  	v44 =	vld [tilespmem:$0x13470];
	v37 =	vmul.f32 v58, v33;
	v19 =	vadd.f32 v32, v19  }
0x85: {  	v51 =	vld [tilespmem:$0x134A0];
	v43 =	vbroadcast v9, $0x2;
	v45 =	vmul.f32 v34, v38;
	v20 =	vadd.f32 v40, v20  }
0x86: {  	v49 =	vld [tilespmem:$0x13490];
	v42 =	vmul.f32 v63, v38;
	v19 =	vadd.f32 v37, v19  }
0x87: {  	v56 =	vld [tilespmem:$0x134C0];
	v48 =	vbroadcast v9, $0x3;
	v50 =	vmul.f32 v39, v43;
	v20 =	vadd.f32 v45, v20  }
0x88: {  	v54 =	vld [tilespmem:$0x134B0];
	v47 =	vmul.f32 v36, v43;
	v19 =	vadd.f32 v42, v19  }
0x89: {  	v53 =	vbroadcast v9, $0x4;
	v59 =	vld [tilespmem:$0x134D0];
	v55 =	vmul.f32 v44, v48;
	v20 =	vadd.f32 v50, v20  }
0x8a: {  	v52 =	vmul.f32 v41, v48;
	v61 =	vld [tilespmem:$0x134E0];
	v19 =	vadd.f32 v47, v19  }
0x8b: {  	v58 =	vbroadcast v9, $0x5;
	v60 =	vmul.f32 v49, v53;
	v34 =	vld [tilespmem:$0x13500];
	v20 =	vadd.f32 v55, v20  }
0x8c: {  	v57 =	vmul.f32 v46, v53;
	v32 =	vld [tilespmem:$0x134F0];
	v19 =	vadd.f32 v52, v19  }
0x8d: {  	v63 =	vbroadcast v9, $0x6;
	v39 =	vld [tilespmem:$0x13520];
	v33 =	vmul.f32 v54, v58;
	v20 =	vadd.f32 v60, v20  }
0x8e: {  	v62 =	vmul.f32 v51, v58;
	v37 =	vld [tilespmem:$0x13510];
	v19 =	vadd.f32 v57, v19  }
0x8f: {  	v36 =	vbroadcast v9, $0x7;
	v44 =	vld [tilespmem:$0x13540];
	v38 =	vmul.f32 v59, v63;
	v20 =	vadd.f32 v33, v20  }
0x90: {  	v11 =	vcvt.s32.f32 v11;
	v35 =	vmul.f32 v56, v63;
	v42 =	vld [tilespmem:$0x13530];
	v19 =	vadd.f32 v62, v19  }
0x91: {  	v41 =	vbroadcast v9, $0x8;
	v49 =	vld [tilespmem:$0x13560];
	v43 =	vmul.f32 v32, v36;
	v20 =	vadd.f32 v38, v20  }
0x92: {  	v11 =	vmul.f32 $-5.000000000e-01, v11;
	v40 =	vmul.f32 v61, v36;
	v47 =	vld [tilespmem:$0x13550];
	v19 =	vadd.f32 v35, v19  }
0x93: {  	v46 =	vbroadcast v9, $0x9;
	v58 =	vld [tilespmem:$0x13590];
	v48 =	vmul.f32 v37, v41;
	v20 =	vadd.f32 v43, v20  }
0x94: {  	v11 =	vmul.f32 $1.442695020e+00, v11;
	v45 =	vmul.f32 v34, v41;
	v52 =	vld [tilespmem:$0x13570];
	v19 =	vadd.f32 v40, v19  }
0x95: {  	v51 =	vbroadcast v9, $0xA;
	v63 =	vld [tilespmem:$0x135B0];
	v54 =	vmul.f32 v42, v46;
	v53 =	vadd.f32 v48, v20  }
0x96: {  	(erf) = vpow2.f32 v11;
	v36 =	vld [tilespmem:$0x135D0];
	v50 =	vmul.f32 v39, v46;
	v19 =	vadd.f32 v45, v19  }
0x97: {  	v55 =	vld [tilespmem:$0x13580];
	v57 =	vbroadcast v9, $0xB;
	v59 =	vmul.f32 v47, v51;
	v11 =	vadd.f32 v54, v53  }
0x98: {  	v56 =	vmul.f32 v44, v51;
	v41 =	vld [tilespmem:$0x135F0];
	v19 =	vadd.f32 v50, v19  }
0x99: {  	v60 =	vld [tilespmem:$0x135A0];
	v62 =	vbroadcast v9, $0xC;
	v32 =	vmul.f32 v52, v57;
	v11 =	vadd.f32 v59, v11  }
0x9a: {  	v42 =	vld [tilespmem:$0x13600];
	v61 =	vmul.f32 v49, v57;
	v19 =	vadd.f32 v56, v19  }
0x9b: {  	v33 =	vld [tilespmem:$0x135C0];
	v35 =	vbroadcast v9, $0xD;
	v37 =	vmul.f32 v58, v62;
	v11 =	vadd.f32 v32, v11  }
0x9c: {  	v47 =	vld [tilespmem:$0x13620];
	v34 =	vmul.f32 v55, v62;
	v19 =	vadd.f32 v61, v19  }
0x9d: {  	v38 =	vld [tilespmem:$0x135E0];
	v40 =	vbroadcast v9, $0xE;
	v22 =	vmul.f32 v63, v35;
	v20 =	vadd.f32 v37, v11  }
0x9e: {  	v39 =	vmul.f32 v60, v35;
	v45 =	vld [tilespmem:$0x13610];
	v19 =	vadd.f32 v34, v19  }
0x9f: {  	v44 =	vbroadcast v9, $0xF;
	v52 =	vld [tilespmem:$0x13640];
	v46 =	vmul.f32 v36, v40;
	v20 =	vadd.f32 v22, v20  }
0xa0: {  	v43 =	vmul.f32 v33, v40;
	v50 =	vld [tilespmem:$0x13630];
	v19 =	vadd.f32 v39, v19;
	v11 =	vpop (erf)  }
0xa1: {  	v51 =	vmul.f32 v41, v44;
	v57 =	vld [tilespmem:$0x13660];
	v49 =	vbroadcast v11, $0x0;
	v20 =	vadd.f32 v46, v20  }
0xa2: {  	v55 =	vld [tilespmem:$0x13650];
	v48 =	vmul.f32 v38, v44;
	v19 =	vadd.f32 v43, v19  }
0xa3: {  	v62 =	vld [tilespmem:$0x13680];
	v54 =	vbroadcast v11, $0x1;
	v56 =	vmul.f32 v45, v49;
	v20 =	vadd.f32 v51, v20  }
0xa4: {  	v60 =	vld [tilespmem:$0x13670];
	v53 =	vmul.f32 v42, v49;
	v19 =	vadd.f32 v48, v19  }
0xa5: {  	v35 =	vld [tilespmem:$0x136A0];
	v59 =	vbroadcast v11, $0x2;
	v61 =	vmul.f32 v50, v54;
	v20 =	vadd.f32 v56, v20  }
0xa6: {  	v33 =	vld [tilespmem:$0x13690];
	v58 =	vmul.f32 v47, v54;
	v19 =	vadd.f32 v53, v19  }
0xa7: {  	v40 =	vld [tilespmem:$0x136C0];
	v32 =	vbroadcast v11, $0x3;
	v34 =	vmul.f32 v55, v59;
	v20 =	vadd.f32 v61, v20  }
0xa8: {  	v38 =	vld [tilespmem:$0x136B0];
	v63 =	vmul.f32 v52, v59;
	v19 =	vadd.f32 v58, v19  }
0xa9: {  	v37 =	vbroadcast v11, $0x4;
	v43 =	vld [tilespmem:$0x136D0];
	v39 =	vmul.f32 v60, v32;
	v20 =	vadd.f32 v34, v20  }
0xaa: {  	v36 =	vmul.f32 v57, v32;
	v45 =	vld [tilespmem:$0x136E0];
	v19 =	vadd.f32 v63, v19  }
0xab: {  	v42 =	vbroadcast v11, $0x5;
	v44 =	vmul.f32 v33, v37;
	v50 =	vld [tilespmem:$0x13700];
	v20 =	vadd.f32 v39, v20  }
0xac: {  	v41 =	vmul.f32 v62, v37;
	v48 =	vld [tilespmem:$0x136F0];
	v19 =	vadd.f32 v36, v19  }
0xad: {  	v47 =	vbroadcast v11, $0x6;
	v55 =	vld [tilespmem:$0x13720];
	v49 =	vmul.f32 v38, v42;
	v20 =	vadd.f32 v44, v20  }
0xae: {  	v46 =	vmul.f32 v35, v42;
	v53 =	vld [tilespmem:$0x13710];
	v19 =	vadd.f32 v41, v19  }
0xaf: {  	v52 =	vbroadcast v11, $0x7;
	v60 =	vld [tilespmem:$0x13740];
	v54 =	vmul.f32 v43, v47;
	v20 =	vadd.f32 v49, v20  }
0xb0: {  	v13 =	vcvt.s32.f32 v13;
	v51 =	vmul.f32 v40, v47;
	v58 =	vld [tilespmem:$0x13730];
	v19 =	vadd.f32 v46, v19  }
0xb1: {  	v57 =	vbroadcast v11, $0x8;
	v33 =	vld [tilespmem:$0x13760];
	v59 =	vmul.f32 v48, v52;
	v20 =	vadd.f32 v54, v20  }
0xb2: {  	v13 =	vmul.f32 $-5.000000000e-01, v13;
	v56 =	vmul.f32 v45, v52;
	v63 =	vld [tilespmem:$0x13750];
	v19 =	vadd.f32 v51, v19  }
0xb3: {  	v62 =	vbroadcast v11, $0x9;
	v42 =	vld [tilespmem:$0x13790];
	v32 =	vmul.f32 v53, v57;
	v20 =	vadd.f32 v59, v20  }
0xb4: {  	v13 =	vmul.f32 $1.442695020e+00, v13;
	v61 =	vmul.f32 v50, v57;
	v36 =	vld [tilespmem:$0x13770];
	v19 =	vadd.f32 v56, v19  }
0xb5: {  	v35 =	vbroadcast v11, $0xA;
	v47 =	vld [tilespmem:$0x137B0];
	v38 =	vmul.f32 v58, v62;
	v37 =	vadd.f32 v32, v20  }
0xb6: {  	(erf) = vpow2.f32 v13;
	v52 =	vld [tilespmem:$0x137D0];
	v34 =	vmul.f32 v55, v62;
	v19 =	vadd.f32 v61, v19  }
0xb7: {  	v39 =	vld [tilespmem:$0x13780];
	v41 =	vbroadcast v11, $0xB;
	v43 =	vmul.f32 v63, v35;
	v13 =	vadd.f32 v38, v37  }
0xb8: {  	v40 =	vmul.f32 v60, v35;
	v57 =	vld [tilespmem:$0x137F0];
	v19 =	vadd.f32 v34, v19  }
0xb9: {  	v44 =	vld [tilespmem:$0x137A0];
	v46 =	vbroadcast v11, $0xC;
	v48 =	vmul.f32 v36, v41;
	v13 =	vadd.f32 v43, v13  }
0xba: {  	v58 =	vld [tilespmem:$0x13800];
	v45 =	vmul.f32 v33, v41;
	v19 =	vadd.f32 v40, v19  }
0xbb: {  	v49 =	vld [tilespmem:$0x137C0];
	v51 =	vbroadcast v11, $0xD;
	v53 =	vmul.f32 v42, v46;
	v13 =	vadd.f32 v48, v13  }
0xbc: {  	v63 =	vld [tilespmem:$0x13820];
	v50 =	vmul.f32 v39, v46;
	v19 =	vadd.f32 v45, v19  }
0xbd: {  	v54 =	vld [tilespmem:$0x137E0];
	v56 =	vbroadcast v11, $0xE;
	v22 =	vmul.f32 v47, v51;
	v20 =	vadd.f32 v53, v13  }
0xbe: {  	v55 =	vmul.f32 v44, v51;
	v61 =	vld [tilespmem:$0x13810];
	v19 =	vadd.f32 v50, v19  }
0xbf: {  	v60 =	vbroadcast v11, $0xF;
	v36 =	vld [tilespmem:$0x13840];
	v62 =	vmul.f32 v52, v56;
	v20 =	vadd.f32 v22, v20  }
0xc0: {  	v59 =	vmul.f32 v49, v56;
	v34 =	vld [tilespmem:$0x13830];
	v19 =	vadd.f32 v55, v19;
	v13 =	vpop (erf)  }
0xc1: {  	v35 =	vmul.f32 v57, v60;
	v41 =	vld [tilespmem:$0x13860];
	v33 =	vbroadcast v13, $0x0;
	v20 =	vadd.f32 v62, v20  }
0xc2: {  	v39 =	vld [tilespmem:$0x13850];
	v32 =	vmul.f32 v54, v60;
	v19 =	vadd.f32 v59, v19  }
0xc3: {  	v46 =	vld [tilespmem:$0x13880];
	v38 =	vbroadcast v13, $0x1;
	v40 =	vmul.f32 v61, v33;
	v20 =	vadd.f32 v35, v20  }
0xc4: {  	v44 =	vld [tilespmem:$0x13870];
	v37 =	vmul.f32 v58, v33;
	v19 =	vadd.f32 v32, v19  }
0xc5: {  	v51 =	vld [tilespmem:$0x138A0];
	v43 =	vbroadcast v13, $0x2;
	v45 =	vmul.f32 v34, v38;
	v20 =	vadd.f32 v40, v20  }
0xc6: {  	v49 =	vld [tilespmem:$0x13890];
	v42 =	vmul.f32 v63, v38;
	v19 =	vadd.f32 v37, v19  }
0xc7: {  	v56 =	vld [tilespmem:$0x138C0];
	v48 =	vbroadcast v13, $0x3;
	v50 =	vmul.f32 v39, v43;
	v20 =	vadd.f32 v45, v20  }
0xc8: {  	v54 =	vld [tilespmem:$0x138B0];
	v47 =	vmul.f32 v36, v43;
	v19 =	vadd.f32 v42, v19  }
0xc9: {  	v53 =	vbroadcast v13, $0x4;
	v59 =	vld [tilespmem:$0x138D0];
	v55 =	vmul.f32 v44, v48;
	v20 =	vadd.f32 v50, v20  }
0xca: {  	v52 =	vmul.f32 v41, v48;
	v61 =	vld [tilespmem:$0x138E0];
	v19 =	vadd.f32 v47, v19  }
0xcb: {  	v58 =	vbroadcast v13, $0x5;
	v60 =	vmul.f32 v49, v53;
	v34 =	vld [tilespmem:$0x13900];
	v20 =	vadd.f32 v55, v20  }
0xcc: {  	v57 =	vmul.f32 v46, v53;
	v32 =	vld [tilespmem:$0x138F0];
	v19 =	vadd.f32 v52, v19  }
0xcd: {  	v63 =	vbroadcast v13, $0x6;
	v39 =	vld [tilespmem:$0x13920];
	v33 =	vmul.f32 v54, v58;
	v20 =	vadd.f32 v60, v20  }
0xce: {  	v62 =	vmul.f32 v51, v58;
	v37 =	vld [tilespmem:$0x13910];
	v19 =	vadd.f32 v57, v19  }
0xcf: {  	v36 =	vbroadcast v13, $0x7;
	v44 =	vld [tilespmem:$0x13940];
	v38 =	vmul.f32 v59, v63;
	v20 =	vadd.f32 v33, v20  }
0xd0: {  	v15 =	vcvt.s32.f32 v15;
	v35 =	vmul.f32 v56, v63;
	v42 =	vld [tilespmem:$0x13930];
	v19 =	vadd.f32 v62, v19  }
0xd1: {  	v41 =	vbroadcast v13, $0x8;
	v49 =	vld [tilespmem:$0x13960];
	v43 =	vmul.f32 v32, v36;
	v20 =	vadd.f32 v38, v20  }
0xd2: {  	v15 =	vmul.f32 $-5.000000000e-01, v15;
	v40 =	vmul.f32 v61, v36;
	v47 =	vld [tilespmem:$0x13950];
	v19 =	vadd.f32 v35, v19  }
0xd3: {  	v46 =	vbroadcast v13, $0x9;
	v58 =	vld [tilespmem:$0x13990];
	v48 =	vmul.f32 v37, v41;
	v20 =	vadd.f32 v43, v20  }
0xd4: {  	v15 =	vmul.f32 $1.442695020e+00, v15;
	v45 =	vmul.f32 v34, v41;
	v52 =	vld [tilespmem:$0x13970];
	v19 =	vadd.f32 v40, v19  }
0xd5: {  	v51 =	vbroadcast v13, $0xA;
	v63 =	vld [tilespmem:$0x139B0];
	v54 =	vmul.f32 v42, v46;
	v53 =	vadd.f32 v48, v20  }
0xd6: {  	(erf) = vpow2.f32 v15;
	v36 =	vld [tilespmem:$0x139D0];
	v50 =	vmul.f32 v39, v46;
	v19 =	vadd.f32 v45, v19  }
0xd7: {  	v55 =	vld [tilespmem:$0x13980];
	v57 =	vbroadcast v13, $0xB;
	v59 =	vmul.f32 v47, v51;
	v15 =	vadd.f32 v54, v53  }
0xd8: {  	v56 =	vmul.f32 v44, v51;
	v41 =	vld [tilespmem:$0x139F0];
	v19 =	vadd.f32 v50, v19  }
0xd9: {  	v60 =	vld [tilespmem:$0x139A0];
	v62 =	vbroadcast v13, $0xC;
	v32 =	vmul.f32 v52, v57;
	v15 =	vadd.f32 v59, v15  }
0xda: {  	v42 =	vld [tilespmem:$0x13A00];
	v61 =	vmul.f32 v49, v57;
	v19 =	vadd.f32 v56, v19  }
0xdb: {  	v33 =	vld [tilespmem:$0x139C0];
	v35 =	vbroadcast v13, $0xD;
	v37 =	vmul.f32 v58, v62;
	v15 =	vadd.f32 v32, v15  }
0xdc: {  	v47 =	vld [tilespmem:$0x13A20];
	v34 =	vmul.f32 v55, v62;
	v19 =	vadd.f32 v61, v19  }
0xdd: {  	v38 =	vld [tilespmem:$0x139E0];
	v40 =	vbroadcast v13, $0xE;
	v22 =	vmul.f32 v63, v35;
	v20 =	vadd.f32 v37, v15  }
0xde: {  	v39 =	vmul.f32 v60, v35;
	v45 =	vld [tilespmem:$0x13A10];
	v19 =	vadd.f32 v34, v19  }
0xdf: {  	v44 =	vbroadcast v13, $0xF;
	v52 =	vld [tilespmem:$0x13A40];
	v46 =	vmul.f32 v36, v40;
	v20 =	vadd.f32 v22, v20  }
0xe0: {  	v43 =	vmul.f32 v33, v40;
	v50 =	vld [tilespmem:$0x13A30];
	v19 =	vadd.f32 v39, v19;
	v15 =	vpop (erf)  }
0xe1: {  	v51 =	vmul.f32 v41, v44;
	v57 =	vld [tilespmem:$0x13A60];
	v49 =	vbroadcast v15, $0x0;
	v20 =	vadd.f32 v46, v20  }
0xe2: {  	v55 =	vld [tilespmem:$0x13A50];
	v48 =	vmul.f32 v38, v44;
	v19 =	vadd.f32 v43, v19  }
0xe3: {  	v62 =	vld [tilespmem:$0x13A80];
	v54 =	vbroadcast v15, $0x1;
	v56 =	vmul.f32 v45, v49;
	v20 =	vadd.f32 v51, v20  }
0xe4: {  	v60 =	vld [tilespmem:$0x13A70];
	v53 =	vmul.f32 v42, v49;
	v19 =	vadd.f32 v48, v19  }
0xe5: {  	v35 =	vld [tilespmem:$0x13AA0];
	v59 =	vbroadcast v15, $0x2;
	v61 =	vmul.f32 v50, v54;
	v20 =	vadd.f32 v56, v20  }
0xe6: {  	v33 =	vld [tilespmem:$0x13A90];
	v58 =	vmul.f32 v47, v54;
	v19 =	vadd.f32 v53, v19  }
0xe7: {  	v40 =	vld [tilespmem:$0x13AC0];
	v32 =	vbroadcast v15, $0x3;
	v34 =	vmul.f32 v55, v59;
	v20 =	vadd.f32 v61, v20  }
0xe8: {  	v38 =	vld [tilespmem:$0x13AB0];
	v63 =	vmul.f32 v52, v59;
	v19 =	vadd.f32 v58, v19  }
0xe9: {  	v37 =	vbroadcast v15, $0x4;
	v43 =	vld [tilespmem:$0x13AD0];
	v39 =	vmul.f32 v60, v32;
	v20 =	vadd.f32 v34, v20  }
0xea: {  	v36 =	vmul.f32 v57, v32;
	v45 =	vld [tilespmem:$0x13AE0];
	v19 =	vadd.f32 v63, v19  }
0xeb: {  	v42 =	vbroadcast v15, $0x5;
	v44 =	vmul.f32 v33, v37;
	v50 =	vld [tilespmem:$0x13B00];
	v20 =	vadd.f32 v39, v20  }
0xec: {  	v41 =	vmul.f32 v62, v37;
	v48 =	vld [tilespmem:$0x13AF0];
	v19 =	vadd.f32 v36, v19  }
0xed: {  	v47 =	vbroadcast v15, $0x6;
	v55 =	vld [tilespmem:$0x13B20];
	v49 =	vmul.f32 v38, v42;
	v20 =	vadd.f32 v44, v20  }
0xee: {  	v46 =	vmul.f32 v35, v42;
	v53 =	vld [tilespmem:$0x13B10];
	v19 =	vadd.f32 v41, v19  }
0xef: {  	v52 =	vbroadcast v15, $0x7;
	v60 =	vld [tilespmem:$0x13B40];
	v54 =	vmul.f32 v43, v47;
	v20 =	vadd.f32 v49, v20  }
0xf0: {  	v16 =	vcvt.s32.f32 v16;
	v51 =	vmul.f32 v40, v47;
	v58 =	vld [tilespmem:$0x13B30];
	v19 =	vadd.f32 v46, v19  }
0xf1: {  	v57 =	vbroadcast v15, $0x8;
	v33 =	vld [tilespmem:$0x13B60];
	v59 =	vmul.f32 v48, v52;
	v20 =	vadd.f32 v54, v20  }
0xf2: {  	v16 =	vmul.f32 $-5.000000000e-01, v16;
	v56 =	vmul.f32 v45, v52;
	v63 =	vld [tilespmem:$0x13B50];
	v19 =	vadd.f32 v51, v19  }
0xf3: {  	v62 =	vbroadcast v15, $0x9;
	v42 =	vld [tilespmem:$0x13B90];
	v32 =	vmul.f32 v53, v57;
	v20 =	vadd.f32 v59, v20  }
0xf4: {  	v16 =	vmul.f32 $1.442695020e+00, v16;
	v61 =	vmul.f32 v50, v57;
	v36 =	vld [tilespmem:$0x13B70];
	v19 =	vadd.f32 v56, v19  }
0xf5: {  	v35 =	vbroadcast v15, $0xA;
	v47 =	vld [tilespmem:$0x13BB0];
	v38 =	vmul.f32 v58, v62;
	v37 =	vadd.f32 v32, v20  }
0xf6: {  	(erf) = vpow2.f32 v16;
	v52 =	vld [tilespmem:$0x13BD0];
	v34 =	vmul.f32 v55, v62;
	v19 =	vadd.f32 v61, v19  }
0xf7: {  	v39 =	vld [tilespmem:$0x13B80];
	v41 =	vbroadcast v15, $0xB;
	v43 =	vmul.f32 v63, v35;
	v16 =	vadd.f32 v38, v37  }
0xf8: {  	v40 =	vmul.f32 v60, v35;
	v57 =	vld [tilespmem:$0x13BF0];
	v19 =	vadd.f32 v34, v19  }
0xf9: {  	v44 =	vld [tilespmem:$0x13BA0];
	v46 =	vbroadcast v15, $0xC;
	v48 =	vmul.f32 v36, v41;
	v16 =	vadd.f32 v43, v16  }
0xfa: {  	v58 =	vld [tilespmem:$0x13C00];
	v45 =	vmul.f32 v33, v41;
	v19 =	vadd.f32 v40, v19  }
0xfb: {  	v49 =	vld [tilespmem:$0x13BC0];
	v51 =	vbroadcast v15, $0xD;
	v53 =	vmul.f32 v42, v46;
	v16 =	vadd.f32 v48, v16  }
0xfc: {  	v63 =	vld [tilespmem:$0x13C20];
	v50 =	vmul.f32 v39, v46;
	v19 =	vadd.f32 v45, v19  }
0xfd: {  	v54 =	vld [tilespmem:$0x13BE0];
	v56 =	vbroadcast v15, $0xE;
	v22 =	vmul.f32 v47, v51;
	v20 =	vadd.f32 v53, v16  }
0xfe: {  	v55 =	vmul.f32 v44, v51;
	v61 =	vld [tilespmem:$0x13C10];
	v19 =	vadd.f32 v50, v19  }
0xff: {  	v60 =	vbroadcast v15, $0xF;
	v36 =	vld [tilespmem:$0x13C40];
	v62 =	vmul.f32 v52, v56;
	v20 =	vadd.f32 v22, v20  }
0x100: {  	v59 =	vmul.f32 v49, v56;
	v34 =	vld [tilespmem:$0x13C30];
	v19 =	vadd.f32 v55, v19;
	v16 =	vpop (erf)  }
0x101: {  	v35 =	vmul.f32 v57, v60;
	v41 =	vld [tilespmem:$0x13C60];
	v33 =	vbroadcast v16, $0x0;
	v20 =	vadd.f32 v62, v20  }
0x102: {  	v39 =	vld [tilespmem:$0x13C50];
	v32 =	vmul.f32 v54, v60;
	v19 =	vadd.f32 v59, v19  }
0x103: {  	v46 =	vld [tilespmem:$0x13C80];
	v38 =	vbroadcast v16, $0x1;
	v40 =	vmul.f32 v61, v33;
	v20 =	vadd.f32 v35, v20  }
0x104: {  	v44 =	vld [tilespmem:$0x13C70];
	v37 =	vmul.f32 v58, v33;
	v19 =	vadd.f32 v32, v19  }
0x105: {  	v51 =	vld [tilespmem:$0x13CA0];
	v43 =	vbroadcast v16, $0x2;
	v45 =	vmul.f32 v34, v38;
	v20 =	vadd.f32 v40, v20  }
0x106: {  	v49 =	vld [tilespmem:$0x13C90];
	v42 =	vmul.f32 v63, v38;
	v19 =	vadd.f32 v37, v19  }
0x107: {  	v56 =	vld [tilespmem:$0x13CC0];
	v48 =	vbroadcast v16, $0x3;
	v50 =	vmul.f32 v39, v43;
	v20 =	vadd.f32 v45, v20  }
0x108: {  	v54 =	vld [tilespmem:$0x13CB0];
	v47 =	vmul.f32 v36, v43;
	v19 =	vadd.f32 v42, v19  }
0x109: {  	v53 =	vbroadcast v16, $0x4;
	v59 =	vld [tilespmem:$0x13CD0];
	v55 =	vmul.f32 v44, v48;
	v20 =	vadd.f32 v50, v20  }
0x10a: {  	v52 =	vmul.f32 v41, v48;
	v61 =	vld [tilespmem:$0x13CE0];
	v19 =	vadd.f32 v47, v19  }
0x10b: {  	v58 =	vbroadcast v16, $0x5;
	v60 =	vmul.f32 v49, v53;
	v34 =	vld [tilespmem:$0x13D00];
	v20 =	vadd.f32 v55, v20  }
0x10c: {  	v57 =	vmul.f32 v46, v53;
	v32 =	vld [tilespmem:$0x13CF0];
	v19 =	vadd.f32 v52, v19  }
0x10d: {  	v63 =	vbroadcast v16, $0x6;
	v39 =	vld [tilespmem:$0x13D20];
	v33 =	vmul.f32 v54, v58;
	v20 =	vadd.f32 v60, v20  }
0x10e: {  	v62 =	vmul.f32 v51, v58;
	v37 =	vld [tilespmem:$0x13D10];
	v19 =	vadd.f32 v57, v19  }
0x10f: {  	v36 =	vbroadcast v16, $0x7;
	v44 =	vld [tilespmem:$0x13D40];
	v38 =	vmul.f32 v59, v63;
	v20 =	vadd.f32 v33, v20  }
0x110: {  	v18 =	vcvt.s32.f32 v18;
	v35 =	vmul.f32 v56, v63;
	v42 =	vld [tilespmem:$0x13D30];
	v19 =	vadd.f32 v62, v19  }
0x111: {  	v41 =	vbroadcast v16, $0x8;
	v49 =	vld [tilespmem:$0x13D60];
	v43 =	vmul.f32 v32, v36;
	v20 =	vadd.f32 v38, v20  }
0x112: {  	v18 =	vmul.f32 $-5.000000000e-01, v18;
	v40 =	vmul.f32 v61, v36;
	v47 =	vld [tilespmem:$0x13D50];
	v19 =	vadd.f32 v35, v19  }
0x113: {  	v46 =	vbroadcast v16, $0x9;
	v58 =	vld [tilespmem:$0x13D90];
	v48 =	vmul.f32 v37, v41;
	v20 =	vadd.f32 v43, v20  }
0x114: {  	v18 =	vmul.f32 $1.442695020e+00, v18;
	v45 =	vmul.f32 v34, v41;
	v52 =	vld [tilespmem:$0x13D70];
	v19 =	vadd.f32 v40, v19  }
0x115: {  	v51 =	vbroadcast v16, $0xA;
	v63 =	vld [tilespmem:$0x13DB0];
	v54 =	vmul.f32 v42, v46;
	v53 =	vadd.f32 v48, v20  }
0x116: {  	(erf) = vpow2.f32 v18;
	v36 =	vld [tilespmem:$0x13DD0];
	v50 =	vmul.f32 v39, v46;
	v19 =	vadd.f32 v45, v19  }
0x117: {  	v55 =	vld [tilespmem:$0x13D80];
	v57 =	vbroadcast v16, $0xB;
	v59 =	vmul.f32 v47, v51;
	v18 =	vadd.f32 v54, v53  }
0x118: {  	v56 =	vmul.f32 v44, v51;
	v41 =	vld [tilespmem:$0x13DF0];
	v19 =	vadd.f32 v50, v19  }
0x119: {  	v60 =	vld [tilespmem:$0x13DA0];
	v62 =	vbroadcast v16, $0xC;
	v32 =	vmul.f32 v52, v57;
	v18 =	vadd.f32 v59, v18  }
0x11a: {  	v42 =	vld [tilespmem:$0x13E00];
	v61 =	vmul.f32 v49, v57;
	v19 =	vadd.f32 v56, v19  }
0x11b: {  	v33 =	vld [tilespmem:$0x13DC0];
	v35 =	vbroadcast v16, $0xD;
	v37 =	vmul.f32 v58, v62;
	v18 =	vadd.f32 v32, v18  }
0x11c: {  	v47 =	vld [tilespmem:$0x13E20];
	v34 =	vmul.f32 v55, v62;
	v19 =	vadd.f32 v61, v19  }
0x11d: {  	v38 =	vld [tilespmem:$0x13DE0];
	v40 =	vbroadcast v16, $0xE;
	v22 =	vmul.f32 v63, v35;
	v20 =	vadd.f32 v37, v18  }
0x11e: {  	v39 =	vmul.f32 v60, v35;
	v45 =	vld [tilespmem:$0x13E10];
	v19 =	vadd.f32 v34, v19  }
0x11f: {  	v44 =	vbroadcast v16, $0xF;
	v52 =	vld [tilespmem:$0x13E40];
	v46 =	vmul.f32 v36, v40;
	v20 =	vadd.f32 v22, v20  }
0x120: {  	v43 =	vmul.f32 v33, v40;
	v50 =	vld [tilespmem:$0x13E30];
	v19 =	vadd.f32 v39, v19;
	v18 =	vpop (erf)  }
0x121: {  	v51 =	vmul.f32 v41, v44;
	v57 =	vld [tilespmem:$0x13E60];
	v49 =	vbroadcast v18, $0x0;
	v20 =	vadd.f32 v46, v20  }
0x122: {  	v55 =	vld [tilespmem:$0x13E50];
	v48 =	vmul.f32 v38, v44;
	v19 =	vadd.f32 v43, v19  }
0x123: {  	v62 =	vld [tilespmem:$0x13E80];
	v54 =	vbroadcast v18, $0x1;
	v56 =	vmul.f32 v45, v49;
	v20 =	vadd.f32 v51, v20  }
0x124: {  	v60 =	vld [tilespmem:$0x13E70];
	v53 =	vmul.f32 v42, v49;
	v19 =	vadd.f32 v48, v19  }
0x125: {  	v35 =	vld [tilespmem:$0x13EA0];
	v59 =	vbroadcast v18, $0x2;
	v61 =	vmul.f32 v50, v54;
	v20 =	vadd.f32 v56, v20  }
0x126: {  	v33 =	vld [tilespmem:$0x13E90];
	v58 =	vmul.f32 v47, v54;
	v19 =	vadd.f32 v53, v19  }
0x127: {  	v40 =	vld [tilespmem:$0x13EC0];
	v32 =	vbroadcast v18, $0x3;
	v34 =	vmul.f32 v55, v59;
	v20 =	vadd.f32 v61, v20  }
0x128: {  	v38 =	vld [tilespmem:$0x13EB0];
	v63 =	vmul.f32 v52, v59;
	v19 =	vadd.f32 v58, v19  }
0x129: {  	v37 =	vbroadcast v18, $0x4;
	v43 =	vld [tilespmem:$0x13ED0];
	v39 =	vmul.f32 v60, v32;
	v20 =	vadd.f32 v34, v20  }
0x12a: {  	v36 =	vmul.f32 v57, v32;
	v45 =	vld [tilespmem:$0x13EE0];
	v19 =	vadd.f32 v63, v19  }
0x12b: {  	v42 =	vbroadcast v18, $0x5;
	v44 =	vmul.f32 v33, v37;
	v50 =	vld [tilespmem:$0x13F00];
	v20 =	vadd.f32 v39, v20  }
0x12c: {  	v41 =	vmul.f32 v62, v37;
	v48 =	vld [tilespmem:$0x13EF0];
	v19 =	vadd.f32 v36, v19  }
0x12d: {  	v47 =	vbroadcast v18, $0x6;
	v55 =	vld [tilespmem:$0x13F20];
	v49 =	vmul.f32 v38, v42;
	v20 =	vadd.f32 v44, v20  }
0x12e: {  	v46 =	vmul.f32 v35, v42;
	v53 =	vld [tilespmem:$0x13F10];
	v19 =	vadd.f32 v41, v19  }
0x12f: {  	v52 =	vbroadcast v18, $0x7;
	v60 =	vld [tilespmem:$0x13F40];
	v54 =	vmul.f32 v43, v47;
	v20 =	vadd.f32 v49, v20  }
0x130: {  	v17 =	vcvt.s32.f32 v17;
	v51 =	vmul.f32 v40, v47;
	v58 =	vld [tilespmem:$0x13F30];
	v19 =	vadd.f32 v46, v19  }
0x131: {  	v57 =	vbroadcast v18, $0x8;
	v37 =	vld [tilespmem:$0x13F80];
	v59 =	vmul.f32 v48, v52;
	v20 =	vadd.f32 v54, v20  }
0x132: {  	v17 =	vmul.f32 $-5.000000000e-01, v17;
	v56 =	vmul.f32 v45, v52;
	v63 =	vld [tilespmem:$0x13F50];
	v19 =	vadd.f32 v51, v19  }
0x133: {  	v62 =	vbroadcast v18, $0x9;
	v40 =	vld [tilespmem:$0x13F90];
	v30 =	vmul.f32 v53, v57;
	v20 =	vadd.f32 v59, v20  }
0x134: {  	v17 =	vmul.f32 $1.442695020e+00, v17;
	v61 =	vmul.f32 v50, v57;
	v34 =	vld [tilespmem:$0x13F70];
	v19 =	vadd.f32 v56, v19  }
0x135: {  	v33 =	vbroadcast v18, $0xA;
	v52 =	vld [tilespmem:$0x13FE0];
	v36 =	vmul.f32 v58, v62;
	v35 =	vadd.f32 v30, v20  }
0x136: {  	(erf) = vpow2.f32 v17;
	v42 =	vld [tilespmem:$0x13FA0];
	v32 =	vmul.f32 v55, v62;
	v19 =	vadd.f32 v61, v19  }
0x137: {  	v47 =	vld [tilespmem:$0x13FC0];
	v39 =	vbroadcast v18, $0xB;
	v41 =	vmul.f32 v63, v33;
	v17 =	vadd.f32 v36, v35  }
0x138: {  	v38 =	vmul.f32 v60, v33;
	v45 =	vld [tilespmem:$0x13FB0];
	v58 =	vbroadcast v18, $0xF;
	v19 =	vadd.f32 v32, v19  }
0x139: {  	v50 =	vld [tilespmem:$0x13FD0];
	v44 =	vbroadcast v18, $0xC;
	v46 =	vmul.f32 v34, v39;
	v17 =	vadd.f32 v41, v17  }
0x13a: {  	v55 =	vld [tilespmem:$0x13FF0];
	v43 =	vmul.f32 v31, v39;
	v62 =	vmul.f32 v52, v58;
	v19 =	vadd.f32 v38, v19  }
0x13b: {  	v52 =	vld [tilespmem:$0x140B0];
	v49 =	vbroadcast v18, $0xD;
	v51 =	vmul.f32 v40, v44;
	v17 =	vadd.f32 v46, v17  }
0x13c: {  	v48 =	vmul.f32 v37, v44;
	v34 =	vld [tilespmem:$0x14040];
	v19 =	vadd.f32 v43, v19  }
0x13d: {  	v37 =	vld [tilespmem:$0x14050];
	v54 =	vbroadcast v18, $0xE;
	v22 =	vmul.f32 v45, v49;
	v20 =	vadd.f32 v51, v17  }
0x13e: {  	v53 =	vmul.f32 v42, v49;
	v59 =	vld [tilespmem:$0x14010];
	v19 =	vadd.f32 v48, v19  }
0x13f: {  	v56 =	vld [tilespmem:$0x14000];
	v60 =	vmul.f32 v50, v54;
	v20 =	vadd.f32 v22, v20  }
0x140: {  	v57 =	vmul.f32 v47, v54;
	v32 =	vld [tilespmem:$0x14030];
	v19 =	vadd.f32 v53, v19;
	v17 =	vpop (erf)  }
0x141: {  	v33 =	vmul.f32 v55, v58;
	v61 =	vld [tilespmem:$0x14020];
	v63 =	vbroadcast v17, $0x0;
	v20 =	vadd.f32 v60, v20  }
0x142: {  	v39 =	vld [tilespmem:$0x14060];
	v19 =	vadd.f32 v57, v19  }
0x143: {  	v42 =	vld [tilespmem:$0x14070];
	v36 =	vbroadcast v17, $0x1;
	v38 =	vmul.f32 v59, v63;
	v20 =	vadd.f32 v33, v20  }
0x144: {  	v44 =	vld [tilespmem:$0x14080];
	v35 =	vmul.f32 v56, v63;
	v19 =	vadd.f32 v62, v19  }
0x145: {  	v49 =	vld [tilespmem:$0x140A0];
	v41 =	vbroadcast v17, $0x2;
	v43 =	vmul.f32 v32, v36;
	v20 =	vadd.f32 v38, v20  }
0x146: {  	v47 =	vld [tilespmem:$0x14090];
	v40 =	vmul.f32 v61, v36;
	v19 =	vadd.f32 v35, v19  }
0x147: {  	v54 =	vld [tilespmem:$0x140C0];
	v46 =	vbroadcast v17, $0x3;
	v48 =	vmul.f32 v37, v41;
	v20 =	vadd.f32 v43, v20  }
0x148: {  	v57 =	vld [tilespmem:$0x140D0];
	v45 =	vmul.f32 v34, v41;
	v19 =	vadd.f32 v40, v19  }
0x149: {  	v51 =	vbroadcast v17, $0x4;
	v53 =	vmul.f32 v42, v46;
	v59 =	vld [tilespmem:$0x140E0];
	v20 =	vadd.f32 v48, v20  }
0x14a: {  	v50 =	vmul.f32 v39, v46;
	v32 =	vld [tilespmem:$0x14100];
	v19 =	vadd.f32 v45, v19  }
0x14b: {  	v56 =	vbroadcast v17, $0x5;
	v58 =	vmul.f32 v47, v51;
	v37 =	vld [tilespmem:$0x14120];
	v20 =	vadd.f32 v53, v20  }
0x14c: {  	v55 =	vmul.f32 v44, v51;
	v62 =	vld [tilespmem:$0x140F0];
	v19 =	vadd.f32 v50, v19  }
0x14d: {  	v61 =	vbroadcast v17, $0x6;
	v42 =	vld [tilespmem:$0x14140];
	v63 =	vmul.f32 v52, v56;
	v20 =	vadd.f32 v58, v20  }
0x14e: {  	v60 =	vmul.f32 v49, v56;
	v35 =	vld [tilespmem:$0x14110];
	v19 =	vadd.f32 v55, v19  }
0x14f: {  	v34 =	vbroadcast v17, $0x7;
	v47 =	vld [tilespmem:$0x14160];
	v36 =	vmul.f32 v57, v61;
	v20 =	vadd.f32 v63, v20  }
0x150: {  	v14 =	vcvt.s32.f32 v14;
	v33 =	vmul.f32 v54, v61;
	v40 =	vld [tilespmem:$0x14130];
	v19 =	vadd.f32 v60, v19  }
0x151: {  	v39 =	vbroadcast v17, $0x8;
	v56 =	vld [tilespmem:$0x14190];
	v41 =	vmul.f32 v62, v34;
	v20 =	vadd.f32 v36, v20  }
0x152: {  	v14 =	vmul.f32 $-5.000000000e-01, v14;
	v38 =	vmul.f32 v59, v34;
	v45 =	vld [tilespmem:$0x14150];
	v19 =	vadd.f32 v33, v19  }
0x153: {  	v44 =	vbroadcast v17, $0x9;
	v61 =	vld [tilespmem:$0x141B0];
	v46 =	vmul.f32 v35, v39;
	v20 =	vadd.f32 v41, v20  }
0x154: {  	v14 =	vmul.f32 $1.442695020e+00, v14;
	v43 =	vmul.f32 v32, v39;
	v50 =	vld [tilespmem:$0x14170];
	v19 =	vadd.f32 v38, v19  }
0x155: {  	v49 =	vbroadcast v17, $0xA;
	v34 =	vld [tilespmem:$0x141D0];
	v52 =	vmul.f32 v40, v44;
	v51 =	vadd.f32 v46, v20  }
0x156: {  	(erf) = vpow2.f32 v14;
	v48 =	vmul.f32 v37, v44;
	v39 =	vld [tilespmem:$0x141F0];
	v19 =	vadd.f32 v43, v19  }
0x157: {  	v53 =	vld [tilespmem:$0x14180];
	v55 =	vbroadcast v17, $0xB;
	v57 =	vmul.f32 v45, v49;
	v14 =	vadd.f32 v52, v51  }
0x158: {  	v54 =	vmul.f32 v42, v49;
	v40 =	vld [tilespmem:$0x14200];
	v19 =	vadd.f32 v48, v19  }
0x159: {  	v58 =	vld [tilespmem:$0x141A0];
	v60 =	vbroadcast v17, $0xC;
	v62 =	vmul.f32 v50, v55;
	v14 =	vadd.f32 v57, v14  }
0x15a: {  	v45 =	vld [tilespmem:$0x14220];
	v59 =	vmul.f32 v47, v55;
	v19 =	vadd.f32 v54, v19  }
0x15b: {  	v63 =	vld [tilespmem:$0x141C0];
	v33 =	vbroadcast v17, $0xD;
	v35 =	vmul.f32 v56, v60;
	v14 =	vadd.f32 v62, v14  }
0x15c: {  	v50 =	vld [tilespmem:$0x14240];
	v32 =	vmul.f32 v53, v60;
	v19 =	vadd.f32 v59, v19  }
0x15d: {  	v36 =	vld [tilespmem:$0x141E0];
	v38 =	vbroadcast v17, $0xE;
	v22 =	vmul.f32 v61, v33;
	v20 =	vadd.f32 v35, v14  }
0x15e: {  	v37 =	vmul.f32 v58, v33;
	v43 =	vld [tilespmem:$0x14210];
	v19 =	vadd.f32 v32, v19  }
0x15f: {  	v42 =	vbroadcast v17, $0xF;
	v55 =	vld [tilespmem:$0x14260];
	v44 =	vmul.f32 v34, v38;
	v20 =	vadd.f32 v22, v20  }
0x160: {  	v41 =	vmul.f32 v63, v38;
	v48 =	vld [tilespmem:$0x14230];
	v19 =	vadd.f32 v37, v19;
	v14 =	vpop (erf)  }
0x161: {  	v49 =	vmul.f32 v39, v42;
	v53 =	vld [tilespmem:$0x14250];
	v47 =	vbroadcast v14, $0x0;
	v20 =	vadd.f32 v44, v20  }
0x162: {  	v60 =	vld [tilespmem:$0x14280];
	v46 =	vmul.f32 v36, v42;
	v19 =	vadd.f32 v41, v19  }
0x163: {  	v58 =	vld [tilespmem:$0x14270];
	v52 =	vbroadcast v14, $0x1;
	v54 =	vmul.f32 v43, v47;
	v20 =	vadd.f32 v49, v20  }
0x164: {  	v33 =	vld [tilespmem:$0x142A0];
	v51 =	vmul.f32 v40, v47;
	v19 =	vadd.f32 v46, v19  }
0x165: {  	v63 =	vld [tilespmem:$0x14290];
	v57 =	vbroadcast v14, $0x2;
	v59 =	vmul.f32 v48, v52;
	v20 =	vadd.f32 v54, v20  }
0x166: {  	v38 =	vld [tilespmem:$0x142C0];
	v56 =	vmul.f32 v45, v52;
	v19 =	vadd.f32 v51, v19  }
0x167: {  	v36 =	vld [tilespmem:$0x142B0];
	v62 =	vbroadcast v14, $0x3;
	v32 =	vmul.f32 v53, v57;
	v20 =	vadd.f32 v59, v20  }
0x168: {  	v41 =	vld [tilespmem:$0x142D0];
	v61 =	vmul.f32 v50, v57;
	v19 =	vadd.f32 v56, v19  }
0x169: {  	v35 =	vbroadcast v14, $0x4;
	v37 =	vmul.f32 v58, v62;
	v43 =	vld [tilespmem:$0x142E0];
	v20 =	vadd.f32 v32, v20  }
0x16a: {  	v34 =	vmul.f32 v55, v62;
	v48 =	vld [tilespmem:$0x14300];
	v19 =	vadd.f32 v61, v19  }
0x16b: {  	v40 =	vbroadcast v14, $0x5;
	v42 =	vmul.f32 v63, v35;
	v53 =	vld [tilespmem:$0x14320];
	v20 =	vadd.f32 v37, v20  }
0x16c: {  	v39 =	vmul.f32 v60, v35;
	v46 =	vld [tilespmem:$0x142F0];
	v19 =	vadd.f32 v34, v19  }
0x16d: {  	v45 =	vbroadcast v14, $0x6;
	v58 =	vld [tilespmem:$0x14340];
	v47 =	vmul.f32 v36, v40;
	v20 =	vadd.f32 v42, v20  }
0x16e: {  	v44 =	vmul.f32 v33, v40;
	v51 =	vld [tilespmem:$0x14310];
	v19 =	vadd.f32 v39, v19  }
0x16f: {  	v50 =	vbroadcast v14, $0x7;
	v63 =	vld [tilespmem:$0x14360];
	v52 =	vmul.f32 v41, v45;
	v20 =	vadd.f32 v47, v20  }
0x170: {  	v12 =	vcvt.s32.f32 v12;
	v49 =	vmul.f32 v38, v45;
	v56 =	vld [tilespmem:$0x14330];
	v19 =	vadd.f32 v44, v19  }
0x171: {  	v55 =	vbroadcast v14, $0x8;
	v35 =	vld [tilespmem:$0x14380];
	v57 =	vmul.f32 v46, v50;
	v20 =	vadd.f32 v52, v20  }
0x172: {  	v12 =	vmul.f32 $-5.000000000e-01, v12;
	v54 =	vmul.f32 v43, v50;
	v61 =	vld [tilespmem:$0x14350];
	v19 =	vadd.f32 v49, v19  }
0x173: {  	v60 =	vbroadcast v14, $0x9;
	v38 =	vld [tilespmem:$0x14390];
	v62 =	vmul.f32 v51, v55;
	v20 =	vadd.f32 v57, v20  }
0x174: {  	v12 =	vmul.f32 $1.442695020e+00, v12;
	v59 =	vmul.f32 v48, v55;
	v32 =	vld [tilespmem:$0x14370];
	v19 =	vadd.f32 v54, v19  }
0x175: {  	v31 =	vbroadcast v14, $0xA;
	v50 =	vld [tilespmem:$0x143E0];
	v34 =	vmul.f32 v56, v60;
	v33 =	vadd.f32 v62, v20  }
0x176: {  	(erf) = vpow2.f32 v12;
	v40 =	vld [tilespmem:$0x143A0];
	v30 =	vmul.f32 v53, v60;
	v19 =	vadd.f32 v59, v19  }
0x177: {  	v45 =	vld [tilespmem:$0x143C0];
	v37 =	vbroadcast v14, $0xB;
	v39 =	vmul.f32 v61, v31;
	v12 =	vadd.f32 v34, v33  }
0x178: {  	v36 =	vmul.f32 v58, v31;
	v43 =	vld [tilespmem:$0x143B0];
	v56 =	vbroadcast v14, $0xF;
	v19 =	vadd.f32 v30, v19  }
0x179: {  	v48 =	vld [tilespmem:$0x143D0];
	v42 =	vbroadcast v14, $0xC;
	v44 =	vmul.f32 v32, v37;
	v12 =	vadd.f32 v39, v12  }
0x17a: {  	v53 =	vld [tilespmem:$0x143F0];
	v41 =	vmul.f32 v63, v37;
	v60 =	vmul.f32 v50, v56;
	v19 =	vadd.f32 v36, v19  }
0x17b: {  	v50 =	vld [tilespmem:$0x144B0];
	v47 =	vbroadcast v14, $0xD;
	v49 =	vmul.f32 v38, v42;
	v12 =	vadd.f32 v44, v12  }
0x17c: {  	v46 =	vmul.f32 v35, v42;
	v32 =	vld [tilespmem:$0x14440];
	v19 =	vadd.f32 v41, v19  }
0x17d: {  	v35 =	vld [tilespmem:$0x14450];
	v52 =	vbroadcast v14, $0xE;
	v22 =	vmul.f32 v43, v47;
	v20 =	vadd.f32 v49, v12  }
0x17e: {  	v51 =	vmul.f32 v40, v47;
	v57 =	vld [tilespmem:$0x14410];
	v19 =	vadd.f32 v46, v19  }
0x17f: {  	v54 =	vld [tilespmem:$0x14400];
	v58 =	vmul.f32 v48, v52;
	v20 =	vadd.f32 v22, v20  }
0x180: {  	v55 =	vmul.f32 v45, v52;
	v62 =	vld [tilespmem:$0x14430];
	v19 =	vadd.f32 v51, v19;
	v12 =	vpop (erf)  }
0x181: {  	v63 =	vmul.f32 v53, v56;
	v59 =	vld [tilespmem:$0x14420];
	v61 =	vbroadcast v12, $0x0;
	v20 =	vadd.f32 v58, v20  }
0x182: {  	v37 =	vld [tilespmem:$0x14460];
	v19 =	vadd.f32 v55, v19  }
0x183: {  	v40 =	vld [tilespmem:$0x14470];
	v34 =	vbroadcast v12, $0x1;
	v36 =	vmul.f32 v57, v61;
	v20 =	vadd.f32 v63, v20  }
0x184: {  	v42 =	vld [tilespmem:$0x14480];
	v33 =	vmul.f32 v54, v61;
	v19 =	vadd.f32 v60, v19  }
0x185: {  	v47 =	vld [tilespmem:$0x144A0];
	v39 =	vbroadcast v12, $0x2;
	v41 =	vmul.f32 v62, v34;
	v20 =	vadd.f32 v36, v20  }
0x186: {  	v45 =	vld [tilespmem:$0x14490];
	v38 =	vmul.f32 v59, v34;
	v19 =	vadd.f32 v33, v19  }
0x187: {  	v52 =	vld [tilespmem:$0x144C0];
	v44 =	vbroadcast v12, $0x3;
	v46 =	vmul.f32 v35, v39;
	v20 =	vadd.f32 v41, v20  }
0x188: {  	v55 =	vld [tilespmem:$0x144D0];
	v43 =	vmul.f32 v32, v39;
	v19 =	vadd.f32 v38, v19  }
0x189: {  	v49 =	vbroadcast v12, $0x4;
	v51 =	vmul.f32 v40, v44;
	v57 =	vld [tilespmem:$0x144E0];
	v20 =	vadd.f32 v46, v20  }
0x18a: {  	v48 =	vmul.f32 v37, v44;
	v62 =	vld [tilespmem:$0x14500];
	v19 =	vadd.f32 v43, v19  }
0x18b: {  	v54 =	vbroadcast v12, $0x5;
	v56 =	vmul.f32 v45, v49;
	v35 =	vld [tilespmem:$0x14520];
	v20 =	vadd.f32 v51, v20  }
0x18c: {  	v53 =	vmul.f32 v42, v49;
	v60 =	vld [tilespmem:$0x144F0];
	v19 =	vadd.f32 v48, v19  }
0x18d: {  	v59 =	vbroadcast v12, $0x6;
	v40 =	vld [tilespmem:$0x14540];
	v61 =	vmul.f32 v50, v54;
	v20 =	vadd.f32 v56, v20  }
0x18e: {  	v58 =	vmul.f32 v47, v54;
	v33 =	vld [tilespmem:$0x14510];
	v19 =	vadd.f32 v53, v19  }
0x18f: {  	v32 =	vbroadcast v12, $0x7;
	v45 =	vld [tilespmem:$0x14560];
	v34 =	vmul.f32 v55, v59;
	v20 =	vadd.f32 v61, v20  }
0x190: {  	v10 =	vcvt.s32.f32 v10;
	v63 =	vmul.f32 v52, v59;
	v38 =	vld [tilespmem:$0x14530];
	v19 =	vadd.f32 v58, v19  }
0x191: {  	v37 =	vbroadcast v12, $0x8;
	v54 =	vld [tilespmem:$0x14590];
	v39 =	vmul.f32 v60, v32;
	v20 =	vadd.f32 v34, v20  }
0x192: {  	v10 =	vmul.f32 $-5.000000000e-01, v10;
	v36 =	vmul.f32 v57, v32;
	v43 =	vld [tilespmem:$0x14550];
	v19 =	vadd.f32 v63, v19  }
0x193: {  	v42 =	vbroadcast v12, $0x9;
	v59 =	vld [tilespmem:$0x145B0];
	v44 =	vmul.f32 v33, v37;
	v20 =	vadd.f32 v39, v20  }
0x194: {  	v10 =	vmul.f32 $1.442695020e+00, v10;
	v41 =	vmul.f32 v62, v37;
	v48 =	vld [tilespmem:$0x14570];
	v19 =	vadd.f32 v36, v19  }
0x195: {  	v47 =	vbroadcast v12, $0xA;
	v32 =	vld [tilespmem:$0x145D0];
	v50 =	vmul.f32 v38, v42;
	v49 =	vadd.f32 v44, v20  }
0x196: {  	(erf) = vpow2.f32 v10;
	v46 =	vmul.f32 v35, v42;
	v37 =	vld [tilespmem:$0x145F0];
	v19 =	vadd.f32 v41, v19  }
0x197: {  	v51 =	vld [tilespmem:$0x14580];
	v53 =	vbroadcast v12, $0xB;
	v55 =	vmul.f32 v43, v47;
	v10 =	vadd.f32 v50, v49  }
0x198: {  	v52 =	vmul.f32 v40, v47;
	v38 =	vld [tilespmem:$0x14600];
	v19 =	vadd.f32 v46, v19  }
0x199: {  	v56 =	vld [tilespmem:$0x145A0];
	v58 =	vbroadcast v12, $0xC;
	v60 =	vmul.f32 v48, v53;
	v10 =	vadd.f32 v55, v10  }
0x19a: {  	v43 =	vld [tilespmem:$0x14620];
	v57 =	vmul.f32 v45, v53;
	v19 =	vadd.f32 v52, v19  }
0x19b: {  	v61 =	vld [tilespmem:$0x145C0];
	v63 =	vbroadcast v12, $0xD;
	v33 =	vmul.f32 v54, v58;
	v10 =	vadd.f32 v60, v10  }
0x19c: {  	v48 =	vld [tilespmem:$0x14640];
	v62 =	vmul.f32 v51, v58;
	v19 =	vadd.f32 v57, v19  }
0x19d: {  	v34 =	vld [tilespmem:$0x145E0];
	v36 =	vbroadcast v12, $0xE;
	v22 =	vmul.f32 v59, v63;
	v20 =	vadd.f32 v33, v10  }
0x19e: {  	v35 =	vmul.f32 v56, v63;
	v41 =	vld [tilespmem:$0x14610];
	v19 =	vadd.f32 v62, v19  }
0x19f: {  	v40 =	vbroadcast v12, $0xF;
	v53 =	vld [tilespmem:$0x14660];
	v42 =	vmul.f32 v32, v36;
	v20 =	vadd.f32 v22, v20  }
0x1a0: {  	v39 =	vmul.f32 v61, v36;
	v46 =	vld [tilespmem:$0x14630];
	v19 =	vadd.f32 v35, v19;
	v10 =	vpop (erf)  }
0x1a1: {  	v47 =	vmul.f32 v37, v40;
	v51 =	vld [tilespmem:$0x14650];
	v45 =	vbroadcast v10, $0x0;
	v20 =	vadd.f32 v42, v20  }
0x1a2: {  	v58 =	vld [tilespmem:$0x14680];
	v44 =	vmul.f32 v34, v40;
	v19 =	vadd.f32 v39, v19  }
0x1a3: {  	v56 =	vld [tilespmem:$0x14670];
	v50 =	vbroadcast v10, $0x1;
	v52 =	vmul.f32 v41, v45;
	v20 =	vadd.f32 v47, v20  }
0x1a4: {  	v63 =	vld [tilespmem:$0x146A0];
	v49 =	vmul.f32 v38, v45;
	v19 =	vadd.f32 v44, v19  }
0x1a5: {  	v61 =	vld [tilespmem:$0x14690];
	v55 =	vbroadcast v10, $0x2;
	v57 =	vmul.f32 v46, v50;
	v20 =	vadd.f32 v52, v20  }
0x1a6: {  	v40 =	vld [tilespmem:$0x146E0];
	v54 =	vmul.f32 v43, v50;
	v19 =	vadd.f32 v49, v19  }
0x1a7: {  	v33 =	vld [tilespmem:$0x146B0];
	v60 =	vbroadcast v10, $0x3;
	v62 =	vmul.f32 v51, v55;
	v20 =	vadd.f32 v57, v20  }
0x1a8: {  	v35 =	vld [tilespmem:$0x146C0];
	v59 =	vmul.f32 v48, v55;
	v19 =	vadd.f32 v54, v19  }
0x1a9: {  	v32 =	vbroadcast v10, $0x4;
	v34 =	vmul.f32 v56, v60;
	v38 =	vld [tilespmem:$0x146D0];
	v20 =	vadd.f32 v62, v20  }
0x1aa: {  	v31 =	vmul.f32 v53, v60;
	v43 =	vld [tilespmem:$0x146F0];
	v19 =	vadd.f32 v59, v19  }
0x1ab: {  	v37 =	vbroadcast v10, $0x5;
	v39 =	vmul.f32 v61, v32;
	v45 =	vld [tilespmem:$0x14700];
	v20 =	vadd.f32 v34, v20  }
0x1ac: {  	v8 =	vcvt.s32.f32 v8;
	v36 =	vmul.f32 v58, v32;
	v48 =	vld [tilespmem:$0x14710];
	v19 =	vadd.f32 v31, v19  }
0x1ad: {  	v42 =	vbroadcast v10, $0x6;
	v50 =	vld [tilespmem:$0x14720];
	v44 =	vmul.f32 v33, v37;
	v20 =	vadd.f32 v39, v20  }
0x1ae: {  	v8 =	vmul.f32 $-5.000000000e-01, v8;
	v41 =	vmul.f32 v63, v37;
	v53 =	vld [tilespmem:$0x14730];
	v19 =	vadd.f32 v36, v19  }
0x1af: {  	v55 =	vld [tilespmem:$0x14740];
	v47 =	vbroadcast v10, $0x7;
	v49 =	vmul.f32 v38, v42;
	v20 =	vadd.f32 v44, v20  }
0x1b0: {  	v8 =	vmul.f32 $1.442695020e+00, v8;
	v58 =	vld [tilespmem:$0x14750];
	v46 =	vmul.f32 v35, v42;
	v19 =	vadd.f32 v41, v19  }
0x1b1: {  	v60 =	vld [tilespmem:$0x14760];
	v52 =	vbroadcast v10, $0x8;
	v54 =	vmul.f32 v43, v47;
	v20 =	vadd.f32 v49, v20  }
0x1b2: {  	v6 =	vcvt.s32.f32 v6;
	v63 =	vld [tilespmem:$0x14770];
	v51 =	vmul.f32 v40, v47;
	v19 =	vadd.f32 v46, v19  }
0x1b3: {  	v32 =	vld [tilespmem:$0x14780];
	v57 =	vbroadcast v10, $0x9;
	v59 =	vmul.f32 v48, v52;
	v20 =	vadd.f32 v54, v20  }
0x1b4: {  	v6 =	vmul.f32 $-5.000000000e-01, v6;
	v37 =	vld [tilespmem:$0x147A0];
	v56 =	vmul.f32 v45, v52;
	v19 =	vadd.f32 v51, v19  }
0x1b5: {  	v47 =	vld [tilespmem:$0x147E0];
	v62 =	vbroadcast v10, $0xA;
	v31 =	vmul.f32 v53, v57;
	v30 =	vadd.f32 v59, v20  }
0x1b6: {  	(erf) = vpow2.f32 v8;
	v61 =	vmul.f32 v50, v57;
	v50 =	vld [tilespmem:$0x147F0];
	v19 =	vadd.f32 v56, v19  }
0x1b7: {  	v35 =	vld [tilespmem:$0x14790];
	v34 =	vbroadcast v10, $0xB;
	v36 =	vmul.f32 v58, v62;
	v8 =	vadd.f32 v31, v30  }
0x1b8: {  	v6 =	vmul.f32 $1.442695020e+00, v6;
	v40 =	vld [tilespmem:$0x147B0];
	v33 =	vmul.f32 v55, v62;
	v19 =	vadd.f32 v61, v19  }
0x1b9: {  	v42 =	vld [tilespmem:$0x147C0];
	v53 =	vbroadcast v10, $0xF;
	v41 =	vmul.f32 v63, v34;
	v8 =	vadd.f32 v36, v8  }
0x1ba: {  	v45 =	vld [tilespmem:$0x147D0];
	v38 =	vmul.f32 v60, v34;
	v39 =	vbroadcast v10, $0xC;
	v19 =	vadd.f32 v33, v19  }
0x1bb: {  	v57 =	vmul.f32 v47, v53;
	v60 =	vmul.f32 v50, v53;
	v8 =	vadd.f32 v41, v8  }
0x1bc: {  	v43 =	vmul.f32 v32, v39;
	v44 =	vbroadcast v10, $0xD;
	v32 =	vld [tilespmem:$0x14850];
	v19 =	vadd.f32 v38, v19  }
0x1bd: {  	v34 =	vld [tilespmem:$0x14860];
	v46 =	vmul.f32 v35, v39;
	v49 =	vbroadcast v10, $0xE  }
0x1be: {  	v48 =	vmul.f32 v37, v44;
	v22 =	vmul.f32 v40, v44;
	v51 =	vld [tilespmem:$0x14800];
	v19 =	vadd.f32 v43, v19  }
0x1bf: {  	v52 =	vmul.f32 v42, v49;
	v54 =	vld [tilespmem:$0x14810];
	v55 =	vmul.f32 v45, v49;
	v20 =	vadd.f32 v46, v8;
	v8 =	vpop (erf)  }
0x1c0: {  	v56 =	vld [tilespmem:$0x14820];
	v19 =	vadd.f32 v48, v19;
	(erf) = vpow2.f32 v6;
	v58 =	vbroadcast v8, $0x0  }
0x1c1: {  	v59 =	vld [tilespmem:$0x14830];
	v20 =	vadd.f32 v22, v20;
	v63 =	vbroadcast v8, $0x1;
	v36 =	vbroadcast v8, $0x2  }
0x1c2: {  	v61 =	vld [tilespmem:$0x14840];
	v41 =	vbroadcast v8, $0x3;
	v47 =	vbroadcast v8, $0x4  }
0x1c3: {  	v37 =	vld [tilespmem:$0x14870];
	v29 =	vbroadcast v8, $0x8;
	v19 =	vadd.f32 v52, v19;
	v20 =	vadd.f32 v55, v20  }
0x1c4: {  	v39 =	vld [tilespmem:$0x14880];
	v52 =	vbroadcast v8, $0x5;
	v62 =	vmul.f32 v51, v58  }
0x1c5: {  	v42 =	vld [tilespmem:$0x14890];
	v33 =	vmul.f32 v54, v58;
	v19 =	vadd.f32 v57, v19;
	v20 =	vadd.f32 v60, v20  }
0x1c6: {  	v7 =	vadd.f32 $0.0e+00, v7;
	v35 =	vmul.f32 v56, v63;
	v38 =	vmul.f32 v59, v63  }
0x1c7: {  	v45 =	vld [tilespmem:$0x148A0];
	v40 =	vmul.f32 v61, v36;
	v19 =	vadd.f32 v62, v19;
	v20 =	vadd.f32 v33, v20  }
0x1c8: {  	v7 =	vadd.f32 v9, v7;
	v48 =	vld [tilespmem:$0x148B0];
	v44 =	vmul.f32 v32, v36;
	v46 =	vmul.f32 v34, v41  }
0x1c9: {  	v28 =	vld [tilespmem:$0x14920];
	v49 =	vmul.f32 v37, v41;
	v19 =	vadd.f32 v35, v19;
	v43 =	vadd.f32 v38, v20  }
0x1ca: {  	v7 =	vadd.f32 v11, v7;
	v53 =	vld [tilespmem:$0x148D0];
	v51 =	vmul.f32 v39, v47;
	v54 =	vmul.f32 v42, v47  }
0x1cb: {  	v55 =	vld [tilespmem:$0x148E0];
	v61 =	vbroadcast v8, $0x7;
	v19 =	vadd.f32 v40, v19;
	v9 =	vadd.f32 v44, v43  }
0x1cc: {  	v7 =	vadd.f32 v13, v7;
	v50 =	vld [tilespmem:$0x148C0];
	v56 =	vmul.f32 v45, v52;
	v57 =	vbroadcast v8, $0x6  }
0x1cd: {  	v58 =	vld [tilespmem:$0x148F0];
	v59 =	vmul.f32 v48, v52;
	v19 =	vadd.f32 v46, v19;
	v9 =	vadd.f32 v49, v9  }
0x1ce: {  	v7 =	vadd.f32 v15, v7;
	v41 =	vld [tilespmem:$0x14980];
	v48 =	vbroadcast v8, $0xC;
	v52 =	vbroadcast v8, $0xD  }
0x1cf: {  	v60 =	vld [tilespmem:$0x14900];
	v63 =	vmul.f32 v53, v57;
	v19 =	vadd.f32 v51, v19;
	v9 =	vadd.f32 v54, v9  }
0x1d0: {  	v7 =	vadd.f32 v16, v7;
	v62 =	vld [tilespmem:$0x14910];
	v33 =	vbroadcast v8, $0x9;
	v13 =	vmul.f32 v55, v61  }
0x1d1: {  	v30 =	vld [tilespmem:$0x14930];
	v20 =	vmul.f32 v50, v57;
	v19 =	vadd.f32 v56, v19;
	v9 =	vadd.f32 v59, v9  }
0x1d2: {  	v7 =	vadd.f32 v18, v7;
	v32 =	vld [tilespmem:$0x14940];
	v31 =	vmul.f32 v58, v61;
	v37 =	vmul.f32 v28, v33  }
0x1d3: {  	v34 =	vld [tilespmem:$0x14950];
	v38 =	vbroadcast v8, $0xA;
	v19 =	vadd.f32 v20, v19;
	v9 =	vadd.f32 v63, v9  }
0x1d4: {  	v25 =	vld [tilespmem:$0x14A30];
	v7 =	vadd.f32 v17, v7;
	v11 =	vmul.f32 v41, v48;
	v15 =	vmul.f32 v60, v29  }
0x1d5: {  	v36 =	vld [tilespmem:$0x14960];
	v35 =	vmul.f32 v62, v29;
	v13 =	vadd.f32 v13, v19;
	v9 =	vadd.f32 v31, v9  }
0x1d6: {  	v7 =	vadd.f32 v14, v7;
	v39 =	vld [tilespmem:$0x14970];
	v57 =	vbroadcast v8, $0xE;
	v40 =	vmul.f32 v30, v33  }
0x1d7: {  	v53 =	vld [tilespmem:$0x149D0];
	v42 =	vmul.f32 v32, v38;
	v13 =	vadd.f32 v15, v13;
	v6 =	vadd.f32 v35, v9  }
0x1d8: {  	v7 =	vadd.f32 v12, v7;
	v12 =	vpop (erf);
	v43 =	vbroadcast v8, $0xB;
	v44 =	vld [tilespmem:$0x14990];
	v45 =	vmul.f32 v34, v38  }
0x1d9: {  	v24 =	vbroadcast v12, $0x0;
	v46 =	vld [tilespmem:$0x149A0];
	v13 =	vadd.f32 v37, v13;
	v6 =	vadd.f32 v40, v6  }
0x1da: {  	v34 =	vbroadcast v12, $0x2;
	v47 =	vmul.f32 v36, v43;
	v49 =	vld [tilespmem:$0x149B0]  }
0x1db: {  	v27 =	vld [tilespmem:$0x14A40];
	v50 =	vmul.f32 v39, v43;
	v13 =	vadd.f32 v42, v13;
	v6 =	vadd.f32 v45, v6  }
0x1dc: {  	v38 =	vbroadcast v12, $0x3;
	v62 =	vbroadcast v8, $0xF;
	v51 =	vld [tilespmem:$0x149C0]  }
0x1dd: {  	v55 =	vld [tilespmem:$0x149E0];
	v54 =	vmul.f32 v44, v48;
	v13 =	vadd.f32 v47, v13;
	v6 =	vadd.f32 v50, v6  }
0x1de: {  	v58 =	vld [tilespmem:$0x149F0];
	v21 =	vmul.f32 v53, v57;
	v56 =	vmul.f32 v46, v52  }
0x1df: {  	v60 =	vld [tilespmem:$0x14A00];
	v59 =	vmul.f32 v49, v52;
	v11 =	vadd.f32 v11, v13;
	v6 =	vadd.f32 v54, v6  }
0x1e0: {  	v29 =	vbroadcast v12, $0x1;
	v53 =	vbroadcast v12, $0x6;
	v63 =	vld [tilespmem:$0x14A10]  }
0x1e1: {  	v22 =	vld [tilespmem:$0x14A20];
	v61 =	vmul.f32 v51, v57;
	v11 =	vadd.f32 v56, v11;
	v6 =	vadd.f32 v59, v6  }
0x1e2: {  	v7 =	vadd.f32 v10, v7;
	v10 =	vmul.f32 v27, v34;
	v23 =	vmul.f32 v55, v62  }
0x1e3: {  	v30 =	vld [tilespmem:$0x14A50];
	v26 =	vmul.f32 v58, v62;
	v11 =	vadd.f32 v61, v11;
	v6 =	vadd.f32 v21, v6  }
0x1e4: {  	v7 =	vadd.f32 v8, v7;
	v32 =	vld [tilespmem:$0x14A60];
	v43 =	vbroadcast v12, $0x4;
	v28 =	vmul.f32 v60, v24  }
0x1e5: {  	v44 =	vld [tilespmem:$0x14AB0];
	v31 =	vmul.f32 v63, v24;
	v11 =	vadd.f32 v23, v11;
	v6 =	vadd.f32 v26, v6  }
0x1e6: {  	v7 =	vadd.f32 v12, v7;
	v33 =	vmul.f32 v22, v29;
	v36 =	vmul.f32 v25, v29;
	v35 =	vld [tilespmem:$0x14A70]  }
0x1e7: {  	v39 =	vld [tilespmem:$0x14A90];
	v58 =	vbroadcast v12, $0x7;
	v11 =	vadd.f32 v28, v11;
	v6 =	vadd.f32 v31, v6  }
0x1e8: {  	v48 =	vbroadcast v12, $0x5;
	v37 =	vld [tilespmem:$0x14A80];
	v40 =	vperm.xlane v7, v0  }
0x1e9: {  	v41 =	vmul.f32 v30, v34;
	v46 =	vld [tilespmem:$0x14AC0];
	v11 =	vadd.f32 v33, v11;
	v6 =	vadd.f32 v36, v6  }
0x1ea: {  	v55 =	vmul.f32 v44, v48;
	v9 =	vmul.f32 v32, v38;
	v42 =	vld [tilespmem:$0x14AA0];
	v7 =	vadd.f32 v7, v40  }
0x1eb: {  	v49 =	vld [tilespmem:$0x14AD0];
	v45 =	vmul.f32 v35, v38;
	v10 =	vadd.f32 v10, v11;
	v6 =	vadd.f32 v41, v6  }
0x1ec: {  	v51 =	vld [tilespmem:$0x14AE0];
	v19 =	vperm.xlane v7, v1;
	v50 =	vmul.f32 v39, v43  }
0x1ed: {  	v44 =	vld [tilespmem:$0x14BD0];
	v47 =	vmul.f32 v37, v43;
	v9 =	vadd.f32 v9, v10;
	v6 =	vadd.f32 v45, v6  }
0x1ee: {  	v25 =	vbroadcast v12, $0x9;
	v30 =	vbroadcast v12, $0xA;
	v54 =	vld [tilespmem:$0x14AF0];
	v7 =	vadd.f32 v7, v19  }
0x1ef: {  	v52 =	vmul.f32 v42, v48;
	v56 =	vld [tilespmem:$0x14B00];
	v9 =	vadd.f32 v47, v9;
	v6 =	vadd.f32 v50, v6  }
0x1f0: {  	v57 =	vmul.f32 v46, v53;
	v59 =	vld [tilespmem:$0x14B10];
	v19 =	vperm.xlane v7, v2  }
0x1f1: {  	v60 =	vmul.f32 v49, v53;
	v61 =	vld [tilespmem:$0x14B20];
	v9 =	vadd.f32 v52, v9;
	v6 =	vadd.f32 v55, v6  }
0x1f2: {  	v63 =	vbroadcast v12, $0x8;
	v62 =	vmul.f32 v51, v58;
	v21 =	vld [tilespmem:$0x14B30];
	v7 =	vadd.f32 v7, v19  }
0x1f3: {  	v22 =	vmul.f32 v54, v58;
	v23 =	vld [tilespmem:$0x14B40];
	v9 =	vadd.f32 v57, v9;
	v6 =	vadd.f32 v60, v6  }
0x1f4: {  	v26 =	vld [tilespmem:$0x14B50];
	v19 =	vperm.xlane v7, v3;
	v24 =	vmul.f32 v56, v63  }
0x1f5: {  	v27 =	vmul.f32 v59, v63;
	v28 =	vld [tilespmem:$0x14B60];
	v9 =	vadd.f32 v62, v9;
	v6 =	vadd.f32 v22, v6  }
0x1f6: {  	v35 =	vbroadcast v12, $0xB;
	v31 =	vld [tilespmem:$0x14B70];
	v7 =	vadd.f32 v7, v19;
	v29 =	vmul.f32 v61, v25  }
0x1f7: {  	v32 =	vmul.f32 v21, v25;
	v33 =	vld [tilespmem:$0x14B80];
	v9 =	vadd.f32 v24, v9;
	v6 =	vadd.f32 v27, v6  }
0x1f8: {  	v36 =	vld [tilespmem:$0x14B90];
	(erf) = vrcp.f32 v7;
	v34 =	vmul.f32 v23, v30  }
0x1f9: {  	v37 =	vld [tilespmem:$0x14BA0];
	v7 =	vmul.f32 v26, v30;
	v9 =	vadd.f32 v29, v9;
	v6 =	vadd.f32 v32, v6  }
0x1fa: {  	v40 =	vld [tilespmem:$0x14BB0];
	v39 =	vbroadcast v12, $0xC;
	v38 =	vmul.f32 v28, v35  }
0x1fb: {  	s25 =	sshra.s32 s23, $0x2;
	v41 =	vld [tilespmem:$0x14BC0];
	v9 =	vadd.f32 v34, v9;
	v6 =	vadd.f32 v7, v6;
	v7 =	vmul.f32 v31, v35  }
0x1fc: {  	v53 =	vld [tilespmem:s25+$0x11200];
	v43 =	vbroadcast v12, $0xD;
	v42 =	vmul.f32 v33, v39  }
0x1fd: {  	v45 =	vld [tilespmem:$0x14BE0];
	v9 =	vadd.f32 v38, v9;
	v6 =	vadd.f32 v7, v6;
	v7 =	vmul.f32 v36, v39  }
0x1fe: {  	v46 =	vbroadcast v12, $0xE;
	v8 =	vmul.f32 v37, v43;
	v47 =	vld [tilespmem:$0x14BF0]  }
0x1ff: {  	v51 =	vld [tilespmem:s25+$0xF200];
	v9 =	vadd.f32 v42, v9;
	v6 =	vadd.f32 v7, v6;
	v7 =	vmul.f32 v40, v43  }
0x200: {  	v12 =	vbroadcast v12, $0xF;
	v48 =	vld [tilespmem:s25+$0xD200];
	v49 =	vmul.f32 v41, v46  }
0x201: {  	v50 =	vld [tilespmem:s25+$0xD210];
	v8 =	vadd.f32 v8, v9;
	v6 =	vadd.f32 v7, v6;
	v7 =	vmul.f32 v44, v46  }
0x202: {  	v55 =	vld [tilespmem:s25+$0xF210];
	v52 =	vmul.f32 v45, v12  }
0x203: {  	v57 =	vld [tilespmem:s25+$0x11210];
	v8 =	vadd.f32 v49, v8;
	v6 =	vadd.f32 v7, v6;
	v7 =	vmul.f32 v47, v12  }
0x204: {  	v58 =	vld [tilespmem:s25+$0x12200];
	v54 =	vpop (erf)  }
0x205: {  	v59 =	vld [tilespmem:s25+$0x10210];
	v56 =	vmul.f32 $6.000000240e-01, v54;
	v8 =	vadd.f32 v52, v8;
	v6 =	vadd.f32 v7, v6  }
0x206: {  	v14 =	vmul.f32 $4.000000060e-01, v48;
	v13 =	vmul.f32 $4.000000060e-01, v50;
	v7 =	vld [tilespmem:s25+$0x10200]  }
0x207: {  	v61 =	vld [tilespmem:s25+$0xE200];
	v8 =	vmul.f32 v8, v56;
	v6 =	vmul.f32 v6, v56  }
0x208: {  	v10 =	vsub.f32 v51, v53;
	v60 =	vld [tilespmem:s25+$0x12210];
	v62 =	vsub.f32 v55, v57  }
0x209: {  	v8 =	vadd.f32 v8, v14;
	v6 =	vadd.f32 v6, v13  }
0x20a: {  	v63 =	vld [tilespmem:s25+$0xE210]  }
0x20b: {  	v7 =	vsub.f32 v7, v58;
	v8 =	vmul.f32 v10, v8;
	v6 =	vmul.f32 v62, v6;
	_ =	sdelay $0x1  }
0x20c: {  	v9 =	vsub.f32 v59, v60;
	v7 =	vmul.f32 v61, v7;
	v6 =	vadd.f32 v6, v8;
	_ =	sdelay $0x1  }
0x20d: {  	v6 =	vadd.f32 v7, v6;
	v7 =	vmul.f32 v63, v9;
	_ =	sdelay $0x1  }
0x20e: {  	v6 =	vadd.f32 v7, v6;
	_ =	sdelay $0x1  }
0x20f: {  	v7 =	vperm.xlane v6, v0;
	_ =	sdelay $0x1  }
0x210: {  	v6 =	vadd.f32 v6, v7;
	_ =	sdelay $0x1  }
0x211: {  	v7 =	vperm.xlane v6, v1;
	_ =	sdelay $0x1  }
0x212: {  	v6 =	vadd.f32 v6, v7;
	_ =	sdelay $0x1  }
0x213: {  	v7 =	vperm.xlane v6, v2;
	_ =	sdelay $0x1  }
0x214: {  	v6 =	vadd.f32 v6, v7;
	_ =	sdelay $0x1  }
0x215: {  	p0 =	sne.s32 s23, $0x3F80;
	v7 =	vperm.xlane v6, v3  }
.Ltmp0:
0x216: {  	s25 =	sand.u32 $0xF, s24;
	(pc) =	sbr.rel @p0 .LBB2_2-.Ltmp0, $4  }
0x217: {  	v6 =	vadd.f32 v6, v7;
	v7 =	vmov s25  }
0x218: {  	vm0 =	veq.s32 v7, v4  }
0x219: {  	s25 =	sand.u32 $0x70, s24;
	v5 =	vsel vm0, v6, v5  }
0x21a: {  	s23 =	sadd.s32 $0x80, s23;
	s22 =	sadd.s32 $0xD0, s22;
	s24 =	sadd.s32 $0x1, s24;
	[tilespmem:s25+$0x19A00] =	vst v5  }
0x21b: {  	s16 =	sadd.s32 $0x1, s16  }
0x21c: {  	p0 =	sne.s32 s16, s14  }
.Ltmp1:
0x21d: {  	_ = 	snop;
	(pc) =	sbr.rel @p0 .LBB2_1-.Ltmp1, $4  }
0x21e: {  	[hbm4b:s13+s2] =	stream.linear.scatter [tilespmem:s0], [sflag:$0x2], $0x80, $0x38;
	[tilespmem:$0x19A80] =	vst v63  }
0x21f: {  	_ =	swait.ge [sflag:s15], $0x80  }
0x220: {  	[sflag:s15] =	ssyncset.done $0x0  }
0x221: {  	[sflag:s15] =	ssyncadd.s32 $0xFFFFFF80  }
0x222: {  	_ =	sfence.sel $0x180000  }
0x223: {  	[bflag:$0x0] =	sbarrier.arrive $0xFFFF  }
0x224: {  	_ =	strace $0x90000047  }
0x225: {  	s0 =	stileid.u32;
	[bflag:$0x2] =	sbarrier.arrive $0xFFFF  }
0x226: {  	p0 =	sne.s32 s0, $0x0;
	s0 =	rddreg [dreg:$0x2]  }
0x227: {  	s0 =	sadd.s32 @!p0 $0x100000, s0  }
0x228: {  	[sflag:s0] =	ssyncadd.tile.s32 @!p0 $0x1;
	_ =	shalt  }
.Lfunc_end2:
_tile_overlayer_lowered:
.L_overlay_start_2:
0x229: {  	(tag) =	ssettag $0x2  }
0x22a: {  	s0 =	rddreg [dreg:$0x0];
	s2 =	stileid.u32  }
0x22b: {  	s1 =	rddreg [dreg:$0x1];
	p0 =	sne.s32 s2, $0x0  }
0x22c: {  	s3 =	rddreg [dreg:$0x2];
	[bflag:$0x3] =	sbarrier.arrive $0xFFFF;
	s2 =	simm.s32 @!p0 $0x1C02  }
0x22d: {  	[timem:s3], [sflag:s2] =	dma.local @!p0 [hbm:s0], s1  }
0x22e: {  	s0 =	simm.s32 @!p0 $0x2  }
0x22f: {  	_ =	swait.ge @!p0 [sflag:s0], s1  }
0x230: {  	s1 =	ssub.s32 @!p0 $0x0, s1;
	[sflag:s0] =	ssyncset.done @!p0 $0x0  }
0x231: {  	[sflag:s0] =	ssyncadd.s32 @!p0 s1  }
0x232: {  	[bflag:$0x3] =	sbarrier.arrive $0xFFFF  }
0x233: {  	_ =	shalt  }

</sc_bundles>
